<compile_context>
chip_gen: v7x
topology: tpu7x:2x2x1
jax: 0.10.2.dev20260603
libtpu: 0.0.44.dev20260713+nightly
codegen_flags: <defaults>
</compile_context>

<pallas_src>
import functools

import jax
import jax.numpy as jnp
from jax import lax
from jax.experimental import pallas as pl
from jax.experimental.pallas import tpu as pltpu
from jax.experimental.pallas import tpu_sc as plsc

NUM_FEATURES = 1000000
EMBED_DIM = 32
BATCH = 4096
FIELDS = 26
NW = 32
SPW = BATCH // NW
IPW = SPW * FIELDS
PPW = SPW * 32
NBLK = NUM_FEATURES // 128
NPAIR = NBLK // 2
PBW = NPAIR // NW
PREM = NPAIR - PBW * NW
TAIL_R = NBLK * 128
TAIL_W = (NUM_FEATURES - TAIL_R) * EMBED_DIM
WSTRIPE = 62496
WLAST = NUM_FEATURES - 15 * WSTRIPE


def _p1_body(embT_h, tailf_h, w_h, idp_h, lin_h, wg_h,
             in0, in1, ob0, ob1, idp_v, wbuf_v, wbn_v, wsp, sin, sout, semw):
    wid = lax.axis_index("s") * 2 + lax.axis_index("c")
    sid = lax.axis_index("s")
    start = wid * PBW + jnp.minimum(wid, PREM)
    cnt = jnp.where(wid < PREM, PBW + 1, PBW)
    lane = lax.iota(jnp.int32, 16)

    @pl.when(sid < 15)
    def _():
        for j in range(4):
            o = pl.multiple_of(sid * 65536 + j * 16384, 16384)
            pltpu.sync_copy(w_h.at[pl.ds(o, 16384)], wbn_v)
            pltpu.sync_copy(wbn_v, wsp.at[pl.ds(o, 16384)])

    @pl.when(sid == 15)
    def _():
        pltpu.sync_copy(w_h.at[pl.ds(983040, 16384)], wbn_v)
        pltpu.sync_copy(wbn_v, wsp.at[pl.ds(983040, 16384)])
        pltpu.sync_copy(w_h.at[pl.ds(999424, 576)], wbn_v.at[pl.ds(0, 576)])
        pltpu.sync_copy(wbn_v.at[pl.ds(0, 576)], wsp.at[pl.ds(999424, 576)])

    pltpu.sync_copy(idp_h.at[wid], idp_v)
    plsc.subcore_barrier()

    def fire_w(k, _):
        o = pl.multiple_of(k * 16, 16)
        iv = idp_v[pl.ds(o, 16)]
        pltpu.async_copy(wsp.at[iv], wbuf_v.at[pl.ds(o, 16)], semw)
        return 0

    lax.fori_loop(0, PPW // 16, fire_w, 0)

    def fire_in(b, buf):
        pltpu.async_copy(
            embT_h.at[:, pl.ds(pl.multiple_of(b * 256, 256), 256)], buf, sin)

    def wait_in(buf):
        pltpu.make_async_copy(embT_h.at[:, pl.ds(0, 256)], buf, sin).wait()

    def fire_out(b, obuf):
        pltpu.async_copy(
            obuf, lin_h.at[pl.ds(pl.multiple_of(b * 8192, 8192), 8192)], sout)

    def wait_out(obuf):
        pltpu.make_async_copy(lin_h.at[pl.ds(0, 8192)], obuf, sout).wait()

    fire_in(start, in0)

    def pair(g2, _):
        for par in (0, 1):
            bufi = in0 if par == 0 else in1
            bufo = ob0 if par == 0 else ob1
            b = start + g2 * 2 + par

            @pl.when(b < start + cnt)
            def _():
                wait_in(bufi)

                @pl.when(b + 1 < start + cnt)
                def _():
                    fire_in(b + 1, in1 if par == 0 else in0)

                def c0loop(c04, _):
                    for u in range(4):
                        cv = (c04 * 4 + u + lane) & 31
                        for blk in range(2):
                            for rg in range(8):
                                rv = rg * 16 + lane
                                e = plsc.load_gather(
                                    bufi, [cv, blk * 128 + rv])
                                plsc.store_scatter(
                                    bufo, [blk * 4096 + rv * 32 + cv], e)
                    return 0

                lax.fori_loop(0, 8, c0loop, 0)

                @pl.when(b - 2 >= start)
                def _():
                    wait_out(bufo)

                fire_out(b, bufo)
        return 0

    lax.fori_loop(0, (PBW + 2) // 2, pair, 0)
    wait_out(ob0)
    wait_out(ob1)

    @pl.when(wid == 0)
    def _():
        pltpu.sync_copy(tailf_h, ob0.at[pl.ds(0, TAIL_W)])
        pltpu.sync_copy(ob0.at[pl.ds(0, TAIL_W)],
                        lin_h.at[pl.ds(TAIL_R * EMBED_DIM, TAIL_W)])

    pltpu.make_async_copy(wsp.at[pl.ds(0, PPW)], wbuf_v, semw).wait()
    pltpu.sync_copy(wbuf_v, wg_h.at[pl.ds(pl.multiple_of(wid * PPW, PPW), PPW)])


def _p2_body(emb_h, wg2_h, idf_h, vp_h, bias_h, out_h,
             idx_v, rows_v, wg_v, vals_v, bias_v, out_v, sem_r):
    wid = lax.axis_index("s") * 2 + lax.axis_index("c")
    base = pl.multiple_of(wid * SPW, SPW)

    pltpu.sync_copy(idf_h.at[wid], idx_v)
    pltpu.sync_copy(wg2_h.at[wid], wg_v)
    pltpu.sync_copy(vp_h.at[wid], vals_v)
    pltpu.sync_copy(bias_h, bias_v)

    def fire_rows(k, _):
        o = pl.multiple_of(k * 16, 16)
        iv = idx_v[pl.ds(o, 16)]
        pltpu.async_copy(emb_h.at[iv], rows_v.at[pl.ds(o, 16)], sem_r)
        return 0

    lax.fori_loop(0, IPW // 16, fire_rows, 0)
    pltpu.make_async_copy(emb_h.at[pl.ds(0, IPW)], rows_v, sem_r).wait()

    lane = lax.iota(jnp.int32, 16)
    perms = [lane ^ 1, lane ^ 2, lane ^ 4, lane ^ 8]

    def body(s, xvec):
        off = pl.multiple_of(s * 32, 32)
        v0 = vals_v[pl.ds(off, 16)]
        v1 = vals_v[pl.ds(off + 16, 16)]
        w0 = wg_v[pl.ds(off, 16)]
        w1 = wg_v[pl.ds(off + 16, 16)]
        i0 = s * FIELDS
        acc0 = jnp.zeros((16,), jnp.float32)
        acc1 = jnp.zeros((16,), jnp.float32)
        ssqv = jnp.zeros((16,), jnp.float32)
        for f in range(FIELDS):
            e0 = rows_v[i0 + f, pl.ds(0, 16)]
            e1 = rows_v[i0 + f, pl.ds(16, 16)]
            src = v0 if f < 16 else v1
            vb = src.at[jnp.full((16,), f % 16, jnp.int32)].get(
                mode="promise_in_bounds")
            s0 = e0 * vb
            s1 = e1 * vb
            acc0 = acc0 + s0
            acc1 = acc1 + s1
            ssqv = ssqv + (s0 * s0 + s1 * s1)
        sqv = acc0 * acc0 + acc1 * acc1
        linv = w0 * v0 + w1 * v1
        xv = linv + 0.5 * (sqv - ssqv)
        for p in perms:
            xv = xv + xv.at[p].get(mode="promise_in_bounds")
        xvec = jnp.where(lane == (s % 16), xv, xvec)

        @pl.when(s % 16 == 15)
        def _():
            out_v[pl.ds(pl.multiple_of((s // 16) * 16, 16), 16)] = xvec

        return xvec

    lax.fori_loop(0, SPW, body, jnp.zeros((16,), jnp.float32))

    bvec = bias_v[...]
    for k in range(SPW // 16):
        x = out_v[pl.ds(k * 16, 16)]
        y = 1.0 / (1.0 + jnp.exp(-(x + bvec)))
        out_v[pl.ds(k * 16, 16)] = y
    pltpu.sync_copy(out_v, out_h.at[pl.ds(base, SPW)])


@jax.jit
def _fm(emb, linear_w, idf, idp, vp, bias16, tailf):
    mesh = plsc.VectorSubcoreMesh(core_axis_name="c", subcore_axis_name="s")
    p1 = functools.partial(
        pl.kernel,
        mesh=mesh,
        out_type=(
            jax.ShapeDtypeStruct((NUM_FEATURES * EMBED_DIM,), jnp.float32),
            jax.ShapeDtypeStruct((NW * PPW,), jnp.float32),
        ),
        scratch_types=[
            pltpu.VMEM((32, 256), jnp.float32),
            pltpu.VMEM((32, 256), jnp.float32),
            pltpu.VMEM((8192,), jnp.float32),
            pltpu.VMEM((8192,), jnp.float32),
            pltpu.VMEM((PPW,), jnp.int32),
            pltpu.VMEM((PPW,), jnp.float32),
            pltpu.VMEM((16384,), jnp.float32),
            pltpu.VMEM_SHARED((NUM_FEATURES,), jnp.float32),
            pltpu.SemaphoreType.DMA,
            pltpu.SemaphoreType.DMA,
            pltpu.SemaphoreType.DMA,
        ],
        compiler_params=pltpu.CompilerParams(
            use_tc_tiling_on_sc=True, needs_layout_passes=False),
    )(_p1_body)
    lin, wg_all = p1(emb.T, tailf, linear_w, idp)

    p2 = functools.partial(
        pl.kernel,
        mesh=mesh,
        out_type=jax.ShapeDtypeStruct((BATCH,), jnp.float32),
        scratch_types=[
            pltpu.VMEM((IPW,), jnp.int32),
            pltpu.VMEM((IPW, EMBED_DIM), jnp.float32),
            pltpu.VMEM((PPW,), jnp.float32),
            pltpu.VMEM((PPW,), jnp.float32),
            pltpu.VMEM((16,), jnp.float32),
            pltpu.VMEM((SPW,), jnp.float32),
            pltpu.SemaphoreType.DMA,
        ],
        compiler_params=pltpu.CompilerParams(
            use_tc_tiling_on_sc=False, needs_layout_passes=False),
    )(_p2_body)
    return p2(lin.reshape(NUM_FEATURES, EMBED_DIM),
              wg_all.reshape(NW, PPW), idf, vp, bias16)


def kernel(feature_ids_batch, feature_values_batch, bias, linear_w, emb):
    ids = feature_ids_batch.astype(jnp.int32)
    vals = feature_values_batch.astype(jnp.float32)
    pad_i = jnp.zeros((BATCH, 32 - FIELDS), jnp.int32)
    pad_v = jnp.zeros((BATCH, 32 - FIELDS), jnp.float32)
    idf = ids.reshape(NW, IPW)
    idp = jnp.concatenate([ids, pad_i], axis=1).reshape(NW, PPW)
    vp = jnp.concatenate([vals, pad_v], axis=1).reshape(NW, PPW)
    bias16 = jnp.broadcast_to(bias, (16,))
    tailf = emb[TAIL_R:, :].reshape(-1)
    out = _fm(emb, linear_w, idf, idp, vp, bias16, tailf)
    return out.reshape(BATCH, 1)

# --- scband reference (transcript-rebuilt; emitter-appended) ---
"""Pipeline reference for scband-model-22007412424714 (READ-ONLY COPY).

The authoritative reference and input builder live on the scoring server;
editing this copy changes nothing except your own understanding.
"""

import jax, jax.numpy as jnp
import numpy as np

NUM_FEATURES = 1000000
EMBED_DIM = 32
BATCH = 4096
FIELDS = 26


def setup_inputs(seed: int = 0) -> dict:
    key = jax.random.key(seed)
    k1, k2, k3, k4 = jax.random.split(key, 4)
    feature_ids_batch = jax.random.randint(k1, (BATCH, FIELDS), 0, NUM_FEATURES, dtype=jnp.int64 if jax.config.jax_enable_x64 else jnp.int32).astype(jnp.int32)
    feature_values_batch = jax.random.uniform(k2, (BATCH, FIELDS), dtype=jnp.float32)
    bias = jnp.zeros((1,), dtype=jnp.float32)
    linear_w = (jax.random.normal(k3, (NUM_FEATURES,), dtype=jnp.float32) * 0.01)
    emb = (jax.random.normal(k4, (NUM_FEATURES, EMBED_DIM), dtype=jnp.float32) * 0.01)
    return {
        "feature_ids_batch": feature_ids_batch,
        "feature_values_batch": feature_values_batch,
        "bias": bias,
        "linear_w": linear_w,
        "emb": emb,
    }


def reference(feature_ids_batch, feature_values_batch, bias, linear_w, emb):
    batch_size, num_fields = feature_values_batch.shape
    feature_ids = feature_ids_batch.reshape(-1)
    feature_values = feature_values_batch.reshape(-1)

    output = jnp.broadcast_to(bias, (batch_size, 1))

    # linear term: gather per-feature weights
    linear_weights = jnp.take(linear_w, feature_ids, axis=0)
    linear_values = linear_weights * feature_values
    output = output + linear_values.reshape(batch_size, -1).sum(axis=1, keepdims=True)

    # interaction term
    embeddings = jnp.take(emb, feature_ids, axis=0)
    e = embeddings.reshape(batch_size, -1, EMBED_DIM)
    v = feature_values.reshape(batch_size, -1)[:, :, None]
    weighted_sum = (e * v).sum(axis=1)
    squared_of_sum = (weighted_sum ** 2).sum(axis=1, keepdims=True)
    squared_weighted_sum = ((e ** 2) * (v ** 2)).sum(axis=1)
    sum_of_squared = squared_weighted_sum.sum(axis=1, keepdims=True)
    interaction = 0.5 * (squared_of_sum - sum_of_squared)
    output = output + interaction
    return jax.nn.sigmoid(output)

if __name__ == "__main__":
    import jax
    _d = setup_inputs()
    print(jax.jit(kernel)(*tuple(_d.values())))

</pallas_src>

<mosaic_0001>
#map = affine_map<(d0, d1) -> (0, 0)>
#map1 = affine_map<(d0, d1) -> (0)>
module attributes {stable_mosaic.version = 14 : i64} {
  func.func @_p2_body(%arg0: i32, %arg1: i32, %arg2: memref<1000000x32xf32, #tpu.memory_space<hbm>>, %arg3: memref<32x4096xf32, #tpu.memory_space<hbm>>, %arg4: memref<32x3328xi32, #tpu.memory_space<hbm>>, %arg5: memref<32x4096xf32, #tpu.memory_space<hbm>>, %arg6: memref<16xf32, #tpu.memory_space<hbm>>, %arg7: memref<4096xf32, #tpu.memory_space<hbm>>, %arg8: memref<3328xi32, #tpu.memory_space<vmem>>, %arg9: memref<3328x32xf32, #tpu.memory_space<vmem>>, %arg10: memref<4096xf32, #tpu.memory_space<vmem>>, %arg11: memref<4096xf32, #tpu.memory_space<vmem>>, %arg12: memref<16xf32, #tpu.memory_space<vmem>>, %arg13: memref<128xf32, #tpu.memory_space<vmem>>, %arg14: memref<!tpu.dma_semaphore, #tpu.memory_space<semaphore_mem>>) attributes {dimension_semantics = [#tpu.dimension_semantics<core_parallel>, #tpu.dimension_semantics<subcore_parallel>], iteration_bounds = array<i64: 2, 16>, scalar_prefetch = 0 : i64, scratch_operands = 7 : i64, tpu.core_type = #tpu.core_type<sc_vector_subcore>, window_params = [{transform_indices = #map}, {transform_indices = #map}, {transform_indices = #map}, {transform_indices = #map}, {transform_indices = #map1}, {transform_indices = #map1}]} {
    %mul3A = arith.constant 2 : i32
    %mul3A_0 = arith.muli %arg1, %mul3A : i32
    %add3A = arith.addi %mul3A_0, %arg0 : i32
    %mul3A_1 = arith.constant 128 : i32
    %mul3A_2 = arith.muli %add3A, %mul3A_1 : i32
    %multiple_of3A = tpu.assume_multiple %mul3A_2, 128 : i32
    "tpu.region"() ({
      %run_scoped3A = tpu.sem_alloc : memref<!tpu.dma_semaphore, #tpu.memory_space<semaphore_mem>>
      %dma_start3A = arith.constant 0 : i32
      %dma_start3A_149 = tpu.memref_slice %arg4[%add3A, %dma_start3A] : memref<32x3328xi32, #tpu.memory_space<hbm>> -> memref<1x3328xi32, #tpu.memory_space<hbm>>
      %dma_start3A_150 = tpu.memref_squeeze %dma_start3A_149 : memref<1x3328xi32, #tpu.memory_space<hbm>> -> memref<3328xi32, #tpu.memory_space<hbm>>
      %dma_start3A_151 = arith.constant 0 : i32
      %dma_start3A_152 = tpu.memref_slice %arg4[%add3A, %dma_start3A_151] : memref<32x3328xi32, #tpu.memory_space<hbm>> -> memref<1x3328xi32, #tpu.memory_space<hbm>>
      %dma_start3A_153 = tpu.memref_squeeze %dma_start3A_152 : memref<1x3328xi32, #tpu.memory_space<hbm>> -> memref<3328xi32, #tpu.memory_space<hbm>>
      tpu.enqueue_dma source(%dma_start3A_153 : memref<3328xi32, #tpu.memory_space<hbm>>) target(%arg8 : memref<3328xi32, #tpu.memory_space<vmem>>) target_semaphore(%run_scoped3A : memref<!tpu.dma_semaphore, #tpu.memory_space<semaphore_mem>>)
      %dma_wait3A_154 = arith.constant 0 : i32
      %dma_wait3A_155 = tpu.memref_slice %arg4[%add3A, %dma_wait3A_154] : memref<32x3328xi32, #tpu.memory_space<hbm>> -> memref<1x3328xi32, #tpu.memory_space<hbm>>
      %dma_wait3A_156 = tpu.memref_squeeze %dma_wait3A_155 : memref<1x3328xi32, #tpu.memory_space<hbm>> -> memref<3328xi32, #tpu.memory_space<hbm>>
      %dma_wait3A_157 = arith.constant 0 : i32
      %dma_wait3A_158 = tpu.memref_slice %arg4[%add3A, %dma_wait3A_157] : memref<32x3328xi32, #tpu.memory_space<hbm>> -> memref<1x3328xi32, #tpu.memory_space<hbm>>
      %dma_wait3A_159 = tpu.memref_squeeze %dma_wait3A_158 : memref<1x3328xi32, #tpu.memory_space<hbm>> -> memref<3328xi32, #tpu.memory_space<hbm>>
      tpu.wait_dma2 semaphore(%run_scoped3A : memref<!tpu.dma_semaphore, #tpu.memory_space<semaphore_mem>>) src(%dma_wait3A_159 : memref<3328xi32, #tpu.memory_space<hbm>>) dst(%arg8 : memref<3328xi32, #tpu.memory_space<vmem>>)
      tpu.yield
    }) : () -> ()
    "tpu.region"() ({
      %run_scoped3A = tpu.sem_alloc : memref<!tpu.dma_semaphore, #tpu.memory_space<semaphore_mem>>
      %dma_start3A = arith.constant 0 : i32
      %dma_start3A_149 = tpu.memref_slice %arg3[%add3A, %dma_start3A] : memref<32x4096xf32, #tpu.memory_space<hbm>> -> memref<1x4096xf32, #tpu.memory_space<hbm>>
      %dma_start3A_150 = tpu.memref_squeeze %dma_start3A_149 : memref<1x4096xf32, #tpu.memory_space<hbm>> -> memref<4096xf32, #tpu.memory_space<hbm>>
      %dma_start3A_151 = arith.constant 0 : i32
      %dma_start3A_152 = tpu.memref_slice %arg3[%add3A, %dma_start3A_151] : memref<32x4096xf32, #tpu.memory_space<hbm>> -> memref<1x4096xf32, #tpu.memory_space<hbm>>
      %dma_start3A_153 = tpu.memref_squeeze %dma_start3A_152 : memref<1x4096xf32, #tpu.memory_space<hbm>> -> memref<4096xf32, #tpu.memory_space<hbm>>
      tpu.enqueue_dma source(%dma_start3A_153 : memref<4096xf32, #tpu.memory_space<hbm>>) target(%arg10 : memref<4096xf32, #tpu.memory_space<vmem>>) target_semaphore(%run_scoped3A : memref<!tpu.dma_semaphore, #tpu.memory_space<semaphore_mem>>)
      %dma_wait3A_154 = arith.constant 0 : i32
      %dma_wait3A_155 = tpu.memref_slice %arg3[%add3A, %dma_wait3A_154] : memref<32x4096xf32, #tpu.memory_space<hbm>> -> memref<1x4096xf32, #tpu.memory_space<hbm>>
      %dma_wait3A_156 = tpu.memref_squeeze %dma_wait3A_155 : memref<1x4096xf32, #tpu.memory_space<hbm>> -> memref<4096xf32, #tpu.memory_space<hbm>>
      %dma_wait3A_157 = arith.constant 0 : i32
      %dma_wait3A_158 = tpu.memref_slice %arg3[%add3A, %dma_wait3A_157] : memref<32x4096xf32, #tpu.memory_space<hbm>> -> memref<1x4096xf32, #tpu.memory_space<hbm>>
      %dma_wait3A_159 = tpu.memref_squeeze %dma_wait3A_158 : memref<1x4096xf32, #tpu.memory_space<hbm>> -> memref<4096xf32, #tpu.memory_space<hbm>>
      tpu.wait_dma2 semaphore(%run_scoped3A : memref<!tpu.dma_semaphore, #tpu.memory_space<semaphore_mem>>) src(%dma_wait3A_159 : memref<4096xf32, #tpu.memory_space<hbm>>) dst(%arg10 : memref<4096xf32, #tpu.memory_space<vmem>>)
      tpu.yield
    }) : () -> ()
    "tpu.region"() ({
      %run_scoped3A = tpu.sem_alloc : memref<!tpu.dma_semaphore, #tpu.memory_space<semaphore_mem>>
      %dma_start3A = arith.constant 0 : i32
      %dma_start3A_149 = tpu.memref_slice %arg5[%add3A, %dma_start3A] : memref<32x4096xf32, #tpu.memory_space<hbm>> -> memref<1x4096xf32, #tpu.memory_space<hbm>>
      %dma_start3A_150 = tpu.memref_squeeze %dma_start3A_149 : memref<1x4096xf32, #tpu.memory_space<hbm>> -> memref<4096xf32, #tpu.memory_space<hbm>>
      %dma_start3A_151 = arith.constant 0 : i32
      %dma_start3A_152 = tpu.memref_slice %arg5[%add3A, %dma_start3A_151] : memref<32x4096xf32, #tpu.memory_space<hbm>> -> memref<1x4096xf32, #tpu.memory_space<hbm>>
      %dma_start3A_153 = tpu.memref_squeeze %dma_start3A_152 : memref<1x4096xf32, #tpu.memory_space<hbm>> -> memref<4096xf32, #tpu.memory_space<hbm>>
      tpu.enqueue_dma source(%dma_start3A_153 : memref<4096xf32, #tpu.memory_space<hbm>>) target(%arg11 : memref<4096xf32, #tpu.memory_space<vmem>>) target_semaphore(%run_scoped3A : memref<!tpu.dma_semaphore, #tpu.memory_space<semaphore_mem>>)
      %dma_wait3A_154 = arith.constant 0 : i32
      %dma_wait3A_155 = tpu.memref_slice %arg5[%add3A, %dma_wait3A_154] : memref<32x4096xf32, #tpu.memory_space<hbm>> -> memref<1x4096xf32, #tpu.memory_space<hbm>>
      %dma_wait3A_156 = tpu.memref_squeeze %dma_wait3A_155 : memref<1x4096xf32, #tpu.memory_space<hbm>> -> memref<4096xf32, #tpu.memory_space<hbm>>
      %dma_wait3A_157 = arith.constant 0 : i32
      %dma_wait3A_158 = tpu.memref_slice %arg5[%add3A, %dma_wait3A_157] : memref<32x4096xf32, #tpu.memory_space<hbm>> -> memref<1x4096xf32, #tpu.memory_space<hbm>>
      %dma_wait3A_159 = tpu.memref_squeeze %dma_wait3A_158 : memref<1x4096xf32, #tpu.memory_space<hbm>> -> memref<4096xf32, #tpu.memory_space<hbm>>
      tpu.wait_dma2 semaphore(%run_scoped3A : memref<!tpu.dma_semaphore, #tpu.memory_space<semaphore_mem>>) src(%dma_wait3A_159 : memref<4096xf32, #tpu.memory_space<hbm>>) dst(%arg11 : memref<4096xf32, #tpu.memory_space<vmem>>)
      tpu.yield
    }) : () -> ()
    "tpu.region"() ({
      %run_scoped3A = tpu.sem_alloc : memref<!tpu.dma_semaphore, #tpu.memory_space<semaphore_mem>>
      tpu.enqueue_dma source(%arg6 : memref<16xf32, #tpu.memory_space<hbm>>) target(%arg12 : memref<16xf32, #tpu.memory_space<vmem>>) target_semaphore(%run_scoped3A : memref<!tpu.dma_semaphore, #tpu.memory_space<semaphore_mem>>)
      tpu.wait_dma2 semaphore(%run_scoped3A : memref<!tpu.dma_semaphore, #tpu.memory_space<semaphore_mem>>) src(%arg6 : memref<16xf32, #tpu.memory_space<hbm>>) dst(%arg12 : memref<16xf32, #tpu.memory_space<vmem>>)
      tpu.yield
    }) : () -> ()
    %scan3A = arith.constant 0 : i32
    %scan3A_3 = arith.constant 0 : i32
    %scan3A_4 = arith.constant 208 : i32
    %scan3A_5 = arith.addi %scan3A_3, %scan3A_4 : i32
    %scan3A_6 = arith.constant 1 : i32
    %scan3A_7 = scf.for %scan3A_149 = %scan3A_3 to %scan3A_5 step %scan3A_6 iter_args(%scan3A_150 = %scan3A) -> (i32)  : i32 {
      %mul3A_151 = arith.constant 16 : i32
      %mul3A_152 = arith.muli %scan3A_149, %mul3A_151 : i32
      %multiple_of3A_153 = tpu.assume_multiple %mul3A_152, 16 : i32
      %get3A_154 = arith.index_cast %multiple_of3A_153 : i32 to index
      %get3A_155 = tpu.vector_load %arg8[%get3A_154] {strides = array<i32>} : memref<3328xi32, #tpu.memory_space<vmem>>, vector<16xi32>,
      %dma_start3A = arith.constant 0 : i32
      %dma_start3A_156 = tpu.memref_slice %arg9[%multiple_of3A_153, %dma_start3A] : memref<3328x32xf32, #tpu.memory_space<vmem>> -> memref<16x32xf32, #tpu.memory_space<vmem>>
      %dma_start3A_157 = arith.constant 0 : i32
      %dma_start3A_158 = arith.constant 0 : i32
      %dma_start3A_159 = tpu.memref_slice %arg2[%dma_start3A_157, %dma_start3A_158] : memref<1000000x32xf32, #tpu.memory_space<hbm>> -> memref<1000000x32xf32, #tpu.memory_space<hbm>>
      tpu.enqueue_indirect_dma source(%dma_start3A_159 : memref<1000000x32xf32, #tpu.memory_space<hbm>>) target(%dma_start3A_156 : memref<16x32xf32, #tpu.memory_space<vmem>>) offsets(%get3A_155 : vector<16xi32>) semaphore(%arg14 : memref<!tpu.dma_semaphore, #tpu.memory_space<semaphore_mem>>)
      %scan3A_160 = arith.constant 0 : i32
      scf.yield %scan3A_160 : i32
    }
    %scan3A_8 = arith.constant 208 : i32
    %dma_wait3A = arith.constant 0 : i32
    %dma_wait3A_9 = arith.constant 0 : i32
    %dma_wait3A_10 = tpu.memref_slice %arg2[%dma_wait3A, %dma_wait3A_9] : memref<1000000x32xf32, #tpu.memory_space<hbm>> -> memref<3328x32xf32, #tpu.memory_space<hbm>>
    %dma_wait3A_11 = arith.constant 0 : i32
    %dma_wait3A_12 = arith.constant 0 : i32
    %dma_wait3A_13 = tpu.memref_slice %arg2[%dma_wait3A_11, %dma_wait3A_12] : memref<1000000x32xf32, #tpu.memory_space<hbm>> -> memref<3328x32xf32, #tpu.memory_space<hbm>>
    tpu.wait_dma2 semaphore(%arg14 : memref<!tpu.dma_semaphore, #tpu.memory_space<semaphore_mem>>) src(%dma_wait3A_13 : memref<3328x32xf32, #tpu.memory_space<hbm>>) dst(%arg9 : memref<3328x32xf32, #tpu.memory_space<vmem>>)
    %iota3A = tpu.iota {dimensions = array<i32: 0>} : vector<16xi32>
    %xor3A = arith.constant 1 : i32
    %xor3A_14 = vector.broadcast %xor3A : i32 to vector<16xi32>
    %xor3A_15 = arith.xori %iota3A, %xor3A_14 : vector<16xi32>
    %xor3A_16 = arith.constant 2 : i32
    %xor3A_17 = vector.broadcast %xor3A_16 : i32 to vector<16xi32>
    %xor3A_18 = arith.xori %iota3A, %xor3A_17 : vector<16xi32>
    %xor3A_19 = arith.constant 4 : i32
    %xor3A_20 = vector.broadcast %xor3A_19 : i32 to vector<16xi32>
    %xor3A_21 = arith.xori %iota3A, %xor3A_20 : vector<16xi32>
    %xor3A_22 = arith.constant 8 : i32
    %xor3A_23 = vector.broadcast %xor3A_22 : i32 to vector<16xi32>
    %xor3A_24 = arith.xori %iota3A, %xor3A_23 : vector<16xi32>
    %broadcast_in_dim3A = arith.constant 0.000000e+00 : f32
    %broadcast_in_dim3A_25 = vector.broadcast %broadcast_in_dim3A : f32 to vector<16xf32>
    %scan3A_26 = arith.constant 0 : i32
    %scan3A_27 = arith.constant 128 : i32
    %scan3A_28 = arith.addi %scan3A_26, %scan3A_27 : i32
    %scan3A_29 = arith.constant 1 : i32
    %scan3A_30 = scf.for %scan3A_149 = %scan3A_26 to %scan3A_28 step %scan3A_29 iter_args(%scan3A_150 = %broadcast_in_dim3A_25) -> (vector<16xf32>)  : i32 {
      %mul3A_151 = arith.constant 32 : i32
      %mul3A_152 = arith.muli %scan3A_149, %mul3A_151 : i32
      %multiple_of3A_153 = tpu.assume_multiple %mul3A_152, 32 : i32
      %get3A_154 = arith.index_cast %multiple_of3A_153 : i32 to index
      %get3A_155 = tpu.vector_load %arg11[%get3A_154] {strides = array<i32>} : memref<4096xf32, #tpu.memory_space<vmem>>, vector<16xf32>,
      %add3A_156 = arith.constant 16 : i32
      %add3A_157 = arith.addi %multiple_of3A_153, %add3A_156 : i32
      %get3A_158 = arith.index_cast %add3A_157 : i32 to index
      %get3A_159 = tpu.vector_load %arg11[%get3A_158] {strides = array<i32>} : memref<4096xf32, #tpu.memory_space<vmem>>, vector<16xf32>,
      %get3A_160 = arith.index_cast %multiple_of3A_153 : i32 to index
      %get3A_161 = tpu.vector_load %arg10[%get3A_160] {strides = array<i32>} : memref<4096xf32, #tpu.memory_space<vmem>>, vector<16xf32>,
      %add3A_162 = arith.constant 16 : i32
      %add3A_163 = arith.addi %multiple_of3A_153, %add3A_162 : i32
      %get3A_164 = arith.index_cast %add3A_163 : i32 to index
      %get3A_165 = tpu.vector_load %arg10[%get3A_164] {strides = array<i32>} : memref<4096xf32, #tpu.memory_space<vmem>>, vector<16xf32>,
      %mul3A_166 = arith.constant 26 : i32
      %mul3A_167 = arith.muli %scan3A_149, %mul3A_166 : i32
      %broadcast_in_dim3A_168 = arith.constant 0.000000e+00 : f32
      %broadcast_in_dim3A_169 = vector.broadcast %broadcast_in_dim3A_168 : f32 to vector<16xf32>
      %broadcast_in_dim3A_170 = arith.constant 0.000000e+00 : f32
      %broadcast_in_dim3A_171 = vector.broadcast %broadcast_in_dim3A_170 : f32 to vector<16xf32>
      %broadcast_in_dim3A_172 = arith.constant 0.000000e+00 : f32
      %broadcast_in_dim3A_173 = vector.broadcast %broadcast_in_dim3A_172 : f32 to vector<16xf32>
      %add3A_174 = arith.constant 0 : i32
      %add3A_175 = arith.addi %mul3A_167, %add3A_174 : i32
      %get3A_176 = arith.index_cast %add3A_175 : i32 to index
      %get3A_177 = arith.constant 0 : index
      %get3A_178 = tpu.vector_load %arg9[%get3A_176, %get3A_177] {strides = array<i32>} : memref<3328x32xf32, #tpu.memory_space<vmem>>, vector<16xf32>,
      %add3A_179 = arith.constant 0 : i32
      %add3A_180 = arith.addi %mul3A_167, %add3A_179 : i32
      %get3A_181 = arith.index_cast %add3A_180 : i32 to index
      %get3A_182 = arith.constant 16 : index
      %get3A_183 = tpu.vector_load %arg9[%get3A_181, %get3A_182] {strides = array<i32>} : memref<3328x32xf32, #tpu.memory_space<vmem>>, vector<16xf32>,
      %broadcast_in_dim3A_184 = arith.constant 0 : i32
      %broadcast_in_dim3A_185 = vector.broadcast %broadcast_in_dim3A_184 : i32 to vector<16xi32>
      %lt3A = arith.constant 0 : i32
      %lt3A_186 = vector.broadcast %lt3A : i32 to vector<16xi32>
      %lt3A_187 = arith.cmpi slt, %broadcast_in_dim3A_185, %lt3A_186 : vector<16xi32>
      %add3A_188 = arith.constant 16 : i32
      %add3A_189 = vector.broadcast %add3A_188 : i32 to vector<16xi32>
      %add3A_190 = arith.addi %broadcast_in_dim3A_185, %add3A_189 : vector<16xi32>
      %select_n3A = arith.select %lt3A_187, %add3A_190, %broadcast_in_dim3A_185 : vector<16xi1>, vector<16xi32>
      %broadcast_in_dim3A_191 = vector.shape_cast %select_n3A : vector<16xi32> to vector<16x1xi32>
      %gather3A = vector.shape_cast %broadcast_in_dim3A_191 : vector<16x1xi32> to vector<16xi32>
      %gather3A_192 = tpu.dynamic_gather %get3A_155[%gather3A] in [0] : vector<16xf32>, vector<16xi32> -> vector<16xf32>
      %mul3A_193 = arith.mulf %get3A_178, %gather3A_192 : vector<16xf32>
      %mul3A_194 = arith.mulf %get3A_183, %gather3A_192 : vector<16xf32>
      %add3A_195 = arith.addf %broadcast_in_dim3A_169, %mul3A_193 : vector<16xf32>
      %add3A_196 = arith.addf %broadcast_in_dim3A_171, %mul3A_194 : vector<16xf32>
      %mul3A_197 = arith.mulf %mul3A_193, %mul3A_193 : vector<16xf32>
      %mul3A_198 = arith.mulf %mul3A_194, %mul3A_194 : vector<16xf32>
      %add3A_199 = arith.addf %mul3A_197, %mul3A_198 : vector<16xf32>
      %add3A_200 = arith.addf %broadcast_in_dim3A_173, %add3A_199 : vector<16xf32>
      %add3A_201 = arith.constant 1 : i32
      %add3A_202 = arith.addi %mul3A_167, %add3A_201 : i32
      %get3A_203 = arith.index_cast %add3A_202 : i32 to index
      %get3A_204 = arith.constant 0 : index
      %get3A_205 = tpu.vector_load %arg9[%get3A_203, %get3A_204] {strides = array<i32>} : memref<3328x32xf32, #tpu.memory_space<vmem>>, vector<16xf32>,
      %add3A_206 = arith.constant 1 : i32
      %add3A_207 = arith.addi %mul3A_167, %add3A_206 : i32
      %get3A_208 = arith.index_cast %add3A_207 : i32 to index
      %get3A_209 = arith.constant 16 : index
      %get3A_210 = tpu.vector_load %arg9[%get3A_208, %get3A_209] {strides = array<i32>} : memref<3328x32xf32, #tpu.memory_space<vmem>>, vector<16xf32>,
      %broadcast_in_dim3A_211 = arith.constant 1 : i32
      %broadcast_in_dim3A_212 = vector.broadcast %broadcast_in_dim3A_211 : i32 to vector<16xi32>
      %lt3A_213 = arith.constant 0 : i32
      %lt3A_214 = vector.broadcast %lt3A_213 : i32 to vector<16xi32>
      %lt3A_215 = arith.cmpi slt, %broadcast_in_dim3A_212, %lt3A_214 : vector<16xi32>
      %add3A_216 = arith.constant 16 : i32
      %add3A_217 = vector.broadcast %add3A_216 : i32 to vector<16xi32>
      %add3A_218 = arith.addi %broadcast_in_dim3A_212, %add3A_217 : vector<16xi32>
      %select_n3A_219 = arith.select %lt3A_215, %add3A_218, %broadcast_in_dim3A_212 : vector<16xi1>, vector<16xi32>
      %broadcast_in_dim3A_220 = vector.shape_cast %select_n3A_219 : vector<16xi32> to vector<16x1xi32>
      %gather3A_221 = vector.shape_cast %broadcast_in_dim3A_220 : vector<16x1xi32> to vector<16xi32>
      %gather3A_222 = tpu.dynamic_gather %get3A_155[%gather3A_221] in [0] : vector<16xf32>, vector<16xi32> -> vector<16xf32>
      %mul3A_223 = arith.mulf %get3A_205, %gather3A_222 : vector<16xf32>
      %mul3A_224 = arith.mulf %get3A_210, %gather3A_222 : vector<16xf32>
      %add3A_225 = arith.addf %add3A_195, %mul3A_223 : vector<16xf32>
      %add3A_226 = arith.addf %add3A_196, %mul3A_224 : vector<16xf32>
      %mul3A_227 = arith.mulf %mul3A_223, %mul3A_223 : vector<16xf32>
      %mul3A_228 = arith.mulf %mul3A_224, %mul3A_224 : vector<16xf32>
      %add3A_229 = arith.addf %mul3A_227, %mul3A_228 : vector<16xf32>
      %add3A_230 = arith.addf %add3A_200, %add3A_229 : vector<16xf32>
      %add3A_231 = arith.constant 2 : i32
      %add3A_232 = arith.addi %mul3A_167, %add3A_231 : i32
      %get3A_233 = arith.index_cast %add3A_232 : i32 to index
      %get3A_234 = arith.constant 0 : index
      %get3A_235 = tpu.vector_load %arg9[%get3A_233, %get3A_234] {strides = array<i32>} : memref<3328x32xf32, #tpu.memory_space<vmem>>, vector<16xf32>,
      %add3A_236 = arith.constant 2 : i32
      %add3A_237 = arith.addi %mul3A_167, %add3A_236 : i32
      %get3A_238 = arith.index_cast %add3A_237 : i32 to index
      %get3A_239 = arith.constant 16 : index
      %get3A_240 = tpu.vector_load %arg9[%get3A_238, %get3A_239] {strides = array<i32>} : memref<3328x32xf32, #tpu.memory_space<vmem>>, vector<16xf32>,
      %broadcast_in_dim3A_241 = arith.constant 2 : i32
      %broadcast_in_dim3A_242 = vector.broadcast %broadcast_in_dim3A_241 : i32 to vector<16xi32>
      %lt3A_243 = arith.constant 0 : i32
      %lt3A_244 = vector.broadcast %lt3A_243 : i32 to vector<16xi32>
      %lt3A_245 = arith.cmpi slt, %broadcast_in_dim3A_242, %lt3A_244 : vector<16xi32>
      %add3A_246 = arith.constant 16 : i32
      %add3A_247 = vector.broadcast %add3A_246 : i32 to vector<16xi32>
      %add3A_248 = arith.addi %broadcast_in_dim3A_242, %add3A_247 : vector<16xi32>
      %select_n3A_249 = arith.select %lt3A_245, %add3A_248, %broadcast_in_dim3A_242 : vector<16xi1>, vector<16xi32>
      %broadcast_in_dim3A_250 = vector.shape_cast %select_n3A_249 : vector<16xi32> to vector<16x1xi32>
      %gather3A_251 = vector.shape_cast %broadcast_in_dim3A_250 : vector<16x1xi32> to vector<16xi32>
      %gather3A_252 = tpu.dynamic_gather %get3A_155[%gather3A_251] in [0] : vector<16xf32>, vector<16xi32> -> vector<16xf32>
      %mul3A_253 = arith.mulf %get3A_235, %gather3A_252 : vector<16xf32>
      %mul3A_254 = arith.mulf %get3A_240, %gather3A_252 : vector<16xf32>
      %add3A_255 = arith.addf %add3A_225, %mul3A_253 : vector<16xf32>
      %add3A_256 = arith.addf %add3A_226, %mul3A_254 : vector<16xf32>
      %mul3A_257 = arith.mulf %mul3A_253, %mul3A_253 : vector<16xf32>
      %mul3A_258 = arith.mulf %mul3A_254, %mul3A_254 : vector<16xf32>
      %add3A_259 = arith.addf %mul3A_257, %mul3A_258 : vector<16xf32>
      %add3A_260 = arith.addf %add3A_230, %add3A_259 : vector<16xf32>
      %add3A_261 = arith.constant 3 : i32
      %add3A_262 = arith.addi %mul3A_167, %add3A_261 : i32
      %get3A_263 = arith.index_cast %add3A_262 : i32 to index
      %get3A_264 = arith.constant 0 : index
      %get3A_265 = tpu.vector_load %arg9[%get3A_263, %get3A_264] {strides = array<i32>} : memref<3328x32xf32, #tpu.memory_space<vmem>>, vector<16xf32>,
      %add3A_266 = arith.constant 3 : i32
      %add3A_267 = arith.addi %mul3A_167, %add3A_266 : i32
      %get3A_268 = arith.index_cast %add3A_267 : i32 to index
      %get3A_269 = arith.constant 16 : index
      %get3A_270 = tpu.vector_load %arg9[%get3A_268, %get3A_269] {strides = array<i32>} : memref<3328x32xf32, #tpu.memory_space<vmem>>, vector<16xf32>,
      %broadcast_in_dim3A_271 = arith.constant 3 : i32
      %broadcast_in_dim3A_272 = vector.broadcast %broadcast_in_dim3A_271 : i32 to vector<16xi32>
      %lt3A_273 = arith.constant 0 : i32
      %lt3A_274 = vector.broadcast %lt3A_273 : i32 to vector<16xi32>
      %lt3A_275 = arith.cmpi slt, %broadcast_in_dim3A_272, %lt3A_274 : vector<16xi32>
      %add3A_276 = arith.constant 16 : i32
      %add3A_277 = vector.broadcast %add3A_276 : i32 to vector<16xi32>
      %add3A_278 = arith.addi %broadcast_in_dim3A_272, %add3A_277 : vector<16xi32>
      %select_n3A_279 = arith.select %lt3A_275, %add3A_278, %broadcast_in_dim3A_272 : vector<16xi1>, vector<16xi32>
      %broadcast_in_dim3A_280 = vector.shape_cast %select_n3A_279 : vector<16xi32> to vector<16x1xi32>
      %gather3A_281 = vector.shape_cast %broadcast_in_dim3A_280 : vector<16x1xi32> to vector<16xi32>
      %gather3A_282 = tpu.dynamic_gather %get3A_155[%gather3A_281] in [0] : vector<16xf32>, vector<16xi32> -> vector<16xf32>
      %mul3A_283 = arith.mulf %get3A_265, %gather3A_282 : vector<16xf32>
      %mul3A_284 = arith.mulf %get3A_270, %gather3A_282 : vector<16xf32>
      %add3A_285 = arith.addf %add3A_255, %mul3A_283 : vector<16xf32>
      %add3A_286 = arith.addf %add3A_256, %mul3A_284 : vector<16xf32>
      %mul3A_287 = arith.mulf %mul3A_283, %mul3A_283 : vector<16xf32>
      %mul3A_288 = arith.mulf %mul3A_284, %mul3A_284 : vector<16xf32>
      %add3A_289 = arith.addf %mul3A_287, %mul3A_288 : vector<16xf32>
      %add3A_290 = arith.addf %add3A_260, %add3A_289 : vector<16xf32>
      %add3A_291 = arith.constant 4 : i32
      %add3A_292 = arith.addi %mul3A_167, %add3A_291 : i32
      %get3A_293 = arith.index_cast %add3A_292 : i32 to index
      %get3A_294 = arith.constant 0 : index
      %get3A_295 = tpu.vector_load %arg9[%get3A_293, %get3A_294] {strides = array<i32>} : memref<3328x32xf32, #tpu.memory_space<vmem>>, vector<16xf32>,
      %add3A_296 = arith.constant 4 : i32
      %add3A_297 = arith.addi %mul3A_167, %add3A_296 : i32
      %get3A_298 = arith.index_cast %add3A_297 : i32 to index
      %get3A_299 = arith.constant 16 : index
      %get3A_300 = tpu.vector_load %arg9[%get3A_298, %get3A_299] {strides = array<i32>} : memref<3328x32xf32, #tpu.memory_space<vmem>>, vector<16xf32>,
      %broadcast_in_dim3A_301 = arith.constant 4 : i32
      %broadcast_in_dim3A_302 = vector.broadcast %broadcast_in_dim3A_301 : i32 to vector<16xi32>
      %lt3A_303 = arith.constant 0 : i32
      %lt3A_304 = vector.broadcast %lt3A_303 : i32 to vector<16xi32>
      %lt3A_305 = arith.cmpi slt, %broadcast_in_dim3A_302, %lt3A_304 : vector<16xi32>
      %add3A_306 = arith.constant 16 : i32
      %add3A_307 = vector.broadcast %add3A_306 : i32 to vector<16xi32>
      %add3A_308 = arith.addi %broadcast_in_dim3A_302, %add3A_307 : vector<16xi32>
      %select_n3A_309 = arith.select %lt3A_305, %add3A_308, %broadcast_in_dim3A_302 : vector<16xi1>, vector<16xi32>
      %broadcast_in_dim3A_310 = vector.shape_cast %select_n3A_309 : vector<16xi32> to vector<16x1xi32>
      %gather3A_311 = vector.shape_cast %broadcast_in_dim3A_310 : vector<16x1xi32> to vector<16xi32>
      %gather3A_312 = tpu.dynamic_gather %get3A_155[%gather3A_311] in [0] : vector<16xf32>, vector<16xi32> -> vector<16xf32>
      %mul3A_313 = arith.mulf %get3A_295, %gather3A_312 : vector<16xf32>
      %mul3A_314 = arith.mulf %get3A_300, %gather3A_312 : vector<16xf32>
      %add3A_315 = arith.addf %add3A_285, %mul3A_313 : vector<16xf32>
      %add3A_316 = arith.addf %add3A_286, %mul3A_314 : vector<16xf32>
      %mul3A_317 = arith.mulf %mul3A_313, %mul3A_313 : vector<16xf32>
      %mul3A_318 = arith.mulf %mul3A_314, %mul3A_314 : vector<16xf32>
      %add3A_319 = arith.addf %mul3A_317, %mul3A_318 : vector<16xf32>
      %add3A_320 = arith.addf %add3A_290, %add3A_319 : vector<16xf32>
      %add3A_321 = arith.constant 5 : i32
      %add3A_322 = arith.addi %mul3A_167, %add3A_321 : i32
      %get3A_323 = arith.index_cast %add3A_322 : i32 to index
      %get3A_324 = arith.constant 0 : index
      %get3A_325 = tpu.vector_load %arg9[%get3A_323, %get3A_324] {strides = array<i32>} : memref<3328x32xf32, #tpu.memory_space<vmem>>, vector<16xf32>,
      %add3A_326 = arith.constant 5 : i32
      %add3A_327 = arith.addi %mul3A_167, %add3A_326 : i32
      %get3A_328 = arith.index_cast %add3A_327 : i32 to index
      %get3A_329 = arith.constant 16 : index
      %get3A_330 = tpu.vector_load %arg9[%get3A_328, %get3A_329] {strides = array<i32>} : memref<3328x32xf32, #tpu.memory_space<vmem>>, vector<16xf32>,
      %broadcast_in_dim3A_331 = arith.constant 5 : i32
      %broadcast_in_dim3A_332 = vector.broadcast %broadcast_in_dim3A_331 : i32 to vector<16xi32>
      %lt3A_333 = arith.constant 0 : i32
      %lt3A_334 = vector.broadcast %lt3A_333 : i32 to vector<16xi32>
      %lt3A_335 = arith.cmpi slt, %broadcast_in_dim3A_332, %lt3A_334 : vector<16xi32>
      %add3A_336 = arith.constant 16 : i32
      %add3A_337 = vector.broadcast %add3A_336 : i32 to vector<16xi32>
      %add3A_338 = arith.addi %broadcast_in_dim3A_332, %add3A_337 : vector<16xi32>
      %select_n3A_339 = arith.select %lt3A_335, %add3A_338, %broadcast_in_dim3A_332 : vector<16xi1>, vector<16xi32>
      %broadcast_in_dim3A_340 = vector.shape_cast %select_n3A_339 : vector<16xi32> to vector<16x1xi32>
      %gather3A_341 = vector.shape_cast %broadcast_in_dim3A_340 : vector<16x1xi32> to vector<16xi32>
      %gather3A_342 = tpu.dynamic_gather %get3A_155[%gather3A_341] in [0] : vector<16xf32>, vector<16xi32> -> vector<16xf32>
      %mul3A_343 = arith.mulf %get3A_325, %gather3A_342 : vector<16xf32>
      %mul3A_344 = arith.mulf %get3A_330, %gather3A_342 : vector<16xf32>
      %add3A_345 = arith.addf %add3A_315, %mul3A_343 : vector<16xf32>
      %add3A_346 = arith.addf %add3A_316, %mul3A_344 : vector<16xf32>
      %mul3A_347 = arith.mulf %mul3A_343, %mul3A_343 : vector<16xf32>
      %mul3A_348 = arith.mulf %mul3A_344, %mul3A_344 : vector<16xf32>
      %add3A_349 = arith.addf %mul3A_347, %mul3A_348 : vector<16xf32>
      %add3A_350 = arith.addf %add3A_320, %add3A_349 : vector<16xf32>
      %add3A_351 = arith.constant 6 : i32
      %add3A_352 = arith.addi %mul3A_167, %add3A_351 : i32
      %get3A_353 = arith.index_cast %add3A_352 : i32 to index
      %get3A_354 = arith.constant 0 : index
      %get3A_355 = tpu.vector_load %arg9[%get3A_353, %get3A_354] {strides = array<i32>} : memref<3328x32xf32, #tpu.memory_space<vmem>>, vector<16xf32>,
      %add3A_356 = arith.constant 6 : i32
      %add3A_357 = arith.addi %mul3A_167, %add3A_356 : i32
      %get3A_358 = arith.index_cast %add3A_357 : i32 to index
      %get3A_359 = arith.constant 16 : index
      %get3A_360 = tpu.vector_load %arg9[%get3A_358, %get3A_359] {strides = array<i32>} : memref<3328x32xf32, #tpu.memory_space<vmem>>, vector<16xf32>,
      %broadcast_in_dim3A_361 = arith.constant 6 : i32
      %broadcast_in_dim3A_362 = vector.broadcast %broadcast_in_dim3A_361 : i32 to vector<16xi32>
      %lt3A_363 = arith.constant 0 : i32
      %lt3A_364 = vector.broadcast %lt3A_363 : i32 to vector<16xi32>
      %lt3A_365 = arith.cmpi slt, %broadcast_in_dim3A_362, %lt3A_364 : vector<16xi32>
      %add3A_366 = arith.constant 16 : i32
      %add3A_367 = vector.broadcast %add3A_366 : i32 to vector<16xi32>
      %add3A_368 = arith.addi %broadcast_in_dim3A_362, %add3A_367 : vector<16xi32>
      %select_n3A_369 = arith.select %lt3A_365, %add3A_368, %broadcast_in_dim3A_362 : vector<16xi1>, vector<16xi32>
      %broadcast_in_dim3A_370 = vector.shape_cast %select_n3A_369 : vector<16xi32> to vector<16x1xi32>
      %gather3A_371 = vector.shape_cast %broadcast_in_dim3A_370 : vector<16x1xi32> to vector<16xi32>
      %gather3A_372 = tpu.dynamic_gather %get3A_155[%gather3A_371] in [0] : vector<16xf32>, vector<16xi32> -> vector<16xf32>
      %mul3A_373 = arith.mulf %get3A_355, %gather3A_372 : vector<16xf32>
      %mul3A_374 = arith.mulf %get3A_360, %gather3A_372 : vector<16xf32>
      %add3A_375 = arith.addf %add3A_345, %mul3A_373 : vector<16xf32>
      %add3A_376 = arith.addf %add3A_346, %mul3A_374 : vector<16xf32>
      %mul3A_377 = arith.mulf %mul3A_373, %mul3A_373 : vector<16xf32>
      %mul3A_378 = arith.mulf %mul3A_374, %mul3A_374 : vector<16xf32>
      %add3A_379 = arith.addf %mul3A_377, %mul3A_378 : vector<16xf32>
      %add3A_380 = arith.addf %add3A_350, %add3A_379 : vector<16xf32>
      %add3A_381 = arith.constant 7 : i32
      %add3A_382 = arith.addi %mul3A_167, %add3A_381 : i32
      %get3A_383 = arith.index_cast %add3A_382 : i32 to index
      %get3A_384 = arith.constant 0 : index
      %get3A_385 = tpu.vector_load %arg9[%get3A_383, %get3A_384] {strides = array<i32>} : memref<3328x32xf32, #tpu.memory_space<vmem>>, vector<16xf32>,
      %add3A_386 = arith.constant 7 : i32
      %add3A_387 = arith.addi %mul3A_167, %add3A_386 : i32
      %get3A_388 = arith.index_cast %add3A_387 : i32 to index
      %get3A_389 = arith.constant 16 : index
      %get3A_390 = tpu.vector_load %arg9[%get3A_388, %get3A_389] {strides = array<i32>} : memref<3328x32xf32, #tpu.memory_space<vmem>>, vector<16xf32>,
      %broadcast_in_dim3A_391 = arith.constant 7 : i32
      %broadcast_in_dim3A_392 = vector.broadcast %broadcast_in_dim3A_391 : i32 to vector<16xi32>
      %lt3A_393 = arith.constant 0 : i32
      %lt3A_394 = vector.broadcast %lt3A_393 : i32 to vector<16xi32>
      %lt3A_395 = arith.cmpi slt, %broadcast_in_dim3A_392, %lt3A_394 : vector<16xi32>
      %add3A_396 = arith.constant 16 : i32
      %add3A_397 = vector.broadcast %add3A_396 : i32 to vector<16xi32>
      %add3A_398 = arith.addi %broadcast_in_dim3A_392, %add3A_397 : vector<16xi32>
      %select_n3A_399 = arith.select %lt3A_395, %add3A_398, %broadcast_in_dim3A_392 : vector<16xi1>, vector<16xi32>
      %broadcast_in_dim3A_400 = vector.shape_cast %select_n3A_399 : vector<16xi32> to vector<16x1xi32>
      %gather3A_401 = vector.shape_cast %broadcast_in_dim3A_400 : vector<16x1xi32> to vector<16xi32>
      %gather3A_402 = tpu.dynamic_gather %get3A_155[%gather3A_401] in [0] : vector<16xf32>, vector<16xi32> -> vector<16xf32>
      %mul3A_403 = arith.mulf %get3A_385, %gather3A_402 : vector<16xf32>
      %mul3A_404 = arith.mulf %get3A_390, %gather3A_402 : vector<16xf32>
      %add3A_405 = arith.addf %add3A_375, %mul3A_403 : vector<16xf32>
      %add3A_406 = arith.addf %add3A_376, %mul3A_404 : vector<16xf32>
      %mul3A_407 = arith.mulf %mul3A_403, %mul3A_403 : vector<16xf32>
      %mul3A_408 = arith.mulf %mul3A_404, %mul3A_404 : vector<16xf32>
      %add3A_409 = arith.addf %mul3A_407, %mul3A_408 : vector<16xf32>
      %add3A_410 = arith.addf %add3A_380, %add3A_409 : vector<16xf32>
      %add3A_411 = arith.constant 8 : i32
      %add3A_412 = arith.addi %mul3A_167, %add3A_411 : i32
      %get3A_413 = arith.index_cast %add3A_412 : i32 to index
      %get3A_414 = arith.constant 0 : index
      %get3A_415 = tpu.vector_load %arg9[%get3A_413, %get3A_414] {strides = array<i32>} : memref<3328x32xf32, #tpu.memory_space<vmem>>, vector<16xf32>,
      %add3A_416 = arith.constant 8 : i32
      %add3A_417 = arith.addi %mul3A_167, %add3A_416 : i32
      %get3A_418 = arith.index_cast %add3A_417 : i32 to index
      %get3A_419 = arith.constant 16 : index
      %get3A_420 = tpu.vector_load %arg9[%get3A_418, %get3A_419] {strides = array<i32>} : memref<3328x32xf32, #tpu.memory_space<vmem>>, vector<16xf32>,
      %broadcast_in_dim3A_421 = arith.constant 8 : i32
      %broadcast_in_dim3A_422 = vector.broadcast %broadcast_in_dim3A_421 : i32 to vector<16xi32>
      %lt3A_423 = arith.constant 0 : i32
      %lt3A_424 = vector.broadcast %lt3A_423 : i32 to vector<16xi32>
      %lt3A_425 = arith.cmpi slt, %broadcast_in_dim3A_422, %lt3A_424 : vector<16xi32>
      %add3A_426 = arith.constant 16 : i32
      %add3A_427 = vector.broadcast %add3A_426 : i32 to vector<16xi32>
      %add3A_428 = arith.addi %broadcast_in_dim3A_422, %add3A_427 : vector<16xi32>
      %select_n3A_429 = arith.select %lt3A_425, %add3A_428, %broadcast_in_dim3A_422 : vector<16xi1>, vector<16xi32>
      %broadcast_in_dim3A_430 = vector.shape_cast %select_n3A_429 : vector<16xi32> to vector<16x1xi32>
      %gather3A_431 = vector.shape_cast %broadcast_in_dim3A_430 : vector<16x1xi32> to vector<16xi32>
      %gather3A_432 = tpu.dynamic_gather %get3A_155[%gather3A_431] in [0] : vector<16xf32>, vector<16xi32> -> vector<16xf32>
      %mul3A_433 = arith.mulf %get3A_415, %gather3A_432 : vector<16xf32>
      %mul3A_434 = arith.mulf %get3A_420, %gather3A_432 : vector<16xf32>
      %add3A_435 = arith.addf %add3A_405, %mul3A_433 : vector<16xf32>
      %add3A_436 = arith.addf %add3A_406, %mul3A_434 : vector<16xf32>
      %mul3A_437 = arith.mulf %mul3A_433, %mul3A_433 : vector<16xf32>
      %mul3A_438 = arith.mulf %mul3A_434, %mul3A_434 : vector<16xf32>
      %add3A_439 = arith.addf %mul3A_437, %mul3A_438 : vector<16xf32>
      %add3A_440 = arith.addf %add3A_410, %add3A_439 : vector<16xf32>
      %add3A_441 = arith.constant 9 : i32
      %add3A_442 = arith.addi %mul3A_167, %add3A_441 : i32
      %get3A_443 = arith.index_cast %add3A_442 : i32 to index
      %get3A_444 = arith.constant 0 : index
      %get3A_445 = tpu.vector_load %arg9[%get3A_443, %get3A_444] {strides = array<i32>} : memref<3328x32xf32, #tpu.memory_space<vmem>>, vector<16xf32>,
      %add3A_446 = arith.constant 9 : i32
      %add3A_447 = arith.addi %mul3A_167, %add3A_446 : i32
      %get3A_448 = arith.index_cast %add3A_447 : i32 to index
      %get3A_449 = arith.constant 16 : index
      %get3A_450 = tpu.vector_load %arg9[%get3A_448, %get3A_449] {strides = array<i32>} : memref<3328x32xf32, #tpu.memory_space<vmem>>, vector<16xf32>,
      %broadcast_in_dim3A_451 = arith.constant 9 : i32
      %broadcast_in_dim3A_452 = vector.broadcast %broadcast_in_dim3A_451 : i32 to vector<16xi32>
      %lt3A_453 = arith.constant 0 : i32
      %lt3A_454 = vector.broadcast %lt3A_453 : i32 to vector<16xi32>
      %lt3A_455 = arith.cmpi slt, %broadcast_in_dim3A_452, %lt3A_454 : vector<16xi32>
      %add3A_456 = arith.constant 16 : i32
      %add3A_457 = vector.broadcast %add3A_456 : i32 to vector<16xi32>
      %add3A_458 = arith.addi %broadcast_in_dim3A_452, %add3A_457 : vector<16xi32>
      %select_n3A_459 = arith.select %lt3A_455, %add3A_458, %broadcast_in_dim3A_452 : vector<16xi1>, vector<16xi32>
      %broadcast_in_dim3A_460 = vector.shape_cast %select_n3A_459 : vector<16xi32> to vector<16x1xi32>
      %gather3A_461 = vector.shape_cast %broadcast_in_dim3A_460 : vector<16x1xi32> to vector<16xi32>
      %gather3A_462 = tpu.dynamic_gather %get3A_155[%gather3A_461] in [0] : vector<16xf32>, vector<16xi32> -> vector<16xf32>
      %mul3A_463 = arith.mulf %get3A_445, %gather3A_462 : vector<16xf32>
      %mul3A_464 = arith.mulf %get3A_450, %gather3A_462 : vector<16xf32>
      %add3A_465 = arith.addf %add3A_435, %mul3A_463 : vector<16xf32>
      %add3A_466 = arith.addf %add3A_436, %mul3A_464 : vector<16xf32>
      %mul3A_467 = arith.mulf %mul3A_463, %mul3A_463 : vector<16xf32>
      %mul3A_468 = arith.mulf %mul3A_464, %mul3A_464 : vector<16xf32>
      %add3A_469 = arith.addf %mul3A_467, %mul3A_468 : vector<16xf32>
      %add3A_470 = arith.addf %add3A_440, %add3A_469 : vector<16xf32>
      %add3A_471 = arith.constant 10 : i32
      %add3A_472 = arith.addi %mul3A_167, %add3A_471 : i32
      %get3A_473 = arith.index_cast %add3A_472 : i32 to index
      %get3A_474 = arith.constant 0 : index
      %get3A_475 = tpu.vector_load %arg9[%get3A_473, %get3A_474] {strides = array<i32>} : memref<3328x32xf32, #tpu.memory_space<vmem>>, vector<16xf32>,
      %add3A_476 = arith.constant 10 : i32
      %add3A_477 = arith.addi %mul3A_167, %add3A_476 : i32
      %get3A_478 = arith.index_cast %add3A_477 : i32 to index
      %get3A_479 = arith.constant 16 : index
      %get3A_480 = tpu.vector_load %arg9[%get3A_478, %get3A_479] {strides = array<i32>} : memref<3328x32xf32, #tpu.memory_space<vmem>>, vector<16xf32>,
      %broadcast_in_dim3A_481 = arith.constant 10 : i32
      %broadcast_in_dim3A_482 = vector.broadcast %broadcast_in_dim3A_481 : i32 to vector<16xi32>
      %lt3A_483 = arith.constant 0 : i32
      %lt3A_484 = vector.broadcast %lt3A_483 : i32 to vector<16xi32>
      %lt3A_485 = arith.cmpi slt, %broadcast_in_dim3A_482, %lt3A_484 : vector<16xi32>
      %add3A_486 = arith.constant 16 : i32
      %add3A_487 = vector.broadcast %add3A_486 : i32 to vector<16xi32>
      %add3A_488 = arith.addi %broadcast_in_dim3A_482, %add3A_487 : vector<16xi32>
      %select_n3A_489 = arith.select %lt3A_485, %add3A_488, %broadcast_in_dim3A_482 : vector<16xi1>, vector<16xi32>
      %broadcast_in_dim3A_490 = vector.shape_cast %select_n3A_489 : vector<16xi32> to vector<16x1xi32>
      %gather3A_491 = vector.shape_cast %broadcast_in_dim3A_490 : vector<16x1xi32> to vector<16xi32>
      %gather3A_492 = tpu.dynamic_gather %get3A_155[%gather3A_491] in [0] : vector<16xf32>, vector<16xi32> -> vector<16xf32>
      %mul3A_493 = arith.mulf %get3A_475, %gather3A_492 : vector<16xf32>
      %mul3A_494 = arith.mulf %get3A_480, %gather3A_492 : vector<16xf32>
      %add3A_495 = arith.addf %add3A_465, %mul3A_493 : vector<16xf32>
      %add3A_496 = arith.addf %add3A_466, %mul3A_494 : vector<16xf32>
      %mul3A_497 = arith.mulf %mul3A_493, %mul3A_493 : vector<16xf32>
      %mul3A_498 = arith.mulf %mul3A_494, %mul3A_494 : vector<16xf32>
      %add3A_499 = arith.addf %mul3A_497, %mul3A_498 : vector<16xf32>
      %add3A_500 = arith.addf %add3A_470, %add3A_499 : vector<16xf32>
      %add3A_501 = arith.constant 11 : i32
      %add3A_502 = arith.addi %mul3A_167, %add3A_501 : i32
      %get3A_503 = arith.index_cast %add3A_502 : i32 to index
      %get3A_504 = arith.constant 0 : index
      %get3A_505 = tpu.vector_load %arg9[%get3A_503, %get3A_504] {strides = array<i32>} : memref<3328x32xf32, #tpu.memory_space<vmem>>, vector<16xf32>,
      %add3A_506 = arith.constant 11 : i32
      %add3A_507 = arith.addi %mul3A_167, %add3A_506 : i32
      %get3A_508 = arith.index_cast %add3A_507 : i32 to index
      %get3A_509 = arith.constant 16 : index
      %get3A_510 = tpu.vector_load %arg9[%get3A_508, %get3A_509] {strides = array<i32>} : memref<3328x32xf32, #tpu.memory_space<vmem>>, vector<16xf32>,
      %broadcast_in_dim3A_511 = arith.constant 11 : i32
      %broadcast_in_dim3A_512 = vector.broadcast %broadcast_in_dim3A_511 : i32 to vector<16xi32>
      %lt3A_513 = arith.constant 0 : i32
      %lt3A_514 = vector.broadcast %lt3A_513 : i32 to vector<16xi32>
      %lt3A_515 = arith.cmpi slt, %broadcast_in_dim3A_512, %lt3A_514 : vector<16xi32>
      %add3A_516 = arith.constant 16 : i32
      %add3A_517 = vector.broadcast %add3A_516 : i32 to vector<16xi32>
      %add3A_518 = arith.addi %broadcast_in_dim3A_512, %add3A_517 : vector<16xi32>
      %select_n3A_519 = arith.select %lt3A_515, %add3A_518, %broadcast_in_dim3A_512 : vector<16xi1>, vector<16xi32>
      %broadcast_in_dim3A_520 = vector.shape_cast %select_n3A_519 : vector<16xi32> to vector<16x1xi32>
      %gather3A_521 = vector.shape_cast %broadcast_in_dim3A_520 : vector<16x1xi32> to vector<16xi32>
      %gather3A_522 = tpu.dynamic_gather %get3A_155[%gather3A_521] in [0] : vector<16xf32>, vector<16xi32> -> vector<16xf32>
      %mul3A_523 = arith.mulf %get3A_505, %gather3A_522 : vector<16xf32>
      %mul3A_524 = arith.mulf %get3A_510, %gather3A_522 : vector<16xf32>
      %add3A_525 = arith.addf %add3A_495, %mul3A_523 : vector<16xf32>
      %add3A_526 = arith.addf %add3A_496, %mul3A_524 : vector<16xf32>
      %mul3A_527 = arith.mulf %mul3A_523, %mul3A_523 : vector<16xf32>
      %mul3A_528 = arith.mulf %mul3A_524, %mul3A_524 : vector<16xf32>
      %add3A_529 = arith.addf %mul3A_527, %mul3A_528 : vector<16xf32>
      %add3A_530 = arith.addf %add3A_500, %add3A_529 : vector<16xf32>
      %add3A_531 = arith.constant 12 : i32
      %add3A_532 = arith.addi %mul3A_167, %add3A_531 : i32
      %get3A_533 = arith.index_cast %add3A_532 : i32 to index
      %get3A_534 = arith.constant 0 : index
      %get3A_535 = tpu.vector_load %arg9[%get3A_533, %get3A_534] {strides = array<i32>} : memref<3328x32xf32, #tpu.memory_space<vmem>>, vector<16xf32>,
      %add3A_536 = arith.constant 12 : i32
      %add3A_537 = arith.addi %mul3A_167, %add3A_536 : i32
      %get3A_538 = arith.index_cast %add3A_537 : i32 to index
      %get3A_539 = arith.constant 16 : index
      %get3A_540 = tpu.vector_load %arg9[%get3A_538, %get3A_539] {strides = array<i32>} : memref<3328x32xf32, #tpu.memory_space<vmem>>, vector<16xf32>,
      %broadcast_in_dim3A_541 = arith.constant 12 : i32
      %broadcast_in_dim3A_542 = vector.broadcast %broadcast_in_dim3A_541 : i32 to vector<16xi32>
      %lt3A_543 = arith.constant 0 : i32
      %lt3A_544 = vector.broadcast %lt3A_543 : i32 to vector<16xi32>
      %lt3A_545 = arith.cmpi slt, %broadcast_in_dim3A_542, %lt3A_544 : vector<16xi32>
      %add3A_546 = arith.constant 16 : i32
      %add3A_547 = vector.broadcast %add3A_546 : i32 to vector<16xi32>
      %add3A_548 = arith.addi %broadcast_in_dim3A_542, %add3A_547 : vector<16xi32>
      %select_n3A_549 = arith.select %lt3A_545, %add3A_548, %broadcast_in_dim3A_542 : vector<16xi1>, vector<16xi32>
      %broadcast_in_dim3A_550 = vector.shape_cast %select_n3A_549 : vector<16xi32> to vector<16x1xi32>
      %gather3A_551 = vector.shape_cast %broadcast_in_dim3A_550 : vector<16x1xi32> to vector<16xi32>
      %gather3A_552 = tpu.dynamic_gather %get3A_155[%gather3A_551] in [0] : vector<16xf32>, vector<16xi32> -> vector<16xf32>
      %mul3A_553 = arith.mulf %get3A_535, %gather3A_552 : vector<16xf32>
      %mul3A_554 = arith.mulf %get3A_540, %gather3A_552 : vector<16xf32>
      %add3A_555 = arith.addf %add3A_525, %mul3A_553 : vector<16xf32>
      %add3A_556 = arith.addf %add3A_526, %mul3A_554 : vector<16xf32>
      %mul3A_557 = arith.mulf %mul3A_553, %mul3A_553 : vector<16xf32>
      %mul3A_558 = arith.mulf %mul3A_554, %mul3A_554 : vector<16xf32>
      %add3A_559 = arith.addf %mul3A_557, %mul3A_558 : vector<16xf32>
      %add3A_560 = arith.addf %add3A_530, %add3A_559 : vector<16xf32>
      %add3A_561 = arith.constant 13 : i32
      %add3A_562 = arith.addi %mul3A_167, %add3A_561 : i32
      %get3A_563 = arith.index_cast %add3A_562 : i32 to index
      %get3A_564 = arith.constant 0 : index
      %get3A_565 = tpu.vector_load %arg9[%get3A_563, %get3A_564] {strides = array<i32>} : memref<3328x32xf32, #tpu.memory_space<vmem>>, vector<16xf32>,
      %add3A_566 = arith.constant 13 : i32
      %add3A_567 = arith.addi %mul3A_167, %add3A_566 : i32
      %get3A_568 = arith.index_cast %add3A_567 : i32 to index
      %get3A_569 = arith.constant 16 : index
      %get3A_570 = tpu.vector_load %arg9[%get3A_568, %get3A_569] {strides = array<i32>} : memref<3328x32xf32, #tpu.memory_space<vmem>>, vector<16xf32>,
      %broadcast_in_dim3A_571 = arith.constant 13 : i32
      %broadcast_in_dim3A_572 = vector.broadcast %broadcast_in_dim3A_571 : i32 to vector<16xi32>
      %lt3A_573 = arith.constant 0 : i32
      %lt3A_574 = vector.broadcast %lt3A_573 : i32 to vector<16xi32>
      %lt3A_575 = arith.cmpi slt, %broadcast_in_dim3A_572, %lt3A_574 : vector<16xi32>
      %add3A_576 = arith.constant 16 : i32
      %add3A_577 = vector.broadcast %add3A_576 : i32 to vector<16xi32>
      %add3A_578 = arith.addi %broadcast_in_dim3A_572, %add3A_577 : vector<16xi32>
      %select_n3A_579 = arith.select %lt3A_575, %add3A_578, %broadcast_in_dim3A_572 : vector<16xi1>, vector<16xi32>
      %broadcast_in_dim3A_580 = vector.shape_cast %select_n3A_579 : vector<16xi32> to vector<16x1xi32>
      %gather3A_581 = vector.shape_cast %broadcast_in_dim3A_580 : vector<16x1xi32> to vector<16xi32>
      %gather3A_582 = tpu.dynamic_gather %get3A_155[%gather3A_581] in [0] : vector<16xf32>, vector<16xi32> -> vector<16xf32>
      %mul3A_583 = arith.mulf %get3A_565, %gather3A_582 : vector<16xf32>
      %mul3A_584 = arith.mulf %get3A_570, %gather3A_582 : vector<16xf32>
      %add3A_585 = arith.addf %add3A_555, %mul3A_583 : vector<16xf32>
      %add3A_586 = arith.addf %add3A_556, %mul3A_584 : vector<16xf32>
      %mul3A_587 = arith.mulf %mul3A_583, %mul3A_583 : vector<16xf32>
      %mul3A_588 = arith.mulf %mul3A_584, %mul3A_584 : vector<16xf32>
      %add3A_589 = arith.addf %mul3A_587, %mul3A_588 : vector<16xf32>
      %add3A_590 = arith.addf %add3A_560, %add3A_589 : vector<16xf32>
      %add3A_591 = arith.constant 14 : i32
      %add3A_592 = arith.addi %mul3A_167, %add3A_591 : i32
      %get3A_593 = arith.index_cast %add3A_592 : i32 to index
      %get3A_594 = arith.constant 0 : index
      %get3A_595 = tpu.vector_load %arg9[%get3A_593, %get3A_594] {strides = array<i32>} : memref<3328x32xf32, #tpu.memory_space<vmem>>, vector<16xf32>,
      %add3A_596 = arith.constant 14 : i32
      %add3A_597 = arith.addi %mul3A_167, %add3A_596 : i32
      %get3A_598 = arith.index_cast %add3A_597 : i32 to index
      %get3A_599 = arith.constant 16 : index
      %get3A_600 = tpu.vector_load %arg9[%get3A_598, %get3A_599] {strides = array<i32>} : memref<3328x32xf32, #tpu.memory_space<vmem>>, vector<16xf32>,
      %broadcast_in_dim3A_601 = arith.constant 14 : i32
      %broadcast_in_dim3A_602 = vector.broadcast %broadcast_in_dim3A_601 : i32 to vector<16xi32>
      %lt3A_603 = arith.constant 0 : i32
      %lt3A_604 = vector.broadcast %lt3A_603 : i32 to vector<16xi32>
      %lt3A_605 = arith.cmpi slt, %broadcast_in_dim3A_602, %lt3A_604 : vector<16xi32>
      %add3A_606 = arith.constant 16 : i32
      %add3A_607 = vector.broadcast %add3A_606 : i32 to vector<16xi32>
      %add3A_608 = arith.addi %broadcast_in_dim3A_602, %add3A_607 : vector<16xi32>
      %select_n3A_609 = arith.select %lt3A_605, %add3A_608, %broadcast_in_dim3A_602 : vector<16xi1>, vector<16xi32>
      %broadcast_in_dim3A_610 = vector.shape_cast %select_n3A_609 : vector<16xi32> to vector<16x1xi32>
      %gather3A_611 = vector.shape_cast %broadcast_in_dim3A_610 : vector<16x1xi32> to vector<16xi32>
      %gather3A_612 = tpu.dynamic_gather %get3A_155[%gather3A_611] in [0] : vector<16xf32>, vector<16xi32> -> vector<16xf32>
      %mul3A_613 = arith.mulf %get3A_595, %gather3A_612 : vector<16xf32>
      %mul3A_614 = arith.mulf %get3A_600, %gather3A_612 : vector<16xf32>
      %add3A_615 = arith.addf %add3A_585, %mul3A_613 : vector<16xf32>
      %add3A_616 = arith.addf %add3A_586, %mul3A_614 : vector<16xf32>
      %mul3A_617 = arith.mulf %mul3A_613, %mul3A_613 : vector<16xf32>
      %mul3A_618 = arith.mulf %mul3A_614, %mul3A_614 : vector<16xf32>
      %add3A_619 = arith.addf %mul3A_617, %mul3A_618 : vector<16xf32>
      %add3A_620 = arith.addf %add3A_590, %add3A_619 : vector<16xf32>
      %add3A_621 = arith.constant 15 : i32
      %add3A_622 = arith.addi %mul3A_167, %add3A_621 : i32
      %get3A_623 = arith.index_cast %add3A_622 : i32 to index
      %get3A_624 = arith.constant 0 : index
      %get3A_625 = tpu.vector_load %arg9[%get3A_623, %get3A_624] {strides = array<i32>} : memref<3328x32xf32, #tpu.memory_space<vmem>>, vector<16xf32>,
      %add3A_626 = arith.constant 15 : i32
      %add3A_627 = arith.addi %mul3A_167, %add3A_626 : i32
      %get3A_628 = arith.index_cast %add3A_627 : i32 to index
      %get3A_629 = arith.constant 16 : index
      %get3A_630 = tpu.vector_load %arg9[%get3A_628, %get3A_629] {strides = array<i32>} : memref<3328x32xf32, #tpu.memory_space<vmem>>, vector<16xf32>,
      %broadcast_in_dim3A_631 = arith.constant 15 : i32
      %broadcast_in_dim3A_632 = vector.broadcast %broadcast_in_dim3A_631 : i32 to vector<16xi32>
      %lt3A_633 = arith.constant 0 : i32
      %lt3A_634 = vector.broadcast %lt3A_633 : i32 to vector<16xi32>
      %lt3A_635 = arith.cmpi slt, %broadcast_in_dim3A_632, %lt3A_634 : vector<16xi32>
      %add3A_636 = arith.constant 16 : i32
      %add3A_637 = vector.broadcast %add3A_636 : i32 to vector<16xi32>
      %add3A_638 = arith.addi %broadcast_in_dim3A_632, %add3A_637 : vector<16xi32>
      %select_n3A_639 = arith.select %lt3A_635, %add3A_638, %broadcast_in_dim3A_632 : vector<16xi1>, vector<16xi32>
      %broadcast_in_dim3A_640 = vector.shape_cast %select_n3A_639 : vector<16xi32> to vector<16x1xi32>
      %gather3A_641 = vector.shape_cast %broadcast_in_dim3A_640 : vector<16x1xi32> to vector<16xi32>
      %gather3A_642 = tpu.dynamic_gather %get3A_155[%gather3A_641] in [0] : vector<16xf32>, vector<16xi32> -> vector<16xf32>
      %mul3A_643 = arith.mulf %get3A_625, %gather3A_642 : vector<16xf32>
      %mul3A_644 = arith.mulf %get3A_630, %gather3A_642 : vector<16xf32>
      %add3A_645 = arith.addf %add3A_615, %mul3A_643 : vector<16xf32>
      %add3A_646 = arith.addf %add3A_616, %mul3A_644 : vector<16xf32>
      %mul3A_647 = arith.mulf %mul3A_643, %mul3A_643 : vector<16xf32>
      %mul3A_648 = arith.mulf %mul3A_644, %mul3A_644 : vector<16xf32>
      %add3A_649 = arith.addf %mul3A_647, %mul3A_648 : vector<16xf32>
      %add3A_650 = arith.addf %add3A_620, %add3A_649 : vector<16xf32>
      %add3A_651 = arith.constant 16 : i32
      %add3A_652 = arith.addi %mul3A_167, %add3A_651 : i32
      %get3A_653 = arith.index_cast %add3A_652 : i32 to index
      %get3A_654 = arith.constant 0 : index
      %get3A_655 = tpu.vector_load %arg9[%get3A_653, %get3A_654] {strides = array<i32>} : memref<3328x32xf32, #tpu.memory_space<vmem>>, vector<16xf32>,
      %add3A_656 = arith.constant 16 : i32
      %add3A_657 = arith.addi %mul3A_167, %add3A_656 : i32
      %get3A_658 = arith.index_cast %add3A_657 : i32 to index
      %get3A_659 = arith.constant 16 : index
      %get3A_660 = tpu.vector_load %arg9[%get3A_658, %get3A_659] {strides = array<i32>} : memref<3328x32xf32, #tpu.memory_space<vmem>>, vector<16xf32>,
      %broadcast_in_dim3A_661 = arith.constant 0 : i32
      %broadcast_in_dim3A_662 = vector.broadcast %broadcast_in_dim3A_661 : i32 to vector<16xi32>
      %lt3A_663 = arith.constant 0 : i32
      %lt3A_664 = vector.broadcast %lt3A_663 : i32 to vector<16xi32>
      %lt3A_665 = arith.cmpi slt, %broadcast_in_dim3A_662, %lt3A_664 : vector<16xi32>
      %add3A_666 = arith.constant 16 : i32
      %add3A_667 = vector.broadcast %add3A_666 : i32 to vector<16xi32>
      %add3A_668 = arith.addi %broadcast_in_dim3A_662, %add3A_667 : vector<16xi32>
      %select_n3A_669 = arith.select %lt3A_665, %add3A_668, %broadcast_in_dim3A_662 : vector<16xi1>, vector<16xi32>
      %broadcast_in_dim3A_670 = vector.shape_cast %select_n3A_669 : vector<16xi32> to vector<16x1xi32>
      %gather3A_671 = vector.shape_cast %broadcast_in_dim3A_670 : vector<16x1xi32> to vector<16xi32>
      %gather3A_672 = tpu.dynamic_gather %get3A_159[%gather3A_671] in [0] : vector<16xf32>, vector<16xi32> -> vector<16xf32>
      %mul3A_673 = arith.mulf %get3A_655, %gather3A_672 : vector<16xf32>
      %mul3A_674 = arith.mulf %get3A_660, %gather3A_672 : vector<16xf32>
      %add3A_675 = arith.addf %add3A_645, %mul3A_673 : vector<16xf32>
      %add3A_676 = arith.addf %add3A_646, %mul3A_674 : vector<16xf32>
      %mul3A_677 = arith.mulf %mul3A_673, %mul3A_673 : vector<16xf32>
      %mul3A_678 = arith.mulf %mul3A_674, %mul3A_674 : vector<16xf32>
      %add3A_679 = arith.addf %mul3A_677, %mul3A_678 : vector<16xf32>
      %add3A_680 = arith.addf %add3A_650, %add3A_679 : vector<16xf32>
      %add3A_681 = arith.constant 17 : i32
      %add3A_682 = arith.addi %mul3A_167, %add3A_681 : i32
      %get3A_683 = arith.index_cast %add3A_682 : i32 to index
      %get3A_684 = arith.constant 0 : index
      %get3A_685 = tpu.vector_load %arg9[%get3A_683, %get3A_684] {strides = array<i32>} : memref<3328x32xf32, #tpu.memory_space<vmem>>, vector<16xf32>,
      %add3A_686 = arith.constant 17 : i32
      %add3A_687 = arith.addi %mul3A_167, %add3A_686 : i32
      %get3A_688 = arith.index_cast %add3A_687 : i32 to index
      %get3A_689 = arith.constant 16 : index
      %get3A_690 = tpu.vector_load %arg9[%get3A_688, %get3A_689] {strides = array<i32>} : memref<3328x32xf32, #tpu.memory_space<vmem>>, vector<16xf32>,
      %broadcast_in_dim3A_691 = arith.constant 1 : i32
      %broadcast_in_dim3A_692 = vector.broadcast %broadcast_in_dim3A_691 : i32 to vector<16xi32>
      %lt3A_693 = arith.constant 0 : i32
      %lt3A_694 = vector.broadcast %lt3A_693 : i32 to vector<16xi32>
      %lt3A_695 = arith.cmpi slt, %broadcast_in_dim3A_692, %lt3A_694 : vector<16xi32>
      %add3A_696 = arith.constant 16 : i32
      %add3A_697 = vector.broadcast %add3A_696 : i32 to vector<16xi32>
      %add3A_698 = arith.addi %broadcast_in_dim3A_692, %add3A_697 : vector<16xi32>
      %select_n3A_699 = arith.select %lt3A_695, %add3A_698, %broadcast_in_dim3A_692 : vector<16xi1>, vector<16xi32>
      %broadcast_in_dim3A_700 = vector.shape_cast %select_n3A_699 : vector<16xi32> to vector<16x1xi32>
      %gather3A_701 = vector.shape_cast %broadcast_in_dim3A_700 : vector<16x1xi32> to vector<16xi32>
      %gather3A_702 = tpu.dynamic_gather %get3A_159[%gather3A_701] in [0] : vector<16xf32>, vector<16xi32> -> vector<16xf32>
      %mul3A_703 = arith.mulf %get3A_685, %gather3A_702 : vector<16xf32>
      %mul3A_704 = arith.mulf %get3A_690, %gather3A_702 : vector<16xf32>
      %add3A_705 = arith.addf %add3A_675, %mul3A_703 : vector<16xf32>
      %add3A_706 = arith.addf %add3A_676, %mul3A_704 : vector<16xf32>
      %mul3A_707 = arith.mulf %mul3A_703, %mul3A_703 : vector<16xf32>
      %mul3A_708 = arith.mulf %mul3A_704, %mul3A_704 : vector<16xf32>
      %add3A_709 = arith.addf %mul3A_707, %mul3A_708 : vector<16xf32>
      %add3A_710 = arith.addf %add3A_680, %add3A_709 : vector<16xf32>
      %add3A_711 = arith.constant 18 : i32
      %add3A_712 = arith.addi %mul3A_167, %add3A_711 : i32
      %get3A_713 = arith.index_cast %add3A_712 : i32 to index
      %get3A_714 = arith.constant 0 : index
      %get3A_715 = tpu.vector_load %arg9[%get3A_713, %get3A_714] {strides = array<i32>} : memref<3328x32xf32, #tpu.memory_space<vmem>>, vector<16xf32>,
      %add3A_716 = arith.constant 18 : i32
      %add3A_717 = arith.addi %mul3A_167, %add3A_716 : i32
      %get3A_718 = arith.index_cast %add3A_717 : i32 to index
      %get3A_719 = arith.constant 16 : index
      %get3A_720 = tpu.vector_load %arg9[%get3A_718, %get3A_719] {strides = array<i32>} : memref<3328x32xf32, #tpu.memory_space<vmem>>, vector<16xf32>,
      %broadcast_in_dim3A_721 = arith.constant 2 : i32
      %broadcast_in_dim3A_722 = vector.broadcast %broadcast_in_dim3A_721 : i32 to vector<16xi32>
      %lt3A_723 = arith.constant 0 : i32
      %lt3A_724 = vector.broadcast %lt3A_723 : i32 to vector<16xi32>
      %lt3A_725 = arith.cmpi slt, %broadcast_in_dim3A_722, %lt3A_724 : vector<16xi32>
      %add3A_726 = arith.constant 16 : i32
      %add3A_727 = vector.broadcast %add3A_726 : i32 to vector<16xi32>
      %add3A_728 = arith.addi %broadcast_in_dim3A_722, %add3A_727 : vector<16xi32>
      %select_n3A_729 = arith.select %lt3A_725, %add3A_728, %broadcast_in_dim3A_722 : vector<16xi1>, vector<16xi32>
      %broadcast_in_dim3A_730 = vector.shape_cast %select_n3A_729 : vector<16xi32> to vector<16x1xi32>
      %gather3A_731 = vector.shape_cast %broadcast_in_dim3A_730 : vector<16x1xi32> to vector<16xi32>
      %gather3A_732 = tpu.dynamic_gather %get3A_159[%gather3A_731] in [0] : vector<16xf32>, vector<16xi32> -> vector<16xf32>
      %mul3A_733 = arith.mulf %get3A_715, %gather3A_732 : vector<16xf32>
      %mul3A_734 = arith.mulf %get3A_720, %gather3A_732 : vector<16xf32>
      %add3A_735 = arith.addf %add3A_705, %mul3A_733 : vector<16xf32>
      %add3A_736 = arith.addf %add3A_706, %mul3A_734 : vector<16xf32>
      %mul3A_737 = arith.mulf %mul3A_733, %mul3A_733 : vector<16xf32>
      %mul3A_738 = arith.mulf %mul3A_734, %mul3A_734 : vector<16xf32>
      %add3A_739 = arith.addf %mul3A_737, %mul3A_738 : vector<16xf32>
      %add3A_740 = arith.addf %add3A_710, %add3A_739 : vector<16xf32>
      %add3A_741 = arith.constant 19 : i32
      %add3A_742 = arith.addi %mul3A_167, %add3A_741 : i32
      %get3A_743 = arith.index_cast %add3A_742 : i32 to index
      %get3A_744 = arith.constant 0 : index
      %get3A_745 = tpu.vector_load %arg9[%get3A_743, %get3A_744] {strides = array<i32>} : memref<3328x32xf32, #tpu.memory_space<vmem>>, vector<16xf32>,
      %add3A_746 = arith.constant 19 : i32
      %add3A_747 = arith.addi %mul3A_167, %add3A_746 : i32
      %get3A_748 = arith.index_cast %add3A_747 : i32 to index
      %get3A_749 = arith.constant 16 : index
      %get3A_750 = tpu.vector_load %arg9[%get3A_748, %get3A_749] {strides = array<i32>} : memref<3328x32xf32, #tpu.memory_space<vmem>>, vector<16xf32>,
      %broadcast_in_dim3A_751 = arith.constant 3 : i32
      %broadcast_in_dim3A_752 = vector.broadcast %broadcast_in_dim3A_751 : i32 to vector<16xi32>
      %lt3A_753 = arith.constant 0 : i32
      %lt3A_754 = vector.broadcast %lt3A_753 : i32 to vector<16xi32>
      %lt3A_755 = arith.cmpi slt, %broadcast_in_dim3A_752, %lt3A_754 : vector<16xi32>
      %add3A_756 = arith.constant 16 : i32
      %add3A_757 = vector.broadcast %add3A_756 : i32 to vector<16xi32>
      %add3A_758 = arith.addi %broadcast_in_dim3A_752, %add3A_757 : vector<16xi32>
      %select_n3A_759 = arith.select %lt3A_755, %add3A_758, %broadcast_in_dim3A_752 : vector<16xi1>, vector<16xi32>
      %broadcast_in_dim3A_760 = vector.shape_cast %select_n3A_759 : vector<16xi32> to vector<16x1xi32>
      %gather3A_761 = vector.shape_cast %broadcast_in_dim3A_760 : vector<16x1xi32> to vector<16xi32>
      %gather3A_762 = tpu.dynamic_gather %get3A_159[%gather3A_761] in [0] : vector<16xf32>, vector<16xi32> -> vector<16xf32>
      %mul3A_763 = arith.mulf %get3A_745, %gather3A_762 : vector<16xf32>
      %mul3A_764 = arith.mulf %get3A_750, %gather3A_762 : vector<16xf32>
      %add3A_765 = arith.addf %add3A_735, %mul3A_763 : vector<16xf32>
      %add3A_766 = arith.addf %add3A_736, %mul3A_764 : vector<16xf32>
      %mul3A_767 = arith.mulf %mul3A_763, %mul3A_763 : vector<16xf32>
      %mul3A_768 = arith.mulf %mul3A_764, %mul3A_764 : vector<16xf32>
      %add3A_769 = arith.addf %mul3A_767, %mul3A_768 : vector<16xf32>
      %add3A_770 = arith.addf %add3A_740, %add3A_769 : vector<16xf32>
      %add3A_771 = arith.constant 20 : i32
      %add3A_772 = arith.addi %mul3A_167, %add3A_771 : i32
      %get3A_773 = arith.index_cast %add3A_772 : i32 to index
      %get3A_774 = arith.constant 0 : index
      %get3A_775 = tpu.vector_load %arg9[%get3A_773, %get3A_774] {strides = array<i32>} : memref<3328x32xf32, #tpu.memory_space<vmem>>, vector<16xf32>,
      %add3A_776 = arith.constant 20 : i32
      %add3A_777 = arith.addi %mul3A_167, %add3A_776 : i32
      %get3A_778 = arith.index_cast %add3A_777 : i32 to index
      %get3A_779 = arith.constant 16 : index
      %get3A_780 = tpu.vector_load %arg9[%get3A_778, %get3A_779] {strides = array<i32>} : memref<3328x32xf32, #tpu.memory_space<vmem>>, vector<16xf32>,
      %broadcast_in_dim3A_781 = arith.constant 4 : i32
      %broadcast_in_dim3A_782 = vector.broadcast %broadcast_in_dim3A_781 : i32 to vector<16xi32>
      %lt3A_783 = arith.constant 0 : i32
      %lt3A_784 = vector.broadcast %lt3A_783 : i32 to vector<16xi32>
      %lt3A_785 = arith.cmpi slt, %broadcast_in_dim3A_782, %lt3A_784 : vector<16xi32>
      %add3A_786 = arith.constant 16 : i32
      %add3A_787 = vector.broadcast %add3A_786 : i32 to vector<16xi32>
      %add3A_788 = arith.addi %broadcast_in_dim3A_782, %add3A_787 : vector<16xi32>
      %select_n3A_789 = arith.select %lt3A_785, %add3A_788, %broadcast_in_dim3A_782 : vector<16xi1>, vector<16xi32>
      %broadcast_in_dim3A_790 = vector.shape_cast %select_n3A_789 : vector<16xi32> to vector<16x1xi32>
      %gather3A_791 = vector.shape_cast %broadcast_in_dim3A_790 : vector<16x1xi32> to vector<16xi32>
      %gather3A_792 = tpu.dynamic_gather %get3A_159[%gather3A_791] in [0] : vector<16xf32>, vector<16xi32> -> vector<16xf32>
      %mul3A_793 = arith.mulf %get3A_775, %gather3A_792 : vector<16xf32>
      %mul3A_794 = arith.mulf %get3A_780, %gather3A_792 : vector<16xf32>
      %add3A_795 = arith.addf %add3A_765, %mul3A_793 : vector<16xf32>
      %add3A_796 = arith.addf %add3A_766, %mul3A_794 : vector<16xf32>
      %mul3A_797 = arith.mulf %mul3A_793, %mul3A_793 : vector<16xf32>
      %mul3A_798 = arith.mulf %mul3A_794, %mul3A_794 : vector<16xf32>
      %add3A_799 = arith.addf %mul3A_797, %mul3A_798 : vector<16xf32>
      %add3A_800 = arith.addf %add3A_770, %add3A_799 : vector<16xf32>
      %add3A_801 = arith.constant 21 : i32
      %add3A_802 = arith.addi %mul3A_167, %add3A_801 : i32
      %get3A_803 = arith.index_cast %add3A_802 : i32 to index
      %get3A_804 = arith.constant 0 : index
      %get3A_805 = tpu.vector_load %arg9[%get3A_803, %get3A_804] {strides = array<i32>} : memref<3328x32xf32, #tpu.memory_space<vmem>>, vector<16xf32>,
      %add3A_806 = arith.constant 21 : i32
      %add3A_807 = arith.addi %mul3A_167, %add3A_806 : i32
      %get3A_808 = arith.index_cast %add3A_807 : i32 to index
      %get3A_809 = arith.constant 16 : index
      %get3A_810 = tpu.vector_load %arg9[%get3A_808, %get3A_809] {strides = array<i32>} : memref<3328x32xf32, #tpu.memory_space<vmem>>, vector<16xf32>,
      %broadcast_in_dim3A_811 = arith.constant 5 : i32
      %broadcast_in_dim3A_812 = vector.broadcast %broadcast_in_dim3A_811 : i32 to vector<16xi32>
      %lt3A_813 = arith.constant 0 : i32
      %lt3A_814 = vector.broadcast %lt3A_813 : i32 to vector<16xi32>
      %lt3A_815 = arith.cmpi slt, %broadcast_in_dim3A_812, %lt3A_814 : vector<16xi32>
      %add3A_816 = arith.constant 16 : i32
      %add3A_817 = vector.broadcast %add3A_816 : i32 to vector<16xi32>
      %add3A_818 = arith.addi %broadcast_in_dim3A_812, %add3A_817 : vector<16xi32>
      %select_n3A_819 = arith.select %lt3A_815, %add3A_818, %broadcast_in_dim3A_812 : vector<16xi1>, vector<16xi32>
      %broadcast_in_dim3A_820 = vector.shape_cast %select_n3A_819 : vector<16xi32> to vector<16x1xi32>
      %gather3A_821 = vector.shape_cast %broadcast_in_dim3A_820 : vector<16x1xi32> to vector<16xi32>
      %gather3A_822 = tpu.dynamic_gather %get3A_159[%gather3A_821] in [0] : vector<16xf32>, vector<16xi32> -> vector<16xf32>
      %mul3A_823 = arith.mulf %get3A_805, %gather3A_822 : vector<16xf32>
      %mul3A_824 = arith.mulf %get3A_810, %gather3A_822 : vector<16xf32>
      %add3A_825 = arith.addf %add3A_795, %mul3A_823 : vector<16xf32>
      %add3A_826 = arith.addf %add3A_796, %mul3A_824 : vector<16xf32>
      %mul3A_827 = arith.mulf %mul3A_823, %mul3A_823 : vector<16xf32>
      %mul3A_828 = arith.mulf %mul3A_824, %mul3A_824 : vector<16xf32>
      %add3A_829 = arith.addf %mul3A_827, %mul3A_828 : vector<16xf32>
      %add3A_830 = arith.addf %add3A_800, %add3A_829 : vector<16xf32>
      %add3A_831 = arith.constant 22 : i32
      %add3A_832 = arith.addi %mul3A_167, %add3A_831 : i32
      %get3A_833 = arith.index_cast %add3A_832 : i32 to index
      %get3A_834 = arith.constant 0 : index
      %get3A_835 = tpu.vector_load %arg9[%get3A_833, %get3A_834] {strides = array<i32>} : memref<3328x32xf32, #tpu.memory_space<vmem>>, vector<16xf32>,
      %add3A_836 = arith.constant 22 : i32
      %add3A_837 = arith.addi %mul3A_167, %add3A_836 : i32
      %get3A_838 = arith.index_cast %add3A_837 : i32 to index
      %get3A_839 = arith.constant 16 : index
      %get3A_840 = tpu.vector_load %arg9[%get3A_838, %get3A_839] {strides = array<i32>} : memref<3328x32xf32, #tpu.memory_space<vmem>>, vector<16xf32>,
      %broadcast_in_dim3A_841 = arith.constant 6 : i32
      %broadcast_in_dim3A_842 = vector.broadcast %broadcast_in_dim3A_841 : i32 to vector<16xi32>
      %lt3A_843 = arith.constant 0 : i32
      %lt3A_844 = vector.broadcast %lt3A_843 : i32 to vector<16xi32>
      %lt3A_845 = arith.cmpi slt, %broadcast_in_dim3A_842, %lt3A_844 : vector<16xi32>
      %add3A_846 = arith.constant 16 : i32
      %add3A_847 = vector.broadcast %add3A_846 : i32 to vector<16xi32>
      %add3A_848 = arith.addi %broadcast_in_dim3A_842, %add3A_847 : vector<16xi32>
      %select_n3A_849 = arith.select %lt3A_845, %add3A_848, %broadcast_in_dim3A_842 : vector<16xi1>, vector<16xi32>
      %broadcast_in_dim3A_850 = vector.shape_cast %select_n3A_849 : vector<16xi32> to vector<16x1xi32>
      %gather3A_851 = vector.shape_cast %broadcast_in_dim3A_850 : vector<16x1xi32> to vector<16xi32>
      %gather3A_852 = tpu.dynamic_gather %get3A_159[%gather3A_851] in [0] : vector<16xf32>, vector<16xi32> -> vector<16xf32>
      %mul3A_853 = arith.mulf %get3A_835, %gather3A_852 : vector<16xf32>
      %mul3A_854 = arith.mulf %get3A_840, %gather3A_852 : vector<16xf32>
      %add3A_855 = arith.addf %add3A_825, %mul3A_853 : vector<16xf32>
      %add3A_856 = arith.addf %add3A_826, %mul3A_854 : vector<16xf32>
      %mul3A_857 = arith.mulf %mul3A_853, %mul3A_853 : vector<16xf32>
      %mul3A_858 = arith.mulf %mul3A_854, %mul3A_854 : vector<16xf32>
      %add3A_859 = arith.addf %mul3A_857, %mul3A_858 : vector<16xf32>
      %add3A_860 = arith.addf %add3A_830, %add3A_859 : vector<16xf32>
      %add3A_861 = arith.constant 23 : i32
      %add3A_862 = arith.addi %mul3A_167, %add3A_861 : i32
      %get3A_863 = arith.index_cast %add3A_862 : i32 to index
      %get3A_864 = arith.constant 0 : index
      %get3A_865 = tpu.vector_load %arg9[%get3A_863, %get3A_864] {strides = array<i32>} : memref<3328x32xf32, #tpu.memory_space<vmem>>, vector<16xf32>,
      %add3A_866 = arith.constant 23 : i32
      %add3A_867 = arith.addi %mul3A_167, %add3A_866 : i32
      %get3A_868 = arith.index_cast %add3A_867 : i32 to index
      %get3A_869 = arith.constant 16 : index
      %get3A_870 = tpu.vector_load %arg9[%get3A_868, %get3A_869] {strides = array<i32>} : memref<3328x32xf32, #tpu.memory_space<vmem>>, vector<16xf32>,
      %broadcast_in_dim3A_871 = arith.constant 7 : i32
      %broadcast_in_dim3A_872 = vector.broadcast %broadcast_in_dim3A_871 : i32 to vector<16xi32>
      %lt3A_873 = arith.constant 0 : i32
      %lt3A_874 = vector.broadcast %lt3A_873 : i32 to vector<16xi32>
      %lt3A_875 = arith.cmpi slt, %broadcast_in_dim3A_872, %lt3A_874 : vector<16xi32>
      %add3A_876 = arith.constant 16 : i32
      %add3A_877 = vector.broadcast %add3A_876 : i32 to vector<16xi32>
      %add3A_878 = arith.addi %broadcast_in_dim3A_872, %add3A_877 : vector<16xi32>
      %select_n3A_879 = arith.select %lt3A_875, %add3A_878, %broadcast_in_dim3A_872 : vector<16xi1>, vector<16xi32>
      %broadcast_in_dim3A_880 = vector.shape_cast %select_n3A_879 : vector<16xi32> to vector<16x1xi32>
      %gather3A_881 = vector.shape_cast %broadcast_in_dim3A_880 : vector<16x1xi32> to vector<16xi32>
      %gather3A_882 = tpu.dynamic_gather %get3A_159[%gather3A_881] in [0] : vector<16xf32>, vector<16xi32> -> vector<16xf32>
      %mul3A_883 = arith.mulf %get3A_865, %gather3A_882 : vector<16xf32>
      %mul3A_884 = arith.mulf %get3A_870, %gather3A_882 : vector<16xf32>
      %add3A_885 = arith.addf %add3A_855, %mul3A_883 : vector<16xf32>
      %add3A_886 = arith.addf %add3A_856, %mul3A_884 : vector<16xf32>
      %mul3A_887 = arith.mulf %mul3A_883, %mul3A_883 : vector<16xf32>
      %mul3A_888 = arith.mulf %mul3A_884, %mul3A_884 : vector<16xf32>
      %add3A_889 = arith.addf %mul3A_887, %mul3A_888 : vector<16xf32>
      %add3A_890 = arith.addf %add3A_860, %add3A_889 : vector<16xf32>
      %add3A_891 = arith.constant 24 : i32
      %add3A_892 = arith.addi %mul3A_167, %add3A_891 : i32
      %get3A_893 = arith.index_cast %add3A_892 : i32 to index
      %get3A_894 = arith.constant 0 : index
      %get3A_895 = tpu.vector_load %arg9[%get3A_893, %get3A_894] {strides = array<i32>} : memref<3328x32xf32, #tpu.memory_space<vmem>>, vector<16xf32>,
      %add3A_896 = arith.constant 24 : i32
      %add3A_897 = arith.addi %mul3A_167, %add3A_896 : i32
      %get3A_898 = arith.index_cast %add3A_897 : i32 to index
      %get3A_899 = arith.constant 16 : index
      %get3A_900 = tpu.vector_load %arg9[%get3A_898, %get3A_899] {strides = array<i32>} : memref<3328x32xf32, #tpu.memory_space<vmem>>, vector<16xf32>,
      %broadcast_in_dim3A_901 = arith.constant 8 : i32
      %broadcast_in_dim3A_902 = vector.broadcast %broadcast_in_dim3A_901 : i32 to vector<16xi32>
      %lt3A_903 = arith.constant 0 : i32
      %lt3A_904 = vector.broadcast %lt3A_903 : i32 to vector<16xi32>
      %lt3A_905 = arith.cmpi slt, %broadcast_in_dim3A_902, %lt3A_904 : vector<16xi32>
      %add3A_906 = arith.constant 16 : i32
      %add3A_907 = vector.broadcast %add3A_906 : i32 to vector<16xi32>
      %add3A_908 = arith.addi %broadcast_in_dim3A_902, %add3A_907 : vector<16xi32>
      %select_n3A_909 = arith.select %lt3A_905, %add3A_908, %broadcast_in_dim3A_902 : vector<16xi1>, vector<16xi32>
      %broadcast_in_dim3A_910 = vector.shape_cast %select_n3A_909 : vector<16xi32> to vector<16x1xi32>
      %gather3A_911 = vector.shape_cast %broadcast_in_dim3A_910 : vector<16x1xi32> to vector<16xi32>
      %gather3A_912 = tpu.dynamic_gather %get3A_159[%gather3A_911] in [0] : vector<16xf32>, vector<16xi32> -> vector<16xf32>
      %mul3A_913 = arith.mulf %get3A_895, %gather3A_912 : vector<16xf32>
      %mul3A_914 = arith.mulf %get3A_900, %gather3A_912 : vector<16xf32>
      %add3A_915 = arith.addf %add3A_885, %mul3A_913 : vector<16xf32>
      %add3A_916 = arith.addf %add3A_886, %mul3A_914 : vector<16xf32>
      %mul3A_917 = arith.mulf %mul3A_913, %mul3A_913 : vector<16xf32>
      %mul3A_918 = arith.mulf %mul3A_914, %mul3A_914 : vector<16xf32>
      %add3A_919 = arith.addf %mul3A_917, %mul3A_918 : vector<16xf32>
      %add3A_920 = arith.addf %add3A_890, %add3A_919 : vector<16xf32>
      %add3A_921 = arith.constant 25 : i32
      %add3A_922 = arith.addi %mul3A_167, %add3A_921 : i32
      %get3A_923 = arith.index_cast %add3A_922 : i32 to index
      %get3A_924 = arith.constant 0 : index
      %get3A_925 = tpu.vector_load %arg9[%get3A_923, %get3A_924] {strides = array<i32>} : memref<3328x32xf32, #tpu.memory_space<vmem>>, vector<16xf32>,
      %add3A_926 = arith.constant 25 : i32
      %add3A_927 = arith.addi %mul3A_167, %add3A_926 : i32
      %get3A_928 = arith.index_cast %add3A_927 : i32 to index
      %get3A_929 = arith.constant 16 : index
      %get3A_930 = tpu.vector_load %arg9[%get3A_928, %get3A_929] {strides = array<i32>} : memref<3328x32xf32, #tpu.memory_space<vmem>>, vector<16xf32>,
      %broadcast_in_dim3A_931 = arith.constant 9 : i32
      %broadcast_in_dim3A_932 = vector.broadcast %broadcast_in_dim3A_931 : i32 to vector<16xi32>
      %lt3A_933 = arith.constant 0 : i32
      %lt3A_934 = vector.broadcast %lt3A_933 : i32 to vector<16xi32>
      %lt3A_935 = arith.cmpi slt, %broadcast_in_dim3A_932, %lt3A_934 : vector<16xi32>
      %add3A_936 = arith.constant 16 : i32
      %add3A_937 = vector.broadcast %add3A_936 : i32 to vector<16xi32>
      %add3A_938 = arith.addi %broadcast_in_dim3A_932, %add3A_937 : vector<16xi32>
      %select_n3A_939 = arith.select %lt3A_935, %add3A_938, %broadcast_in_dim3A_932 : vector<16xi1>, vector<16xi32>
      %broadcast_in_dim3A_940 = vector.shape_cast %select_n3A_939 : vector<16xi32> to vector<16x1xi32>
      %gather3A_941 = vector.shape_cast %broadcast_in_dim3A_940 : vector<16x1xi32> to vector<16xi32>
      %gather3A_942 = tpu.dynamic_gather %get3A_159[%gather3A_941] in [0] : vector<16xf32>, vector<16xi32> -> vector<16xf32>
      %mul3A_943 = arith.mulf %get3A_925, %gather3A_942 : vector<16xf32>
      %mul3A_944 = arith.mulf %get3A_930, %gather3A_942 : vector<16xf32>
      %add3A_945 = arith.addf %add3A_915, %mul3A_943 : vector<16xf32>
      %add3A_946 = arith.addf %add3A_916, %mul3A_944 : vector<16xf32>
      %mul3A_947 = arith.mulf %mul3A_943, %mul3A_943 : vector<16xf32>
      %mul3A_948 = arith.mulf %mul3A_944, %mul3A_944 : vector<16xf32>
      %add3A_949 = arith.addf %mul3A_947, %mul3A_948 : vector<16xf32>
      %add3A_950 = arith.addf %add3A_920, %add3A_949 : vector<16xf32>
      %mul3A_951 = arith.mulf %add3A_945, %add3A_945 : vector<16xf32>
      %mul3A_952 = arith.mulf %add3A_946, %add3A_946 : vector<16xf32>
      %add3A_953 = arith.addf %mul3A_951, %mul3A_952 : vector<16xf32>
      %mul3A_954 = arith.mulf %get3A_161, %get3A_155 : vector<16xf32>
      %mul3A_955 = arith.mulf %get3A_165, %get3A_159 : vector<16xf32>
      %add3A_956 = arith.addf %mul3A_954, %mul3A_955 : vector<16xf32>
      %sub3A = arith.subf %add3A_953, %add3A_950 : vector<16xf32>
      %mul3A_957 = arith.constant 5.000000e-01 : f32
      %mul3A_958 = vector.broadcast %mul3A_957 : f32 to vector<16xf32>
      %mul3A_959 = arith.mulf %mul3A_958, %sub3A : vector<16xf32>
      %add3A_960 = arith.addf %add3A_956, %mul3A_959 : vector<16xf32>
      %lt3A_961 = arith.constant 0 : i32
      %lt3A_962 = vector.broadcast %lt3A_961 : i32 to vector<16xi32>
      %lt3A_963 = arith.cmpi slt, %xor3A_15, %lt3A_962 : vector<16xi32>
      %add3A_964 = arith.constant 16 : i32
      %add3A_965 = vector.broadcast %add3A_964 : i32 to vector<16xi32>
      %add3A_966 = arith.addi %xor3A_15, %add3A_965 : vector<16xi32>
      %select_n3A_967 = arith.select %lt3A_963, %add3A_966, %xor3A_15 : vector<16xi1>, vector<16xi32>
      %broadcast_in_dim3A_968 = vector.shape_cast %select_n3A_967 : vector<16xi32> to vector<16x1xi32>
      %gather3A_969 = vector.shape_cast %broadcast_in_dim3A_968 : vector<16x1xi32> to vector<16xi32>
      %gather3A_970 = tpu.dynamic_gather %add3A_960[%gather3A_969] in [0] : vector<16xf32>, vector<16xi32> -> vector<16xf32>
      %add3A_971 = arith.addf %add3A_960, %gather3A_970 : vector<16xf32>
      %lt3A_972 = arith.constant 0 : i32
      %lt3A_973 = vector.broadcast %lt3A_972 : i32 to vector<16xi32>
      %lt3A_974 = arith.cmpi slt, %xor3A_18, %lt3A_973 : vector<16xi32>
      %add3A_975 = arith.constant 16 : i32
      %add3A_976 = vector.broadcast %add3A_975 : i32 to vector<16xi32>
      %add3A_977 = arith.addi %xor3A_18, %add3A_976 : vector<16xi32>
      %select_n3A_978 = arith.select %lt3A_974, %add3A_977, %xor3A_18 : vector<16xi1>, vector<16xi32>
      %broadcast_in_dim3A_979 = vector.shape_cast %select_n3A_978 : vector<16xi32> to vector<16x1xi32>
      %gather3A_980 = vector.shape_cast %broadcast_in_dim3A_979 : vector<16x1xi32> to vector<16xi32>
      %gather3A_981 = tpu.dynamic_gather %add3A_971[%gather3A_980] in [0] : vector<16xf32>, vector<16xi32> -> vector<16xf32>
      %add3A_982 = arith.addf %add3A_971, %gather3A_981 : vector<16xf32>
      %lt3A_983 = arith.constant 0 : i32
      %lt3A_984 = vector.broadcast %lt3A_983 : i32 to vector<16xi32>
      %lt3A_985 = arith.cmpi slt, %xor3A_21, %lt3A_984 : vector<16xi32>
      %add3A_986 = arith.constant 16 : i32
      %add3A_987 = vector.broadcast %add3A_986 : i32 to vector<16xi32>
      %add3A_988 = arith.addi %xor3A_21, %add3A_987 : vector<16xi32>
      %select_n3A_989 = arith.select %lt3A_985, %add3A_988, %xor3A_21 : vector<16xi1>, vector<16xi32>
      %broadcast_in_dim3A_990 = vector.shape_cast %select_n3A_989 : vector<16xi32> to vector<16x1xi32>
      %gather3A_991 = vector.shape_cast %broadcast_in_dim3A_990 : vector<16x1xi32> to vector<16xi32>
      %gather3A_992 = tpu.dynamic_gather %add3A_982[%gather3A_991] in [0] : vector<16xf32>, vector<16xi32> -> vector<16xf32>
      %add3A_993 = arith.addf %add3A_982, %gather3A_992 : vector<16xf32>
      %lt3A_994 = arith.constant 0 : i32
      %lt3A_995 = vector.broadcast %lt3A_994 : i32 to vector<16xi32>
      %lt3A_996 = arith.cmpi slt, %xor3A_24, %lt3A_995 : vector<16xi32>
      %add3A_997 = arith.constant 16 : i32
      %add3A_998 = vector.broadcast %add3A_997 : i32 to vector<16xi32>
      %add3A_999 = arith.addi %xor3A_24, %add3A_998 : vector<16xi32>
      %select_n3A_1000 = arith.select %lt3A_996, %add3A_999, %xor3A_24 : vector<16xi1>, vector<16xi32>
      %broadcast_in_dim3A_1001 = vector.shape_cast %select_n3A_1000 : vector<16xi32> to vector<16x1xi32>
      %gather3A_1002 = vector.shape_cast %broadcast_in_dim3A_1001 : vector<16x1xi32> to vector<16xi32>
      %gather3A_1003 = tpu.dynamic_gather %add3A_993[%gather3A_1002] in [0] : vector<16xf32>, vector<16xi32> -> vector<16xf32>
      %add3A_1004 = arith.addf %add3A_993, %gather3A_1003 : vector<16xf32>
      %jit3A = arith.constant 16 : i32
      %eq3A = arith.constant 0 : i32
      %eq3A_1005 = arith.cmpi eq, %jit3A, %eq3A : i32
      %jit3A_1006 = arith.constant 1 : i32
      %select_n3A_1007 = arith.select %eq3A_1005, %jit3A_1006, %jit3A : i32
      %rem3A = arith.remsi %scan3A_149, %select_n3A_1007 : i32
      %ne3A = arith.constant 0 : i32
      %ne3A_1008 = arith.cmpi ne, %rem3A, %ne3A : i32
      %lt3A_1009 = arith.constant 0 : i32
      %lt3A_1010 = arith.cmpi slt, %rem3A, %lt3A_1009 : i32
      %lt3A_1011 = arith.constant 0 : i32
      %lt3A_1012 = arith.cmpi slt, %select_n3A_1007, %lt3A_1011 : i32
      %ne3A_1013 = arith.xori %lt3A_1010, %lt3A_1012 : i1
      %and3A = arith.andi %ne3A_1013, %ne3A_1008 : i1
      %add3A_1014 = arith.addi %rem3A, %select_n3A_1007 : i32
      %select_n3A_1015 = arith.select %and3A, %add3A_1014, %rem3A : i32
      %eq3A_1016 = vector.broadcast %select_n3A_1015 : i32 to vector<16xi32>
      %eq3A_1017 = arith.cmpi eq, %iota3A, %eq3A_1016 : vector<16xi32>
      %select_n3A_1018 = arith.select %eq3A_1017, %add3A_1004, %scan3A_150 : vector<16xi1>, vector<16xf32>
      %jit3A_1019 = arith.constant 16 : i32
      %eq3A_1020 = arith.constant 0 : i32
      %eq3A_1021 = arith.cmpi eq, %jit3A_1019, %eq3A_1020 : i32
      %jit3A_1022 = arith.constant 1 : i32
      %select_n3A_1023 = arith.select %eq3A_1021, %jit3A_1022, %jit3A_1019 : i32
      %rem3A_1024 = arith.remsi %scan3A_149, %select_n3A_1023 : i32
      %ne3A_1025 = arith.constant 0 : i32
      %ne3A_1026 = arith.cmpi ne, %rem3A_1024, %ne3A_1025 : i32
      %lt3A_1027 = arith.constant 0 : i32
      %lt3A_1028 = arith.cmpi slt, %rem3A_1024, %lt3A_1027 : i32
      %lt3A_1029 = arith.constant 0 : i32
      %lt3A_1030 = arith.cmpi slt, %select_n3A_1023, %lt3A_1029 : i32
      %ne3A_1031 = arith.xori %lt3A_1028, %lt3A_1030 : i1
      %and3A_1032 = arith.andi %ne3A_1031, %ne3A_1026 : i1
      %add3A_1033 = arith.addi %rem3A_1024, %select_n3A_1023 : i32
      %select_n3A_1034 = arith.select %and3A_1032, %add3A_1033, %rem3A_1024 : i32
      %eq3A_1035 = arith.constant 15 : i32
      %eq3A_1036 = arith.cmpi eq, %select_n3A_1034, %eq3A_1035 : i32
      %convert_element_type3A = arith.extui %eq3A_1036 : i1 to i32
      %cond3A = arith.constant 0 : i32
      %cond3A_1037 = arith.cmpi ne, %convert_element_type3A, %cond3A : i32
      scf.if %cond3A_1037 {
        %jit3A_1038 = arith.constant 16 : i32
        %div3A_1039 = arith.divsi %scan3A_149, %jit3A_1038 : i32
        %sign3A = arith.constant 0 : i32
        %sign3A_1040 = arith.cmpi sgt, %scan3A_149, %sign3A : i32
        %sign3A_1041 = arith.extui %sign3A_1040 : i1 to i32
        %sign3A_1042 = arith.constant 0 : i32
        %sign3A_1043 = arith.cmpi slt, %scan3A_149, %sign3A_1042 : i32
        %sign3A_1044 = arith.extui %sign3A_1043 : i1 to i32
        %sign3A_1045 = arith.subi %sign3A_1041, %sign3A_1044 : i32
        %sign3A_1046 = arith.constant 0 : i32
        %sign3A_1047 = arith.cmpi sgt, %jit3A_1038, %sign3A_1046 : i32
        %sign3A_1048 = arith.extui %sign3A_1047 : i1 to i32
        %sign3A_1049 = arith.constant 0 : i32
        %sign3A_1050 = arith.cmpi slt, %jit3A_1038, %sign3A_1049 : i32
        %sign3A_1051 = arith.extui %sign3A_1050 : i1 to i32
        %sign3A_1052 = arith.subi %sign3A_1048, %sign3A_1051 : i32
        %ne3A_1053 = arith.cmpi ne, %sign3A_1045, %sign3A_1052 : i32
        %rem3A_1054 = arith.remsi %scan3A_149, %jit3A_1038 : i32
        %ne3A_1055 = arith.constant 0 : i32
        %ne3A_1056 = arith.cmpi ne, %rem3A_1054, %ne3A_1055 : i32
        %and3A_1057 = arith.andi %ne3A_1053, %ne3A_1056 : i1
        %sub3A_1058 = arith.constant 1 : i32
        %sub3A_1059 = arith.subi %div3A_1039, %sub3A_1058 : i32
        %select_n3A_1060 = arith.select %and3A_1057, %sub3A_1059, %div3A_1039 : i32
        %mul3A_1061 = arith.constant 16 : i32
        %mul3A_1062 = arith.muli %select_n3A_1060, %mul3A_1061 : i32
        %multiple_of3A_1063 = tpu.assume_multiple %mul3A_1062, 16 : i32
        %swap3A_1064 = arith.index_cast %multiple_of3A_1063 : i32 to index
        %swap3A_1065 = tpu.vector_load %arg13[%swap3A_1064] {strides = array<i32>} : memref<128xf32, #tpu.memory_space<vmem>>, vector<16xf32>,
        tpu.vector_store %arg13[%swap3A_1064], %select_n3A_1018 {strides = array<i32>} : memref<128xf32, #tpu.memory_space<vmem>>, vector<16xf32>,
      } else {
      }
      scf.yield %select_n3A_1018 : vector<16xf32>
    }
    %scan3A_31 = arith.constant 128 : i32
    %get3A = arith.constant 0 : index
    %get3A_32 = tpu.vector_load %arg12[%get3A] {strides = array<i32>} : memref<16xf32, #tpu.memory_space<vmem>>, vector<16xf32>,
    %get3A_33 = arith.constant 0 : index
    %get3A_34 = tpu.vector_load %arg13[%get3A_33] {strides = array<i32>} : memref<128xf32, #tpu.memory_space<vmem>>, vector<16xf32>,
    %add3A_35 = arith.addf %get3A_34, %get3A_32 : vector<16xf32>
    %neg3A = arith.constant 0.000000e+00 : f32
    %neg3A_36 = vector.broadcast %neg3A : f32 to vector<16xf32>
    %neg3A_37 = arith.subf %neg3A_36, %add3A_35 : vector<16xf32>
    %exp3A = math.exp %neg3A_37 : vector<16xf32>
    %add3A_38 = arith.constant 1.000000e+00 : f32
    %add3A_39 = vector.broadcast %add3A_38 : f32 to vector<16xf32>
    %add3A_40 = arith.addf %add3A_39, %exp3A : vector<16xf32>
    %div3A = arith.constant 1.000000e+00 : f32
    %div3A_41 = vector.broadcast %div3A : f32 to vector<16xf32>
    %div3A_42 = arith.divf %div3A_41, %add3A_40 : vector<16xf32>
    %swap3A = arith.constant 0 : index
    %swap3A_43 = tpu.vector_load %arg13[%swap3A] {strides = array<i32>} : memref<128xf32, #tpu.memory_space<vmem>>, vector<16xf32>,
    tpu.vector_store %arg13[%swap3A], %div3A_42 {strides = array<i32>} : memref<128xf32, #tpu.memory_space<vmem>>, vector<16xf32>,
    %get3A_44 = arith.constant 16 : index
    %get3A_45 = tpu.vector_load %arg13[%get3A_44] {strides = array<i32>} : memref<128xf32, #tpu.memory_space<vmem>>, vector<16xf32>,
    %add3A_46 = arith.addf %get3A_45, %get3A_32 : vector<16xf32>
    %neg3A_47 = arith.constant 0.000000e+00 : f32
    %neg3A_48 = vector.broadcast %neg3A_47 : f32 to vector<16xf32>
    %neg3A_49 = arith.subf %neg3A_48, %add3A_46 : vector<16xf32>
    %exp3A_50 = math.exp %neg3A_49 : vector<16xf32>
    %add3A_51 = arith.constant 1.000000e+00 : f32
    %add3A_52 = vector.broadcast %add3A_51 : f32 to vector<16xf32>
    %add3A_53 = arith.addf %add3A_52, %exp3A_50 : vector<16xf32>
    %div3A_54 = arith.constant 1.000000e+00 : f32
    %div3A_55 = vector.broadcast %div3A_54 : f32 to vector<16xf32>
    %div3A_56 = arith.divf %div3A_55, %add3A_53 : vector<16xf32>
    %swap3A_57 = arith.constant 16 : index
    %swap3A_58 = tpu.vector_load %arg13[%swap3A_57] {strides = array<i32>} : memref<128xf32, #tpu.memory_space<vmem>>, vector<16xf32>,
    tpu.vector_store %arg13[%swap3A_57], %div3A_56 {strides = array<i32>} : memref<128xf32, #tpu.memory_space<vmem>>, vector<16xf32>,
    %get3A_59 = arith.constant 32 : index
    %get3A_60 = tpu.vector_load %arg13[%get3A_59] {strides = array<i32>} : memref<128xf32, #tpu.memory_space<vmem>>, vector<16xf32>,
    %add3A_61 = arith.addf %get3A_60, %get3A_32 : vector<16xf32>
    %neg3A_62 = arith.constant 0.000000e+00 : f32
    %neg3A_63 = vector.broadcast %neg3A_62 : f32 to vector<16xf32>
    %neg3A_64 = arith.subf %neg3A_63, %add3A_61 : vector<16xf32>
    %exp3A_65 = math.exp %neg3A_64 : vector<16xf32>
    %add3A_66 = arith.constant 1.000000e+00 : f32
    %add3A_67 = vector.broadcast %add3A_66 : f32 to vector<16xf32>
    %add3A_68 = arith.addf %add3A_67, %exp3A_65 : vector<16xf32>
    %div3A_69 = arith.constant 1.000000e+00 : f32
    %div3A_70 = vector.broadcast %div3A_69 : f32 to vector<16xf32>
    %div3A_71 = arith.divf %div3A_70, %add3A_68 : vector<16xf32>
    %swap3A_72 = arith.constant 32 : index
    %swap3A_73 = tpu.vector_load %arg13[%swap3A_72] {strides = array<i32>} : memref<128xf32, #tpu.memory_space<vmem>>, vector<16xf32>,
    tpu.vector_store %arg13[%swap3A_72], %div3A_71 {strides = array<i32>} : memref<128xf32, #tpu.memory_space<vmem>>, vector<16xf32>,
    %get3A_74 = arith.constant 48 : index
    %get3A_75 = tpu.vector_load %arg13[%get3A_74] {strides = array<i32>} : memref<128xf32, #tpu.memory_space<vmem>>, vector<16xf32>,
    %add3A_76 = arith.addf %get3A_75, %get3A_32 : vector<16xf32>
    %neg3A_77 = arith.constant 0.000000e+00 : f32
    %neg3A_78 = vector.broadcast %neg3A_77 : f32 to vector<16xf32>
    %neg3A_79 = arith.subf %neg3A_78, %add3A_76 : vector<16xf32>
    %exp3A_80 = math.exp %neg3A_79 : vector<16xf32>
    %add3A_81 = arith.constant 1.000000e+00 : f32
    %add3A_82 = vector.broadcast %add3A_81 : f32 to vector<16xf32>
    %add3A_83 = arith.addf %add3A_82, %exp3A_80 : vector<16xf32>
    %div3A_84 = arith.constant 1.000000e+00 : f32
    %div3A_85 = vector.broadcast %div3A_84 : f32 to vector<16xf32>
    %div3A_86 = arith.divf %div3A_85, %add3A_83 : vector<16xf32>
    %swap3A_87 = arith.constant 48 : index
    %swap3A_88 = tpu.vector_load %arg13[%swap3A_87] {strides = array<i32>} : memref<128xf32, #tpu.memory_space<vmem>>, vector<16xf32>,
    tpu.vector_store %arg13[%swap3A_87], %div3A_86 {strides = array<i32>} : memref<128xf32, #tpu.memory_space<vmem>>, vector<16xf32>,
    %get3A_89 = arith.constant 64 : index
    %get3A_90 = tpu.vector_load %arg13[%get3A_89] {strides = array<i32>} : memref<128xf32, #tpu.memory_space<vmem>>, vector<16xf32>,
    %add3A_91 = arith.addf %get3A_90, %get3A_32 : vector<16xf32>
    %neg3A_92 = arith.constant 0.000000e+00 : f32
    %neg3A_93 = vector.broadcast %neg3A_92 : f32 to vector<16xf32>
    %neg3A_94 = arith.subf %neg3A_93, %add3A_91 : vector<16xf32>
    %exp3A_95 = math.exp %neg3A_94 : vector<16xf32>
    %add3A_96 = arith.constant 1.000000e+00 : f32
    %add3A_97 = vector.broadcast %add3A_96 : f32 to vector<16xf32>
    %add3A_98 = arith.addf %add3A_97, %exp3A_95 : vector<16xf32>
    %div3A_99 = arith.constant 1.000000e+00 : f32
    %div3A_100 = vector.broadcast %div3A_99 : f32 to vector<16xf32>
    %div3A_101 = arith.divf %div3A_100, %add3A_98 : vector<16xf32>
    %swap3A_102 = arith.constant 64 : index
    %swap3A_103 = tpu.vector_load %arg13[%swap3A_102] {strides = array<i32>} : memref<128xf32, #tpu.memory_space<vmem>>, vector<16xf32>,
    tpu.vector_store %arg13[%swap3A_102], %div3A_101 {strides = array<i32>} : memref<128xf32, #tpu.memory_space<vmem>>, vector<16xf32>,
    %get3A_104 = arith.constant 80 : index
    %get3A_105 = tpu.vector_load %arg13[%get3A_104] {strides = array<i32>} : memref<128xf32, #tpu.memory_space<vmem>>, vector<16xf32>,
    %add3A_106 = arith.addf %get3A_105, %get3A_32 : vector<16xf32>
    %neg3A_107 = arith.constant 0.000000e+00 : f32
    %neg3A_108 = vector.broadcast %neg3A_107 : f32 to vector<16xf32>
    %neg3A_109 = arith.subf %neg3A_108, %add3A_106 : vector<16xf32>
    %exp3A_110 = math.exp %neg3A_109 : vector<16xf32>
    %add3A_111 = arith.constant 1.000000e+00 : f32
    %add3A_112 = vector.broadcast %add3A_111 : f32 to vector<16xf32>
    %add3A_113 = arith.addf %add3A_112, %exp3A_110 : vector<16xf32>
    %div3A_114 = arith.constant 1.000000e+00 : f32
    %div3A_115 = vector.broadcast %div3A_114 : f32 to vector<16xf32>
    %div3A_116 = arith.divf %div3A_115, %add3A_113 : vector<16xf32>
    %swap3A_117 = arith.constant 80 : index
    %swap3A_118 = tpu.vector_load %arg13[%swap3A_117] {strides = array<i32>} : memref<128xf32, #tpu.memory_space<vmem>>, vector<16xf32>,
    tpu.vector_store %arg13[%swap3A_117], %div3A_116 {strides = array<i32>} : memref<128xf32, #tpu.memory_space<vmem>>, vector<16xf32>,
    %get3A_119 = arith.constant 96 : index
    %get3A_120 = tpu.vector_load %arg13[%get3A_119] {strides = array<i32>} : memref<128xf32, #tpu.memory_space<vmem>>, vector<16xf32>,
    %add3A_121 = arith.addf %get3A_120, %get3A_32 : vector<16xf32>
    %neg3A_122 = arith.constant 0.000000e+00 : f32
    %neg3A_123 = vector.broadcast %neg3A_122 : f32 to vector<16xf32>
    %neg3A_124 = arith.subf %neg3A_123, %add3A_121 : vector<16xf32>
    %exp3A_125 = math.exp %neg3A_124 : vector<16xf32>
    %add3A_126 = arith.constant 1.000000e+00 : f32
    %add3A_127 = vector.broadcast %add3A_126 : f32 to vector<16xf32>
    %add3A_128 = arith.addf %add3A_127, %exp3A_125 : vector<16xf32>
    %div3A_129 = arith.constant 1.000000e+00 : f32
    %div3A_130 = vector.broadcast %div3A_129 : f32 to vector<16xf32>
    %div3A_131 = arith.divf %div3A_130, %add3A_128 : vector<16xf32>
    %swap3A_132 = arith.constant 96 : index
    %swap3A_133 = tpu.vector_load %arg13[%swap3A_132] {strides = array<i32>} : memref<128xf32, #tpu.memory_space<vmem>>, vector<16xf32>,
    tpu.vector_store %arg13[%swap3A_132], %div3A_131 {strides = array<i32>} : memref<128xf32, #tpu.memory_space<vmem>>, vector<16xf32>,
    %get3A_134 = arith.constant 112 : index
    %get3A_135 = tpu.vector_load %arg13[%get3A_134] {strides = array<i32>} : memref<128xf32, #tpu.memory_space<vmem>>, vector<16xf32>,
    %add3A_136 = arith.addf %get3A_135, %get3A_32 : vector<16xf32>
    %neg3A_137 = arith.constant 0.000000e+00 : f32
    %neg3A_138 = vector.broadcast %neg3A_137 : f32 to vector<16xf32>
    %neg3A_139 = arith.subf %neg3A_138, %add3A_136 : vector<16xf32>
    %exp3A_140 = math.exp %neg3A_139 : vector<16xf32>
    %add3A_141 = arith.constant 1.000000e+00 : f32
    %add3A_142 = vector.broadcast %add3A_141 : f32 to vector<16xf32>
    %add3A_143 = arith.addf %add3A_142, %exp3A_140 : vector<16xf32>
    %div3A_144 = arith.constant 1.000000e+00 : f32
    %div3A_145 = vector.broadcast %div3A_144 : f32 to vector<16xf32>
    %div3A_146 = arith.divf %div3A_145, %add3A_143 : vector<16xf32>
    %swap3A_147 = arith.constant 112 : index
    %swap3A_148 = tpu.vector_load %arg13[%swap3A_147] {strides = array<i32>} : memref<128xf32, #tpu.memory_space<vmem>>, vector<16xf32>,
    tpu.vector_store %arg13[%swap3A_147], %div3A_146 {strides = array<i32>} : memref<128xf32, #tpu.memory_space<vmem>>, vector<16xf32>,
    "tpu.region"() ({
      %run_scoped3A = tpu.sem_alloc : memref<!tpu.dma_semaphore, #tpu.memory_space<semaphore_mem>>
      %dma_start3A = tpu.memref_slice %arg7[%multiple_of3A] : memref<4096xf32, #tpu.memory_space<hbm>> -> memref<128xf32, #tpu.memory_space<hbm>>
      %dma_start3A_149 = tpu.memref_slice %arg7[%multiple_of3A] : memref<4096xf32, #tpu.memory_space<hbm>> -> memref<128xf32, #tpu.memory_space<hbm>>
      tpu.enqueue_dma source(%arg13 : memref<128xf32, #tpu.memory_space<vmem>>) target(%dma_start3A_149 : memref<128xf32, #tpu.memory_space<hbm>>) target_semaphore(%run_scoped3A : memref<!tpu.dma_semaphore, #tpu.memory_space<semaphore_mem>>)
      %dma_wait3A_150 = tpu.memref_slice %arg7[%multiple_of3A] : memref<4096xf32, #tpu.memory_space<hbm>> -> memref<128xf32, #tpu.memory_space<hbm>>
      %dma_wait3A_151 = tpu.memref_slice %arg7[%multiple_of3A] : memref<4096xf32, #tpu.memory_space<hbm>> -> memref<128xf32, #tpu.memory_space<hbm>>
      tpu.wait_dma2 semaphore(%run_scoped3A : memref<!tpu.dma_semaphore, #tpu.memory_space<semaphore_mem>>) src(%arg13 : memref<128xf32, #tpu.memory_space<vmem>>) dst(%dma_wait3A_151 : memref<128xf32, #tpu.memory_space<hbm>>)
      tpu.yield
    }) : () -> ()
    return
  }
}

#map = affine_map<(d0, d1) -> (0, 0)>
#map1 = affine_map<(d0, d1) -> (0)>
module attributes {stable_mosaic.version = 14 : i64} {
  func.func @_p1_body(%arg0: i32, %arg1: i32, %arg2: memref<32x1000000xf32, #tpu.memory_space<hbm>>, %arg3: memref<2048xf32, #tpu.memory_space<hbm>>, %arg4: memref<1000000xf32, #tpu.memory_space<hbm>>, %arg5: memref<32x4096xi32, #tpu.memory_space<hbm>>, %arg6: memref<32000000xf32, #tpu.memory_space<hbm>>, %arg7: memref<131072xf32, #tpu.memory_space<hbm>>, %arg8: memref<32x256xf32, #tpu.memory_space<vmem>>, %arg9: memref<32x256xf32, #tpu.memory_space<vmem>>, %arg10: memref<8192xf32, #tpu.memory_space<vmem>>, %arg11: memref<8192xf32, #tpu.memory_space<vmem>>, %arg12: memref<4096xi32, #tpu.memory_space<vmem>>, %arg13: memref<4096xf32, #tpu.memory_space<vmem>>, %arg14: memref<16384xf32, #tpu.memory_space<vmem>>, %arg15: memref<1000000xf32, #tpu.memory_space<vmem_shared>>, %arg16: memref<!tpu.dma_semaphore, #tpu.memory_space<semaphore_mem>>, %arg17: memref<!tpu.dma_semaphore, #tpu.memory_space<semaphore_mem>>, %arg18: memref<!tpu.dma_semaphore, #tpu.memory_space<semaphore_mem>>) attributes {dimension_semantics = [#tpu.dimension_semantics<core_parallel>, #tpu.dimension_semantics<subcore_parallel>], iteration_bounds = array<i64: 2, 16>, scalar_prefetch = 0 : i64, scratch_operands = 11 : i64, tpu.core_type = #tpu.core_type<sc_vector_subcore>, window_params = [{transform_indices = #map}, {transform_indices = #map1}, {transform_indices = #map1}, {transform_indices = #map}, {transform_indices = #map1}, {transform_indices = #map1}]} {
    %mul3A = arith.constant 2 : i32
    %mul3A_0 = arith.muli %arg1, %mul3A : i32
    %add3A = arith.addi %mul3A_0, %arg0 : i32
    %mul3A_1 = arith.constant 122 : i32
    %mul3A_2 = arith.muli %add3A, %mul3A_1 : i32
    %min3A = arith.constant 2 : i32
    %min3A_3 = arith.minsi %add3A, %min3A : i32
    %add3A_4 = arith.addi %mul3A_2, %min3A_3 : i32
    %lt3A = arith.constant 2 : i32
    %lt3A_5 = arith.cmpi slt, %add3A, %lt3A : i32
    %jit3A = arith.constant 123 : i32
    %jit3A_6 = arith.constant 122 : i32
    %select_n3A = arith.select %lt3A_5, %jit3A, %jit3A_6 : i32
    %iota3A = tpu.iota {dimensions = array<i32: 0>} : vector<16xi32>
    %lt3A_7 = arith.constant 15 : i32
    %lt3A_8 = arith.cmpi slt, %arg1, %lt3A_7 : i32
    %convert_element_type3A = arith.extui %lt3A_8 : i1 to i32
    %cond3A = arith.constant 0 : i32
    %cond3A_9 = arith.cmpi ne, %convert_element_type3A, %cond3A : i32
    scf.if %cond3A_9 {
      %mul3A_51 = arith.constant 65536 : i32
      %mul3A_52 = arith.muli %arg1, %mul3A_51 : i32
      %add3A_53 = arith.constant 0 : i32
      %add3A_54 = arith.addi %mul3A_52, %add3A_53 : i32
      %multiple_of3A_55 = tpu.assume_multiple %add3A_54, 16384 : i32
      "tpu.region"() ({
        %run_scoped3A = tpu.sem_alloc : memref<!tpu.dma_semaphore, #tpu.memory_space<semaphore_mem>>
        %dma_start3A_71 = tpu.memref_slice %arg4[%multiple_of3A_55] : memref<1000000xf32, #tpu.memory_space<hbm>> -> memref<16384xf32, #tpu.memory_space<hbm>>
        %dma_start3A_72 = tpu.memref_slice %arg4[%multiple_of3A_55] : memref<1000000xf32, #tpu.memory_space<hbm>> -> memref<16384xf32, #tpu.memory_space<hbm>>
        tpu.enqueue_dma source(%dma_start3A_72 : memref<16384xf32, #tpu.memory_space<hbm>>) target(%arg14 : memref<16384xf32, #tpu.memory_space<vmem>>) target_semaphore(%run_scoped3A : memref<!tpu.dma_semaphore, #tpu.memory_space<semaphore_mem>>)
        %dma_wait3A_73 = tpu.memref_slice %arg4[%multiple_of3A_55] : memref<1000000xf32, #tpu.memory_space<hbm>> -> memref<16384xf32, #tpu.memory_space<hbm>>
        %dma_wait3A_74 = tpu.memref_slice %arg4[%multiple_of3A_55] : memref<1000000xf32, #tpu.memory_space<hbm>> -> memref<16384xf32, #tpu.memory_space<hbm>>
        tpu.wait_dma2 semaphore(%run_scoped3A : memref<!tpu.dma_semaphore, #tpu.memory_space<semaphore_mem>>) src(%dma_wait3A_74 : memref<16384xf32, #tpu.memory_space<hbm>>) dst(%arg14 : memref<16384xf32, #tpu.memory_space<vmem>>)
        tpu.yield
      }) : () -> ()
      "tpu.region"() ({
        %run_scoped3A = tpu.sem_alloc : memref<!tpu.dma_semaphore, #tpu.memory_space<semaphore_mem>>
        %dma_start3A_71 = tpu.memref_slice %arg15[%multiple_of3A_55] : memref<1000000xf32, #tpu.memory_space<vmem_shared>> -> memref<16384xf32, #tpu.memory_space<vmem_shared>>
        %dma_start3A_72 = tpu.memref_slice %arg15[%multiple_of3A_55] : memref<1000000xf32, #tpu.memory_space<vmem_shared>> -> memref<16384xf32, #tpu.memory_space<vmem_shared>>
        tpu.enqueue_dma source(%arg14 : memref<16384xf32, #tpu.memory_space<vmem>>) target(%dma_start3A_72 : memref<16384xf32, #tpu.memory_space<vmem_shared>>) target_semaphore(%run_scoped3A : memref<!tpu.dma_semaphore, #tpu.memory_space<semaphore_mem>>)
        %dma_wait3A_73 = tpu.memref_slice %arg15[%multiple_of3A_55] : memref<1000000xf32, #tpu.memory_space<vmem_shared>> -> memref<16384xf32, #tpu.memory_space<vmem_shared>>
        %dma_wait3A_74 = tpu.memref_slice %arg15[%multiple_of3A_55] : memref<1000000xf32, #tpu.memory_space<vmem_shared>> -> memref<16384xf32, #tpu.memory_space<vmem_shared>>
        tpu.wait_dma2 semaphore(%run_scoped3A : memref<!tpu.dma_semaphore, #tpu.memory_space<semaphore_mem>>) src(%arg14 : memref<16384xf32, #tpu.memory_space<vmem>>) dst(%dma_wait3A_74 : memref<16384xf32, #tpu.memory_space<vmem_shared>>)
        tpu.yield
      }) : () -> ()
      %mul3A_56 = arith.constant 65536 : i32
      %mul3A_57 = arith.muli %arg1, %mul3A_56 : i32
      %add3A_58 = arith.constant 16384 : i32
      %add3A_59 = arith.addi %mul3A_57, %add3A_58 : i32
      %multiple_of3A_60 = tpu.assume_multiple %add3A_59, 16384 : i32
      "tpu.region"() ({
        %run_scoped3A = tpu.sem_alloc : memref<!tpu.dma_semaphore, #tpu.memory_space<semaphore_mem>>
        %dma_start3A_71 = tpu.memref_slice %arg4[%multiple_of3A_60] : memref<1000000xf32, #tpu.memory_space<hbm>> -> memref<16384xf32, #tpu.memory_space<hbm>>
        %dma_start3A_72 = tpu.memref_slice %arg4[%multiple_of3A_60] : memref<1000000xf32, #tpu.memory_space<hbm>> -> memref<16384xf32, #tpu.memory_space<hbm>>
        tpu.enqueue_dma source(%dma_start3A_72 : memref<16384xf32, #tpu.memory_space<hbm>>) target(%arg14 : memref<16384xf32, #tpu.memory_space<vmem>>) target_semaphore(%run_scoped3A : memref<!tpu.dma_semaphore, #tpu.memory_space<semaphore_mem>>)
        %dma_wait3A_73 = tpu.memref_slice %arg4[%multiple_of3A_60] : memref<1000000xf32, #tpu.memory_space<hbm>> -> memref<16384xf32, #tpu.memory_space<hbm>>
        %dma_wait3A_74 = tpu.memref_slice %arg4[%multiple_of3A_60] : memref<1000000xf32, #tpu.memory_space<hbm>> -> memref<16384xf32, #tpu.memory_space<hbm>>
        tpu.wait_dma2 semaphore(%run_scoped3A : memref<!tpu.dma_semaphore, #tpu.memory_space<semaphore_mem>>) src(%dma_wait3A_74 : memref<16384xf32, #tpu.memory_space<hbm>>) dst(%arg14 : memref<16384xf32, #tpu.memory_space<vmem>>)
        tpu.yield
      }) : () -> ()
      "tpu.region"() ({
        %run_scoped3A = tpu.sem_alloc : memref<!tpu.dma_semaphore, #tpu.memory_space<semaphore_mem>>
        %dma_start3A_71 = tpu.memref_slice %arg15[%multiple_of3A_60] : memref<1000000xf32, #tpu.memory_space<vmem_shared>> -> memref<16384xf32, #tpu.memory_space<vmem_shared>>
        %dma_start3A_72 = tpu.memref_slice %arg15[%multiple_of3A_60] : memref<1000000xf32, #tpu.memory_space<vmem_shared>> -> memref<16384xf32, #tpu.memory_space<vmem_shared>>
        tpu.enqueue_dma source(%arg14 : memref<16384xf32, #tpu.memory_space<vmem>>) target(%dma_start3A_72 : memref<16384xf32, #tpu.memory_space<vmem_shared>>) target_semaphore(%run_scoped3A : memref<!tpu.dma_semaphore, #tpu.memory_space<semaphore_mem>>)
        %dma_wait3A_73 = tpu.memref_slice %arg15[%multiple_of3A_60] : memref<1000000xf32, #tpu.memory_space<vmem_shared>> -> memref<16384xf32, #tpu.memory_space<vmem_shared>>
        %dma_wait3A_74 = tpu.memref_slice %arg15[%multiple_of3A_60] : memref<1000000xf32, #tpu.memory_space<vmem_shared>> -> memref<16384xf32, #tpu.memory_space<vmem_shared>>
        tpu.wait_dma2 semaphore(%run_scoped3A : memref<!tpu.dma_semaphore, #tpu.memory_space<semaphore_mem>>) src(%arg14 : memref<16384xf32, #tpu.memory_space<vmem>>) dst(%dma_wait3A_74 : memref<16384xf32, #tpu.memory_space<vmem_shared>>)
        tpu.yield
      }) : () -> ()
      %mul3A_61 = arith.constant 65536 : i32
      %mul3A_62 = arith.muli %arg1, %mul3A_61 : i32
      %add3A_63 = arith.constant 32768 : i32
      %add3A_64 = arith.addi %mul3A_62, %add3A_63 : i32
      %multiple_of3A_65 = tpu.assume_multiple %add3A_64, 16384 : i32
      "tpu.region"() ({
        %run_scoped3A = tpu.sem_alloc : memref<!tpu.dma_semaphore, #tpu.memory_space<semaphore_mem>>
        %dma_start3A_71 = tpu.memref_slice %arg4[%multiple_of3A_65] : memref<1000000xf32, #tpu.memory_space<hbm>> -> memref<16384xf32, #tpu.memory_space<hbm>>
        %dma_start3A_72 = tpu.memref_slice %arg4[%multiple_of3A_65] : memref<1000000xf32, #tpu.memory_space<hbm>> -> memref<16384xf32, #tpu.memory_space<hbm>>
        tpu.enqueue_dma source(%dma_start3A_72 : memref<16384xf32, #tpu.memory_space<hbm>>) target(%arg14 : memref<16384xf32, #tpu.memory_space<vmem>>) target_semaphore(%run_scoped3A : memref<!tpu.dma_semaphore, #tpu.memory_space<semaphore_mem>>)
        %dma_wait3A_73 = tpu.memref_slice %arg4[%multiple_of3A_65] : memref<1000000xf32, #tpu.memory_space<hbm>> -> memref<16384xf32, #tpu.memory_space<hbm>>
        %dma_wait3A_74 = tpu.memref_slice %arg4[%multiple_of3A_65] : memref<1000000xf32, #tpu.memory_space<hbm>> -> memref<16384xf32, #tpu.memory_space<hbm>>
        tpu.wait_dma2 semaphore(%run_scoped3A : memref<!tpu.dma_semaphore, #tpu.memory_space<semaphore_mem>>) src(%dma_wait3A_74 : memref<16384xf32, #tpu.memory_space<hbm>>) dst(%arg14 : memref<16384xf32, #tpu.memory_space<vmem>>)
        tpu.yield
      }) : () -> ()
      "tpu.region"() ({
        %run_scoped3A = tpu.sem_alloc : memref<!tpu.dma_semaphore, #tpu.memory_space<semaphore_mem>>
        %dma_start3A_71 = tpu.memref_slice %arg15[%multiple_of3A_65] : memref<1000000xf32, #tpu.memory_space<vmem_shared>> -> memref<16384xf32, #tpu.memory_space<vmem_shared>>
        %dma_start3A_72 = tpu.memref_slice %arg15[%multiple_of3A_65] : memref<1000000xf32, #tpu.memory_space<vmem_shared>> -> memref<16384xf32, #tpu.memory_space<vmem_shared>>
        tpu.enqueue_dma source(%arg14 : memref<16384xf32, #tpu.memory_space<vmem>>) target(%dma_start3A_72 : memref<16384xf32, #tpu.memory_space<vmem_shared>>) target_semaphore(%run_scoped3A : memref<!tpu.dma_semaphore, #tpu.memory_space<semaphore_mem>>)
        %dma_wait3A_73 = tpu.memref_slice %arg15[%multiple_of3A_65] : memref<1000000xf32, #tpu.memory_space<vmem_shared>> -> memref<16384xf32, #tpu.memory_space<vmem_shared>>
        %dma_wait3A_74 = tpu.memref_slice %arg15[%multiple_of3A_65] : memref<1000000xf32, #tpu.memory_space<vmem_shared>> -> memref<16384xf32, #tpu.memory_space<vmem_shared>>
        tpu.wait_dma2 semaphore(%run_scoped3A : memref<!tpu.dma_semaphore, #tpu.memory_space<semaphore_mem>>) src(%arg14 : memref<16384xf32, #tpu.memory_space<vmem>>) dst(%dma_wait3A_74 : memref<16384xf32, #tpu.memory_space<vmem_shared>>)
        tpu.yield
      }) : () -> ()
      %mul3A_66 = arith.constant 65536 : i32
      %mul3A_67 = arith.muli %arg1, %mul3A_66 : i32
      %add3A_68 = arith.constant 49152 : i32
      %add3A_69 = arith.addi %mul3A_67, %add3A_68 : i32
      %multiple_of3A_70 = tpu.assume_multiple %add3A_69, 16384 : i32
      "tpu.region"() ({
        %run_scoped3A = tpu.sem_alloc : memref<!tpu.dma_semaphore, #tpu.memory_space<semaphore_mem>>
        %dma_start3A_71 = tpu.memref_slice %arg4[%multiple_of3A_70] : memref<1000000xf32, #tpu.memory_space<hbm>> -> memref<16384xf32, #tpu.memory_space<hbm>>
        %dma_start3A_72 = tpu.memref_slice %arg4[%multiple_of3A_70] : memref<1000000xf32, #tpu.memory_space<hbm>> -> memref<16384xf32, #tpu.memory_space<hbm>>
        tpu.enqueue_dma source(%dma_start3A_72 : memref<16384xf32, #tpu.memory_space<hbm>>) target(%arg14 : memref<16384xf32, #tpu.memory_space<vmem>>) target_semaphore(%run_scoped3A : memref<!tpu.dma_semaphore, #tpu.memory_space<semaphore_mem>>)
        %dma_wait3A_73 = tpu.memref_slice %arg4[%multiple_of3A_70] : memref<1000000xf32, #tpu.memory_space<hbm>> -> memref<16384xf32, #tpu.memory_space<hbm>>
        %dma_wait3A_74 = tpu.memref_slice %arg4[%multiple_of3A_70] : memref<1000000xf32, #tpu.memory_space<hbm>> -> memref<16384xf32, #tpu.memory_space<hbm>>
        tpu.wait_dma2 semaphore(%run_scoped3A : memref<!tpu.dma_semaphore, #tpu.memory_space<semaphore_mem>>) src(%dma_wait3A_74 : memref<16384xf32, #tpu.memory_space<hbm>>) dst(%arg14 : memref<16384xf32, #tpu.memory_space<vmem>>)
        tpu.yield
      }) : () -> ()
      "tpu.region"() ({
        %run_scoped3A = tpu.sem_alloc : memref<!tpu.dma_semaphore, #tpu.memory_space<semaphore_mem>>
        %dma_start3A_71 = tpu.memref_slice %arg15[%multiple_of3A_70] : memref<1000000xf32, #tpu.memory_space<vmem_shared>> -> memref<16384xf32, #tpu.memory_space<vmem_shared>>
        %dma_start3A_72 = tpu.memref_slice %arg15[%multiple_of3A_70] : memref<1000000xf32, #tpu.memory_space<vmem_shared>> -> memref<16384xf32, #tpu.memory_space<vmem_shared>>
        tpu.enqueue_dma source(%arg14 : memref<16384xf32, #tpu.memory_space<vmem>>) target(%dma_start3A_72 : memref<16384xf32, #tpu.memory_space<vmem_shared>>) target_semaphore(%run_scoped3A : memref<!tpu.dma_semaphore, #tpu.memory_space<semaphore_mem>>)
        %dma_wait3A_73 = tpu.memref_slice %arg15[%multiple_of3A_70] : memref<1000000xf32, #tpu.memory_space<vmem_shared>> -> memref<16384xf32, #tpu.memory_space<vmem_shared>>
        %dma_wait3A_74 = tpu.memref_slice %arg15[%multiple_of3A_70] : memref<1000000xf32, #tpu.memory_space<vmem_shared>> -> memref<16384xf32, #tpu.memory_space<vmem_shared>>
        tpu.wait_dma2 semaphore(%run_scoped3A : memref<!tpu.dma_semaphore, #tpu.memory_space<semaphore_mem>>) src(%arg14 : memref<16384xf32, #tpu.memory_space<vmem>>) dst(%dma_wait3A_74 : memref<16384xf32, #tpu.memory_space<vmem_shared>>)
        tpu.yield
      }) : () -> ()
    } else {
    }
    %eq3A = arith.constant 15 : i32
    %eq3A_10 = arith.cmpi eq, %arg1, %eq3A : i32
    %convert_element_type3A_11 = arith.extui %eq3A_10 : i1 to i32
    %cond3A_12 = arith.constant 0 : i32
    %cond3A_13 = arith.cmpi ne, %convert_element_type3A_11, %cond3A_12 : i32
    scf.if %cond3A_13 {
      "tpu.region"() ({
        %run_scoped3A = tpu.sem_alloc : memref<!tpu.dma_semaphore, #tpu.memory_space<semaphore_mem>>
        %dma_start3A_51 = arith.constant 983040 : i32
        %dma_start3A_52 = tpu.memref_slice %arg4[%dma_start3A_51] : memref<1000000xf32, #tpu.memory_space<hbm>> -> memref<16384xf32, #tpu.memory_space<hbm>>
        %dma_start3A_53 = arith.constant 983040 : i32
        %dma_start3A_54 = tpu.memref_slice %arg4[%dma_start3A_53] : memref<1000000xf32, #tpu.memory_space<hbm>> -> memref<16384xf32, #tpu.memory_space<hbm>>
        tpu.enqueue_dma source(%dma_start3A_54 : memref<16384xf32, #tpu.memory_space<hbm>>) target(%arg14 : memref<16384xf32, #tpu.memory_space<vmem>>) target_semaphore(%run_scoped3A : memref<!tpu.dma_semaphore, #tpu.memory_space<semaphore_mem>>)
        %dma_wait3A_55 = arith.constant 983040 : i32
        %dma_wait3A_56 = tpu.memref_slice %arg4[%dma_wait3A_55] : memref<1000000xf32, #tpu.memory_space<hbm>> -> memref<16384xf32, #tpu.memory_space<hbm>>
        %dma_wait3A_57 = arith.constant 983040 : i32
        %dma_wait3A_58 = tpu.memref_slice %arg4[%dma_wait3A_57] : memref<1000000xf32, #tpu.memory_space<hbm>> -> memref<16384xf32, #tpu.memory_space<hbm>>
        tpu.wait_dma2 semaphore(%run_scoped3A : memref<!tpu.dma_semaphore, #tpu.memory_space<semaphore_mem>>) src(%dma_wait3A_58 : memref<16384xf32, #tpu.memory_space<hbm>>) dst(%arg14 : memref<16384xf32, #tpu.memory_space<vmem>>)
        tpu.yield
      }) : () -> ()
      "tpu.region"() ({
        %run_scoped3A = tpu.sem_alloc : memref<!tpu.dma_semaphore, #tpu.memory_space<semaphore_mem>>
        %dma_start3A_51 = arith.constant 983040 : i32
        %dma_start3A_52 = tpu.memref_slice %arg15[%dma_start3A_51] : memref<1000000xf32, #tpu.memory_space<vmem_shared>> -> memref<16384xf32, #tpu.memory_space<vmem_shared>>
        %dma_start3A_53 = arith.constant 983040 : i32
        %dma_start3A_54 = tpu.memref_slice %arg15[%dma_start3A_53] : memref<1000000xf32, #tpu.memory_space<vmem_shared>> -> memref<16384xf32, #tpu.memory_space<vmem_shared>>
        tpu.enqueue_dma source(%arg14 : memref<16384xf32, #tpu.memory_space<vmem>>) target(%dma_start3A_54 : memref<16384xf32, #tpu.memory_space<vmem_shared>>) target_semaphore(%run_scoped3A : memref<!tpu.dma_semaphore, #tpu.memory_space<semaphore_mem>>)
        %dma_wait3A_55 = arith.constant 983040 : i32
        %dma_wait3A_56 = tpu.memref_slice %arg15[%dma_wait3A_55] : memref<1000000xf32, #tpu.memory_space<vmem_shared>> -> memref<16384xf32, #tpu.memory_space<vmem_shared>>
        %dma_wait3A_57 = arith.constant 983040 : i32
        %dma_wait3A_58 = tpu.memref_slice %arg15[%dma_wait3A_57] : memref<1000000xf32, #tpu.memory_space<vmem_shared>> -> memref<16384xf32, #tpu.memory_space<vmem_shared>>
        tpu.wait_dma2 semaphore(%run_scoped3A : memref<!tpu.dma_semaphore, #tpu.memory_space<semaphore_mem>>) src(%arg14 : memref<16384xf32, #tpu.memory_space<vmem>>) dst(%dma_wait3A_58 : memref<16384xf32, #tpu.memory_space<vmem_shared>>)
        tpu.yield
      }) : () -> ()
      "tpu.region"() ({
        %run_scoped3A = tpu.sem_alloc : memref<!tpu.dma_semaphore, #tpu.memory_space<semaphore_mem>>
        %dma_start3A_51 = arith.constant 0 : i32
        %dma_start3A_52 = tpu.memref_slice %arg14[%dma_start3A_51] : memref<16384xf32, #tpu.memory_space<vmem>> -> memref<576xf32, #tpu.memory_space<vmem>>
        %dma_start3A_53 = arith.constant 999424 : i32
        %dma_start3A_54 = tpu.memref_slice %arg4[%dma_start3A_53] : memref<1000000xf32, #tpu.memory_space<hbm>> -> memref<576xf32, #tpu.memory_space<hbm>>
        %dma_start3A_55 = arith.constant 0 : i32
        %dma_start3A_56 = tpu.memref_slice %arg14[%dma_start3A_55] : memref<16384xf32, #tpu.memory_space<vmem>> -> memref<576xf32, #tpu.memory_space<vmem>>
        %dma_start3A_57 = arith.constant 999424 : i32
        %dma_start3A_58 = tpu.memref_slice %arg4[%dma_start3A_57] : memref<1000000xf32, #tpu.memory_space<hbm>> -> memref<576xf32, #tpu.memory_space<hbm>>
        tpu.enqueue_dma source(%dma_start3A_58 : memref<576xf32, #tpu.memory_space<hbm>>) target(%dma_start3A_56 : memref<576xf32, #tpu.memory_space<vmem>>) target_semaphore(%run_scoped3A : memref<!tpu.dma_semaphore, #tpu.memory_space<semaphore_mem>>)
        %dma_wait3A_59 = arith.constant 0 : i32
        %dma_wait3A_60 = tpu.memref_slice %arg14[%dma_wait3A_59] : memref<16384xf32, #tpu.memory_space<vmem>> -> memref<576xf32, #tpu.memory_space<vmem>>
        %dma_wait3A_61 = arith.constant 999424 : i32
        %dma_wait3A_62 = tpu.memref_slice %arg4[%dma_wait3A_61] : memref<1000000xf32, #tpu.memory_space<hbm>> -> memref<576xf32, #tpu.memory_space<hbm>>
        %dma_wait3A_63 = arith.constant 0 : i32
        %dma_wait3A_64 = tpu.memref_slice %arg14[%dma_wait3A_63] : memref<16384xf32, #tpu.memory_space<vmem>> -> memref<576xf32, #tpu.memory_space<vmem>>
        %dma_wait3A_65 = arith.constant 999424 : i32
        %dma_wait3A_66 = tpu.memref_slice %arg4[%dma_wait3A_65] : memref<1000000xf32, #tpu.memory_space<hbm>> -> memref<576xf32, #tpu.memory_space<hbm>>
        tpu.wait_dma2 semaphore(%run_scoped3A : memref<!tpu.dma_semaphore, #tpu.memory_space<semaphore_mem>>) src(%dma_wait3A_66 : memref<576xf32, #tpu.memory_space<hbm>>) dst(%dma_wait3A_64 : memref<576xf32, #tpu.memory_space<vmem>>)
        tpu.yield
      }) : () -> ()
      "tpu.region"() ({
        %run_scoped3A = tpu.sem_alloc : memref<!tpu.dma_semaphore, #tpu.memory_space<semaphore_mem>>
        %dma_start3A_51 = arith.constant 0 : i32
        %dma_start3A_52 = tpu.memref_slice %arg14[%dma_start3A_51] : memref<16384xf32, #tpu.memory_space<vmem>> -> memref<576xf32, #tpu.memory_space<vmem>>
        %dma_start3A_53 = arith.constant 999424 : i32
        %dma_start3A_54 = tpu.memref_slice %arg15[%dma_start3A_53] : memref<1000000xf32, #tpu.memory_space<vmem_shared>> -> memref<576xf32, #tpu.memory_space<vmem_shared>>
        %dma_start3A_55 = arith.constant 999424 : i32
        %dma_start3A_56 = tpu.memref_slice %arg15[%dma_start3A_55] : memref<1000000xf32, #tpu.memory_space<vmem_shared>> -> memref<576xf32, #tpu.memory_space<vmem_shared>>
        %dma_start3A_57 = arith.constant 0 : i32
        %dma_start3A_58 = tpu.memref_slice %arg14[%dma_start3A_57] : memref<16384xf32, #tpu.memory_space<vmem>> -> memref<576xf32, #tpu.memory_space<vmem>>
        tpu.enqueue_dma source(%dma_start3A_58 : memref<576xf32, #tpu.memory_space<vmem>>) target(%dma_start3A_56 : memref<576xf32, #tpu.memory_space<vmem_shared>>) target_semaphore(%run_scoped3A : memref<!tpu.dma_semaphore, #tpu.memory_space<semaphore_mem>>)
        %dma_wait3A_59 = arith.constant 0 : i32
        %dma_wait3A_60 = tpu.memref_slice %arg14[%dma_wait3A_59] : memref<16384xf32, #tpu.memory_space<vmem>> -> memref<576xf32, #tpu.memory_space<vmem>>
        %dma_wait3A_61 = arith.constant 999424 : i32
        %dma_wait3A_62 = tpu.memref_slice %arg15[%dma_wait3A_61] : memref<1000000xf32, #tpu.memory_space<vmem_shared>> -> memref<576xf32, #tpu.memory_space<vmem_shared>>
        %dma_wait3A_63 = arith.constant 999424 : i32
        %dma_wait3A_64 = tpu.memref_slice %arg15[%dma_wait3A_63] : memref<1000000xf32, #tpu.memory_space<vmem_shared>> -> memref<576xf32, #tpu.memory_space<vmem_shared>>
        %dma_wait3A_65 = arith.constant 0 : i32
        %dma_wait3A_66 = tpu.memref_slice %arg14[%dma_wait3A_65] : memref<16384xf32, #tpu.memory_space<vmem>> -> memref<576xf32, #tpu.memory_space<vmem>>
        tpu.wait_dma2 semaphore(%run_scoped3A : memref<!tpu.dma_semaphore, #tpu.memory_space<semaphore_mem>>) src(%dma_wait3A_66 : memref<576xf32, #tpu.memory_space<vmem>>) dst(%dma_wait3A_64 : memref<576xf32, #tpu.memory_space<vmem_shared>>)
        tpu.yield
      }) : () -> ()
    } else {
    }
    "tpu.region"() ({
      %run_scoped3A = tpu.sem_alloc : memref<!tpu.dma_semaphore, #tpu.memory_space<semaphore_mem>>
      %dma_start3A_51 = arith.constant 0 : i32
      %dma_start3A_52 = tpu.memref_slice %arg5[%add3A, %dma_start3A_51] : memref<32x4096xi32, #tpu.memory_space<hbm>> -> memref<1x4096xi32, #tpu.memory_space<hbm>>
      %dma_start3A_53 = tpu.memref_squeeze %dma_start3A_52 : memref<1x4096xi32, #tpu.memory_space<hbm>> -> memref<4096xi32, #tpu.memory_space<hbm>>
      %dma_start3A_54 = arith.constant 0 : i32
      %dma_start3A_55 = tpu.memref_slice %arg5[%add3A, %dma_start3A_54] : memref<32x4096xi32, #tpu.memory_space<hbm>> -> memref<1x4096xi32, #tpu.memory_space<hbm>>
      %dma_start3A_56 = tpu.memref_squeeze %dma_start3A_55 : memref<1x4096xi32, #tpu.memory_space<hbm>> -> memref<4096xi32, #tpu.memory_space<hbm>>
      tpu.enqueue_dma source(%dma_start3A_56 : memref<4096xi32, #tpu.memory_space<hbm>>) target(%arg12 : memref<4096xi32, #tpu.memory_space<vmem>>) target_semaphore(%run_scoped3A : memref<!tpu.dma_semaphore, #tpu.memory_space<semaphore_mem>>)
      %dma_wait3A_57 = arith.constant 0 : i32
      %dma_wait3A_58 = tpu.memref_slice %arg5[%add3A, %dma_wait3A_57] : memref<32x4096xi32, #tpu.memory_space<hbm>> -> memref<1x4096xi32, #tpu.memory_space<hbm>>
      %dma_wait3A_59 = tpu.memref_squeeze %dma_wait3A_58 : memref<1x4096xi32, #tpu.memory_space<hbm>> -> memref<4096xi32, #tpu.memory_space<hbm>>
      %dma_wait3A_60 = arith.constant 0 : i32
      %dma_wait3A_61 = tpu.memref_slice %arg5[%add3A, %dma_wait3A_60] : memref<32x4096xi32, #tpu.memory_space<hbm>> -> memref<1x4096xi32, #tpu.memory_space<hbm>>
      %dma_wait3A_62 = tpu.memref_squeeze %dma_wait3A_61 : memref<1x4096xi32, #tpu.memory_space<hbm>> -> memref<4096xi32, #tpu.memory_space<hbm>>
      tpu.wait_dma2 semaphore(%run_scoped3A : memref<!tpu.dma_semaphore, #tpu.memory_space<semaphore_mem>>) src(%dma_wait3A_62 : memref<4096xi32, #tpu.memory_space<hbm>>) dst(%arg12 : memref<4096xi32, #tpu.memory_space<vmem>>)
      tpu.yield
    }) : () -> ()
    %barrier3A = arith.constant 0 : index
    tpu.barrier barrier_id(%barrier3A)
    %scan3A = arith.constant 0 : i32
    %scan3A_14 = arith.constant 0 : i32
    %scan3A_15 = arith.constant 256 : i32
    %scan3A_16 = arith.addi %scan3A_14, %scan3A_15 : i32
    %scan3A_17 = arith.constant 1 : i32
    %scan3A_18 = scf.for %scan3A_51 = %scan3A_14 to %scan3A_16 step %scan3A_17 iter_args(%scan3A_52 = %scan3A) -> (i32)  : i32 {
      %mul3A_53 = arith.constant 16 : i32
      %mul3A_54 = arith.muli %scan3A_51, %mul3A_53 : i32
      %multiple_of3A_55 = tpu.assume_multiple %mul3A_54, 16 : i32
      %get3A = arith.index_cast %multiple_of3A_55 : i32 to index
      %get3A_56 = tpu.vector_load %arg12[%get3A] {strides = array<i32>} : memref<4096xi32, #tpu.memory_space<vmem>>, vector<16xi32>,
      %dma_start3A_57 = tpu.memref_slice %arg13[%multiple_of3A_55] : memref<4096xf32, #tpu.memory_space<vmem>> -> memref<16xf32, #tpu.memory_space<vmem>>
      %dma_start3A_58 = arith.constant 0 : i32
      %dma_start3A_59 = tpu.memref_slice %arg15[%dma_start3A_58] : memref<1000000xf32, #tpu.memory_space<vmem_shared>> -> memref<1000000xf32, #tpu.memory_space<vmem_shared>>
      tpu.enqueue_indirect_dma source(%dma_start3A_59 : memref<1000000xf32, #tpu.memory_space<vmem_shared>>) target(%dma_start3A_57 : memref<16xf32, #tpu.memory_space<vmem>>) offsets(%get3A_56 : vector<16xi32>) semaphore(%arg18 : memref<!tpu.dma_semaphore, #tpu.memory_space<semaphore_mem>>)
      %scan3A_60 = arith.constant 0 : i32
      scf.yield %scan3A_60 : i32
    }
    %scan3A_19 = arith.constant 256 : i32
    %mul3A_20 = arith.constant 256 : i32
    %mul3A_21 = arith.muli %add3A_4, %mul3A_20 : i32
    %multiple_of3A = tpu.assume_multiple %mul3A_21, 256 : i32
    %dma_start3A = arith.constant 0 : i32
    %dma_start3A_22 = tpu.memref_slice %arg2[%dma_start3A, %multiple_of3A] : memref<32x1000000xf32, #tpu.memory_space<hbm>> -> memref<32x256xf32, #tpu.memory_space<hbm>>
    %dma_start3A_23 = arith.constant 0 : i32
    %dma_start3A_24 = tpu.memref_slice %arg2[%dma_start3A_23, %multiple_of3A] : memref<32x1000000xf32, #tpu.memory_space<hbm>> -> memref<32x256xf32, #tpu.memory_space<hbm>>
    tpu.enqueue_dma source(%dma_start3A_24 : memref<32x256xf32, #tpu.memory_space<hbm>>) target(%arg8 : memref<32x256xf32, #tpu.memory_space<vmem>>) target_semaphore(%arg16 : memref<!tpu.dma_semaphore, #tpu.memory_space<semaphore_mem>>)
    %scan3A_25 = arith.constant 0 : i32
    %scan3A_26 = arith.constant 0 : i32
    %scan3A_27 = arith.constant 62 : i32
    %scan3A_28 = arith.addi %scan3A_26, %scan3A_27 : i32
    %scan3A_29 = arith.constant 1 : i32
    %scan3A_30 = scf.for %scan3A_51 = %scan3A_26 to %scan3A_28 step %scan3A_29 iter_args(%scan3A_52 = %scan3A_25) -> (i32)  : i32 {
      %mul3A_53 = arith.constant 2 : i32
      %mul3A_54 = arith.muli %scan3A_51, %mul3A_53 : i32
      %add3A_55 = arith.addi %add3A_4, %mul3A_54 : i32
      %add3A_56 = arith.constant 0 : i32
      %add3A_57 = arith.addi %add3A_55, %add3A_56 : i32
      %add3A_58 = arith.addi %add3A_4, %select_n3A : i32
      %lt3A_59 = arith.cmpi slt, %add3A_57, %add3A_58 : i32
      %convert_element_type3A_60 = arith.extui %lt3A_59 : i1 to i32
      %cond3A_61 = arith.constant 0 : i32
      %cond3A_62 = arith.cmpi ne, %convert_element_type3A_60, %cond3A_61 : i32
      scf.if %cond3A_62 {
        %dma_wait3A_74 = arith.constant 0 : i32
        %dma_wait3A_75 = arith.constant 0 : i32
        %dma_wait3A_76 = tpu.memref_slice %arg2[%dma_wait3A_74, %dma_wait3A_75] : memref<32x1000000xf32, #tpu.memory_space<hbm>> -> memref<32x256xf32, #tpu.memory_space<hbm>>
        %dma_wait3A_77 = arith.constant 0 : i32
        %dma_wait3A_78 = arith.constant 0 : i32
        %dma_wait3A_79 = tpu.memref_slice %arg2[%dma_wait3A_77, %dma_wait3A_78] : memref<32x1000000xf32, #tpu.memory_space<hbm>> -> memref<32x256xf32, #tpu.memory_space<hbm>>
        tpu.wait_dma2 semaphore(%arg16 : memref<!tpu.dma_semaphore, #tpu.memory_space<semaphore_mem>>) src(%dma_wait3A_79 : memref<32x256xf32, #tpu.memory_space<hbm>>) dst(%arg8 : memref<32x256xf32, #tpu.memory_space<vmem>>)
        %add3A_80 = arith.constant 1 : i32
        %add3A_81 = arith.addi %add3A_57, %add3A_80 : i32
        %add3A_82 = arith.addi %add3A_4, %select_n3A : i32
        %lt3A_83 = arith.cmpi slt, %add3A_81, %add3A_82 : i32
        %convert_element_type3A_84 = arith.extui %lt3A_83 : i1 to i32
        %cond3A_85 = arith.constant 0 : i32
        %cond3A_86 = arith.cmpi ne, %convert_element_type3A_84, %cond3A_85 : i32
        scf.if %cond3A_86 {
          %add3A_103 = arith.constant 1 : i32
          %add3A_104 = arith.addi %add3A_57, %add3A_103 : i32
          %mul3A_105 = arith.constant 256 : i32
          %mul3A_106 = arith.muli %add3A_104, %mul3A_105 : i32
          %multiple_of3A_107 = tpu.assume_multiple %mul3A_106, 256 : i32
          %dma_start3A_108 = arith.constant 0 : i32
          %dma_start3A_109 = tpu.memref_slice %arg2[%dma_start3A_108, %multiple_of3A_107] : memref<32x1000000xf32, #tpu.memory_space<hbm>> -> memref<32x256xf32, #tpu.memory_space<hbm>>
          %dma_start3A_110 = arith.constant 0 : i32
          %dma_start3A_111 = tpu.memref_slice %arg2[%dma_start3A_110, %multiple_of3A_107] : memref<32x1000000xf32, #tpu.memory_space<hbm>> -> memref<32x256xf32, #tpu.memory_space<hbm>>
          tpu.enqueue_dma source(%dma_start3A_111 : memref<32x256xf32, #tpu.memory_space<hbm>>) target(%arg9 : memref<32x256xf32, #tpu.memory_space<vmem>>) target_semaphore(%arg16 : memref<!tpu.dma_semaphore, #tpu.memory_space<semaphore_mem>>)
        } else {
        }
        %scan3A_87 = arith.constant 0 : i32
        %scan3A_88 = arith.constant 0 : i32
        %scan3A_89 = arith.constant 8 : i32
        %scan3A_90 = arith.addi %scan3A_88, %scan3A_89 : i32
        %scan3A_91 = arith.constant 1 : i32
        %scan3A_92 = scf.for %scan3A_103 = %scan3A_88 to %scan3A_90 step %scan3A_91 iter_args(%scan3A_104 = %scan3A_87) -> (i32)  : i32 {
          %mul3A_105 = arith.constant 4 : i32
          %mul3A_106 = arith.muli %scan3A_103, %mul3A_105 : i32
          %add3A_107 = arith.constant 0 : i32
          %add3A_108 = arith.addi %mul3A_106, %add3A_107 : i32
          %add3A_109 = vector.broadcast %add3A_108 : i32 to vector<16xi32>
          %add3A_110 = arith.addi %add3A_109, %iota3A : vector<16xi32>
          %and3A = arith.constant 31 : i32
          %and3A_111 = vector.broadcast %and3A : i32 to vector<16xi32>
          %and3A_112 = arith.andi %add3A_110, %and3A_111 : vector<16xi32>
          %add3A_113 = arith.constant 0 : i32
          %add3A_114 = vector.broadcast %add3A_113 : i32 to vector<16xi32>
          %add3A_115 = arith.addi %add3A_114, %iota3A : vector<16xi32>
          %add3A_116 = arith.constant 0 : i32
          %add3A_117 = vector.broadcast %add3A_116 : i32 to vector<16xi32>
          %add3A_118 = arith.addi %add3A_117, %add3A_115 : vector<16xi32>
          %gather3A = tpu.vector_load_idx %arg8[%and3A_112, %add3A_118] : memref<32x256xf32, #tpu.memory_space<vmem>>[vector<16xi32>, vector<16xi32>], vector<16xf32>,
          %mul3A_119 = arith.constant 32 : i32
          %mul3A_120 = vector.broadcast %mul3A_119 : i32 to vector<16xi32>
          %mul3A_121 = arith.muli %add3A_115, %mul3A_120 : vector<16xi32>
          %add3A_122 = arith.constant 0 : i32
          %add3A_123 = vector.broadcast %add3A_122 : i32 to vector<16xi32>
          %add3A_124 = arith.addi %add3A_123, %mul3A_121 : vector<16xi32>
          %add3A_125 = arith.addi %add3A_124, %and3A_112 : vector<16xi32>
          tpu.vector_store_idx %arg10[%add3A_125], %gather3A : memref<8192xf32, #tpu.memory_space<vmem>>[vector<16xi32>], vector<16xf32>,
          %add3A_126 = arith.constant 16 : i32
          %add3A_127 = vector.broadcast %add3A_126 : i32 to vector<16xi32>
          %add3A_128 = arith.addi %add3A_127, %iota3A : vector<16xi32>
          %add3A_129 = arith.constant 0 : i32
          %add3A_130 = vector.broadcast %add3A_129 : i32 to vector<16xi32>
          %add3A_131 = arith.addi %add3A_130, %add3A_128 : vector<16xi32>
          %gather3A_132 = tpu.vector_load_idx %arg8[%and3A_112, %add3A_131] : memref<32x256xf32, #tpu.memory_space<vmem>>[vector<16xi32>, vector<16xi32>], vector<16xf32>,
          %mul3A_133 = arith.constant 32 : i32
          %mul3A_134 = vector.broadcast %mul3A_133 : i32 to vector<16xi32>
          %mul3A_135 = arith.muli %add3A_128, %mul3A_134 : vector<16xi32>
          %add3A_136 = arith.constant 0 : i32
          %add3A_137 = vector.broadcast %add3A_136 : i32 to vector<16xi32>
          %add3A_138 = arith.addi %add3A_137, %mul3A_135 : vector<16xi32>
          %add3A_139 = arith.addi %add3A_138, %and3A_112 : vector<16xi32>
          tpu.vector_store_idx %arg10[%add3A_139], %gather3A_132 : memref<8192xf32, #tpu.memory_space<vmem>>[vector<16xi32>], vector<16xf32>,
          %add3A_140 = arith.constant 32 : i32
          %add3A_141 = vector.broadcast %add3A_140 : i32 to vector<16xi32>
          %add3A_142 = arith.addi %add3A_141, %iota3A : vector<16xi32>
          %add3A_143 = arith.constant 0 : i32
          %add3A_144 = vector.broadcast %add3A_143 : i32 to vector<16xi32>
          %add3A_145 = arith.addi %add3A_144, %add3A_142 : vector<16xi32>
          %gather3A_146 = tpu.vector_load_idx %arg8[%and3A_112, %add3A_145] : memref<32x256xf32, #tpu.memory_space<vmem>>[vector<16xi32>, vector<16xi32>], vector<16xf32>,
          %mul3A_147 = arith.constant 32 : i32
          %mul3A_148 = vector.broadcast %mul3A_147 : i32 to vector<16xi32>
          %mul3A_149 = arith.muli %add3A_142, %mul3A_148 : vector<16xi32>
          %add3A_150 = arith.constant 0 : i32
          %add3A_151 = vector.broadcast %add3A_150 : i32 to vector<16xi32>
          %add3A_152 = arith.addi %add3A_151, %mul3A_149 : vector<16xi32>
          %add3A_153 = arith.addi %add3A_152, %and3A_112 : vector<16xi32>
          tpu.vector_store_idx %arg10[%add3A_153], %gather3A_146 : memref<8192xf32, #tpu.memory_space<vmem>>[vector<16xi32>], vector<16xf32>,
          %add3A_154 = arith.constant 48 : i32
          %add3A_155 = vector.broadcast %add3A_154 : i32 to vector<16xi32>
          %add3A_156 = arith.addi %add3A_155, %iota3A : vector<16xi32>
          %add3A_157 = arith.constant 0 : i32
          %add3A_158 = vector.broadcast %add3A_157 : i32 to vector<16xi32>
          %add3A_159 = arith.addi %add3A_158, %add3A_156 : vector<16xi32>
          %gather3A_160 = tpu.vector_load_idx %arg8[%and3A_112, %add3A_159] : memref<32x256xf32, #tpu.memory_space<vmem>>[vector<16xi32>, vector<16xi32>], vector<16xf32>,
          %mul3A_161 = arith.constant 32 : i32
          %mul3A_162 = vector.broadcast %mul3A_161 : i32 to vector<16xi32>
          %mul3A_163 = arith.muli %add3A_156, %mul3A_162 : vector<16xi32>
          %add3A_164 = arith.constant 0 : i32
          %add3A_165 = vector.broadcast %add3A_164 : i32 to vector<16xi32>
          %add3A_166 = arith.addi %add3A_165, %mul3A_163 : vector<16xi32>
          %add3A_167 = arith.addi %add3A_166, %and3A_112 : vector<16xi32>
          tpu.vector_store_idx %arg10[%add3A_167], %gather3A_160 : memref<8192xf32, #tpu.memory_space<vmem>>[vector<16xi32>], vector<16xf32>,
          %add3A_168 = arith.constant 64 : i32
          %add3A_169 = vector.broadcast %add3A_168 : i32 to vector<16xi32>
          %add3A_170 = arith.addi %add3A_169, %iota3A : vector<16xi32>
          %add3A_171 = arith.constant 0 : i32
          %add3A_172 = vector.broadcast %add3A_171 : i32 to vector<16xi32>
          %add3A_173 = arith.addi %add3A_172, %add3A_170 : vector<16xi32>
          %gather3A_174 = tpu.vector_load_idx %arg8[%and3A_112, %add3A_173] : memref<32x256xf32, #tpu.memory_space<vmem>>[vector<16xi32>, vector<16xi32>], vector<16xf32>,
          %mul3A_175 = arith.constant 32 : i32
          %mul3A_176 = vector.broadcast %mul3A_175 : i32 to vector<16xi32>
          %mul3A_177 = arith.muli %add3A_170, %mul3A_176 : vector<16xi32>
          %add3A_178 = arith.constant 0 : i32
          %add3A_179 = vector.broadcast %add3A_178 : i32 to vector<16xi32>
          %add3A_180 = arith.addi %add3A_179, %mul3A_177 : vector<16xi32>
          %add3A_181 = arith.addi %add3A_180, %and3A_112 : vector<16xi32>
          tpu.vector_store_idx %arg10[%add3A_181], %gather3A_174 : memref<8192xf32, #tpu.memory_space<vmem>>[vector<16xi32>], vector<16xf32>,
          %add3A_182 = arith.constant 80 : i32
          %add3A_183 = vector.broadcast %add3A_182 : i32 to vector<16xi32>
          %add3A_184 = arith.addi %add3A_183, %iota3A : vector<16xi32>
          %add3A_185 = arith.constant 0 : i32
          %add3A_186 = vector.broadcast %add3A_185 : i32 to vector<16xi32>
          %add3A_187 = arith.addi %add3A_186, %add3A_184 : vector<16xi32>
          %gather3A_188 = tpu.vector_load_idx %arg8[%and3A_112, %add3A_187] : memref<32x256xf32, #tpu.memory_space<vmem>>[vector<16xi32>, vector<16xi32>], vector<16xf32>,
          %mul3A_189 = arith.constant 32 : i32
          %mul3A_190 = vector.broadcast %mul3A_189 : i32 to vector<16xi32>
          %mul3A_191 = arith.muli %add3A_184, %mul3A_190 : vector<16xi32>
          %add3A_192 = arith.constant 0 : i32
          %add3A_193 = vector.broadcast %add3A_192 : i32 to vector<16xi32>
          %add3A_194 = arith.addi %add3A_193, %mul3A_191 : vector<16xi32>
          %add3A_195 = arith.addi %add3A_194, %and3A_112 : vector<16xi32>
          tpu.vector_store_idx %arg10[%add3A_195], %gather3A_188 : memref<8192xf32, #tpu.memory_space<vmem>>[vector<16xi32>], vector<16xf32>,
          %add3A_196 = arith.constant 96 : i32
          %add3A_197 = vector.broadcast %add3A_196 : i32 to vector<16xi32>
          %add3A_198 = arith.addi %add3A_197, %iota3A : vector<16xi32>
          %add3A_199 = arith.constant 0 : i32
          %add3A_200 = vector.broadcast %add3A_199 : i32 to vector<16xi32>
          %add3A_201 = arith.addi %add3A_200, %add3A_198 : vector<16xi32>
          %gather3A_202 = tpu.vector_load_idx %arg8[%and3A_112, %add3A_201] : memref<32x256xf32, #tpu.memory_space<vmem>>[vector<16xi32>, vector<16xi32>], vector<16xf32>,
          %mul3A_203 = arith.constant 32 : i32
          %mul3A_204 = vector.broadcast %mul3A_203 : i32 to vector<16xi32>
          %mul3A_205 = arith.muli %add3A_198, %mul3A_204 : vector<16xi32>
          %add3A_206 = arith.constant 0 : i32
          %add3A_207 = vector.broadcast %add3A_206 : i32 to vector<16xi32>
          %add3A_208 = arith.addi %add3A_207, %mul3A_205 : vector<16xi32>
          %add3A_209 = arith.addi %add3A_208, %and3A_112 : vector<16xi32>
          tpu.vector_store_idx %arg10[%add3A_209], %gather3A_202 : memref<8192xf32, #tpu.memory_space<vmem>>[vector<16xi32>], vector<16xf32>,
          %add3A_210 = arith.constant 112 : i32
          %add3A_211 = vector.broadcast %add3A_210 : i32 to vector<16xi32>
          %add3A_212 = arith.addi %add3A_211, %iota3A : vector<16xi32>
          %add3A_213 = arith.constant 0 : i32
          %add3A_214 = vector.broadcast %add3A_213 : i32 to vector<16xi32>
          %add3A_215 = arith.addi %add3A_214, %add3A_212 : vector<16xi32>
          %gather3A_216 = tpu.vector_load_idx %arg8[%and3A_112, %add3A_215] : memref<32x256xf32, #tpu.memory_space<vmem>>[vector<16xi32>, vector<16xi32>], vector<16xf32>,
          %mul3A_217 = arith.constant 32 : i32
          %mul3A_218 = vector.broadcast %mul3A_217 : i32 to vector<16xi32>
          %mul3A_219 = arith.muli %add3A_212, %mul3A_218 : vector<16xi32>
          %add3A_220 = arith.constant 0 : i32
          %add3A_221 = vector.broadcast %add3A_220 : i32 to vector<16xi32>
          %add3A_222 = arith.addi %add3A_221, %mul3A_219 : vector<16xi32>
          %add3A_223 = arith.addi %add3A_222, %and3A_112 : vector<16xi32>
          tpu.vector_store_idx %arg10[%add3A_223], %gather3A_216 : memref<8192xf32, #tpu.memory_space<vmem>>[vector<16xi32>], vector<16xf32>,
          %add3A_224 = arith.constant 0 : i32
          %add3A_225 = vector.broadcast %add3A_224 : i32 to vector<16xi32>
          %add3A_226 = arith.addi %add3A_225, %iota3A : vector<16xi32>
          %add3A_227 = arith.constant 128 : i32
          %add3A_228 = vector.broadcast %add3A_227 : i32 to vector<16xi32>
          %add3A_229 = arith.addi %add3A_228, %add3A_226 : vector<16xi32>
          %gather3A_230 = tpu.vector_load_idx %arg8[%and3A_112, %add3A_229] : memref<32x256xf32, #tpu.memory_space<vmem>>[vector<16xi32>, vector<16xi32>], vector<16xf32>,
          %mul3A_231 = arith.constant 32 : i32
          %mul3A_232 = vector.broadcast %mul3A_231 : i32 to vector<16xi32>
          %mul3A_233 = arith.muli %add3A_226, %mul3A_232 : vector<16xi32>
          %add3A_234 = arith.constant 4096 : i32
          %add3A_235 = vector.broadcast %add3A_234 : i32 to vector<16xi32>
          %add3A_236 = arith.addi %add3A_235, %mul3A_233 : vector<16xi32>
          %add3A_237 = arith.addi %add3A_236, %and3A_112 : vector<16xi32>
          tpu.vector_store_idx %arg10[%add3A_237], %gather3A_230 : memref<8192xf32, #tpu.memory_space<vmem>>[vector<16xi32>], vector<16xf32>,
          %add3A_238 = arith.constant 16 : i32
          %add3A_239 = vector.broadcast %add3A_238 : i32 to vector<16xi32>
          %add3A_240 = arith.addi %add3A_239, %iota3A : vector<16xi32>
          %add3A_241 = arith.constant 128 : i32
          %add3A_242 = vector.broadcast %add3A_241 : i32 to vector<16xi32>
          %add3A_243 = arith.addi %add3A_242, %add3A_240 : vector<16xi32>
          %gather3A_244 = tpu.vector_load_idx %arg8[%and3A_112, %add3A_243] : memref<32x256xf32, #tpu.memory_space<vmem>>[vector<16xi32>, vector<16xi32>], vector<16xf32>,
          %mul3A_245 = arith.constant 32 : i32
          %mul3A_246 = vector.broadcast %mul3A_245 : i32 to vector<16xi32>
          %mul3A_247 = arith.muli %add3A_240, %mul3A_246 : vector<16xi32>
          %add3A_248 = arith.constant 4096 : i32
          %add3A_249 = vector.broadcast %add3A_248 : i32 to vector<16xi32>
          %add3A_250 = arith.addi %add3A_249, %mul3A_247 : vector<16xi32>
          %add3A_251 = arith.addi %add3A_250, %and3A_112 : vector<16xi32>
          tpu.vector_store_idx %arg10[%add3A_251], %gather3A_244 : memref<8192xf32, #tpu.memory_space<vmem>>[vector<16xi32>], vector<16xf32>,
          %add3A_252 = arith.constant 32 : i32
          %add3A_253 = vector.broadcast %add3A_252 : i32 to vector<16xi32>
          %add3A_254 = arith.addi %add3A_253, %iota3A : vector<16xi32>
          %add3A_255 = arith.constant 128 : i32
          %add3A_256 = vector.broadcast %add3A_255 : i32 to vector<16xi32>
          %add3A_257 = arith.addi %add3A_256, %add3A_254 : vector<16xi32>
          %gather3A_258 = tpu.vector_load_idx %arg8[%and3A_112, %add3A_257] : memref<32x256xf32, #tpu.memory_space<vmem>>[vector<16xi32>, vector<16xi32>], vector<16xf32>,
          %mul3A_259 = arith.constant 32 : i32
          %mul3A_260 = vector.broadcast %mul3A_259 : i32 to vector<16xi32>
          %mul3A_261 = arith.muli %add3A_254, %mul3A_260 : vector<16xi32>
          %add3A_262 = arith.constant 4096 : i32
          %add3A_263 = vector.broadcast %add3A_262 : i32 to vector<16xi32>
          %add3A_264 = arith.addi %add3A_263, %mul3A_261 : vector<16xi32>
          %add3A_265 = arith.addi %add3A_264, %and3A_112 : vector<16xi32>
          tpu.vector_store_idx %arg10[%add3A_265], %gather3A_258 : memref<8192xf32, #tpu.memory_space<vmem>>[vector<16xi32>], vector<16xf32>,
          %add3A_266 = arith.constant 48 : i32
          %add3A_267 = vector.broadcast %add3A_266 : i32 to vector<16xi32>
          %add3A_268 = arith.addi %add3A_267, %iota3A : vector<16xi32>
          %add3A_269 = arith.constant 128 : i32
          %add3A_270 = vector.broadcast %add3A_269 : i32 to vector<16xi32>
          %add3A_271 = arith.addi %add3A_270, %add3A_268 : vector<16xi32>
          %gather3A_272 = tpu.vector_load_idx %arg8[%and3A_112, %add3A_271] : memref<32x256xf32, #tpu.memory_space<vmem>>[vector<16xi32>, vector<16xi32>], vector<16xf32>,
          %mul3A_273 = arith.constant 32 : i32
          %mul3A_274 = vector.broadcast %mul3A_273 : i32 to vector<16xi32>
          %mul3A_275 = arith.muli %add3A_268, %mul3A_274 : vector<16xi32>
          %add3A_276 = arith.constant 4096 : i32
          %add3A_277 = vector.broadcast %add3A_276 : i32 to vector<16xi32>
          %add3A_278 = arith.addi %add3A_277, %mul3A_275 : vector<16xi32>
          %add3A_279 = arith.addi %add3A_278, %and3A_112 : vector<16xi32>
          tpu.vector_store_idx %arg10[%add3A_279], %gather3A_272 : memref<8192xf32, #tpu.memory_space<vmem>>[vector<16xi32>], vector<16xf32>,
          %add3A_280 = arith.constant 64 : i32
          %add3A_281 = vector.broadcast %add3A_280 : i32 to vector<16xi32>
          %add3A_282 = arith.addi %add3A_281, %iota3A : vector<16xi32>
          %add3A_283 = arith.constant 128 : i32
          %add3A_284 = vector.broadcast %add3A_283 : i32 to vector<16xi32>
          %add3A_285 = arith.addi %add3A_284, %add3A_282 : vector<16xi32>
          %gather3A_286 = tpu.vector_load_idx %arg8[%and3A_112, %add3A_285] : memref<32x256xf32, #tpu.memory_space<vmem>>[vector<16xi32>, vector<16xi32>], vector<16xf32>,
          %mul3A_287 = arith.constant 32 : i32
          %mul3A_288 = vector.broadcast %mul3A_287 : i32 to vector<16xi32>
          %mul3A_289 = arith.muli %add3A_282, %mul3A_288 : vector<16xi32>
          %add3A_290 = arith.constant 4096 : i32
          %add3A_291 = vector.broadcast %add3A_290 : i32 to vector<16xi32>
          %add3A_292 = arith.addi %add3A_291, %mul3A_289 : vector<16xi32>
          %add3A_293 = arith.addi %add3A_292, %and3A_112 : vector<16xi32>
          tpu.vector_store_idx %arg10[%add3A_293], %gather3A_286 : memref<8192xf32, #tpu.memory_space<vmem>>[vector<16xi32>], vector<16xf32>,
          %add3A_294 = arith.constant 80 : i32
          %add3A_295 = vector.broadcast %add3A_294 : i32 to vector<16xi32>
          %add3A_296 = arith.addi %add3A_295, %iota3A : vector<16xi32>
          %add3A_297 = arith.constant 128 : i32
          %add3A_298 = vector.broadcast %add3A_297 : i32 to vector<16xi32>
          %add3A_299 = arith.addi %add3A_298, %add3A_296 : vector<16xi32>
          %gather3A_300 = tpu.vector_load_idx %arg8[%and3A_112, %add3A_299] : memref<32x256xf32, #tpu.memory_space<vmem>>[vector<16xi32>, vector<16xi32>], vector<16xf32>,
          %mul3A_301 = arith.constant 32 : i32
          %mul3A_302 = vector.broadcast %mul3A_301 : i32 to vector<16xi32>
          %mul3A_303 = arith.muli %add3A_296, %mul3A_302 : vector<16xi32>
          %add3A_304 = arith.constant 4096 : i32
          %add3A_305 = vector.broadcast %add3A_304 : i32 to vector<16xi32>
          %add3A_306 = arith.addi %add3A_305, %mul3A_303 : vector<16xi32>
          %add3A_307 = arith.addi %add3A_306, %and3A_112 : vector<16xi32>
          tpu.vector_store_idx %arg10[%add3A_307], %gather3A_300 : memref<8192xf32, #tpu.memory_space<vmem>>[vector<16xi32>], vector<16xf32>,
          %add3A_308 = arith.constant 96 : i32
          %add3A_309 = vector.broadcast %add3A_308 : i32 to vector<16xi32>
          %add3A_310 = arith.addi %add3A_309, %iota3A : vector<16xi32>
          %add3A_311 = arith.constant 128 : i32
          %add3A_312 = vector.broadcast %add3A_311 : i32 to vector<16xi32>
          %add3A_313 = arith.addi %add3A_312, %add3A_310 : vector<16xi32>
          %gather3A_314 = tpu.vector_load_idx %arg8[%and3A_112, %add3A_313] : memref<32x256xf32, #tpu.memory_space<vmem>>[vector<16xi32>, vector<16xi32>], vector<16xf32>,
          %mul3A_315 = arith.constant 32 : i32
          %mul3A_316 = vector.broadcast %mul3A_315 : i32 to vector<16xi32>
          %mul3A_317 = arith.muli %add3A_310, %mul3A_316 : vector<16xi32>
          %add3A_318 = arith.constant 4096 : i32
          %add3A_319 = vector.broadcast %add3A_318 : i32 to vector<16xi32>
          %add3A_320 = arith.addi %add3A_319, %mul3A_317 : vector<16xi32>
          %add3A_321 = arith.addi %add3A_320, %and3A_112 : vector<16xi32>
          tpu.vector_store_idx %arg10[%add3A_321], %gather3A_314 : memref<8192xf32, #tpu.memory_space<vmem>>[vector<16xi32>], vector<16xf32>,
          %add3A_322 = arith.constant 112 : i32
          %add3A_323 = vector.broadcast %add3A_322 : i32 to vector<16xi32>
          %add3A_324 = arith.addi %add3A_323, %iota3A : vector<16xi32>
          %add3A_325 = arith.constant 128 : i32
          %add3A_326 = vector.broadcast %add3A_325 : i32 to vector<16xi32>
          %add3A_327 = arith.addi %add3A_326, %add3A_324 : vector<16xi32>
          %gather3A_328 = tpu.vector_load_idx %arg8[%and3A_112, %add3A_327] : memref<32x256xf32, #tpu.memory_space<vmem>>[vector<16xi32>, vector<16xi32>], vector<16xf32>,
          %mul3A_329 = arith.constant 32 : i32
          %mul3A_330 = vector.broadcast %mul3A_329 : i32 to vector<16xi32>
          %mul3A_331 = arith.muli %add3A_324, %mul3A_330 : vector<16xi32>
          %add3A_332 = arith.constant 4096 : i32
          %add3A_333 = vector.broadcast %add3A_332 : i32 to vector<16xi32>
          %add3A_334 = arith.addi %add3A_333, %mul3A_331 : vector<16xi32>
          %add3A_335 = arith.addi %add3A_334, %and3A_112 : vector<16xi32>
          tpu.vector_store_idx %arg10[%add3A_335], %gather3A_328 : memref<8192xf32, #tpu.memory_space<vmem>>[vector<16xi32>], vector<16xf32>,
          %mul3A_336 = arith.constant 4 : i32
          %mul3A_337 = arith.muli %scan3A_103, %mul3A_336 : i32
          %add3A_338 = arith.constant 1 : i32
          %add3A_339 = arith.addi %mul3A_337, %add3A_338 : i32
          %add3A_340 = vector.broadcast %add3A_339 : i32 to vector<16xi32>
          %add3A_341 = arith.addi %add3A_340, %iota3A : vector<16xi32>
          %and3A_342 = arith.constant 31 : i32
          %and3A_343 = vector.broadcast %and3A_342 : i32 to vector<16xi32>
          %and3A_344 = arith.andi %add3A_341, %and3A_343 : vector<16xi32>
          %add3A_345 = arith.constant 0 : i32
          %add3A_346 = vector.broadcast %add3A_345 : i32 to vector<16xi32>
          %add3A_347 = arith.addi %add3A_346, %iota3A : vector<16xi32>
          %add3A_348 = arith.constant 0 : i32
          %add3A_349 = vector.broadcast %add3A_348 : i32 to vector<16xi32>
          %add3A_350 = arith.addi %add3A_349, %add3A_347 : vector<16xi32>
          %gather3A_351 = tpu.vector_load_idx %arg8[%and3A_344, %add3A_350] : memref<32x256xf32, #tpu.memory_space<vmem>>[vector<16xi32>, vector<16xi32>], vector<16xf32>,
          %mul3A_352 = arith.constant 32 : i32
          %mul3A_353 = vector.broadcast %mul3A_352 : i32 to vector<16xi32>
          %mul3A_354 = arith.muli %add3A_347, %mul3A_353 : vector<16xi32>
          %add3A_355 = arith.constant 0 : i32
          %add3A_356 = vector.broadcast %add3A_355 : i32 to vector<16xi32>
          %add3A_357 = arith.addi %add3A_356, %mul3A_354 : vector<16xi32>
          %add3A_358 = arith.addi %add3A_357, %and3A_344 : vector<16xi32>
          tpu.vector_store_idx %arg10[%add3A_358], %gather3A_351 : memref<8192xf32, #tpu.memory_space<vmem>>[vector<16xi32>], vector<16xf32>,
          %add3A_359 = arith.constant 16 : i32
          %add3A_360 = vector.broadcast %add3A_359 : i32 to vector<16xi32>
          %add3A_361 = arith.addi %add3A_360, %iota3A : vector<16xi32>
          %add3A_362 = arith.constant 0 : i32
          %add3A_363 = vector.broadcast %add3A_362 : i32 to vector<16xi32>
          %add3A_364 = arith.addi %add3A_363, %add3A_361 : vector<16xi32>
          %gather3A_365 = tpu.vector_load_idx %arg8[%and3A_344, %add3A_364] : memref<32x256xf32, #tpu.memory_space<vmem>>[vector<16xi32>, vector<16xi32>], vector<16xf32>,
          %mul3A_366 = arith.constant 32 : i32
          %mul3A_367 = vector.broadcast %mul3A_366 : i32 to vector<16xi32>
          %mul3A_368 = arith.muli %add3A_361, %mul3A_367 : vector<16xi32>
          %add3A_369 = arith.constant 0 : i32
          %add3A_370 = vector.broadcast %add3A_369 : i32 to vector<16xi32>
          %add3A_371 = arith.addi %add3A_370, %mul3A_368 : vector<16xi32>
          %add3A_372 = arith.addi %add3A_371, %and3A_344 : vector<16xi32>
          tpu.vector_store_idx %arg10[%add3A_372], %gather3A_365 : memref<8192xf32, #tpu.memory_space<vmem>>[vector<16xi32>], vector<16xf32>,
          %add3A_373 = arith.constant 32 : i32
          %add3A_374 = vector.broadcast %add3A_373 : i32 to vector<16xi32>
          %add3A_375 = arith.addi %add3A_374, %iota3A : vector<16xi32>
          %add3A_376 = arith.constant 0 : i32
          %add3A_377 = vector.broadcast %add3A_376 : i32 to vector<16xi32>
          %add3A_378 = arith.addi %add3A_377, %add3A_375 : vector<16xi32>
          %gather3A_379 = tpu.vector_load_idx %arg8[%and3A_344, %add3A_378] : memref<32x256xf32, #tpu.memory_space<vmem>>[vector<16xi32>, vector<16xi32>], vector<16xf32>,
          %mul3A_380 = arith.constant 32 : i32
          %mul3A_381 = vector.broadcast %mul3A_380 : i32 to vector<16xi32>
          %mul3A_382 = arith.muli %add3A_375, %mul3A_381 : vector<16xi32>
          %add3A_383 = arith.constant 0 : i32
          %add3A_384 = vector.broadcast %add3A_383 : i32 to vector<16xi32>
          %add3A_385 = arith.addi %add3A_384, %mul3A_382 : vector<16xi32>
          %add3A_386 = arith.addi %add3A_385, %and3A_344 : vector<16xi32>
          tpu.vector_store_idx %arg10[%add3A_386], %gather3A_379 : memref<8192xf32, #tpu.memory_space<vmem>>[vector<16xi32>], vector<16xf32>,
          %add3A_387 = arith.constant 48 : i32
          %add3A_388 = vector.broadcast %add3A_387 : i32 to vector<16xi32>
          %add3A_389 = arith.addi %add3A_388, %iota3A : vector<16xi32>
          %add3A_390 = arith.constant 0 : i32
          %add3A_391 = vector.broadcast %add3A_390 : i32 to vector<16xi32>
          %add3A_392 = arith.addi %add3A_391, %add3A_389 : vector<16xi32>
          %gather3A_393 = tpu.vector_load_idx %arg8[%and3A_344, %add3A_392] : memref<32x256xf32, #tpu.memory_space<vmem>>[vector<16xi32>, vector<16xi32>], vector<16xf32>,
          %mul3A_394 = arith.constant 32 : i32
          %mul3A_395 = vector.broadcast %mul3A_394 : i32 to vector<16xi32>
          %mul3A_396 = arith.muli %add3A_389, %mul3A_395 : vector<16xi32>
          %add3A_397 = arith.constant 0 : i32
          %add3A_398 = vector.broadcast %add3A_397 : i32 to vector<16xi32>
          %add3A_399 = arith.addi %add3A_398, %mul3A_396 : vector<16xi32>
          %add3A_400 = arith.addi %add3A_399, %and3A_344 : vector<16xi32>
          tpu.vector_store_idx %arg10[%add3A_400], %gather3A_393 : memref<8192xf32, #tpu.memory_space<vmem>>[vector<16xi32>], vector<16xf32>,
          %add3A_401 = arith.constant 64 : i32
          %add3A_402 = vector.broadcast %add3A_401 : i32 to vector<16xi32>
          %add3A_403 = arith.addi %add3A_402, %iota3A : vector<16xi32>
          %add3A_404 = arith.constant 0 : i32
          %add3A_405 = vector.broadcast %add3A_404 : i32 to vector<16xi32>
          %add3A_406 = arith.addi %add3A_405, %add3A_403 : vector<16xi32>
          %gather3A_407 = tpu.vector_load_idx %arg8[%and3A_344, %add3A_406] : memref<32x256xf32, #tpu.memory_space<vmem>>[vector<16xi32>, vector<16xi32>], vector<16xf32>,
          %mul3A_408 = arith.constant 32 : i32
          %mul3A_409 = vector.broadcast %mul3A_408 : i32 to vector<16xi32>
          %mul3A_410 = arith.muli %add3A_403, %mul3A_409 : vector<16xi32>
          %add3A_411 = arith.constant 0 : i32
          %add3A_412 = vector.broadcast %add3A_411 : i32 to vector<16xi32>
          %add3A_413 = arith.addi %add3A_412, %mul3A_410 : vector<16xi32>
          %add3A_414 = arith.addi %add3A_413, %and3A_344 : vector<16xi32>
          tpu.vector_store_idx %arg10[%add3A_414], %gather3A_407 : memref<8192xf32, #tpu.memory_space<vmem>>[vector<16xi32>], vector<16xf32>,
          %add3A_415 = arith.constant 80 : i32
          %add3A_416 = vector.broadcast %add3A_415 : i32 to vector<16xi32>
          %add3A_417 = arith.addi %add3A_416, %iota3A : vector<16xi32>
          %add3A_418 = arith.constant 0 : i32
          %add3A_419 = vector.broadcast %add3A_418 : i32 to vector<16xi32>
          %add3A_420 = arith.addi %add3A_419, %add3A_417 : vector<16xi32>
          %gather3A_421 = tpu.vector_load_idx %arg8[%and3A_344, %add3A_420] : memref<32x256xf32, #tpu.memory_space<vmem>>[vector<16xi32>, vector<16xi32>], vector<16xf32>,
          %mul3A_422 = arith.constant 32 : i32
          %mul3A_423 = vector.broadcast %mul3A_422 : i32 to vector<16xi32>
          %mul3A_424 = arith.muli %add3A_417, %mul3A_423 : vector<16xi32>
          %add3A_425 = arith.constant 0 : i32
          %add3A_426 = vector.broadcast %add3A_425 : i32 to vector<16xi32>
          %add3A_427 = arith.addi %add3A_426, %mul3A_424 : vector<16xi32>
          %add3A_428 = arith.addi %add3A_427, %and3A_344 : vector<16xi32>
          tpu.vector_store_idx %arg10[%add3A_428], %gather3A_421 : memref<8192xf32, #tpu.memory_space<vmem>>[vector<16xi32>], vector<16xf32>,
          %add3A_429 = arith.constant 96 : i32
          %add3A_430 = vector.broadcast %add3A_429 : i32 to vector<16xi32>
          %add3A_431 = arith.addi %add3A_430, %iota3A : vector<16xi32>
          %add3A_432 = arith.constant 0 : i32
          %add3A_433 = vector.broadcast %add3A_432 : i32 to vector<16xi32>
          %add3A_434 = arith.addi %add3A_433, %add3A_431 : vector<16xi32>
          %gather3A_435 = tpu.vector_load_idx %arg8[%and3A_344, %add3A_434] : memref<32x256xf32, #tpu.memory_space<vmem>>[vector<16xi32>, vector<16xi32>], vector<16xf32>,
          %mul3A_436 = arith.constant 32 : i32
          %mul3A_437 = vector.broadcast %mul3A_436 : i32 to vector<16xi32>
          %mul3A_438 = arith.muli %add3A_431, %mul3A_437 : vector<16xi32>
          %add3A_439 = arith.constant 0 : i32
          %add3A_440 = vector.broadcast %add3A_439 : i32 to vector<16xi32>
          %add3A_441 = arith.addi %add3A_440, %mul3A_438 : vector<16xi32>
          %add3A_442 = arith.addi %add3A_441, %and3A_344 : vector<16xi32>
          tpu.vector_store_idx %arg10[%add3A_442], %gather3A_435 : memref<8192xf32, #tpu.memory_space<vmem>>[vector<16xi32>], vector<16xf32>,
          %add3A_443 = arith.constant 112 : i32
          %add3A_444 = vector.broadcast %add3A_443 : i32 to vector<16xi32>
          %add3A_445 = arith.addi %add3A_444, %iota3A : vector<16xi32>
          %add3A_446 = arith.constant 0 : i32
          %add3A_447 = vector.broadcast %add3A_446 : i32 to vector<16xi32>
          %add3A_448 = arith.addi %add3A_447, %add3A_445 : vector<16xi32>
          %gather3A_449 = tpu.vector_load_idx %arg8[%and3A_344, %add3A_448] : memref<32x256xf32, #tpu.memory_space<vmem>>[vector<16xi32>, vector<16xi32>], vector<16xf32>,
          %mul3A_450 = arith.constant 32 : i32
          %mul3A_451 = vector.broadcast %mul3A_450 : i32 to vector<16xi32>
          %mul3A_452 = arith.muli %add3A_445, %mul3A_451 : vector<16xi32>
          %add3A_453 = arith.constant 0 : i32
          %add3A_454 = vector.broadcast %add3A_453 : i32 to vector<16xi32>
          %add3A_455 = arith.addi %add3A_454, %mul3A_452 : vector<16xi32>
          %add3A_456 = arith.addi %add3A_455, %and3A_344 : vector<16xi32>
          tpu.vector_store_idx %arg10[%add3A_456], %gather3A_449 : memref<8192xf32, #tpu.memory_space<vmem>>[vector<16xi32>], vector<16xf32>,
          %add3A_457 = arith.constant 0 : i32
          %add3A_458 = vector.broadcast %add3A_457 : i32 to vector<16xi32>
          %add3A_459 = arith.addi %add3A_458, %iota3A : vector<16xi32>
          %add3A_460 = arith.constant 128 : i32
          %add3A_461 = vector.broadcast %add3A_460 : i32 to vector<16xi32>
          %add3A_462 = arith.addi %add3A_461, %add3A_459 : vector<16xi32>
          %gather3A_463 = tpu.vector_load_idx %arg8[%and3A_344, %add3A_462] : memref<32x256xf32, #tpu.memory_space<vmem>>[vector<16xi32>, vector<16xi32>], vector<16xf32>,
          %mul3A_464 = arith.constant 32 : i32
          %mul3A_465 = vector.broadcast %mul3A_464 : i32 to vector<16xi32>
          %mul3A_466 = arith.muli %add3A_459, %mul3A_465 : vector<16xi32>
          %add3A_467 = arith.constant 4096 : i32
          %add3A_468 = vector.broadcast %add3A_467 : i32 to vector<16xi32>
          %add3A_469 = arith.addi %add3A_468, %mul3A_466 : vector<16xi32>
          %add3A_470 = arith.addi %add3A_469, %and3A_344 : vector<16xi32>
          tpu.vector_store_idx %arg10[%add3A_470], %gather3A_463 : memref<8192xf32, #tpu.memory_space<vmem>>[vector<16xi32>], vector<16xf32>,
          %add3A_471 = arith.constant 16 : i32
          %add3A_472 = vector.broadcast %add3A_471 : i32 to vector<16xi32>
          %add3A_473 = arith.addi %add3A_472, %iota3A : vector<16xi32>
          %add3A_474 = arith.constant 128 : i32
          %add3A_475 = vector.broadcast %add3A_474 : i32 to vector<16xi32>
          %add3A_476 = arith.addi %add3A_475, %add3A_473 : vector<16xi32>
          %gather3A_477 = tpu.vector_load_idx %arg8[%and3A_344, %add3A_476] : memref<32x256xf32, #tpu.memory_space<vmem>>[vector<16xi32>, vector<16xi32>], vector<16xf32>,
          %mul3A_478 = arith.constant 32 : i32
          %mul3A_479 = vector.broadcast %mul3A_478 : i32 to vector<16xi32>
          %mul3A_480 = arith.muli %add3A_473, %mul3A_479 : vector<16xi32>
          %add3A_481 = arith.constant 4096 : i32
          %add3A_482 = vector.broadcast %add3A_481 : i32 to vector<16xi32>
          %add3A_483 = arith.addi %add3A_482, %mul3A_480 : vector<16xi32>
          %add3A_484 = arith.addi %add3A_483, %and3A_344 : vector<16xi32>
          tpu.vector_store_idx %arg10[%add3A_484], %gather3A_477 : memref<8192xf32, #tpu.memory_space<vmem>>[vector<16xi32>], vector<16xf32>,
          %add3A_485 = arith.constant 32 : i32
          %add3A_486 = vector.broadcast %add3A_485 : i32 to vector<16xi32>
          %add3A_487 = arith.addi %add3A_486, %iota3A : vector<16xi32>
          %add3A_488 = arith.constant 128 : i32
          %add3A_489 = vector.broadcast %add3A_488 : i32 to vector<16xi32>
          %add3A_490 = arith.addi %add3A_489, %add3A_487 : vector<16xi32>
          %gather3A_491 = tpu.vector_load_idx %arg8[%and3A_344, %add3A_490] : memref<32x256xf32, #tpu.memory_space<vmem>>[vector<16xi32>, vector<16xi32>], vector<16xf32>,
          %mul3A_492 = arith.constant 32 : i32
          %mul3A_493 = vector.broadcast %mul3A_492 : i32 to vector<16xi32>
          %mul3A_494 = arith.muli %add3A_487, %mul3A_493 : vector<16xi32>
          %add3A_495 = arith.constant 4096 : i32
          %add3A_496 = vector.broadcast %add3A_495 : i32 to vector<16xi32>
          %add3A_497 = arith.addi %add3A_496, %mul3A_494 : vector<16xi32>
          %add3A_498 = arith.addi %add3A_497, %and3A_344 : vector<16xi32>
          tpu.vector_store_idx %arg10[%add3A_498], %gather3A_491 : memref<8192xf32, #tpu.memory_space<vmem>>[vector<16xi32>], vector<16xf32>,
          %add3A_499 = arith.constant 48 : i32
          %add3A_500 = vector.broadcast %add3A_499 : i32 to vector<16xi32>
          %add3A_501 = arith.addi %add3A_500, %iota3A : vector<16xi32>
          %add3A_502 = arith.constant 128 : i32
          %add3A_503 = vector.broadcast %add3A_502 : i32 to vector<16xi32>
          %add3A_504 = arith.addi %add3A_503, %add3A_501 : vector<16xi32>
          %gather3A_505 = tpu.vector_load_idx %arg8[%and3A_344, %add3A_504] : memref<32x256xf32, #tpu.memory_space<vmem>>[vector<16xi32>, vector<16xi32>], vector<16xf32>,
          %mul3A_506 = arith.constant 32 : i32
          %mul3A_507 = vector.broadcast %mul3A_506 : i32 to vector<16xi32>
          %mul3A_508 = arith.muli %add3A_501, %mul3A_507 : vector<16xi32>
          %add3A_509 = arith.constant 4096 : i32
          %add3A_510 = vector.broadcast %add3A_509 : i32 to vector<16xi32>
          %add3A_511 = arith.addi %add3A_510, %mul3A_508 : vector<16xi32>
          %add3A_512 = arith.addi %add3A_511, %and3A_344 : vector<16xi32>
          tpu.vector_store_idx %arg10[%add3A_512], %gather3A_505 : memref<8192xf32, #tpu.memory_space<vmem>>[vector<16xi32>], vector<16xf32>,
          %add3A_513 = arith.constant 64 : i32
          %add3A_514 = vector.broadcast %add3A_513 : i32 to vector<16xi32>
          %add3A_515 = arith.addi %add3A_514, %iota3A : vector<16xi32>
          %add3A_516 = arith.constant 128 : i32
          %add3A_517 = vector.broadcast %add3A_516 : i32 to vector<16xi32>
          %add3A_518 = arith.addi %add3A_517, %add3A_515 : vector<16xi32>
          %gather3A_519 = tpu.vector_load_idx %arg8[%and3A_344, %add3A_518] : memref<32x256xf32, #tpu.memory_space<vmem>>[vector<16xi32>, vector<16xi32>], vector<16xf32>,
          %mul3A_520 = arith.constant 32 : i32
          %mul3A_521 = vector.broadcast %mul3A_520 : i32 to vector<16xi32>
          %mul3A_522 = arith.muli %add3A_515, %mul3A_521 : vector<16xi32>
          %add3A_523 = arith.constant 4096 : i32
          %add3A_524 = vector.broadcast %add3A_523 : i32 to vector<16xi32>
          %add3A_525 = arith.addi %add3A_524, %mul3A_522 : vector<16xi32>
          %add3A_526 = arith.addi %add3A_525, %and3A_344 : vector<16xi32>
          tpu.vector_store_idx %arg10[%add3A_526], %gather3A_519 : memref<8192xf32, #tpu.memory_space<vmem>>[vector<16xi32>], vector<16xf32>,
          %add3A_527 = arith.constant 80 : i32
          %add3A_528 = vector.broadcast %add3A_527 : i32 to vector<16xi32>
          %add3A_529 = arith.addi %add3A_528, %iota3A : vector<16xi32>
          %add3A_530 = arith.constant 128 : i32
          %add3A_531 = vector.broadcast %add3A_530 : i32 to vector<16xi32>
          %add3A_532 = arith.addi %add3A_531, %add3A_529 : vector<16xi32>
          %gather3A_533 = tpu.vector_load_idx %arg8[%and3A_344, %add3A_532] : memref<32x256xf32, #tpu.memory_space<vmem>>[vector<16xi32>, vector<16xi32>], vector<16xf32>,
          %mul3A_534 = arith.constant 32 : i32
          %mul3A_535 = vector.broadcast %mul3A_534 : i32 to vector<16xi32>
          %mul3A_536 = arith.muli %add3A_529, %mul3A_535 : vector<16xi32>
          %add3A_537 = arith.constant 4096 : i32
          %add3A_538 = vector.broadcast %add3A_537 : i32 to vector<16xi32>
          %add3A_539 = arith.addi %add3A_538, %mul3A_536 : vector<16xi32>
          %add3A_540 = arith.addi %add3A_539, %and3A_344 : vector<16xi32>
          tpu.vector_store_idx %arg10[%add3A_540], %gather3A_533 : memref<8192xf32, #tpu.memory_space<vmem>>[vector<16xi32>], vector<16xf32>,
          %add3A_541 = arith.constant 96 : i32
          %add3A_542 = vector.broadcast %add3A_541 : i32 to vector<16xi32>
          %add3A_543 = arith.addi %add3A_542, %iota3A : vector<16xi32>
          %add3A_544 = arith.constant 128 : i32
          %add3A_545 = vector.broadcast %add3A_544 : i32 to vector<16xi32>
          %add3A_546 = arith.addi %add3A_545, %add3A_543 : vector<16xi32>
          %gather3A_547 = tpu.vector_load_idx %arg8[%and3A_344, %add3A_546] : memref<32x256xf32, #tpu.memory_space<vmem>>[vector<16xi32>, vector<16xi32>], vector<16xf32>,
          %mul3A_548 = arith.constant 32 : i32
          %mul3A_549 = vector.broadcast %mul3A_548 : i32 to vector<16xi32>
          %mul3A_550 = arith.muli %add3A_543, %mul3A_549 : vector<16xi32>
          %add3A_551 = arith.constant 4096 : i32
          %add3A_552 = vector.broadcast %add3A_551 : i32 to vector<16xi32>
          %add3A_553 = arith.addi %add3A_552, %mul3A_550 : vector<16xi32>
          %add3A_554 = arith.addi %add3A_553, %and3A_344 : vector<16xi32>
          tpu.vector_store_idx %arg10[%add3A_554], %gather3A_547 : memref<8192xf32, #tpu.memory_space<vmem>>[vector<16xi32>], vector<16xf32>,
          %add3A_555 = arith.constant 112 : i32
          %add3A_556 = vector.broadcast %add3A_555 : i32 to vector<16xi32>
          %add3A_557 = arith.addi %add3A_556, %iota3A : vector<16xi32>
          %add3A_558 = arith.constant 128 : i32
          %add3A_559 = vector.broadcast %add3A_558 : i32 to vector<16xi32>
          %add3A_560 = arith.addi %add3A_559, %add3A_557 : vector<16xi32>
          %gather3A_561 = tpu.vector_load_idx %arg8[%and3A_344, %add3A_560] : memref<32x256xf32, #tpu.memory_space<vmem>>[vector<16xi32>, vector<16xi32>], vector<16xf32>,
          %mul3A_562 = arith.constant 32 : i32
          %mul3A_563 = vector.broadcast %mul3A_562 : i32 to vector<16xi32>
          %mul3A_564 = arith.muli %add3A_557, %mul3A_563 : vector<16xi32>
          %add3A_565 = arith.constant 4096 : i32
          %add3A_566 = vector.broadcast %add3A_565 : i32 to vector<16xi32>
          %add3A_567 = arith.addi %add3A_566, %mul3A_564 : vector<16xi32>
          %add3A_568 = arith.addi %add3A_567, %and3A_344 : vector<16xi32>
          tpu.vector_store_idx %arg10[%add3A_568], %gather3A_561 : memref<8192xf32, #tpu.memory_space<vmem>>[vector<16xi32>], vector<16xf32>,
          %mul3A_569 = arith.constant 4 : i32
          %mul3A_570 = arith.muli %scan3A_103, %mul3A_569 : i32
          %add3A_571 = arith.constant 2 : i32
          %add3A_572 = arith.addi %mul3A_570, %add3A_571 : i32
          %add3A_573 = vector.broadcast %add3A_572 : i32 to vector<16xi32>
          %add3A_574 = arith.addi %add3A_573, %iota3A : vector<16xi32>
          %and3A_575 = arith.constant 31 : i32
          %and3A_576 = vector.broadcast %and3A_575 : i32 to vector<16xi32>
          %and3A_577 = arith.andi %add3A_574, %and3A_576 : vector<16xi32>
          %add3A_578 = arith.constant 0 : i32
          %add3A_579 = vector.broadcast %add3A_578 : i32 to vector<16xi32>
          %add3A_580 = arith.addi %add3A_579, %iota3A : vector<16xi32>
          %add3A_581 = arith.constant 0 : i32
          %add3A_582 = vector.broadcast %add3A_581 : i32 to vector<16xi32>
          %add3A_583 = arith.addi %add3A_582, %add3A_580 : vector<16xi32>
          %gather3A_584 = tpu.vector_load_idx %arg8[%and3A_577, %add3A_583] : memref<32x256xf32, #tpu.memory_space<vmem>>[vector<16xi32>, vector<16xi32>], vector<16xf32>,
          %mul3A_585 = arith.constant 32 : i32
          %mul3A_586 = vector.broadcast %mul3A_585 : i32 to vector<16xi32>
          %mul3A_587 = arith.muli %add3A_580, %mul3A_586 : vector<16xi32>
          %add3A_588 = arith.constant 0 : i32
          %add3A_589 = vector.broadcast %add3A_588 : i32 to vector<16xi32>
          %add3A_590 = arith.addi %add3A_589, %mul3A_587 : vector<16xi32>
          %add3A_591 = arith.addi %add3A_590, %and3A_577 : vector<16xi32>
          tpu.vector_store_idx %arg10[%add3A_591], %gather3A_584 : memref<8192xf32, #tpu.memory_space<vmem>>[vector<16xi32>], vector<16xf32>,
          %add3A_592 = arith.constant 16 : i32
          %add3A_593 = vector.broadcast %add3A_592 : i32 to vector<16xi32>
          %add3A_594 = arith.addi %add3A_593, %iota3A : vector<16xi32>
          %add3A_595 = arith.constant 0 : i32
          %add3A_596 = vector.broadcast %add3A_595 : i32 to vector<16xi32>
          %add3A_597 = arith.addi %add3A_596, %add3A_594 : vector<16xi32>
          %gather3A_598 = tpu.vector_load_idx %arg8[%and3A_577, %add3A_597] : memref<32x256xf32, #tpu.memory_space<vmem>>[vector<16xi32>, vector<16xi32>], vector<16xf32>,
          %mul3A_599 = arith.constant 32 : i32
          %mul3A_600 = vector.broadcast %mul3A_599 : i32 to vector<16xi32>
          %mul3A_601 = arith.muli %add3A_594, %mul3A_600 : vector<16xi32>
          %add3A_602 = arith.constant 0 : i32
          %add3A_603 = vector.broadcast %add3A_602 : i32 to vector<16xi32>
          %add3A_604 = arith.addi %add3A_603, %mul3A_601 : vector<16xi32>
          %add3A_605 = arith.addi %add3A_604, %and3A_577 : vector<16xi32>
          tpu.vector_store_idx %arg10[%add3A_605], %gather3A_598 : memref<8192xf32, #tpu.memory_space<vmem>>[vector<16xi32>], vector<16xf32>,
          %add3A_606 = arith.constant 32 : i32
          %add3A_607 = vector.broadcast %add3A_606 : i32 to vector<16xi32>
          %add3A_608 = arith.addi %add3A_607, %iota3A : vector<16xi32>
          %add3A_609 = arith.constant 0 : i32
          %add3A_610 = vector.broadcast %add3A_609 : i32 to vector<16xi32>
          %add3A_611 = arith.addi %add3A_610, %add3A_608 : vector<16xi32>
          %gather3A_612 = tpu.vector_load_idx %arg8[%and3A_577, %add3A_611] : memref<32x256xf32, #tpu.memory_space<vmem>>[vector<16xi32>, vector<16xi32>], vector<16xf32>,
          %mul3A_613 = arith.constant 32 : i32
          %mul3A_614 = vector.broadcast %mul3A_613 : i32 to vector<16xi32>
          %mul3A_615 = arith.muli %add3A_608, %mul3A_614 : vector<16xi32>
          %add3A_616 = arith.constant 0 : i32
          %add3A_617 = vector.broadcast %add3A_616 : i32 to vector<16xi32>
          %add3A_618 = arith.addi %add3A_617, %mul3A_615 : vector<16xi32>
          %add3A_619 = arith.addi %add3A_618, %and3A_577 : vector<16xi32>
          tpu.vector_store_idx %arg10[%add3A_619], %gather3A_612 : memref<8192xf32, #tpu.memory_space<vmem>>[vector<16xi32>], vector<16xf32>,
          %add3A_620 = arith.constant 48 : i32
          %add3A_621 = vector.broadcast %add3A_620 : i32 to vector<16xi32>
          %add3A_622 = arith.addi %add3A_621, %iota3A : vector<16xi32>
          %add3A_623 = arith.constant 0 : i32
          %add3A_624 = vector.broadcast %add3A_623 : i32 to vector<16xi32>
          %add3A_625 = arith.addi %add3A_624, %add3A_622 : vector<16xi32>
          %gather3A_626 = tpu.vector_load_idx %arg8[%and3A_577, %add3A_625] : memref<32x256xf32, #tpu.memory_space<vmem>>[vector<16xi32>, vector<16xi32>], vector<16xf32>,
          %mul3A_627 = arith.constant 32 : i32
          %mul3A_628 = vector.broadcast %mul3A_627 : i32 to vector<16xi32>
          %mul3A_629 = arith.muli %add3A_622, %mul3A_628 : vector<16xi32>
          %add3A_630 = arith.constant 0 : i32
          %add3A_631 = vector.broadcast %add3A_630 : i32 to vector<16xi32>
          %add3A_632 = arith.addi %add3A_631, %mul3A_629 : vector<16xi32>
          %add3A_633 = arith.addi %add3A_632, %and3A_577 : vector<16xi32>
          tpu.vector_store_idx %arg10[%add3A_633], %gather3A_626 : memref<8192xf32, #tpu.memory_space<vmem>>[vector<16xi32>], vector<16xf32>,
          %add3A_634 = arith.constant 64 : i32
          %add3A_635 = vector.broadcast %add3A_634 : i32 to vector<16xi32>
          %add3A_636 = arith.addi %add3A_635, %iota3A : vector<16xi32>
          %add3A_637 = arith.constant 0 : i32
          %add3A_638 = vector.broadcast %add3A_637 : i32 to vector<16xi32>
          %add3A_639 = arith.addi %add3A_638, %add3A_636 : vector<16xi32>
          %gather3A_640 = tpu.vector_load_idx %arg8[%and3A_577, %add3A_639] : memref<32x256xf32, #tpu.memory_space<vmem>>[vector<16xi32>, vector<16xi32>], vector<16xf32>,
          %mul3A_641 = arith.constant 32 : i32
          %mul3A_642 = vector.broadcast %mul3A_641 : i32 to vector<16xi32>
          %mul3A_643 = arith.muli %add3A_636, %mul3A_642 : vector<16xi32>
          %add3A_644 = arith.constant 0 : i32
          %add3A_645 = vector.broadcast %add3A_644 : i32 to vector<16xi32>
          %add3A_646 = arith.addi %add3A_645, %mul3A_643 : vector<16xi32>
          %add3A_647 = arith.addi %add3A_646, %and3A_577 : vector<16xi32>
          tpu.vector_store_idx %arg10[%add3A_647], %gather3A_640 : memref<8192xf32, #tpu.memory_space<vmem>>[vector<16xi32>], vector<16xf32>,
          %add3A_648 = arith.constant 80 : i32
          %add3A_649 = vector.broadcast %add3A_648 : i32 to vector<16xi32>
          %add3A_650 = arith.addi %add3A_649, %iota3A : vector<16xi32>
          %add3A_651 = arith.constant 0 : i32
          %add3A_652 = vector.broadcast %add3A_651 : i32 to vector<16xi32>
          %add3A_653 = arith.addi %add3A_652, %add3A_650 : vector<16xi32>
          %gather3A_654 = tpu.vector_load_idx %arg8[%and3A_577, %add3A_653] : memref<32x256xf32, #tpu.memory_space<vmem>>[vector<16xi32>, vector<16xi32>], vector<16xf32>,
          %mul3A_655 = arith.constant 32 : i32
          %mul3A_656 = vector.broadcast %mul3A_655 : i32 to vector<16xi32>
          %mul3A_657 = arith.muli %add3A_650, %mul3A_656 : vector<16xi32>
          %add3A_658 = arith.constant 0 : i32
          %add3A_659 = vector.broadcast %add3A_658 : i32 to vector<16xi32>
          %add3A_660 = arith.addi %add3A_659, %mul3A_657 : vector<16xi32>
          %add3A_661 = arith.addi %add3A_660, %and3A_577 : vector<16xi32>
          tpu.vector_store_idx %arg10[%add3A_661], %gather3A_654 : memref<8192xf32, #tpu.memory_space<vmem>>[vector<16xi32>], vector<16xf32>,
          %add3A_662 = arith.constant 96 : i32
          %add3A_663 = vector.broadcast %add3A_662 : i32 to vector<16xi32>
          %add3A_664 = arith.addi %add3A_663, %iota3A : vector<16xi32>
          %add3A_665 = arith.constant 0 : i32
          %add3A_666 = vector.broadcast %add3A_665 : i32 to vector<16xi32>
          %add3A_667 = arith.addi %add3A_666, %add3A_664 : vector<16xi32>
          %gather3A_668 = tpu.vector_load_idx %arg8[%and3A_577, %add3A_667] : memref<32x256xf32, #tpu.memory_space<vmem>>[vector<16xi32>, vector<16xi32>], vector<16xf32>,
          %mul3A_669 = arith.constant 32 : i32
          %mul3A_670 = vector.broadcast %mul3A_669 : i32 to vector<16xi32>
          %mul3A_671 = arith.muli %add3A_664, %mul3A_670 : vector<16xi32>
          %add3A_672 = arith.constant 0 : i32
          %add3A_673 = vector.broadcast %add3A_672 : i32 to vector<16xi32>
          %add3A_674 = arith.addi %add3A_673, %mul3A_671 : vector<16xi32>
          %add3A_675 = arith.addi %add3A_674, %and3A_577 : vector<16xi32>
          tpu.vector_store_idx %arg10[%add3A_675], %gather3A_668 : memref<8192xf32, #tpu.memory_space<vmem>>[vector<16xi32>], vector<16xf32>,
          %add3A_676 = arith.constant 112 : i32
          %add3A_677 = vector.broadcast %add3A_676 : i32 to vector<16xi32>
          %add3A_678 = arith.addi %add3A_677, %iota3A : vector<16xi32>
          %add3A_679 = arith.constant 0 : i32
          %add3A_680 = vector.broadcast %add3A_679 : i32 to vector<16xi32>
          %add3A_681 = arith.addi %add3A_680, %add3A_678 : vector<16xi32>
          %gather3A_682 = tpu.vector_load_idx %arg8[%and3A_577, %add3A_681] : memref<32x256xf32, #tpu.memory_space<vmem>>[vector<16xi32>, vector<16xi32>], vector<16xf32>,
          %mul3A_683 = arith.constant 32 : i32
          %mul3A_684 = vector.broadcast %mul3A_683 : i32 to vector<16xi32>
          %mul3A_685 = arith.muli %add3A_678, %mul3A_684 : vector<16xi32>
          %add3A_686 = arith.constant 0 : i32
          %add3A_687 = vector.broadcast %add3A_686 : i32 to vector<16xi32>
          %add3A_688 = arith.addi %add3A_687, %mul3A_685 : vector<16xi32>
          %add3A_689 = arith.addi %add3A_688, %and3A_577 : vector<16xi32>
          tpu.vector_store_idx %arg10[%add3A_689], %gather3A_682 : memref<8192xf32, #tpu.memory_space<vmem>>[vector<16xi32>], vector<16xf32>,
          %add3A_690 = arith.constant 0 : i32
          %add3A_691 = vector.broadcast %add3A_690 : i32 to vector<16xi32>
          %add3A_692 = arith.addi %add3A_691, %iota3A : vector<16xi32>
          %add3A_693 = arith.constant 128 : i32
          %add3A_694 = vector.broadcast %add3A_693 : i32 to vector<16xi32>
          %add3A_695 = arith.addi %add3A_694, %add3A_692 : vector<16xi32>
          %gather3A_696 = tpu.vector_load_idx %arg8[%and3A_577, %add3A_695] : memref<32x256xf32, #tpu.memory_space<vmem>>[vector<16xi32>, vector<16xi32>], vector<16xf32>,
          %mul3A_697 = arith.constant 32 : i32
          %mul3A_698 = vector.broadcast %mul3A_697 : i32 to vector<16xi32>
          %mul3A_699 = arith.muli %add3A_692, %mul3A_698 : vector<16xi32>
          %add3A_700 = arith.constant 4096 : i32
          %add3A_701 = vector.broadcast %add3A_700 : i32 to vector<16xi32>
          %add3A_702 = arith.addi %add3A_701, %mul3A_699 : vector<16xi32>
          %add3A_703 = arith.addi %add3A_702, %and3A_577 : vector<16xi32>
          tpu.vector_store_idx %arg10[%add3A_703], %gather3A_696 : memref<8192xf32, #tpu.memory_space<vmem>>[vector<16xi32>], vector<16xf32>,
          %add3A_704 = arith.constant 16 : i32
          %add3A_705 = vector.broadcast %add3A_704 : i32 to vector<16xi32>
          %add3A_706 = arith.addi %add3A_705, %iota3A : vector<16xi32>
          %add3A_707 = arith.constant 128 : i32
          %add3A_708 = vector.broadcast %add3A_707 : i32 to vector<16xi32>
          %add3A_709 = arith.addi %add3A_708, %add3A_706 : vector<16xi32>
          %gather3A_710 = tpu.vector_load_idx %arg8[%and3A_577, %add3A_709] : memref<32x256xf32, #tpu.memory_space<vmem>>[vector<16xi32>, vector<16xi32>], vector<16xf32>,
          %mul3A_711 = arith.constant 32 : i32
          %mul3A_712 = vector.broadcast %mul3A_711 : i32 to vector<16xi32>
          %mul3A_713 = arith.muli %add3A_706, %mul3A_712 : vector<16xi32>
          %add3A_714 = arith.constant 4096 : i32
          %add3A_715 = vector.broadcast %add3A_714 : i32 to vector<16xi32>
          %add3A_716 = arith.addi %add3A_715, %mul3A_713 : vector<16xi32>
          %add3A_717 = arith.addi %add3A_716, %and3A_577 : vector<16xi32>
          tpu.vector_store_idx %arg10[%add3A_717], %gather3A_710 : memref<8192xf32, #tpu.memory_space<vmem>>[vector<16xi32>], vector<16xf32>,
          %add3A_718 = arith.constant 32 : i32
          %add3A_719 = vector.broadcast %add3A_718 : i32 to vector<16xi32>
          %add3A_720 = arith.addi %add3A_719, %iota3A : vector<16xi32>
          %add3A_721 = arith.constant 128 : i32
          %add3A_722 = vector.broadcast %add3A_721 : i32 to vector<16xi32>
          %add3A_723 = arith.addi %add3A_722, %add3A_720 : vector<16xi32>
          %gather3A_724 = tpu.vector_load_idx %arg8[%and3A_577, %add3A_723] : memref<32x256xf32, #tpu.memory_space<vmem>>[vector<16xi32>, vector<16xi32>], vector<16xf32>,
          %mul3A_725 = arith.constant 32 : i32
          %mul3A_726 = vector.broadcast %mul3A_725 : i32 to vector<16xi32>
          %mul3A_727 = arith.muli %add3A_720, %mul3A_726 : vector<16xi32>
          %add3A_728 = arith.constant 4096 : i32
          %add3A_729 = vector.broadcast %add3A_728 : i32 to vector<16xi32>
          %add3A_730 = arith.addi %add3A_729, %mul3A_727 : vector<16xi32>
          %add3A_731 = arith.addi %add3A_730, %and3A_577 : vector<16xi32>
          tpu.vector_store_idx %arg10[%add3A_731], %gather3A_724 : memref<8192xf32, #tpu.memory_space<vmem>>[vector<16xi32>], vector<16xf32>,
          %add3A_732 = arith.constant 48 : i32
          %add3A_733 = vector.broadcast %add3A_732 : i32 to vector<16xi32>
          %add3A_734 = arith.addi %add3A_733, %iota3A : vector<16xi32>
          %add3A_735 = arith.constant 128 : i32
          %add3A_736 = vector.broadcast %add3A_735 : i32 to vector<16xi32>
          %add3A_737 = arith.addi %add3A_736, %add3A_734 : vector<16xi32>
          %gather3A_738 = tpu.vector_load_idx %arg8[%and3A_577, %add3A_737] : memref<32x256xf32, #tpu.memory_space<vmem>>[vector<16xi32>, vector<16xi32>], vector<16xf32>,
          %mul3A_739 = arith.constant 32 : i32
          %mul3A_740 = vector.broadcast %mul3A_739 : i32 to vector<16xi32>
          %mul3A_741 = arith.muli %add3A_734, %mul3A_740 : vector<16xi32>
          %add3A_742 = arith.constant 4096 : i32
          %add3A_743 = vector.broadcast %add3A_742 : i32 to vector<16xi32>
          %add3A_744 = arith.addi %add3A_743, %mul3A_741 : vector<16xi32>
          %add3A_745 = arith.addi %add3A_744, %and3A_577 : vector<16xi32>
          tpu.vector_store_idx %arg10[%add3A_745], %gather3A_738 : memref<8192xf32, #tpu.memory_space<vmem>>[vector<16xi32>], vector<16xf32>,
          %add3A_746 = arith.constant 64 : i32
          %add3A_747 = vector.broadcast %add3A_746 : i32 to vector<16xi32>
          %add3A_748 = arith.addi %add3A_747, %iota3A : vector<16xi32>
          %add3A_749 = arith.constant 128 : i32
          %add3A_750 = vector.broadcast %add3A_749 : i32 to vector<16xi32>
          %add3A_751 = arith.addi %add3A_750, %add3A_748 : vector<16xi32>
          %gather3A_752 = tpu.vector_load_idx %arg8[%and3A_577, %add3A_751] : memref<32x256xf32, #tpu.memory_space<vmem>>[vector<16xi32>, vector<16xi32>], vector<16xf32>,
          %mul3A_753 = arith.constant 32 : i32
          %mul3A_754 = vector.broadcast %mul3A_753 : i32 to vector<16xi32>
          %mul3A_755 = arith.muli %add3A_748, %mul3A_754 : vector<16xi32>
          %add3A_756 = arith.constant 4096 : i32
          %add3A_757 = vector.broadcast %add3A_756 : i32 to vector<16xi32>
          %add3A_758 = arith.addi %add3A_757, %mul3A_755 : vector<16xi32>
          %add3A_759 = arith.addi %add3A_758, %and3A_577 : vector<16xi32>
          tpu.vector_store_idx %arg10[%add3A_759], %gather3A_752 : memref<8192xf32, #tpu.memory_space<vmem>>[vector<16xi32>], vector<16xf32>,
          %add3A_760 = arith.constant 80 : i32
          %add3A_761 = vector.broadcast %add3A_760 : i32 to vector<16xi32>
          %add3A_762 = arith.addi %add3A_761, %iota3A : vector<16xi32>
          %add3A_763 = arith.constant 128 : i32
          %add3A_764 = vector.broadcast %add3A_763 : i32 to vector<16xi32>
          %add3A_765 = arith.addi %add3A_764, %add3A_762 : vector<16xi32>
          %gather3A_766 = tpu.vector_load_idx %arg8[%and3A_577, %add3A_765] : memref<32x256xf32, #tpu.memory_space<vmem>>[vector<16xi32>, vector<16xi32>], vector<16xf32>,
          %mul3A_767 = arith.constant 32 : i32
          %mul3A_768 = vector.broadcast %mul3A_767 : i32 to vector<16xi32>
          %mul3A_769 = arith.muli %add3A_762, %mul3A_768 : vector<16xi32>
          %add3A_770 = arith.constant 4096 : i32
          %add3A_771 = vector.broadcast %add3A_770 : i32 to vector<16xi32>
          %add3A_772 = arith.addi %add3A_771, %mul3A_769 : vector<16xi32>
          %add3A_773 = arith.addi %add3A_772, %and3A_577 : vector<16xi32>
          tpu.vector_store_idx %arg10[%add3A_773], %gather3A_766 : memref<8192xf32, #tpu.memory_space<vmem>>[vector<16xi32>], vector<16xf32>,
          %add3A_774 = arith.constant 96 : i32
          %add3A_775 = vector.broadcast %add3A_774 : i32 to vector<16xi32>
          %add3A_776 = arith.addi %add3A_775, %iota3A : vector<16xi32>
          %add3A_777 = arith.constant 128 : i32
          %add3A_778 = vector.broadcast %add3A_777 : i32 to vector<16xi32>
          %add3A_779 = arith.addi %add3A_778, %add3A_776 : vector<16xi32>
          %gather3A_780 = tpu.vector_load_idx %arg8[%and3A_577, %add3A_779] : memref<32x256xf32, #tpu.memory_space<vmem>>[vector<16xi32>, vector<16xi32>], vector<16xf32>,
          %mul3A_781 = arith.constant 32 : i32
          %mul3A_782 = vector.broadcast %mul3A_781 : i32 to vector<16xi32>
          %mul3A_783 = arith.muli %add3A_776, %mul3A_782 : vector<16xi32>
          %add3A_784 = arith.constant 4096 : i32
          %add3A_785 = vector.broadcast %add3A_784 : i32 to vector<16xi32>
          %add3A_786 = arith.addi %add3A_785, %mul3A_783 : vector<16xi32>
          %add3A_787 = arith.addi %add3A_786, %and3A_577 : vector<16xi32>
          tpu.vector_store_idx %arg10[%add3A_787], %gather3A_780 : memref<8192xf32, #tpu.memory_space<vmem>>[vector<16xi32>], vector<16xf32>,
          %add3A_788 = arith.constant 112 : i32
          %add3A_789 = vector.broadcast %add3A_788 : i32 to vector<16xi32>
          %add3A_790 = arith.addi %add3A_789, %iota3A : vector<16xi32>
          %add3A_791 = arith.constant 128 : i32
          %add3A_792 = vector.broadcast %add3A_791 : i32 to vector<16xi32>
          %add3A_793 = arith.addi %add3A_792, %add3A_790 : vector<16xi32>
          %gather3A_794 = tpu.vector_load_idx %arg8[%and3A_577, %add3A_793] : memref<32x256xf32, #tpu.memory_space<vmem>>[vector<16xi32>, vector<16xi32>], vector<16xf32>,
          %mul3A_795 = arith.constant 32 : i32
          %mul3A_796 = vector.broadcast %mul3A_795 : i32 to vector<16xi32>
          %mul3A_797 = arith.muli %add3A_790, %mul3A_796 : vector<16xi32>
          %add3A_798 = arith.constant 4096 : i32
          %add3A_799 = vector.broadcast %add3A_798 : i32 to vector<16xi32>
          %add3A_800 = arith.addi %add3A_799, %mul3A_797 : vector<16xi32>
          %add3A_801 = arith.addi %add3A_800, %and3A_577 : vector<16xi32>
          tpu.vector_store_idx %arg10[%add3A_801], %gather3A_794 : memref<8192xf32, #tpu.memory_space<vmem>>[vector<16xi32>], vector<16xf32>,
          %mul3A_802 = arith.constant 4 : i32
          %mul3A_803 = arith.muli %scan3A_103, %mul3A_802 : i32
          %add3A_804 = arith.constant 3 : i32
          %add3A_805 = arith.addi %mul3A_803, %add3A_804 : i32
          %add3A_806 = vector.broadcast %add3A_805 : i32 to vector<16xi32>
          %add3A_807 = arith.addi %add3A_806, %iota3A : vector<16xi32>
          %and3A_808 = arith.constant 31 : i32
          %and3A_809 = vector.broadcast %and3A_808 : i32 to vector<16xi32>
          %and3A_810 = arith.andi %add3A_807, %and3A_809 : vector<16xi32>
          %add3A_811 = arith.constant 0 : i32
          %add3A_812 = vector.broadcast %add3A_811 : i32 to vector<16xi32>
          %add3A_813 = arith.addi %add3A_812, %iota3A : vector<16xi32>
          %add3A_814 = arith.constant 0 : i32
          %add3A_815 = vector.broadcast %add3A_814 : i32 to vector<16xi32>
          %add3A_816 = arith.addi %add3A_815, %add3A_813 : vector<16xi32>
          %gather3A_817 = tpu.vector_load_idx %arg8[%and3A_810, %add3A_816] : memref<32x256xf32, #tpu.memory_space<vmem>>[vector<16xi32>, vector<16xi32>], vector<16xf32>,
          %mul3A_818 = arith.constant 32 : i32
          %mul3A_819 = vector.broadcast %mul3A_818 : i32 to vector<16xi32>
          %mul3A_820 = arith.muli %add3A_813, %mul3A_819 : vector<16xi32>
          %add3A_821 = arith.constant 0 : i32
          %add3A_822 = vector.broadcast %add3A_821 : i32 to vector<16xi32>
          %add3A_823 = arith.addi %add3A_822, %mul3A_820 : vector<16xi32>
          %add3A_824 = arith.addi %add3A_823, %and3A_810 : vector<16xi32>
          tpu.vector_store_idx %arg10[%add3A_824], %gather3A_817 : memref<8192xf32, #tpu.memory_space<vmem>>[vector<16xi32>], vector<16xf32>,
          %add3A_825 = arith.constant 16 : i32
          %add3A_826 = vector.broadcast %add3A_825 : i32 to vector<16xi32>
          %add3A_827 = arith.addi %add3A_826, %iota3A : vector<16xi32>
          %add3A_828 = arith.constant 0 : i32
          %add3A_829 = vector.broadcast %add3A_828 : i32 to vector<16xi32>
          %add3A_830 = arith.addi %add3A_829, %add3A_827 : vector<16xi32>
          %gather3A_831 = tpu.vector_load_idx %arg8[%and3A_810, %add3A_830] : memref<32x256xf32, #tpu.memory_space<vmem>>[vector<16xi32>, vector<16xi32>], vector<16xf32>,
          %mul3A_832 = arith.constant 32 : i32
          %mul3A_833 = vector.broadcast %mul3A_832 : i32 to vector<16xi32>
          %mul3A_834 = arith.muli %add3A_827, %mul3A_833 : vector<16xi32>
          %add3A_835 = arith.constant 0 : i32
          %add3A_836 = vector.broadcast %add3A_835 : i32 to vector<16xi32>
          %add3A_837 = arith.addi %add3A_836, %mul3A_834 : vector<16xi32>
          %add3A_838 = arith.addi %add3A_837, %and3A_810 : vector<16xi32>
          tpu.vector_store_idx %arg10[%add3A_838], %gather3A_831 : memref<8192xf32, #tpu.memory_space<vmem>>[vector<16xi32>], vector<16xf32>,
          %add3A_839 = arith.constant 32 : i32
          %add3A_840 = vector.broadcast %add3A_839 : i32 to vector<16xi32>
          %add3A_841 = arith.addi %add3A_840, %iota3A : vector<16xi32>
          %add3A_842 = arith.constant 0 : i32
          %add3A_843 = vector.broadcast %add3A_842 : i32 to vector<16xi32>
          %add3A_844 = arith.addi %add3A_843, %add3A_841 : vector<16xi32>
          %gather3A_845 = tpu.vector_load_idx %arg8[%and3A_810, %add3A_844] : memref<32x256xf32, #tpu.memory_space<vmem>>[vector<16xi32>, vector<16xi32>], vector<16xf32>,
          %mul3A_846 = arith.constant 32 : i32
          %mul3A_847 = vector.broadcast %mul3A_846 : i32 to vector<16xi32>
          %mul3A_848 = arith.muli %add3A_841, %mul3A_847 : vector<16xi32>
          %add3A_849 = arith.constant 0 : i32
          %add3A_850 = vector.broadcast %add3A_849 : i32 to vector<16xi32>
          %add3A_851 = arith.addi %add3A_850, %mul3A_848 : vector<16xi32>
          %add3A_852 = arith.addi %add3A_851, %and3A_810 : vector<16xi32>
          tpu.vector_store_idx %arg10[%add3A_852], %gather3A_845 : memref<8192xf32, #tpu.memory_space<vmem>>[vector<16xi32>], vector<16xf32>,
          %add3A_853 = arith.constant 48 : i32
          %add3A_854 = vector.broadcast %add3A_853 : i32 to vector<16xi32>
          %add3A_855 = arith.addi %add3A_854, %iota3A : vector<16xi32>
          %add3A_856 = arith.constant 0 : i32
          %add3A_857 = vector.broadcast %add3A_856 : i32 to vector<16xi32>
          %add3A_858 = arith.addi %add3A_857, %add3A_855 : vector<16xi32>
          %gather3A_859 = tpu.vector_load_idx %arg8[%and3A_810, %add3A_858] : memref<32x256xf32, #tpu.memory_space<vmem>>[vector<16xi32>, vector<16xi32>], vector<16xf32>,
          %mul3A_860 = arith.constant 32 : i32
          %mul3A_861 = vector.broadcast %mul3A_860 : i32 to vector<16xi32>
          %mul3A_862 = arith.muli %add3A_855, %mul3A_861 : vector<16xi32>
          %add3A_863 = arith.constant 0 : i32
          %add3A_864 = vector.broadcast %add3A_863 : i32 to vector<16xi32>
          %add3A_865 = arith.addi %add3A_864, %mul3A_862 : vector<16xi32>
          %add3A_866 = arith.addi %add3A_865, %and3A_810 : vector<16xi32>
          tpu.vector_store_idx %arg10[%add3A_866], %gather3A_859 : memref<8192xf32, #tpu.memory_space<vmem>>[vector<16xi32>], vector<16xf32>,
          %add3A_867 = arith.constant 64 : i32
          %add3A_868 = vector.broadcast %add3A_867 : i32 to vector<16xi32>
          %add3A_869 = arith.addi %add3A_868, %iota3A : vector<16xi32>
          %add3A_870 = arith.constant 0 : i32
          %add3A_871 = vector.broadcast %add3A_870 : i32 to vector<16xi32>
          %add3A_872 = arith.addi %add3A_871, %add3A_869 : vector<16xi32>
          %gather3A_873 = tpu.vector_load_idx %arg8[%and3A_810, %add3A_872] : memref<32x256xf32, #tpu.memory_space<vmem>>[vector<16xi32>, vector<16xi32>], vector<16xf32>,
          %mul3A_874 = arith.constant 32 : i32
          %mul3A_875 = vector.broadcast %mul3A_874 : i32 to vector<16xi32>
          %mul3A_876 = arith.muli %add3A_869, %mul3A_875 : vector<16xi32>
          %add3A_877 = arith.constant 0 : i32
          %add3A_878 = vector.broadcast %add3A_877 : i32 to vector<16xi32>
          %add3A_879 = arith.addi %add3A_878, %mul3A_876 : vector<16xi32>
          %add3A_880 = arith.addi %add3A_879, %and3A_810 : vector<16xi32>
          tpu.vector_store_idx %arg10[%add3A_880], %gather3A_873 : memref<8192xf32, #tpu.memory_space<vmem>>[vector<16xi32>], vector<16xf32>,
          %add3A_881 = arith.constant 80 : i32
          %add3A_882 = vector.broadcast %add3A_881 : i32 to vector<16xi32>
          %add3A_883 = arith.addi %add3A_882, %iota3A : vector<16xi32>
          %add3A_884 = arith.constant 0 : i32
          %add3A_885 = vector.broadcast %add3A_884 : i32 to vector<16xi32>
          %add3A_886 = arith.addi %add3A_885, %add3A_883 : vector<16xi32>
          %gather3A_887 = tpu.vector_load_idx %arg8[%and3A_810, %add3A_886] : memref<32x256xf32, #tpu.memory_space<vmem>>[vector<16xi32>, vector<16xi32>], vector<16xf32>,
          %mul3A_888 = arith.constant 32 : i32
          %mul3A_889 = vector.broadcast %mul3A_888 : i32 to vector<16xi32>
          %mul3A_890 = arith.muli %add3A_883, %mul3A_889 : vector<16xi32>
          %add3A_891 = arith.constant 0 : i32
          %add3A_892 = vector.broadcast %add3A_891 : i32 to vector<16xi32>
          %add3A_893 = arith.addi %add3A_892, %mul3A_890 : vector<16xi32>
          %add3A_894 = arith.addi %add3A_893, %and3A_810 : vector<16xi32>
          tpu.vector_store_idx %arg10[%add3A_894], %gather3A_887 : memref<8192xf32, #tpu.memory_space<vmem>>[vector<16xi32>], vector<16xf32>,
          %add3A_895 = arith.constant 96 : i32
          %add3A_896 = vector.broadcast %add3A_895 : i32 to vector<16xi32>
          %add3A_897 = arith.addi %add3A_896, %iota3A : vector<16xi32>
          %add3A_898 = arith.constant 0 : i32
          %add3A_899 = vector.broadcast %add3A_898 : i32 to vector<16xi32>
          %add3A_900 = arith.addi %add3A_899, %add3A_897 : vector<16xi32>
          %gather3A_901 = tpu.vector_load_idx %arg8[%and3A_810, %add3A_900] : memref<32x256xf32, #tpu.memory_space<vmem>>[vector<16xi32>, vector<16xi32>], vector<16xf32>,
          %mul3A_902 = arith.constant 32 : i32
          %mul3A_903 = vector.broadcast %mul3A_902 : i32 to vector<16xi32>
          %mul3A_904 = arith.muli %add3A_897, %mul3A_903 : vector<16xi32>
          %add3A_905 = arith.constant 0 : i32
          %add3A_906 = vector.broadcast %add3A_905 : i32 to vector<16xi32>
          %add3A_907 = arith.addi %add3A_906, %mul3A_904 : vector<16xi32>
          %add3A_908 = arith.addi %add3A_907, %and3A_810 : vector<16xi32>
          tpu.vector_store_idx %arg10[%add3A_908], %gather3A_901 : memref<8192xf32, #tpu.memory_space<vmem>>[vector<16xi32>], vector<16xf32>,
          %add3A_909 = arith.constant 112 : i32
          %add3A_910 = vector.broadcast %add3A_909 : i32 to vector<16xi32>
          %add3A_911 = arith.addi %add3A_910, %iota3A : vector<16xi32>
          %add3A_912 = arith.constant 0 : i32
          %add3A_913 = vector.broadcast %add3A_912 : i32 to vector<16xi32>
          %add3A_914 = arith.addi %add3A_913, %add3A_911 : vector<16xi32>
          %gather3A_915 = tpu.vector_load_idx %arg8[%and3A_810, %add3A_914] : memref<32x256xf32, #tpu.memory_space<vmem>>[vector<16xi32>, vector<16xi32>], vector<16xf32>,
          %mul3A_916 = arith.constant 32 : i32
          %mul3A_917 = vector.broadcast %mul3A_916 : i32 to vector<16xi32>
          %mul3A_918 = arith.muli %add3A_911, %mul3A_917 : vector<16xi32>
          %add3A_919 = arith.constant 0 : i32
          %add3A_920 = vector.broadcast %add3A_919 : i32 to vector<16xi32>
          %add3A_921 = arith.addi %add3A_920, %mul3A_918 : vector<16xi32>
          %add3A_922 = arith.addi %add3A_921, %and3A_810 : vector<16xi32>
          tpu.vector_store_idx %arg10[%add3A_922], %gather3A_915 : memref<8192xf32, #tpu.memory_space<vmem>>[vector<16xi32>], vector<16xf32>,
          %add3A_923 = arith.constant 0 : i32
          %add3A_924 = vector.broadcast %add3A_923 : i32 to vector<16xi32>
          %add3A_925 = arith.addi %add3A_924, %iota3A : vector<16xi32>
          %add3A_926 = arith.constant 128 : i32
          %add3A_927 = vector.broadcast %add3A_926 : i32 to vector<16xi32>
          %add3A_928 = arith.addi %add3A_927, %add3A_925 : vector<16xi32>
          %gather3A_929 = tpu.vector_load_idx %arg8[%and3A_810, %add3A_928] : memref<32x256xf32, #tpu.memory_space<vmem>>[vector<16xi32>, vector<16xi32>], vector<16xf32>,
          %mul3A_930 = arith.constant 32 : i32
          %mul3A_931 = vector.broadcast %mul3A_930 : i32 to vector<16xi32>
          %mul3A_932 = arith.muli %add3A_925, %mul3A_931 : vector<16xi32>
          %add3A_933 = arith.constant 4096 : i32
          %add3A_934 = vector.broadcast %add3A_933 : i32 to vector<16xi32>
          %add3A_935 = arith.addi %add3A_934, %mul3A_932 : vector<16xi32>
          %add3A_936 = arith.addi %add3A_935, %and3A_810 : vector<16xi32>
          tpu.vector_store_idx %arg10[%add3A_936], %gather3A_929 : memref<8192xf32, #tpu.memory_space<vmem>>[vector<16xi32>], vector<16xf32>,
          %add3A_937 = arith.constant 16 : i32
          %add3A_938 = vector.broadcast %add3A_937 : i32 to vector<16xi32>
          %add3A_939 = arith.addi %add3A_938, %iota3A : vector<16xi32>
          %add3A_940 = arith.constant 128 : i32
          %add3A_941 = vector.broadcast %add3A_940 : i32 to vector<16xi32>
          %add3A_942 = arith.addi %add3A_941, %add3A_939 : vector<16xi32>
          %gather3A_943 = tpu.vector_load_idx %arg8[%and3A_810, %add3A_942] : memref<32x256xf32, #tpu.memory_space<vmem>>[vector<16xi32>, vector<16xi32>], vector<16xf32>,
          %mul3A_944 = arith.constant 32 : i32
          %mul3A_945 = vector.broadcast %mul3A_944 : i32 to vector<16xi32>
          %mul3A_946 = arith.muli %add3A_939, %mul3A_945 : vector<16xi32>
          %add3A_947 = arith.constant 4096 : i32
          %add3A_948 = vector.broadcast %add3A_947 : i32 to vector<16xi32>
          %add3A_949 = arith.addi %add3A_948, %mul3A_946 : vector<16xi32>
          %add3A_950 = arith.addi %add3A_949, %and3A_810 : vector<16xi32>
          tpu.vector_store_idx %arg10[%add3A_950], %gather3A_943 : memref<8192xf32, #tpu.memory_space<vmem>>[vector<16xi32>], vector<16xf32>,
          %add3A_951 = arith.constant 32 : i32
          %add3A_952 = vector.broadcast %add3A_951 : i32 to vector<16xi32>
          %add3A_953 = arith.addi %add3A_952, %iota3A : vector<16xi32>
          %add3A_954 = arith.constant 128 : i32
          %add3A_955 = vector.broadcast %add3A_954 : i32 to vector<16xi32>
          %add3A_956 = arith.addi %add3A_955, %add3A_953 : vector<16xi32>
          %gather3A_957 = tpu.vector_load_idx %arg8[%and3A_810, %add3A_956] : memref<32x256xf32, #tpu.memory_space<vmem>>[vector<16xi32>, vector<16xi32>], vector<16xf32>,
          %mul3A_958 = arith.constant 32 : i32
          %mul3A_959 = vector.broadcast %mul3A_958 : i32 to vector<16xi32>
          %mul3A_960 = arith.muli %add3A_953, %mul3A_959 : vector<16xi32>
          %add3A_961 = arith.constant 4096 : i32
          %add3A_962 = vector.broadcast %add3A_961 : i32 to vector<16xi32>
          %add3A_963 = arith.addi %add3A_962, %mul3A_960 : vector<16xi32>
          %add3A_964 = arith.addi %add3A_963, %and3A_810 : vector<16xi32>
          tpu.vector_store_idx %arg10[%add3A_964], %gather3A_957 : memref<8192xf32, #tpu.memory_space<vmem>>[vector<16xi32>], vector<16xf32>,
          %add3A_965 = arith.constant 48 : i32
          %add3A_966 = vector.broadcast %add3A_965 : i32 to vector<16xi32>
          %add3A_967 = arith.addi %add3A_966, %iota3A : vector<16xi32>
          %add3A_968 = arith.constant 128 : i32
          %add3A_969 = vector.broadcast %add3A_968 : i32 to vector<16xi32>
          %add3A_970 = arith.addi %add3A_969, %add3A_967 : vector<16xi32>
          %gather3A_971 = tpu.vector_load_idx %arg8[%and3A_810, %add3A_970] : memref<32x256xf32, #tpu.memory_space<vmem>>[vector<16xi32>, vector<16xi32>], vector<16xf32>,
          %mul3A_972 = arith.constant 32 : i32
          %mul3A_973 = vector.broadcast %mul3A_972 : i32 to vector<16xi32>
          %mul3A_974 = arith.muli %add3A_967, %mul3A_973 : vector<16xi32>
          %add3A_975 = arith.constant 4096 : i32
          %add3A_976 = vector.broadcast %add3A_975 : i32 to vector<16xi32>
          %add3A_977 = arith.addi %add3A_976, %mul3A_974 : vector<16xi32>
          %add3A_978 = arith.addi %add3A_977, %and3A_810 : vector<16xi32>
          tpu.vector_store_idx %arg10[%add3A_978], %gather3A_971 : memref<8192xf32, #tpu.memory_space<vmem>>[vector<16xi32>], vector<16xf32>,
          %add3A_979 = arith.constant 64 : i32
          %add3A_980 = vector.broadcast %add3A_979 : i32 to vector<16xi32>
          %add3A_981 = arith.addi %add3A_980, %iota3A : vector<16xi32>
          %add3A_982 = arith.constant 128 : i32
          %add3A_983 = vector.broadcast %add3A_982 : i32 to vector<16xi32>
          %add3A_984 = arith.addi %add3A_983, %add3A_981 : vector<16xi32>
          %gather3A_985 = tpu.vector_load_idx %arg8[%and3A_810, %add3A_984] : memref<32x256xf32, #tpu.memory_space<vmem>>[vector<16xi32>, vector<16xi32>], vector<16xf32>,
          %mul3A_986 = arith.constant 32 : i32
          %mul3A_987 = vector.broadcast %mul3A_986 : i32 to vector<16xi32>
          %mul3A_988 = arith.muli %add3A_981, %mul3A_987 : vector<16xi32>
          %add3A_989 = arith.constant 4096 : i32
          %add3A_990 = vector.broadcast %add3A_989 : i32 to vector<16xi32>
          %add3A_991 = arith.addi %add3A_990, %mul3A_988 : vector<16xi32>
          %add3A_992 = arith.addi %add3A_991, %and3A_810 : vector<16xi32>
          tpu.vector_store_idx %arg10[%add3A_992], %gather3A_985 : memref<8192xf32, #tpu.memory_space<vmem>>[vector<16xi32>], vector<16xf32>,
          %add3A_993 = arith.constant 80 : i32
          %add3A_994 = vector.broadcast %add3A_993 : i32 to vector<16xi32>
          %add3A_995 = arith.addi %add3A_994, %iota3A : vector<16xi32>
          %add3A_996 = arith.constant 128 : i32
          %add3A_997 = vector.broadcast %add3A_996 : i32 to vector<16xi32>
          %add3A_998 = arith.addi %add3A_997, %add3A_995 : vector<16xi32>
          %gather3A_999 = tpu.vector_load_idx %arg8[%and3A_810, %add3A_998] : memref<32x256xf32, #tpu.memory_space<vmem>>[vector<16xi32>, vector<16xi32>], vector<16xf32>,
          %mul3A_1000 = arith.constant 32 : i32
          %mul3A_1001 = vector.broadcast %mul3A_1000 : i32 to vector<16xi32>
          %mul3A_1002 = arith.muli %add3A_995, %mul3A_1001 : vector<16xi32>
          %add3A_1003 = arith.constant 4096 : i32
          %add3A_1004 = vector.broadcast %add3A_1003 : i32 to vector<16xi32>
          %add3A_1005 = arith.addi %add3A_1004, %mul3A_1002 : vector<16xi32>
          %add3A_1006 = arith.addi %add3A_1005, %and3A_810 : vector<16xi32>
          tpu.vector_store_idx %arg10[%add3A_1006], %gather3A_999 : memref<8192xf32, #tpu.memory_space<vmem>>[vector<16xi32>], vector<16xf32>,
          %add3A_1007 = arith.constant 96 : i32
          %add3A_1008 = vector.broadcast %add3A_1007 : i32 to vector<16xi32>
          %add3A_1009 = arith.addi %add3A_1008, %iota3A : vector<16xi32>
          %add3A_1010 = arith.constant 128 : i32
          %add3A_1011 = vector.broadcast %add3A_1010 : i32 to vector<16xi32>
          %add3A_1012 = arith.addi %add3A_1011, %add3A_1009 : vector<16xi32>
          %gather3A_1013 = tpu.vector_load_idx %arg8[%and3A_810, %add3A_1012] : memref<32x256xf32, #tpu.memory_space<vmem>>[vector<16xi32>, vector<16xi32>], vector<16xf32>,
          %mul3A_1014 = arith.constant 32 : i32
          %mul3A_1015 = vector.broadcast %mul3A_1014 : i32 to vector<16xi32>
          %mul3A_1016 = arith.muli %add3A_1009, %mul3A_1015 : vector<16xi32>
          %add3A_1017 = arith.constant 4096 : i32
          %add3A_1018 = vector.broadcast %add3A_1017 : i32 to vector<16xi32>
          %add3A_1019 = arith.addi %add3A_1018, %mul3A_1016 : vector<16xi32>
          %add3A_1020 = arith.addi %add3A_1019, %and3A_810 : vector<16xi32>
          tpu.vector_store_idx %arg10[%add3A_1020], %gather3A_1013 : memref<8192xf32, #tpu.memory_space<vmem>>[vector<16xi32>], vector<16xf32>,
          %add3A_1021 = arith.constant 112 : i32
          %add3A_1022 = vector.broadcast %add3A_1021 : i32 to vector<16xi32>
          %add3A_1023 = arith.addi %add3A_1022, %iota3A : vector<16xi32>
          %add3A_1024 = arith.constant 128 : i32
          %add3A_1025 = vector.broadcast %add3A_1024 : i32 to vector<16xi32>
          %add3A_1026 = arith.addi %add3A_1025, %add3A_1023 : vector<16xi32>
          %gather3A_1027 = tpu.vector_load_idx %arg8[%and3A_810, %add3A_1026] : memref<32x256xf32, #tpu.memory_space<vmem>>[vector<16xi32>, vector<16xi32>], vector<16xf32>,
          %mul3A_1028 = arith.constant 32 : i32
          %mul3A_1029 = vector.broadcast %mul3A_1028 : i32 to vector<16xi32>
          %mul3A_1030 = arith.muli %add3A_1023, %mul3A_1029 : vector<16xi32>
          %add3A_1031 = arith.constant 4096 : i32
          %add3A_1032 = vector.broadcast %add3A_1031 : i32 to vector<16xi32>
          %add3A_1033 = arith.addi %add3A_1032, %mul3A_1030 : vector<16xi32>
          %add3A_1034 = arith.addi %add3A_1033, %and3A_810 : vector<16xi32>
          tpu.vector_store_idx %arg10[%add3A_1034], %gather3A_1027 : memref<8192xf32, #tpu.memory_space<vmem>>[vector<16xi32>], vector<16xf32>,
          %scan3A_1035 = arith.constant 0 : i32
          scf.yield %scan3A_1035 : i32
        }
        %scan3A_93 = arith.constant 8 : i32
        %sub3A = arith.constant 2 : i32
        %sub3A_94 = arith.subi %add3A_57, %sub3A : i32
        %ge3A = arith.cmpi sge, %sub3A_94, %add3A_4 : i32
        %convert_element_type3A_95 = arith.extui %ge3A : i1 to i32
        %cond3A_96 = arith.constant 0 : i32
        %cond3A_97 = arith.cmpi ne, %convert_element_type3A_95, %cond3A_96 : i32
        scf.if %cond3A_97 {
          %dma_wait3A_103 = arith.constant 0 : i32
          %dma_wait3A_104 = tpu.memref_slice %arg6[%dma_wait3A_103] : memref<32000000xf32, #tpu.memory_space<hbm>> -> memref<8192xf32, #tpu.memory_space<hbm>>
          %dma_wait3A_105 = arith.constant 0 : i32
          %dma_wait3A_106 = tpu.memref_slice %arg6[%dma_wait3A_105] : memref<32000000xf32, #tpu.memory_space<hbm>> -> memref<8192xf32, #tpu.memory_space<hbm>>
          tpu.wait_dma2 semaphore(%arg17 : memref<!tpu.dma_semaphore, #tpu.memory_space<semaphore_mem>>) src(%dma_wait3A_106 : memref<8192xf32, #tpu.memory_space<hbm>>) dst(%arg10 : memref<8192xf32, #tpu.memory_space<vmem>>)
        } else {
        }
        %mul3A_98 = arith.constant 8192 : i32
        %mul3A_99 = arith.muli %add3A_57, %mul3A_98 : i32
        %multiple_of3A_100 = tpu.assume_multiple %mul3A_99, 8192 : i32
        %dma_start3A_101 = tpu.memref_slice %arg6[%multiple_of3A_100] : memref<32000000xf32, #tpu.memory_space<hbm>> -> memref<8192xf32, #tpu.memory_space<hbm>>
        %dma_start3A_102 = tpu.memref_slice %arg6[%multiple_of3A_100] : memref<32000000xf32, #tpu.memory_space<hbm>> -> memref<8192xf32, #tpu.memory_space<hbm>>
        tpu.enqueue_dma source(%arg10 : memref<8192xf32, #tpu.memory_space<vmem>>) target(%dma_start3A_102 : memref<8192xf32, #tpu.memory_space<hbm>>) target_semaphore(%arg17 : memref<!tpu.dma_semaphore, #tpu.memory_space<semaphore_mem>>)
      } else {
      }
      %mul3A_63 = arith.constant 2 : i32
      %mul3A_64 = arith.muli %scan3A_51, %mul3A_63 : i32
      %add3A_65 = arith.addi %add3A_4, %mul3A_64 : i32
      %add3A_66 = arith.constant 1 : i32
      %add3A_67 = arith.addi %add3A_65, %add3A_66 : i32
      %add3A_68 = arith.addi %add3A_4, %select_n3A : i32
      %lt3A_69 = arith.cmpi slt, %add3A_67, %add3A_68 : i32
      %convert_element_type3A_70 = arith.extui %lt3A_69 : i1 to i32
      %cond3A_71 = arith.constant 0 : i32
      %cond3A_72 = arith.cmpi ne, %convert_element_type3A_70, %cond3A_71 : i32
      scf.if %cond3A_72 {
        %dma_wait3A_74 = arith.constant 0 : i32
        %dma_wait3A_75 = arith.constant 0 : i32
        %dma_wait3A_76 = tpu.memref_slice %arg2[%dma_wait3A_74, %dma_wait3A_75] : memref<32x1000000xf32, #tpu.memory_space<hbm>> -> memref<32x256xf32, #tpu.memory_space<hbm>>
        %dma_wait3A_77 = arith.constant 0 : i32
        %dma_wait3A_78 = arith.constant 0 : i32
        %dma_wait3A_79 = tpu.memref_slice %arg2[%dma_wait3A_77, %dma_wait3A_78] : memref<32x1000000xf32, #tpu.memory_space<hbm>> -> memref<32x256xf32, #tpu.memory_space<hbm>>
        tpu.wait_dma2 semaphore(%arg16 : memref<!tpu.dma_semaphore, #tpu.memory_space<semaphore_mem>>) src(%dma_wait3A_79 : memref<32x256xf32, #tpu.memory_space<hbm>>) dst(%arg9 : memref<32x256xf32, #tpu.memory_space<vmem>>)
        %add3A_80 = arith.constant 1 : i32
        %add3A_81 = arith.addi %add3A_67, %add3A_80 : i32
        %add3A_82 = arith.addi %add3A_4, %select_n3A : i32
        %lt3A_83 = arith.cmpi slt, %add3A_81, %add3A_82 : i32
        %convert_element_type3A_84 = arith.extui %lt3A_83 : i1 to i32
        %cond3A_85 = arith.constant 0 : i32
        %cond3A_86 = arith.cmpi ne, %convert_element_type3A_84, %cond3A_85 : i32
        scf.if %cond3A_86 {
          %add3A_103 = arith.constant 1 : i32
          %add3A_104 = arith.addi %add3A_67, %add3A_103 : i32
          %mul3A_105 = arith.constant 256 : i32
          %mul3A_106 = arith.muli %add3A_104, %mul3A_105 : i32
          %multiple_of3A_107 = tpu.assume_multiple %mul3A_106, 256 : i32
          %dma_start3A_108 = arith.constant 0 : i32
          %dma_start3A_109 = tpu.memref_slice %arg2[%dma_start3A_108, %multiple_of3A_107] : memref<32x1000000xf32, #tpu.memory_space<hbm>> -> memref<32x256xf32, #tpu.memory_space<hbm>>
          %dma_start3A_110 = arith.constant 0 : i32
          %dma_start3A_111 = tpu.memref_slice %arg2[%dma_start3A_110, %multiple_of3A_107] : memref<32x1000000xf32, #tpu.memory_space<hbm>> -> memref<32x256xf32, #tpu.memory_space<hbm>>
          tpu.enqueue_dma source(%dma_start3A_111 : memref<32x256xf32, #tpu.memory_space<hbm>>) target(%arg8 : memref<32x256xf32, #tpu.memory_space<vmem>>) target_semaphore(%arg16 : memref<!tpu.dma_semaphore, #tpu.memory_space<semaphore_mem>>)
        } else {
        }
        %scan3A_87 = arith.constant 0 : i32
        %scan3A_88 = arith.constant 0 : i32
        %scan3A_89 = arith.constant 8 : i32
        %scan3A_90 = arith.addi %scan3A_88, %scan3A_89 : i32
        %scan3A_91 = arith.constant 1 : i32
        %scan3A_92 = scf.for %scan3A_103 = %scan3A_88 to %scan3A_90 step %scan3A_91 iter_args(%scan3A_104 = %scan3A_87) -> (i32)  : i32 {
          %mul3A_105 = arith.constant 4 : i32
          %mul3A_106 = arith.muli %scan3A_103, %mul3A_105 : i32
          %add3A_107 = arith.constant 0 : i32
          %add3A_108 = arith.addi %mul3A_106, %add3A_107 : i32
          %add3A_109 = vector.broadcast %add3A_108 : i32 to vector<16xi32>
          %add3A_110 = arith.addi %add3A_109, %iota3A : vector<16xi32>
          %and3A = arith.constant 31 : i32
          %and3A_111 = vector.broadcast %and3A : i32 to vector<16xi32>
          %and3A_112 = arith.andi %add3A_110, %and3A_111 : vector<16xi32>
          %add3A_113 = arith.constant 0 : i32
          %add3A_114 = vector.broadcast %add3A_113 : i32 to vector<16xi32>
          %add3A_115 = arith.addi %add3A_114, %iota3A : vector<16xi32>
          %add3A_116 = arith.constant 0 : i32
          %add3A_117 = vector.broadcast %add3A_116 : i32 to vector<16xi32>
          %add3A_118 = arith.addi %add3A_117, %add3A_115 : vector<16xi32>
          %gather3A = tpu.vector_load_idx %arg9[%and3A_112, %add3A_118] : memref<32x256xf32, #tpu.memory_space<vmem>>[vector<16xi32>, vector<16xi32>], vector<16xf32>,
          %mul3A_119 = arith.constant 32 : i32
          %mul3A_120 = vector.broadcast %mul3A_119 : i32 to vector<16xi32>
          %mul3A_121 = arith.muli %add3A_115, %mul3A_120 : vector<16xi32>
          %add3A_122 = arith.constant 0 : i32
          %add3A_123 = vector.broadcast %add3A_122 : i32 to vector<16xi32>
          %add3A_124 = arith.addi %add3A_123, %mul3A_121 : vector<16xi32>
          %add3A_125 = arith.addi %add3A_124, %and3A_112 : vector<16xi32>
          tpu.vector_store_idx %arg11[%add3A_125], %gather3A : memref<8192xf32, #tpu.memory_space<vmem>>[vector<16xi32>], vector<16xf32>,
          %add3A_126 = arith.constant 16 : i32
          %add3A_127 = vector.broadcast %add3A_126 : i32 to vector<16xi32>
          %add3A_128 = arith.addi %add3A_127, %iota3A : vector<16xi32>
          %add3A_129 = arith.constant 0 : i32
          %add3A_130 = vector.broadcast %add3A_129 : i32 to vector<16xi32>
          %add3A_131 = arith.addi %add3A_130, %add3A_128 : vector<16xi32>
          %gather3A_132 = tpu.vector_load_idx %arg9[%and3A_112, %add3A_131] : memref<32x256xf32, #tpu.memory_space<vmem>>[vector<16xi32>, vector<16xi32>], vector<16xf32>,
          %mul3A_133 = arith.constant 32 : i32
          %mul3A_134 = vector.broadcast %mul3A_133 : i32 to vector<16xi32>
          %mul3A_135 = arith.muli %add3A_128, %mul3A_134 : vector<16xi32>
          %add3A_136 = arith.constant 0 : i32
          %add3A_137 = vector.broadcast %add3A_136 : i32 to vector<16xi32>
          %add3A_138 = arith.addi %add3A_137, %mul3A_135 : vector<16xi32>
          %add3A_139 = arith.addi %add3A_138, %and3A_112 : vector<16xi32>
          tpu.vector_store_idx %arg11[%add3A_139], %gather3A_132 : memref<8192xf32, #tpu.memory_space<vmem>>[vector<16xi32>], vector<16xf32>,
          %add3A_140 = arith.constant 32 : i32
          %add3A_141 = vector.broadcast %add3A_140 : i32 to vector<16xi32>
          %add3A_142 = arith.addi %add3A_141, %iota3A : vector<16xi32>
          %add3A_143 = arith.constant 0 : i32
          %add3A_144 = vector.broadcast %add3A_143 : i32 to vector<16xi32>
          %add3A_145 = arith.addi %add3A_144, %add3A_142 : vector<16xi32>
          %gather3A_146 = tpu.vector_load_idx %arg9[%and3A_112, %add3A_145] : memref<32x256xf32, #tpu.memory_space<vmem>>[vector<16xi32>, vector<16xi32>], vector<16xf32>,
          %mul3A_147 = arith.constant 32 : i32
          %mul3A_148 = vector.broadcast %mul3A_147 : i32 to vector<16xi32>
          %mul3A_149 = arith.muli %add3A_142, %mul3A_148 : vector<16xi32>
          %add3A_150 = arith.constant 0 : i32
          %add3A_151 = vector.broadcast %add3A_150 : i32 to vector<16xi32>
          %add3A_152 = arith.addi %add3A_151, %mul3A_149 : vector<16xi32>
          %add3A_153 = arith.addi %add3A_152, %and3A_112 : vector<16xi32>
          tpu.vector_store_idx %arg11[%add3A_153], %gather3A_146 : memref<8192xf32, #tpu.memory_space<vmem>>[vector<16xi32>], vector<16xf32>,
          %add3A_154 = arith.constant 48 : i32
          %add3A_155 = vector.broadcast %add3A_154 : i32 to vector<16xi32>
          %add3A_156 = arith.addi %add3A_155, %iota3A : vector<16xi32>
          %add3A_157 = arith.constant 0 : i32
          %add3A_158 = vector.broadcast %add3A_157 : i32 to vector<16xi32>
          %add3A_159 = arith.addi %add3A_158, %add3A_156 : vector<16xi32>
          %gather3A_160 = tpu.vector_load_idx %arg9[%and3A_112, %add3A_159] : memref<32x256xf32, #tpu.memory_space<vmem>>[vector<16xi32>, vector<16xi32>], vector<16xf32>,
          %mul3A_161 = arith.constant 32 : i32
          %mul3A_162 = vector.broadcast %mul3A_161 : i32 to vector<16xi32>
          %mul3A_163 = arith.muli %add3A_156, %mul3A_162 : vector<16xi32>
          %add3A_164 = arith.constant 0 : i32
          %add3A_165 = vector.broadcast %add3A_164 : i32 to vector<16xi32>
          %add3A_166 = arith.addi %add3A_165, %mul3A_163 : vector<16xi32>
          %add3A_167 = arith.addi %add3A_166, %and3A_112 : vector<16xi32>
          tpu.vector_store_idx %arg11[%add3A_167], %gather3A_160 : memref<8192xf32, #tpu.memory_space<vmem>>[vector<16xi32>], vector<16xf32>,
          %add3A_168 = arith.constant 64 : i32
          %add3A_169 = vector.broadcast %add3A_168 : i32 to vector<16xi32>
          %add3A_170 = arith.addi %add3A_169, %iota3A : vector<16xi32>
          %add3A_171 = arith.constant 0 : i32
          %add3A_172 = vector.broadcast %add3A_171 : i32 to vector<16xi32>
          %add3A_173 = arith.addi %add3A_172, %add3A_170 : vector<16xi32>
          %gather3A_174 = tpu.vector_load_idx %arg9[%and3A_112, %add3A_173] : memref<32x256xf32, #tpu.memory_space<vmem>>[vector<16xi32>, vector<16xi32>], vector<16xf32>,
          %mul3A_175 = arith.constant 32 : i32
          %mul3A_176 = vector.broadcast %mul3A_175 : i32 to vector<16xi32>
          %mul3A_177 = arith.muli %add3A_170, %mul3A_176 : vector<16xi32>
          %add3A_178 = arith.constant 0 : i32
          %add3A_179 = vector.broadcast %add3A_178 : i32 to vector<16xi32>
          %add3A_180 = arith.addi %add3A_179, %mul3A_177 : vector<16xi32>
          %add3A_181 = arith.addi %add3A_180, %and3A_112 : vector<16xi32>
          tpu.vector_store_idx %arg11[%add3A_181], %gather3A_174 : memref<8192xf32, #tpu.memory_space<vmem>>[vector<16xi32>], vector<16xf32>,
          %add3A_182 = arith.constant 80 : i32
          %add3A_183 = vector.broadcast %add3A_182 : i32 to vector<16xi32>
          %add3A_184 = arith.addi %add3A_183, %iota3A : vector<16xi32>
          %add3A_185 = arith.constant 0 : i32
          %add3A_186 = vector.broadcast %add3A_185 : i32 to vector<16xi32>
          %add3A_187 = arith.addi %add3A_186, %add3A_184 : vector<16xi32>
          %gather3A_188 = tpu.vector_load_idx %arg9[%and3A_112, %add3A_187] : memref<32x256xf32, #tpu.memory_space<vmem>>[vector<16xi32>, vector<16xi32>], vector<16xf32>,
          %mul3A_189 = arith.constant 32 : i32
          %mul3A_190 = vector.broadcast %mul3A_189 : i32 to vector<16xi32>
          %mul3A_191 = arith.muli %add3A_184, %mul3A_190 : vector<16xi32>
          %add3A_192 = arith.constant 0 : i32
          %add3A_193 = vector.broadcast %add3A_192 : i32 to vector<16xi32>
          %add3A_194 = arith.addi %add3A_193, %mul3A_191 : vector<16xi32>
          %add3A_195 = arith.addi %add3A_194, %and3A_112 : vector<16xi32>
          tpu.vector_store_idx %arg11[%add3A_195], %gather3A_188 : memref<8192xf32, #tpu.memory_space<vmem>>[vector<16xi32>], vector<16xf32>,
          %add3A_196 = arith.constant 96 : i32
          %add3A_197 = vector.broadcast %add3A_196 : i32 to vector<16xi32>
          %add3A_198 = arith.addi %add3A_197, %iota3A : vector<16xi32>
          %add3A_199 = arith.constant 0 : i32
          %add3A_200 = vector.broadcast %add3A_199 : i32 to vector<16xi32>
          %add3A_201 = arith.addi %add3A_200, %add3A_198 : vector<16xi32>
          %gather3A_202 = tpu.vector_load_idx %arg9[%and3A_112, %add3A_201] : memref<32x256xf32, #tpu.memory_space<vmem>>[vector<16xi32>, vector<16xi32>], vector<16xf32>,
          %mul3A_203 = arith.constant 32 : i32
          %mul3A_204 = vector.broadcast %mul3A_203 : i32 to vector<16xi32>
          %mul3A_205 = arith.muli %add3A_198, %mul3A_204 : vector<16xi32>
          %add3A_206 = arith.constant 0 : i32
          %add3A_207 = vector.broadcast %add3A_206 : i32 to vector<16xi32>
          %add3A_208 = arith.addi %add3A_207, %mul3A_205 : vector<16xi32>
          %add3A_209 = arith.addi %add3A_208, %and3A_112 : vector<16xi32>
          tpu.vector_store_idx %arg11[%add3A_209], %gather3A_202 : memref<8192xf32, #tpu.memory_space<vmem>>[vector<16xi32>], vector<16xf32>,
          %add3A_210 = arith.constant 112 : i32
          %add3A_211 = vector.broadcast %add3A_210 : i32 to vector<16xi32>
          %add3A_212 = arith.addi %add3A_211, %iota3A : vector<16xi32>
          %add3A_213 = arith.constant 0 : i32
          %add3A_214 = vector.broadcast %add3A_213 : i32 to vector<16xi32>
          %add3A_215 = arith.addi %add3A_214, %add3A_212 : vector<16xi32>
          %gather3A_216 = tpu.vector_load_idx %arg9[%and3A_112, %add3A_215] : memref<32x256xf32, #tpu.memory_space<vmem>>[vector<16xi32>, vector<16xi32>], vector<16xf32>,
          %mul3A_217 = arith.constant 32 : i32
          %mul3A_218 = vector.broadcast %mul3A_217 : i32 to vector<16xi32>
          %mul3A_219 = arith.muli %add3A_212, %mul3A_218 : vector<16xi32>
          %add3A_220 = arith.constant 0 : i32
          %add3A_221 = vector.broadcast %add3A_220 : i32 to vector<16xi32>
          %add3A_222 = arith.addi %add3A_221, %mul3A_219 : vector<16xi32>
          %add3A_223 = arith.addi %add3A_222, %and3A_112 : vector<16xi32>
          tpu.vector_store_idx %arg11[%add3A_223], %gather3A_216 : memref<8192xf32, #tpu.memory_space<vmem>>[vector<16xi32>], vector<16xf32>,
          %add3A_224 = arith.constant 0 : i32
          %add3A_225 = vector.broadcast %add3A_224 : i32 to vector<16xi32>
          %add3A_226 = arith.addi %add3A_225, %iota3A : vector<16xi32>
          %add3A_227 = arith.constant 128 : i32
          %add3A_228 = vector.broadcast %add3A_227 : i32 to vector<16xi32>
          %add3A_229 = arith.addi %add3A_228, %add3A_226 : vector<16xi32>
          %gather3A_230 = tpu.vector_load_idx %arg9[%and3A_112, %add3A_229] : memref<32x256xf32, #tpu.memory_space<vmem>>[vector<16xi32>, vector<16xi32>], vector<16xf32>,
          %mul3A_231 = arith.constant 32 : i32
          %mul3A_232 = vector.broadcast %mul3A_231 : i32 to vector<16xi32>
          %mul3A_233 = arith.muli %add3A_226, %mul3A_232 : vector<16xi32>
          %add3A_234 = arith.constant 4096 : i32
          %add3A_235 = vector.broadcast %add3A_234 : i32 to vector<16xi32>
          %add3A_236 = arith.addi %add3A_235, %mul3A_233 : vector<16xi32>
          %add3A_237 = arith.addi %add3A_236, %and3A_112 : vector<16xi32>
          tpu.vector_store_idx %arg11[%add3A_237], %gather3A_230 : memref<8192xf32, #tpu.memory_space<vmem>>[vector<16xi32>], vector<16xf32>,
          %add3A_238 = arith.constant 16 : i32
          %add3A_239 = vector.broadcast %add3A_238 : i32 to vector<16xi32>
          %add3A_240 = arith.addi %add3A_239, %iota3A : vector<16xi32>
          %add3A_241 = arith.constant 128 : i32
          %add3A_242 = vector.broadcast %add3A_241 : i32 to vector<16xi32>
          %add3A_243 = arith.addi %add3A_242, %add3A_240 : vector<16xi32>
          %gather3A_244 = tpu.vector_load_idx %arg9[%and3A_112, %add3A_243] : memref<32x256xf32, #tpu.memory_space<vmem>>[vector<16xi32>, vector<16xi32>], vector<16xf32>,
          %mul3A_245 = arith.constant 32 : i32
          %mul3A_246 = vector.broadcast %mul3A_245 : i32 to vector<16xi32>
          %mul3A_247 = arith.muli %add3A_240, %mul3A_246 : vector<16xi32>
          %add3A_248 = arith.constant 4096 : i32
          %add3A_249 = vector.broadcast %add3A_248 : i32 to vector<16xi32>
          %add3A_250 = arith.addi %add3A_249, %mul3A_247 : vector<16xi32>
          %add3A_251 = arith.addi %add3A_250, %and3A_112 : vector<16xi32>
          tpu.vector_store_idx %arg11[%add3A_251], %gather3A_244 : memref<8192xf32, #tpu.memory_space<vmem>>[vector<16xi32>], vector<16xf32>,
          %add3A_252 = arith.constant 32 : i32
          %add3A_253 = vector.broadcast %add3A_252 : i32 to vector<16xi32>
          %add3A_254 = arith.addi %add3A_253, %iota3A : vector<16xi32>
          %add3A_255 = arith.constant 128 : i32
          %add3A_256 = vector.broadcast %add3A_255 : i32 to vector<16xi32>
          %add3A_257 = arith.addi %add3A_256, %add3A_254 : vector<16xi32>
          %gather3A_258 = tpu.vector_load_idx %arg9[%and3A_112, %add3A_257] : memref<32x256xf32, #tpu.memory_space<vmem>>[vector<16xi32>, vector<16xi32>], vector<16xf32>,
          %mul3A_259 = arith.constant 32 : i32
          %mul3A_260 = vector.broadcast %mul3A_259 : i32 to vector<16xi32>
          %mul3A_261 = arith.muli %add3A_254, %mul3A_260 : vector<16xi32>
          %add3A_262 = arith.constant 4096 : i32
          %add3A_263 = vector.broadcast %add3A_262 : i32 to vector<16xi32>
          %add3A_264 = arith.addi %add3A_263, %mul3A_261 : vector<16xi32>
          %add3A_265 = arith.addi %add3A_264, %and3A_112 : vector<16xi32>
          tpu.vector_store_idx %arg11[%add3A_265], %gather3A_258 : memref<8192xf32, #tpu.memory_space<vmem>>[vector<16xi32>], vector<16xf32>,
          %add3A_266 = arith.constant 48 : i32
          %add3A_267 = vector.broadcast %add3A_266 : i32 to vector<16xi32>
          %add3A_268 = arith.addi %add3A_267, %iota3A : vector<16xi32>
          %add3A_269 = arith.constant 128 : i32
          %add3A_270 = vector.broadcast %add3A_269 : i32 to vector<16xi32>
          %add3A_271 = arith.addi %add3A_270, %add3A_268 : vector<16xi32>
          %gather3A_272 = tpu.vector_load_idx %arg9[%and3A_112, %add3A_271] : memref<32x256xf32, #tpu.memory_space<vmem>>[vector<16xi32>, vector<16xi32>], vector<16xf32>,
          %mul3A_273 = arith.constant 32 : i32
          %mul3A_274 = vector.broadcast %mul3A_273 : i32 to vector<16xi32>
          %mul3A_275 = arith.muli %add3A_268, %mul3A_274 : vector<16xi32>
          %add3A_276 = arith.constant 4096 : i32
          %add3A_277 = vector.broadcast %add3A_276 : i32 to vector<16xi32>
          %add3A_278 = arith.addi %add3A_277, %mul3A_275 : vector<16xi32>
          %add3A_279 = arith.addi %add3A_278, %and3A_112 : vector<16xi32>
          tpu.vector_store_idx %arg11[%add3A_279], %gather3A_272 : memref<8192xf32, #tpu.memory_space<vmem>>[vector<16xi32>], vector<16xf32>,
          %add3A_280 = arith.constant 64 : i32
          %add3A_281 = vector.broadcast %add3A_280 : i32 to vector<16xi32>
          %add3A_282 = arith.addi %add3A_281, %iota3A : vector<16xi32>
          %add3A_283 = arith.constant 128 : i32
          %add3A_284 = vector.broadcast %add3A_283 : i32 to vector<16xi32>
          %add3A_285 = arith.addi %add3A_284, %add3A_282 : vector<16xi32>
          %gather3A_286 = tpu.vector_load_idx %arg9[%and3A_112, %add3A_285] : memref<32x256xf32, #tpu.memory_space<vmem>>[vector<16xi32>, vector<16xi32>], vector<16xf32>,
          %mul3A_287 = arith.constant 32 : i32
          %mul3A_288 = vector.broadcast %mul3A_287 : i32 to vector<16xi32>
          %mul3A_289 = arith.muli %add3A_282, %mul3A_288 : vector<16xi32>
          %add3A_290 = arith.constant 4096 : i32
          %add3A_291 = vector.broadcast %add3A_290 : i32 to vector<16xi32>
          %add3A_292 = arith.addi %add3A_291, %mul3A_289 : vector<16xi32>
          %add3A_293 = arith.addi %add3A_292, %and3A_112 : vector<16xi32>
          tpu.vector_store_idx %arg11[%add3A_293], %gather3A_286 : memref<8192xf32, #tpu.memory_space<vmem>>[vector<16xi32>], vector<16xf32>,
          %add3A_294 = arith.constant 80 : i32
          %add3A_295 = vector.broadcast %add3A_294 : i32 to vector<16xi32>
          %add3A_296 = arith.addi %add3A_295, %iota3A : vector<16xi32>
          %add3A_297 = arith.constant 128 : i32
          %add3A_298 = vector.broadcast %add3A_297 : i32 to vector<16xi32>
          %add3A_299 = arith.addi %add3A_298, %add3A_296 : vector<16xi32>
          %gather3A_300 = tpu.vector_load_idx %arg9[%and3A_112, %add3A_299] : memref<32x256xf32, #tpu.memory_space<vmem>>[vector<16xi32>, vector<16xi32>], vector<16xf32>,
          %mul3A_301 = arith.constant 32 : i32
          %mul3A_302 = vector.broadcast %mul3A_301 : i32 to vector<16xi32>
          %mul3A_303 = arith.muli %add3A_296, %mul3A_302 : vector<16xi32>
          %add3A_304 = arith.constant 4096 : i32
          %add3A_305 = vector.broadcast %add3A_304 : i32 to vector<16xi32>
          %add3A_306 = arith.addi %add3A_305, %mul3A_303 : vector<16xi32>
          %add3A_307 = arith.addi %add3A_306, %and3A_112 : vector<16xi32>
          tpu.vector_store_idx %arg11[%add3A_307], %gather3A_300 : memref<8192xf32, #tpu.memory_space<vmem>>[vector<16xi32>], vector<16xf32>,
          %add3A_308 = arith.constant 96 : i32
          %add3A_309 = vector.broadcast %add3A_308 : i32 to vector<16xi32>
          %add3A_310 = arith.addi %add3A_309, %iota3A : vector<16xi32>
          %add3A_311 = arith.constant 128 : i32
          %add3A_312 = vector.broadcast %add3A_311 : i32 to vector<16xi32>
          %add3A_313 = arith.addi %add3A_312, %add3A_310 : vector<16xi32>
          %gather3A_314 = tpu.vector_load_idx %arg9[%and3A_112, %add3A_313] : memref<32x256xf32, #tpu.memory_space<vmem>>[vector<16xi32>, vector<16xi32>], vector<16xf32>,
          %mul3A_315 = arith.constant 32 : i32
          %mul3A_316 = vector.broadcast %mul3A_315 : i32 to vector<16xi32>
          %mul3A_317 = arith.muli %add3A_310, %mul3A_316 : vector<16xi32>
          %add3A_318 = arith.constant 4096 : i32
          %add3A_319 = vector.broadcast %add3A_318 : i32 to vector<16xi32>
          %add3A_320 = arith.addi %add3A_319, %mul3A_317 : vector<16xi32>
          %add3A_321 = arith.addi %add3A_320, %and3A_112 : vector<16xi32>
          tpu.vector_store_idx %arg11[%add3A_321], %gather3A_314 : memref<8192xf32, #tpu.memory_space<vmem>>[vector<16xi32>], vector<16xf32>,
          %add3A_322 = arith.constant 112 : i32
          %add3A_323 = vector.broadcast %add3A_322 : i32 to vector<16xi32>
          %add3A_324 = arith.addi %add3A_323, %iota3A : vector<16xi32>
          %add3A_325 = arith.constant 128 : i32
          %add3A_326 = vector.broadcast %add3A_325 : i32 to vector<16xi32>
          %add3A_327 = arith.addi %add3A_326, %add3A_324 : vector<16xi32>
          %gather3A_328 = tpu.vector_load_idx %arg9[%and3A_112, %add3A_327] : memref<32x256xf32, #tpu.memory_space<vmem>>[vector<16xi32>, vector<16xi32>], vector<16xf32>,
          %mul3A_329 = arith.constant 32 : i32
          %mul3A_330 = vector.broadcast %mul3A_329 : i32 to vector<16xi32>
          %mul3A_331 = arith.muli %add3A_324, %mul3A_330 : vector<16xi32>
          %add3A_332 = arith.constant 4096 : i32
          %add3A_333 = vector.broadcast %add3A_332 : i32 to vector<16xi32>
          %add3A_334 = arith.addi %add3A_333, %mul3A_331 : vector<16xi32>
          %add3A_335 = arith.addi %add3A_334, %and3A_112 : vector<16xi32>
          tpu.vector_store_idx %arg11[%add3A_335], %gather3A_328 : memref<8192xf32, #tpu.memory_space<vmem>>[vector<16xi32>], vector<16xf32>,
          %mul3A_336 = arith.constant 4 : i32
          %mul3A_337 = arith.muli %scan3A_103, %mul3A_336 : i32
          %add3A_338 = arith.constant 1 : i32
          %add3A_339 = arith.addi %mul3A_337, %add3A_338 : i32
          %add3A_340 = vector.broadcast %add3A_339 : i32 to vector<16xi32>
          %add3A_341 = arith.addi %add3A_340, %iota3A : vector<16xi32>
          %and3A_342 = arith.constant 31 : i32
          %and3A_343 = vector.broadcast %and3A_342 : i32 to vector<16xi32>
          %and3A_344 = arith.andi %add3A_341, %and3A_343 : vector<16xi32>
          %add3A_345 = arith.constant 0 : i32
          %add3A_346 = vector.broadcast %add3A_345 : i32 to vector<16xi32>
          %add3A_347 = arith.addi %add3A_346, %iota3A : vector<16xi32>
          %add3A_348 = arith.constant 0 : i32
          %add3A_349 = vector.broadcast %add3A_348 : i32 to vector<16xi32>
          %add3A_350 = arith.addi %add3A_349, %add3A_347 : vector<16xi32>
          %gather3A_351 = tpu.vector_load_idx %arg9[%and3A_344, %add3A_350] : memref<32x256xf32, #tpu.memory_space<vmem>>[vector<16xi32>, vector<16xi32>], vector<16xf32>,
          %mul3A_352 = arith.constant 32 : i32
          %mul3A_353 = vector.broadcast %mul3A_352 : i32 to vector<16xi32>
          %mul3A_354 = arith.muli %add3A_347, %mul3A_353 : vector<16xi32>
          %add3A_355 = arith.constant 0 : i32
          %add3A_356 = vector.broadcast %add3A_355 : i32 to vector<16xi32>
          %add3A_357 = arith.addi %add3A_356, %mul3A_354 : vector<16xi32>
          %add3A_358 = arith.addi %add3A_357, %and3A_344 : vector<16xi32>
          tpu.vector_store_idx %arg11[%add3A_358], %gather3A_351 : memref<8192xf32, #tpu.memory_space<vmem>>[vector<16xi32>], vector<16xf32>,
          %add3A_359 = arith.constant 16 : i32
          %add3A_360 = vector.broadcast %add3A_359 : i32 to vector<16xi32>
          %add3A_361 = arith.addi %add3A_360, %iota3A : vector<16xi32>
          %add3A_362 = arith.constant 0 : i32
          %add3A_363 = vector.broadcast %add3A_362 : i32 to vector<16xi32>
          %add3A_364 = arith.addi %add3A_363, %add3A_361 : vector<16xi32>
          %gather3A_365 = tpu.vector_load_idx %arg9[%and3A_344, %add3A_364] : memref<32x256xf32, #tpu.memory_space<vmem>>[vector<16xi32>, vector<16xi32>], vector<16xf32>,
          %mul3A_366 = arith.constant 32 : i32
          %mul3A_367 = vector.broadcast %mul3A_366 : i32 to vector<16xi32>
          %mul3A_368 = arith.muli %add3A_361, %mul3A_367 : vector<16xi32>
          %add3A_369 = arith.constant 0 : i32
          %add3A_370 = vector.broadcast %add3A_369 : i32 to vector<16xi32>
          %add3A_371 = arith.addi %add3A_370, %mul3A_368 : vector<16xi32>
          %add3A_372 = arith.addi %add3A_371, %and3A_344 : vector<16xi32>
          tpu.vector_store_idx %arg11[%add3A_372], %gather3A_365 : memref<8192xf32, #tpu.memory_space<vmem>>[vector<16xi32>], vector<16xf32>,
          %add3A_373 = arith.constant 32 : i32
          %add3A_374 = vector.broadcast %add3A_373 : i32 to vector<16xi32>
          %add3A_375 = arith.addi %add3A_374, %iota3A : vector<16xi32>
          %add3A_376 = arith.constant 0 : i32
          %add3A_377 = vector.broadcast %add3A_376 : i32 to vector<16xi32>
          %add3A_378 = arith.addi %add3A_377, %add3A_375 : vector<16xi32>
          %gather3A_379 = tpu.vector_load_idx %arg9[%and3A_344, %add3A_378] : memref<32x256xf32, #tpu.memory_space<vmem>>[vector<16xi32>, vector<16xi32>], vector<16xf32>,
          %mul3A_380 = arith.constant 32 : i32
          %mul3A_381 = vector.broadcast %mul3A_380 : i32 to vector<16xi32>
          %mul3A_382 = arith.muli %add3A_375, %mul3A_381 : vector<16xi32>
          %add3A_383 = arith.constant 0 : i32
          %add3A_384 = vector.broadcast %add3A_383 : i32 to vector<16xi32>
          %add3A_385 = arith.addi %add3A_384, %mul3A_382 : vector<16xi32>
          %add3A_386 = arith.addi %add3A_385, %and3A_344 : vector<16xi32>
          tpu.vector_store_idx %arg11[%add3A_386], %gather3A_379 : memref<8192xf32, #tpu.memory_space<vmem>>[vector<16xi32>], vector<16xf32>,
          %add3A_387 = arith.constant 48 : i32
          %add3A_388 = vector.broadcast %add3A_387 : i32 to vector<16xi32>
          %add3A_389 = arith.addi %add3A_388, %iota3A : vector<16xi32>
          %add3A_390 = arith.constant 0 : i32
          %add3A_391 = vector.broadcast %add3A_390 : i32 to vector<16xi32>
          %add3A_392 = arith.addi %add3A_391, %add3A_389 : vector<16xi32>
          %gather3A_393 = tpu.vector_load_idx %arg9[%and3A_344, %add3A_392] : memref<32x256xf32, #tpu.memory_space<vmem>>[vector<16xi32>, vector<16xi32>], vector<16xf32>,
          %mul3A_394 = arith.constant 32 : i32
          %mul3A_395 = vector.broadcast %mul3A_394 : i32 to vector<16xi32>
          %mul3A_396 = arith.muli %add3A_389, %mul3A_395 : vector<16xi32>
          %add3A_397 = arith.constant 0 : i32
          %add3A_398 = vector.broadcast %add3A_397 : i32 to vector<16xi32>
          %add3A_399 = arith.addi %add3A_398, %mul3A_396 : vector<16xi32>
          %add3A_400 = arith.addi %add3A_399, %and3A_344 : vector<16xi32>
          tpu.vector_store_idx %arg11[%add3A_400], %gather3A_393 : memref<8192xf32, #tpu.memory_space<vmem>>[vector<16xi32>], vector<16xf32>,
          %add3A_401 = arith.constant 64 : i32
          %add3A_402 = vector.broadcast %add3A_401 : i32 to vector<16xi32>
          %add3A_403 = arith.addi %add3A_402, %iota3A : vector<16xi32>
          %add3A_404 = arith.constant 0 : i32
          %add3A_405 = vector.broadcast %add3A_404 : i32 to vector<16xi32>
          %add3A_406 = arith.addi %add3A_405, %add3A_403 : vector<16xi32>
          %gather3A_407 = tpu.vector_load_idx %arg9[%and3A_344, %add3A_406] : memref<32x256xf32, #tpu.memory_space<vmem>>[vector<16xi32>, vector<16xi32>], vector<16xf32>,
          %mul3A_408 = arith.constant 32 : i32
          %mul3A_409 = vector.broadcast %mul3A_408 : i32 to vector<16xi32>
          %mul3A_410 = arith.muli %add3A_403, %mul3A_409 : vector<16xi32>
          %add3A_411 = arith.constant 0 : i32
          %add3A_412 = vector.broadcast %add3A_411 : i32 to vector<16xi32>
          %add3A_413 = arith.addi %add3A_412, %mul3A_410 : vector<16xi32>
          %add3A_414 = arith.addi %add3A_413, %and3A_344 : vector<16xi32>
          tpu.vector_store_idx %arg11[%add3A_414], %gather3A_407 : memref<8192xf32, #tpu.memory_space<vmem>>[vector<16xi32>], vector<16xf32>,
          %add3A_415 = arith.constant 80 : i32
          %add3A_416 = vector.broadcast %add3A_415 : i32 to vector<16xi32>
          %add3A_417 = arith.addi %add3A_416, %iota3A : vector<16xi32>
          %add3A_418 = arith.constant 0 : i32
          %add3A_419 = vector.broadcast %add3A_418 : i32 to vector<16xi32>
          %add3A_420 = arith.addi %add3A_419, %add3A_417 : vector<16xi32>
          %gather3A_421 = tpu.vector_load_idx %arg9[%and3A_344, %add3A_420] : memref<32x256xf32, #tpu.memory_space<vmem>>[vector<16xi32>, vector<16xi32>], vector<16xf32>,
          %mul3A_422 = arith.constant 32 : i32
          %mul3A_423 = vector.broadcast %mul3A_422 : i32 to vector<16xi32>
          %mul3A_424 = arith.muli %add3A_417, %mul3A_423 : vector<16xi32>
          %add3A_425 = arith.constant 0 : i32
          %add3A_426 = vector.broadcast %add3A_425 : i32 to vector<16xi32>
          %add3A_427 = arith.addi %add3A_426, %mul3A_424 : vector<16xi32>
          %add3A_428 = arith.addi %add3A_427, %and3A_344 : vector<16xi32>
          tpu.vector_store_idx %arg11[%add3A_428], %gather3A_421 : memref<8192xf32, #tpu.memory_space<vmem>>[vector<16xi32>], vector<16xf32>,
          %add3A_429 = arith.constant 96 : i32
          %add3A_430 = vector.broadcast %add3A_429 : i32 to vector<16xi32>
          %add3A_431 = arith.addi %add3A_430, %iota3A : vector<16xi32>
          %add3A_432 = arith.constant 0 : i32
          %add3A_433 = vector.broadcast %add3A_432 : i32 to vector<16xi32>
          %add3A_434 = arith.addi %add3A_433, %add3A_431 : vector<16xi32>
          %gather3A_435 = tpu.vector_load_idx %arg9[%and3A_344, %add3A_434] : memref<32x256xf32, #tpu.memory_space<vmem>>[vector<16xi32>, vector<16xi32>], vector<16xf32>,
          %mul3A_436 = arith.constant 32 : i32
          %mul3A_437 = vector.broadcast %mul3A_436 : i32 to vector<16xi32>
          %mul3A_438 = arith.muli %add3A_431, %mul3A_437 : vector<16xi32>
          %add3A_439 = arith.constant 0 : i32
          %add3A_440 = vector.broadcast %add3A_439 : i32 to vector<16xi32>
          %add3A_441 = arith.addi %add3A_440, %mul3A_438 : vector<16xi32>
          %add3A_442 = arith.addi %add3A_441, %and3A_344 : vector<16xi32>
          tpu.vector_store_idx %arg11[%add3A_442], %gather3A_435 : memref<8192xf32, #tpu.memory_space<vmem>>[vector<16xi32>], vector<16xf32>,
          %add3A_443 = arith.constant 112 : i32
          %add3A_444 = vector.broadcast %add3A_443 : i32 to vector<16xi32>
          %add3A_445 = arith.addi %add3A_444, %iota3A : vector<16xi32>
          %add3A_446 = arith.constant 0 : i32
          %add3A_447 = vector.broadcast %add3A_446 : i32 to vector<16xi32>
          %add3A_448 = arith.addi %add3A_447, %add3A_445 : vector<16xi32>
          %gather3A_449 = tpu.vector_load_idx %arg9[%and3A_344, %add3A_448] : memref<32x256xf32, #tpu.memory_space<vmem>>[vector<16xi32>, vector<16xi32>], vector<16xf32>,
          %mul3A_450 = arith.constant 32 : i32
          %mul3A_451 = vector.broadcast %mul3A_450 : i32 to vector<16xi32>
          %mul3A_452 = arith.muli %add3A_445, %mul3A_451 : vector<16xi32>
          %add3A_453 = arith.constant 0 : i32
          %add3A_454 = vector.broadcast %add3A_453 : i32 to vector<16xi32>
          %add3A_455 = arith.addi %add3A_454, %mul3A_452 : vector<16xi32>
          %add3A_456 = arith.addi %add3A_455, %and3A_344 : vector<16xi32>
          tpu.vector_store_idx %arg11[%add3A_456], %gather3A_449 : memref<8192xf32, #tpu.memory_space<vmem>>[vector<16xi32>], vector<16xf32>,
          %add3A_457 = arith.constant 0 : i32
          %add3A_458 = vector.broadcast %add3A_457 : i32 to vector<16xi32>
          %add3A_459 = arith.addi %add3A_458, %iota3A : vector<16xi32>
          %add3A_460 = arith.constant 128 : i32
          %add3A_461 = vector.broadcast %add3A_460 : i32 to vector<16xi32>
          %add3A_462 = arith.addi %add3A_461, %add3A_459 : vector<16xi32>
          %gather3A_463 = tpu.vector_load_idx %arg9[%and3A_344, %add3A_462] : memref<32x256xf32, #tpu.memory_space<vmem>>[vector<16xi32>, vector<16xi32>], vector<16xf32>,
          %mul3A_464 = arith.constant 32 : i32
          %mul3A_465 = vector.broadcast %mul3A_464 : i32 to vector<16xi32>
          %mul3A_466 = arith.muli %add3A_459, %mul3A_465 : vector<16xi32>
          %add3A_467 = arith.constant 4096 : i32
          %add3A_468 = vector.broadcast %add3A_467 : i32 to vector<16xi32>
          %add3A_469 = arith.addi %add3A_468, %mul3A_466 : vector<16xi32>
          %add3A_470 = arith.addi %add3A_469, %and3A_344 : vector<16xi32>
          tpu.vector_store_idx %arg11[%add3A_470], %gather3A_463 : memref<8192xf32, #tpu.memory_space<vmem>>[vector<16xi32>], vector<16xf32>,
          %add3A_471 = arith.constant 16 : i32
          %add3A_472 = vector.broadcast %add3A_471 : i32 to vector<16xi32>
          %add3A_473 = arith.addi %add3A_472, %iota3A : vector<16xi32>
          %add3A_474 = arith.constant 128 : i32
          %add3A_475 = vector.broadcast %add3A_474 : i32 to vector<16xi32>
          %add3A_476 = arith.addi %add3A_475, %add3A_473 : vector<16xi32>
          %gather3A_477 = tpu.vector_load_idx %arg9[%and3A_344, %add3A_476] : memref<32x256xf32, #tpu.memory_space<vmem>>[vector<16xi32>, vector<16xi32>], vector<16xf32>,
          %mul3A_478 = arith.constant 32 : i32
          %mul3A_479 = vector.broadcast %mul3A_478 : i32 to vector<16xi32>
          %mul3A_480 = arith.muli %add3A_473, %mul3A_479 : vector<16xi32>
          %add3A_481 = arith.constant 4096 : i32
          %add3A_482 = vector.broadcast %add3A_481 : i32 to vector<16xi32>
          %add3A_483 = arith.addi %add3A_482, %mul3A_480 : vector<16xi32>
          %add3A_484 = arith.addi %add3A_483, %and3A_344 : vector<16xi32>
          tpu.vector_store_idx %arg11[%add3A_484], %gather3A_477 : memref<8192xf32, #tpu.memory_space<vmem>>[vector<16xi32>], vector<16xf32>,
          %add3A_485 = arith.constant 32 : i32
          %add3A_486 = vector.broadcast %add3A_485 : i32 to vector<16xi32>
          %add3A_487 = arith.addi %add3A_486, %iota3A : vector<16xi32>
          %add3A_488 = arith.constant 128 : i32
          %add3A_489 = vector.broadcast %add3A_488 : i32 to vector<16xi32>
          %add3A_490 = arith.addi %add3A_489, %add3A_487 : vector<16xi32>
          %gather3A_491 = tpu.vector_load_idx %arg9[%and3A_344, %add3A_490] : memref<32x256xf32, #tpu.memory_space<vmem>>[vector<16xi32>, vector<16xi32>], vector<16xf32>,
          %mul3A_492 = arith.constant 32 : i32
          %mul3A_493 = vector.broadcast %mul3A_492 : i32 to vector<16xi32>
          %mul3A_494 = arith.muli %add3A_487, %mul3A_493 : vector<16xi32>
          %add3A_495 = arith.constant 4096 : i32
          %add3A_496 = vector.broadcast %add3A_495 : i32 to vector<16xi32>
          %add3A_497 = arith.addi %add3A_496, %mul3A_494 : vector<16xi32>
          %add3A_498 = arith.addi %add3A_497, %and3A_344 : vector<16xi32>
          tpu.vector_store_idx %arg11[%add3A_498], %gather3A_491 : memref<8192xf32, #tpu.memory_space<vmem>>[vector<16xi32>], vector<16xf32>,
          %add3A_499 = arith.constant 48 : i32
          %add3A_500 = vector.broadcast %add3A_499 : i32 to vector<16xi32>
          %add3A_501 = arith.addi %add3A_500, %iota3A : vector<16xi32>
          %add3A_502 = arith.constant 128 : i32
          %add3A_503 = vector.broadcast %add3A_502 : i32 to vector<16xi32>
          %add3A_504 = arith.addi %add3A_503, %add3A_501 : vector<16xi32>
          %gather3A_505 = tpu.vector_load_idx %arg9[%and3A_344, %add3A_504] : memref<32x256xf32, #tpu.memory_space<vmem>>[vector<16xi32>, vector<16xi32>], vector<16xf32>,
          %mul3A_506 = arith.constant 32 : i32
          %mul3A_507 = vector.broadcast %mul3A_506 : i32 to vector<16xi32>
          %mul3A_508 = arith.muli %add3A_501, %mul3A_507 : vector<16xi32>
          %add3A_509 = arith.constant 4096 : i32
          %add3A_510 = vector.broadcast %add3A_509 : i32 to vector<16xi32>
          %add3A_511 = arith.addi %add3A_510, %mul3A_508 : vector<16xi32>
          %add3A_512 = arith.addi %add3A_511, %and3A_344 : vector<16xi32>
          tpu.vector_store_idx %arg11[%add3A_512], %gather3A_505 : memref<8192xf32, #tpu.memory_space<vmem>>[vector<16xi32>], vector<16xf32>,
          %add3A_513 = arith.constant 64 : i32
          %add3A_514 = vector.broadcast %add3A_513 : i32 to vector<16xi32>
          %add3A_515 = arith.addi %add3A_514, %iota3A : vector<16xi32>
          %add3A_516 = arith.constant 128 : i32
          %add3A_517 = vector.broadcast %add3A_516 : i32 to vector<16xi32>
          %add3A_518 = arith.addi %add3A_517, %add3A_515 : vector<16xi32>
          %gather3A_519 = tpu.vector_load_idx %arg9[%and3A_344, %add3A_518] : memref<32x256xf32, #tpu.memory_space<vmem>>[vector<16xi32>, vector<16xi32>], vector<16xf32>,
          %mul3A_520 = arith.constant 32 : i32
          %mul3A_521 = vector.broadcast %mul3A_520 : i32 to vector<16xi32>
          %mul3A_522 = arith.muli %add3A_515, %mul3A_521 : vector<16xi32>
          %add3A_523 = arith.constant 4096 : i32
          %add3A_524 = vector.broadcast %add3A_523 : i32 to vector<16xi32>
          %add3A_525 = arith.addi %add3A_524, %mul3A_522 : vector<16xi32>
          %add3A_526 = arith.addi %add3A_525, %and3A_344 : vector<16xi32>
          tpu.vector_store_idx %arg11[%add3A_526], %gather3A_519 : memref<8192xf32, #tpu.memory_space<vmem>>[vector<16xi32>], vector<16xf32>,
          %add3A_527 = arith.constant 80 : i32
          %add3A_528 = vector.broadcast %add3A_527 : i32 to vector<16xi32>
          %add3A_529 = arith.addi %add3A_528, %iota3A : vector<16xi32>
          %add3A_530 = arith.constant 128 : i32
          %add3A_531 = vector.broadcast %add3A_530 : i32 to vector<16xi32>
          %add3A_532 = arith.addi %add3A_531, %add3A_529 : vector<16xi32>
          %gather3A_533 = tpu.vector_load_idx %arg9[%and3A_344, %add3A_532] : memref<32x256xf32, #tpu.memory_space<vmem>>[vector<16xi32>, vector<16xi32>], vector<16xf32>,
          %mul3A_534 = arith.constant 32 : i32
          %mul3A_535 = vector.broadcast %mul3A_534 : i32 to vector<16xi32>
          %mul3A_536 = arith.muli %add3A_529, %mul3A_535 : vector<16xi32>
          %add3A_537 = arith.constant 4096 : i32
          %add3A_538 = vector.broadcast %add3A_537 : i32 to vector<16xi32>
          %add3A_539 = arith.addi %add3A_538, %mul3A_536 : vector<16xi32>
          %add3A_540 = arith.addi %add3A_539, %and3A_344 : vector<16xi32>
          tpu.vector_store_idx %arg11[%add3A_540], %gather3A_533 : memref<8192xf32, #tpu.memory_space<vmem>>[vector<16xi32>], vector<16xf32>,
          %add3A_541 = arith.constant 96 : i32
          %add3A_542 = vector.broadcast %add3A_541 : i32 to vector<16xi32>
          %add3A_543 = arith.addi %add3A_542, %iota3A : vector<16xi32>
          %add3A_544 = arith.constant 128 : i32
          %add3A_545 = vector.broadcast %add3A_544 : i32 to vector<16xi32>
          %add3A_546 = arith.addi %add3A_545, %add3A_543 : vector<16xi32>
          %gather3A_547 = tpu.vector_load_idx %arg9[%and3A_344, %add3A_546] : memref<32x256xf32, #tpu.memory_space<vmem>>[vector<16xi32>, vector<16xi32>], vector<16xf32>,
          %mul3A_548 = arith.constant 32 : i32
          %mul3A_549 = vector.broadcast %mul3A_548 : i32 to vector<16xi32>
          %mul3A_550 = arith.muli %add3A_543, %mul3A_549 : vector<16xi32>
          %add3A_551 = arith.constant 4096 : i32
          %add3A_552 = vector.broadcast %add3A_551 : i32 to vector<16xi32>
          %add3A_553 = arith.addi %add3A_552, %mul3A_550 : vector<16xi32>
          %add3A_554 = arith.addi %add3A_553, %and3A_344 : vector<16xi32>
          tpu.vector_store_idx %arg11[%add3A_554], %gather3A_547 : memref<8192xf32, #tpu.memory_space<vmem>>[vector<16xi32>], vector<16xf32>,
          %add3A_555 = arith.constant 112 : i32
          %add3A_556 = vector.broadcast %add3A_555 : i32 to vector<16xi32>
          %add3A_557 = arith.addi %add3A_556, %iota3A : vector<16xi32>
          %add3A_558 = arith.constant 128 : i32
          %add3A_559 = vector.broadcast %add3A_558 : i32 to vector<16xi32>
          %add3A_560 = arith.addi %add3A_559, %add3A_557 : vector<16xi32>
          %gather3A_561 = tpu.vector_load_idx %arg9[%and3A_344, %add3A_560] : memref<32x256xf32, #tpu.memory_space<vmem>>[vector<16xi32>, vector<16xi32>], vector<16xf32>,
          %mul3A_562 = arith.constant 32 : i32
          %mul3A_563 = vector.broadcast %mul3A_562 : i32 to vector<16xi32>
          %mul3A_564 = arith.muli %add3A_557, %mul3A_563 : vector<16xi32>
          %add3A_565 = arith.constant 4096 : i32
          %add3A_566 = vector.broadcast %add3A_565 : i32 to vector<16xi32>
          %add3A_567 = arith.addi %add3A_566, %mul3A_564 : vector<16xi32>
          %add3A_568 = arith.addi %add3A_567, %and3A_344 : vector<16xi32>
          tpu.vector_store_idx %arg11[%add3A_568], %gather3A_561 : memref<8192xf32, #tpu.memory_space<vmem>>[vector<16xi32>], vector<16xf32>,
          %mul3A_569 = arith.constant 4 : i32
          %mul3A_570 = arith.muli %scan3A_103, %mul3A_569 : i32
          %add3A_571 = arith.constant 2 : i32
          %add3A_572 = arith.addi %mul3A_570, %add3A_571 : i32
          %add3A_573 = vector.broadcast %add3A_572 : i32 to vector<16xi32>
          %add3A_574 = arith.addi %add3A_573, %iota3A : vector<16xi32>
          %and3A_575 = arith.constant 31 : i32
          %and3A_576 = vector.broadcast %and3A_575 : i32 to vector<16xi32>
          %and3A_577 = arith.andi %add3A_574, %and3A_576 : vector<16xi32>
          %add3A_578 = arith.constant 0 : i32
          %add3A_579 = vector.broadcast %add3A_578 : i32 to vector<16xi32>
          %add3A_580 = arith.addi %add3A_579, %iota3A : vector<16xi32>
          %add3A_581 = arith.constant 0 : i32
          %add3A_582 = vector.broadcast %add3A_581 : i32 to vector<16xi32>
          %add3A_583 = arith.addi %add3A_582, %add3A_580 : vector<16xi32>
          %gather3A_584 = tpu.vector_load_idx %arg9[%and3A_577, %add3A_583] : memref<32x256xf32, #tpu.memory_space<vmem>>[vector<16xi32>, vector<16xi32>], vector<16xf32>,
          %mul3A_585 = arith.constant 32 : i32
          %mul3A_586 = vector.broadcast %mul3A_585 : i32 to vector<16xi32>
          %mul3A_587 = arith.muli %add3A_580, %mul3A_586 : vector<16xi32>
          %add3A_588 = arith.constant 0 : i32
          %add3A_589 = vector.broadcast %add3A_588 : i32 to vector<16xi32>
          %add3A_590 = arith.addi %add3A_589, %mul3A_587 : vector<16xi32>
          %add3A_591 = arith.addi %add3A_590, %and3A_577 : vector<16xi32>
          tpu.vector_store_idx %arg11[%add3A_591], %gather3A_584 : memref<8192xf32, #tpu.memory_space<vmem>>[vector<16xi32>], vector<16xf32>,
          %add3A_592 = arith.constant 16 : i32
          %add3A_593 = vector.broadcast %add3A_592 : i32 to vector<16xi32>
          %add3A_594 = arith.addi %add3A_593, %iota3A : vector<16xi32>
          %add3A_595 = arith.constant 0 : i32
          %add3A_596 = vector.broadcast %add3A_595 : i32 to vector<16xi32>
          %add3A_597 = arith.addi %add3A_596, %add3A_594 : vector<16xi32>
          %gather3A_598 = tpu.vector_load_idx %arg9[%and3A_577, %add3A_597] : memref<32x256xf32, #tpu.memory_space<vmem>>[vector<16xi32>, vector<16xi32>], vector<16xf32>,
          %mul3A_599 = arith.constant 32 : i32
          %mul3A_600 = vector.broadcast %mul3A_599 : i32 to vector<16xi32>
          %mul3A_601 = arith.muli %add3A_594, %mul3A_600 : vector<16xi32>
          %add3A_602 = arith.constant 0 : i32
          %add3A_603 = vector.broadcast %add3A_602 : i32 to vector<16xi32>
          %add3A_604 = arith.addi %add3A_603, %mul3A_601 : vector<16xi32>
          %add3A_605 = arith.addi %add3A_604, %and3A_577 : vector<16xi32>
          tpu.vector_store_idx %arg11[%add3A_605], %gather3A_598 : memref<8192xf32, #tpu.memory_space<vmem>>[vector<16xi32>], vector<16xf32>,
          %add3A_606 = arith.constant 32 : i32
          %add3A_607 = vector.broadcast %add3A_606 : i32 to vector<16xi32>
          %add3A_608 = arith.addi %add3A_607, %iota3A : vector<16xi32>
          %add3A_609 = arith.constant 0 : i32
          %add3A_610 = vector.broadcast %add3A_609 : i32 to vector<16xi32>
          %add3A_611 = arith.addi %add3A_610, %add3A_608 : vector<16xi32>
          %gather3A_612 = tpu.vector_load_idx %arg9[%and3A_577, %add3A_611] : memref<32x256xf32, #tpu.memory_space<vmem>>[vector<16xi32>, vector<16xi32>], vector<16xf32>,
          %mul3A_613 = arith.constant 32 : i32
          %mul3A_614 = vector.broadcast %mul3A_613 : i32 to vector<16xi32>
          %mul3A_615 = arith.muli %add3A_608, %mul3A_614 : vector<16xi32>
          %add3A_616 = arith.constant 0 : i32
          %add3A_617 = vector.broadcast %add3A_616 : i32 to vector<16xi32>
          %add3A_618 = arith.addi %add3A_617, %mul3A_615 : vector<16xi32>
          %add3A_619 = arith.addi %add3A_618, %and3A_577 : vector<16xi32>
          tpu.vector_store_idx %arg11[%add3A_619], %gather3A_612 : memref<8192xf32, #tpu.memory_space<vmem>>[vector<16xi32>], vector<16xf32>,
          %add3A_620 = arith.constant 48 : i32
          %add3A_621 = vector.broadcast %add3A_620 : i32 to vector<16xi32>
          %add3A_622 = arith.addi %add3A_621, %iota3A : vector<16xi32>
          %add3A_623 = arith.constant 0 : i32
          %add3A_624 = vector.broadcast %add3A_623 : i32 to vector<16xi32>
          %add3A_625 = arith.addi %add3A_624, %add3A_622 : vector<16xi32>
          %gather3A_626 = tpu.vector_load_idx %arg9[%and3A_577, %add3A_625] : memref<32x256xf32, #tpu.memory_space<vmem>>[vector<16xi32>, vector<16xi32>], vector<16xf32>,
          %mul3A_627 = arith.constant 32 : i32
          %mul3A_628 = vector.broadcast %mul3A_627 : i32 to vector<16xi32>
          %mul3A_629 = arith.muli %add3A_622, %mul3A_628 : vector<16xi32>
          %add3A_630 = arith.constant 0 : i32
          %add3A_631 = vector.broadcast %add3A_630 : i32 to vector<16xi32>
          %add3A_632 = arith.addi %add3A_631, %mul3A_629 : vector<16xi32>
          %add3A_633 = arith.addi %add3A_632, %and3A_577 : vector<16xi32>
          tpu.vector_store_idx %arg11[%add3A_633], %gather3A_626 : memref<8192xf32, #tpu.memory_space<vmem>>[vector<16xi32>], vector<16xf32>,
          %add3A_634 = arith.constant 64 : i32
          %add3A_635 = vector.broadcast %add3A_634 : i32 to vector<16xi32>
          %add3A_636 = arith.addi %add3A_635, %iota3A : vector<16xi32>
          %add3A_637 = arith.constant 0 : i32
          %add3A_638 = vector.broadcast %add3A_637 : i32 to vector<16xi32>
          %add3A_639 = arith.addi %add3A_638, %add3A_636 : vector<16xi32>
          %gather3A_640 = tpu.vector_load_idx %arg9[%and3A_577, %add3A_639] : memref<32x256xf32, #tpu.memory_space<vmem>>[vector<16xi32>, vector<16xi32>], vector<16xf32>,
          %mul3A_641 = arith.constant 32 : i32
          %mul3A_642 = vector.broadcast %mul3A_641 : i32 to vector<16xi32>
          %mul3A_643 = arith.muli %add3A_636, %mul3A_642 : vector<16xi32>
          %add3A_644 = arith.constant 0 : i32
          %add3A_645 = vector.broadcast %add3A_644 : i32 to vector<16xi32>
          %add3A_646 = arith.addi %add3A_645, %mul3A_643 : vector<16xi32>
          %add3A_647 = arith.addi %add3A_646, %and3A_577 : vector<16xi32>
          tpu.vector_store_idx %arg11[%add3A_647], %gather3A_640 : memref<8192xf32, #tpu.memory_space<vmem>>[vector<16xi32>], vector<16xf32>,
          %add3A_648 = arith.constant 80 : i32
          %add3A_649 = vector.broadcast %add3A_648 : i32 to vector<16xi32>
          %add3A_650 = arith.addi %add3A_649, %iota3A : vector<16xi32>
          %add3A_651 = arith.constant 0 : i32
          %add3A_652 = vector.broadcast %add3A_651 : i32 to vector<16xi32>
          %add3A_653 = arith.addi %add3A_652, %add3A_650 : vector<16xi32>
          %gather3A_654 = tpu.vector_load_idx %arg9[%and3A_577, %add3A_653] : memref<32x256xf32, #tpu.memory_space<vmem>>[vector<16xi32>, vector<16xi32>], vector<16xf32>,
          %mul3A_655 = arith.constant 32 : i32
          %mul3A_656 = vector.broadcast %mul3A_655 : i32 to vector<16xi32>
          %mul3A_657 = arith.muli %add3A_650, %mul3A_656 : vector<16xi32>
          %add3A_658 = arith.constant 0 : i32
          %add3A_659 = vector.broadcast %add3A_658 : i32 to vector<16xi32>
          %add3A_660 = arith.addi %add3A_659, %mul3A_657 : vector<16xi32>
          %add3A_661 = arith.addi %add3A_660, %and3A_577 : vector<16xi32>
          tpu.vector_store_idx %arg11[%add3A_661], %gather3A_654 : memref<8192xf32, #tpu.memory_space<vmem>>[vector<16xi32>], vector<16xf32>,
          %add3A_662 = arith.constant 96 : i32
          %add3A_663 = vector.broadcast %add3A_662 : i32 to vector<16xi32>
          %add3A_664 = arith.addi %add3A_663, %iota3A : vector<16xi32>
          %add3A_665 = arith.constant 0 : i32
          %add3A_666 = vector.broadcast %add3A_665 : i32 to vector<16xi32>
          %add3A_667 = arith.addi %add3A_666, %add3A_664 : vector<16xi32>
          %gather3A_668 = tpu.vector_load_idx %arg9[%and3A_577, %add3A_667] : memref<32x256xf32, #tpu.memory_space<vmem>>[vector<16xi32>, vector<16xi32>], vector<16xf32>,
          %mul3A_669 = arith.constant 32 : i32
          %mul3A_670 = vector.broadcast %mul3A_669 : i32 to vector<16xi32>
          %mul3A_671 = arith.muli %add3A_664, %mul3A_670 : vector<16xi32>
          %add3A_672 = arith.constant 0 : i32
          %add3A_673 = vector.broadcast %add3A_672 : i32 to vector<16xi32>
          %add3A_674 = arith.addi %add3A_673, %mul3A_671 : vector<16xi32>
          %add3A_675 = arith.addi %add3A_674, %and3A_577 : vector<16xi32>
          tpu.vector_store_idx %arg11[%add3A_675], %gather3A_668 : memref<8192xf32, #tpu.memory_space<vmem>>[vector<16xi32>], vector<16xf32>,
          %add3A_676 = arith.constant 112 : i32
          %add3A_677 = vector.broadcast %add3A_676 : i32 to vector<16xi32>
          %add3A_678 = arith.addi %add3A_677, %iota3A : vector<16xi32>
          %add3A_679 = arith.constant 0 : i32
          %add3A_680 = vector.broadcast %add3A_679 : i32 to vector<16xi32>
          %add3A_681 = arith.addi %add3A_680, %add3A_678 : vector<16xi32>
          %gather3A_682 = tpu.vector_load_idx %arg9[%and3A_577, %add3A_681] : memref<32x256xf32, #tpu.memory_space<vmem>>[vector<16xi32>, vector<16xi32>], vector<16xf32>,
          %mul3A_683 = arith.constant 32 : i32
          %mul3A_684 = vector.broadcast %mul3A_683 : i32 to vector<16xi32>
          %mul3A_685 = arith.muli %add3A_678, %mul3A_684 : vector<16xi32>
          %add3A_686 = arith.constant 0 : i32
          %add3A_687 = vector.broadcast %add3A_686 : i32 to vector<16xi32>
          %add3A_688 = arith.addi %add3A_687, %mul3A_685 : vector<16xi32>
          %add3A_689 = arith.addi %add3A_688, %and3A_577 : vector<16xi32>
          tpu.vector_store_idx %arg11[%add3A_689], %gather3A_682 : memref<8192xf32, #tpu.memory_space<vmem>>[vector<16xi32>], vector<16xf32>,
          %add3A_690 = arith.constant 0 : i32
          %add3A_691 = vector.broadcast %add3A_690 : i32 to vector<16xi32>
          %add3A_692 = arith.addi %add3A_691, %iota3A : vector<16xi32>
          %add3A_693 = arith.constant 128 : i32
          %add3A_694 = vector.broadcast %add3A_693 : i32 to vector<16xi32>
          %add3A_695 = arith.addi %add3A_694, %add3A_692 : vector<16xi32>
          %gather3A_696 = tpu.vector_load_idx %arg9[%and3A_577, %add3A_695] : memref<32x256xf32, #tpu.memory_space<vmem>>[vector<16xi32>, vector<16xi32>], vector<16xf32>,
          %mul3A_697 = arith.constant 32 : i32
          %mul3A_698 = vector.broadcast %mul3A_697 : i32 to vector<16xi32>
          %mul3A_699 = arith.muli %add3A_692, %mul3A_698 : vector<16xi32>
          %add3A_700 = arith.constant 4096 : i32
          %add3A_701 = vector.broadcast %add3A_700 : i32 to vector<16xi32>
          %add3A_702 = arith.addi %add3A_701, %mul3A_699 : vector<16xi32>
          %add3A_703 = arith.addi %add3A_702, %and3A_577 : vector<16xi32>
          tpu.vector_store_idx %arg11[%add3A_703], %gather3A_696 : memref<8192xf32, #tpu.memory_space<vmem>>[vector<16xi32>], vector<16xf32>,
          %add3A_704 = arith.constant 16 : i32
          %add3A_705 = vector.broadcast %add3A_704 : i32 to vector<16xi32>
          %add3A_706 = arith.addi %add3A_705, %iota3A : vector<16xi32>
          %add3A_707 = arith.constant 128 : i32
          %add3A_708 = vector.broadcast %add3A_707 : i32 to vector<16xi32>
          %add3A_709 = arith.addi %add3A_708, %add3A_706 : vector<16xi32>
          %gather3A_710 = tpu.vector_load_idx %arg9[%and3A_577, %add3A_709] : memref<32x256xf32, #tpu.memory_space<vmem>>[vector<16xi32>, vector<16xi32>], vector<16xf32>,
          %mul3A_711 = arith.constant 32 : i32
          %mul3A_712 = vector.broadcast %mul3A_711 : i32 to vector<16xi32>
          %mul3A_713 = arith.muli %add3A_706, %mul3A_712 : vector<16xi32>
          %add3A_714 = arith.constant 4096 : i32
          %add3A_715 = vector.broadcast %add3A_714 : i32 to vector<16xi32>
          %add3A_716 = arith.addi %add3A_715, %mul3A_713 : vector<16xi32>
          %add3A_717 = arith.addi %add3A_716, %and3A_577 : vector<16xi32>
          tpu.vector_store_idx %arg11[%add3A_717], %gather3A_710 : memref<8192xf32, #tpu.memory_space<vmem>>[vector<16xi32>], vector<16xf32>,
          %add3A_718 = arith.constant 32 : i32
          %add3A_719 = vector.broadcast %add3A_718 : i32 to vector<16xi32>
          %add3A_720 = arith.addi %add3A_719, %iota3A : vector<16xi32>
          %add3A_721 = arith.constant 128 : i32
          %add3A_722 = vector.broadcast %add3A_721 : i32 to vector<16xi32>
          %add3A_723 = arith.addi %add3A_722, %add3A_720 : vector<16xi32>
          %gather3A_724 = tpu.vector_load_idx %arg9[%and3A_577, %add3A_723] : memref<32x256xf32, #tpu.memory_space<vmem>>[vector<16xi32>, vector<16xi32>], vector<16xf32>,
          %mul3A_725 = arith.constant 32 : i32
          %mul3A_726 = vector.broadcast %mul3A_725 : i32 to vector<16xi32>
          %mul3A_727 = arith.muli %add3A_720, %mul3A_726 : vector<16xi32>
          %add3A_728 = arith.constant 4096 : i32
          %add3A_729 = vector.broadcast %add3A_728 : i32 to vector<16xi32>
          %add3A_730 = arith.addi %add3A_729, %mul3A_727 : vector<16xi32>
          %add3A_731 = arith.addi %add3A_730, %and3A_577 : vector<16xi32>
          tpu.vector_store_idx %arg11[%add3A_731], %gather3A_724 : memref<8192xf32, #tpu.memory_space<vmem>>[vector<16xi32>], vector<16xf32>,
          %add3A_732 = arith.constant 48 : i32
          %add3A_733 = vector.broadcast %add3A_732 : i32 to vector<16xi32>
          %add3A_734 = arith.addi %add3A_733, %iota3A : vector<16xi32>
          %add3A_735 = arith.constant 128 : i32
          %add3A_736 = vector.broadcast %add3A_735 : i32 to vector<16xi32>
          %add3A_737 = arith.addi %add3A_736, %add3A_734 : vector<16xi32>
          %gather3A_738 = tpu.vector_load_idx %arg9[%and3A_577, %add3A_737] : memref<32x256xf32, #tpu.memory_space<vmem>>[vector<16xi32>, vector<16xi32>], vector<16xf32>,
          %mul3A_739 = arith.constant 32 : i32
          %mul3A_740 = vector.broadcast %mul3A_739 : i32 to vector<16xi32>
          %mul3A_741 = arith.muli %add3A_734, %mul3A_740 : vector<16xi32>
          %add3A_742 = arith.constant 4096 : i32
          %add3A_743 = vector.broadcast %add3A_742 : i32 to vector<16xi32>
          %add3A_744 = arith.addi %add3A_743, %mul3A_741 : vector<16xi32>
          %add3A_745 = arith.addi %add3A_744, %and3A_577 : vector<16xi32>
          tpu.vector_store_idx %arg11[%add3A_745], %gather3A_738 : memref<8192xf32, #tpu.memory_space<vmem>>[vector<16xi32>], vector<16xf32>,
          %add3A_746 = arith.constant 64 : i32
          %add3A_747 = vector.broadcast %add3A_746 : i32 to vector<16xi32>
          %add3A_748 = arith.addi %add3A_747, %iota3A : vector<16xi32>
          %add3A_749 = arith.constant 128 : i32
          %add3A_750 = vector.broadcast %add3A_749 : i32 to vector<16xi32>
          %add3A_751 = arith.addi %add3A_750, %add3A_748 : vector<16xi32>
          %gather3A_752 = tpu.vector_load_idx %arg9[%and3A_577, %add3A_751] : memref<32x256xf32, #tpu.memory_space<vmem>>[vector<16xi32>, vector<16xi32>], vector<16xf32>,
          %mul3A_753 = arith.constant 32 : i32
          %mul3A_754 = vector.broadcast %mul3A_753 : i32 to vector<16xi32>
          %mul3A_755 = arith.muli %add3A_748, %mul3A_754 : vector<16xi32>
          %add3A_756 = arith.constant 4096 : i32
          %add3A_757 = vector.broadcast %add3A_756 : i32 to vector<16xi32>
          %add3A_758 = arith.addi %add3A_757, %mul3A_755 : vector<16xi32>
          %add3A_759 = arith.addi %add3A_758, %and3A_577 : vector<16xi32>
          tpu.vector_store_idx %arg11[%add3A_759], %gather3A_752 : memref<8192xf32, #tpu.memory_space<vmem>>[vector<16xi32>], vector<16xf32>,
          %add3A_760 = arith.constant 80 : i32
          %add3A_761 = vector.broadcast %add3A_760 : i32 to vector<16xi32>
          %add3A_762 = arith.addi %add3A_761, %iota3A : vector<16xi32>
          %add3A_763 = arith.constant 128 : i32
          %add3A_764 = vector.broadcast %add3A_763 : i32 to vector<16xi32>
          %add3A_765 = arith.addi %add3A_764, %add3A_762 : vector<16xi32>
          %gather3A_766 = tpu.vector_load_idx %arg9[%and3A_577, %add3A_765] : memref<32x256xf32, #tpu.memory_space<vmem>>[vector<16xi32>, vector<16xi32>], vector<16xf32>,
          %mul3A_767 = arith.constant 32 : i32
          %mul3A_768 = vector.broadcast %mul3A_767 : i32 to vector<16xi32>
          %mul3A_769 = arith.muli %add3A_762, %mul3A_768 : vector<16xi32>
          %add3A_770 = arith.constant 4096 : i32
          %add3A_771 = vector.broadcast %add3A_770 : i32 to vector<16xi32>
          %add3A_772 = arith.addi %add3A_771, %mul3A_769 : vector<16xi32>
          %add3A_773 = arith.addi %add3A_772, %and3A_577 : vector<16xi32>
          tpu.vector_store_idx %arg11[%add3A_773], %gather3A_766 : memref<8192xf32, #tpu.memory_space<vmem>>[vector<16xi32>], vector<16xf32>,
          %add3A_774 = arith.constant 96 : i32
          %add3A_775 = vector.broadcast %add3A_774 : i32 to vector<16xi32>
          %add3A_776 = arith.addi %add3A_775, %iota3A : vector<16xi32>
          %add3A_777 = arith.constant 128 : i32
          %add3A_778 = vector.broadcast %add3A_777 : i32 to vector<16xi32>
          %add3A_779 = arith.addi %add3A_778, %add3A_776 : vector<16xi32>
          %gather3A_780 = tpu.vector_load_idx %arg9[%and3A_577, %add3A_779] : memref<32x256xf32, #tpu.memory_space<vmem>>[vector<16xi32>, vector<16xi32>], vector<16xf32>,
          %mul3A_781 = arith.constant 32 : i32
          %mul3A_782 = vector.broadcast %mul3A_781 : i32 to vector<16xi32>
          %mul3A_783 = arith.muli %add3A_776, %mul3A_782 : vector<16xi32>
          %add3A_784 = arith.constant 4096 : i32
          %add3A_785 = vector.broadcast %add3A_784 : i32 to vector<16xi32>
          %add3A_786 = arith.addi %add3A_785, %mul3A_783 : vector<16xi32>
          %add3A_787 = arith.addi %add3A_786, %and3A_577 : vector<16xi32>
          tpu.vector_store_idx %arg11[%add3A_787], %gather3A_780 : memref<8192xf32, #tpu.memory_space<vmem>>[vector<16xi32>], vector<16xf32>,
          %add3A_788 = arith.constant 112 : i32
          %add3A_789 = vector.broadcast %add3A_788 : i32 to vector<16xi32>
          %add3A_790 = arith.addi %add3A_789, %iota3A : vector<16xi32>
          %add3A_791 = arith.constant 128 : i32
          %add3A_792 = vector.broadcast %add3A_791 : i32 to vector<16xi32>
          %add3A_793 = arith.addi %add3A_792, %add3A_790 : vector<16xi32>
          %gather3A_794 = tpu.vector_load_idx %arg9[%and3A_577, %add3A_793] : memref<32x256xf32, #tpu.memory_space<vmem>>[vector<16xi32>, vector<16xi32>], vector<16xf32>,
          %mul3A_795 = arith.constant 32 : i32
          %mul3A_796 = vector.broadcast %mul3A_795 : i32 to vector<16xi32>
          %mul3A_797 = arith.muli %add3A_790, %mul3A_796 : vector<16xi32>
          %add3A_798 = arith.constant 4096 : i32
          %add3A_799 = vector.broadcast %add3A_798 : i32 to vector<16xi32>
          %add3A_800 = arith.addi %add3A_799, %mul3A_797 : vector<16xi32>
          %add3A_801 = arith.addi %add3A_800, %and3A_577 : vector<16xi32>
          tpu.vector_store_idx %arg11[%add3A_801], %gather3A_794 : memref<8192xf32, #tpu.memory_space<vmem>>[vector<16xi32>], vector<16xf32>,
          %mul3A_802 = arith.constant 4 : i32
          %mul3A_803 = arith.muli %scan3A_103, %mul3A_802 : i32
          %add3A_804 = arith.constant 3 : i32
          %add3A_805 = arith.addi %mul3A_803, %add3A_804 : i32
          %add3A_806 = vector.broadcast %add3A_805 : i32 to vector<16xi32>
          %add3A_807 = arith.addi %add3A_806, %iota3A : vector<16xi32>
          %and3A_808 = arith.constant 31 : i32
          %and3A_809 = vector.broadcast %and3A_808 : i32 to vector<16xi32>
          %and3A_810 = arith.andi %add3A_807, %and3A_809 : vector<16xi32>
          %add3A_811 = arith.constant 0 : i32
          %add3A_812 = vector.broadcast %add3A_811 : i32 to vector<16xi32>
          %add3A_813 = arith.addi %add3A_812, %iota3A : vector<16xi32>
          %add3A_814 = arith.constant 0 : i32
          %add3A_815 = vector.broadcast %add3A_814 : i32 to vector<16xi32>
          %add3A_816 = arith.addi %add3A_815, %add3A_813 : vector<16xi32>
          %gather3A_817 = tpu.vector_load_idx %arg9[%and3A_810, %add3A_816] : memref<32x256xf32, #tpu.memory_space<vmem>>[vector<16xi32>, vector<16xi32>], vector<16xf32>,
          %mul3A_818 = arith.constant 32 : i32
          %mul3A_819 = vector.broadcast %mul3A_818 : i32 to vector<16xi32>
          %mul3A_820 = arith.muli %add3A_813, %mul3A_819 : vector<16xi32>
          %add3A_821 = arith.constant 0 : i32
          %add3A_822 = vector.broadcast %add3A_821 : i32 to vector<16xi32>
          %add3A_823 = arith.addi %add3A_822, %mul3A_820 : vector<16xi32>
          %add3A_824 = arith.addi %add3A_823, %and3A_810 : vector<16xi32>
          tpu.vector_store_idx %arg11[%add3A_824], %gather3A_817 : memref<8192xf32, #tpu.memory_space<vmem>>[vector<16xi32>], vector<16xf32>,
          %add3A_825 = arith.constant 16 : i32
          %add3A_826 = vector.broadcast %add3A_825 : i32 to vector<16xi32>
          %add3A_827 = arith.addi %add3A_826, %iota3A : vector<16xi32>
          %add3A_828 = arith.constant 0 : i32
          %add3A_829 = vector.broadcast %add3A_828 : i32 to vector<16xi32>
          %add3A_830 = arith.addi %add3A_829, %add3A_827 : vector<16xi32>
          %gather3A_831 = tpu.vector_load_idx %arg9[%and3A_810, %add3A_830] : memref<32x256xf32, #tpu.memory_space<vmem>>[vector<16xi32>, vector<16xi32>], vector<16xf32>,
          %mul3A_832 = arith.constant 32 : i32
          %mul3A_833 = vector.broadcast %mul3A_832 : i32 to vector<16xi32>
          %mul3A_834 = arith.muli %add3A_827, %mul3A_833 : vector<16xi32>
          %add3A_835 = arith.constant 0 : i32
          %add3A_836 = vector.broadcast %add3A_835 : i32 to vector<16xi32>
          %add3A_837 = arith.addi %add3A_836, %mul3A_834 : vector<16xi32>
          %add3A_838 = arith.addi %add3A_837, %and3A_810 : vector<16xi32>
          tpu.vector_store_idx %arg11[%add3A_838], %gather3A_831 : memref<8192xf32, #tpu.memory_space<vmem>>[vector<16xi32>], vector<16xf32>,
          %add3A_839 = arith.constant 32 : i32
          %add3A_840 = vector.broadcast %add3A_839 : i32 to vector<16xi32>
          %add3A_841 = arith.addi %add3A_840, %iota3A : vector<16xi32>
          %add3A_842 = arith.constant 0 : i32
          %add3A_843 = vector.broadcast %add3A_842 : i32 to vector<16xi32>
          %add3A_844 = arith.addi %add3A_843, %add3A_841 : vector<16xi32>
          %gather3A_845 = tpu.vector_load_idx %arg9[%and3A_810, %add3A_844] : memref<32x256xf32, #tpu.memory_space<vmem>>[vector<16xi32>, vector<16xi32>], vector<16xf32>,
          %mul3A_846 = arith.constant 32 : i32
          %mul3A_847 = vector.broadcast %mul3A_846 : i32 to vector<16xi32>
          %mul3A_848 = arith.muli %add3A_841, %mul3A_847 : vector<16xi32>
          %add3A_849 = arith.constant 0 : i32
          %add3A_850 = vector.broadcast %add3A_849 : i32 to vector<16xi32>
          %add3A_851 = arith.addi %add3A_850, %mul3A_848 : vector<16xi32>
          %add3A_852 = arith.addi %add3A_851, %and3A_810 : vector<16xi32>
          tpu.vector_store_idx %arg11[%add3A_852], %gather3A_845 : memref<8192xf32, #tpu.memory_space<vmem>>[vector<16xi32>], vector<16xf32>,
          %add3A_853 = arith.constant 48 : i32
          %add3A_854 = vector.broadcast %add3A_853 : i32 to vector<16xi32>
          %add3A_855 = arith.addi %add3A_854, %iota3A : vector<16xi32>
          %add3A_856 = arith.constant 0 : i32
          %add3A_857 = vector.broadcast %add3A_856 : i32 to vector<16xi32>
          %add3A_858 = arith.addi %add3A_857, %add3A_855 : vector<16xi32>
          %gather3A_859 = tpu.vector_load_idx %arg9[%and3A_810, %add3A_858] : memref<32x256xf32, #tpu.memory_space<vmem>>[vector<16xi32>, vector<16xi32>], vector<16xf32>,
          %mul3A_860 = arith.constant 32 : i32
          %mul3A_861 = vector.broadcast %mul3A_860 : i32 to vector<16xi32>
          %mul3A_862 = arith.muli %add3A_855, %mul3A_861 : vector<16xi32>
          %add3A_863 = arith.constant 0 : i32
          %add3A_864 = vector.broadcast %add3A_863 : i32 to vector<16xi32>
          %add3A_865 = arith.addi %add3A_864, %mul3A_862 : vector<16xi32>
          %add3A_866 = arith.addi %add3A_865, %and3A_810 : vector<16xi32>
          tpu.vector_store_idx %arg11[%add3A_866], %gather3A_859 : memref<8192xf32, #tpu.memory_space<vmem>>[vector<16xi32>], vector<16xf32>,
          %add3A_867 = arith.constant 64 : i32
          %add3A_868 = vector.broadcast %add3A_867 : i32 to vector<16xi32>
          %add3A_869 = arith.addi %add3A_868, %iota3A : vector<16xi32>
          %add3A_870 = arith.constant 0 : i32
          %add3A_871 = vector.broadcast %add3A_870 : i32 to vector<16xi32>
          %add3A_872 = arith.addi %add3A_871, %add3A_869 : vector<16xi32>
          %gather3A_873 = tpu.vector_load_idx %arg9[%and3A_810, %add3A_872] : memref<32x256xf32, #tpu.memory_space<vmem>>[vector<16xi32>, vector<16xi32>], vector<16xf32>,
          %mul3A_874 = arith.constant 32 : i32
          %mul3A_875 = vector.broadcast %mul3A_874 : i32 to vector<16xi32>
          %mul3A_876 = arith.muli %add3A_869, %mul3A_875 : vector<16xi32>
          %add3A_877 = arith.constant 0 : i32
          %add3A_878 = vector.broadcast %add3A_877 : i32 to vector<16xi32>
          %add3A_879 = arith.addi %add3A_878, %mul3A_876 : vector<16xi32>
          %add3A_880 = arith.addi %add3A_879, %and3A_810 : vector<16xi32>
          tpu.vector_store_idx %arg11[%add3A_880], %gather3A_873 : memref<8192xf32, #tpu.memory_space<vmem>>[vector<16xi32>], vector<16xf32>,
          %add3A_881 = arith.constant 80 : i32
          %add3A_882 = vector.broadcast %add3A_881 : i32 to vector<16xi32>
          %add3A_883 = arith.addi %add3A_882, %iota3A : vector<16xi32>
          %add3A_884 = arith.constant 0 : i32
          %add3A_885 = vector.broadcast %add3A_884 : i32 to vector<16xi32>
          %add3A_886 = arith.addi %add3A_885, %add3A_883 : vector<16xi32>
          %gather3A_887 = tpu.vector_load_idx %arg9[%and3A_810, %add3A_886] : memref<32x256xf32, #tpu.memory_space<vmem>>[vector<16xi32>, vector<16xi32>], vector<16xf32>,
          %mul3A_888 = arith.constant 32 : i32
          %mul3A_889 = vector.broadcast %mul3A_888 : i32 to vector<16xi32>
          %mul3A_890 = arith.muli %add3A_883, %mul3A_889 : vector<16xi32>
          %add3A_891 = arith.constant 0 : i32
          %add3A_892 = vector.broadcast %add3A_891 : i32 to vector<16xi32>
          %add3A_893 = arith.addi %add3A_892, %mul3A_890 : vector<16xi32>
          %add3A_894 = arith.addi %add3A_893, %and3A_810 : vector<16xi32>
          tpu.vector_store_idx %arg11[%add3A_894], %gather3A_887 : memref<8192xf32, #tpu.memory_space<vmem>>[vector<16xi32>], vector<16xf32>,
          %add3A_895 = arith.constant 96 : i32
          %add3A_896 = vector.broadcast %add3A_895 : i32 to vector<16xi32>
          %add3A_897 = arith.addi %add3A_896, %iota3A : vector<16xi32>
          %add3A_898 = arith.constant 0 : i32
          %add3A_899 = vector.broadcast %add3A_898 : i32 to vector<16xi32>
          %add3A_900 = arith.addi %add3A_899, %add3A_897 : vector<16xi32>
          %gather3A_901 = tpu.vector_load_idx %arg9[%and3A_810, %add3A_900] : memref<32x256xf32, #tpu.memory_space<vmem>>[vector<16xi32>, vector<16xi32>], vector<16xf32>,
          %mul3A_902 = arith.constant 32 : i32
          %mul3A_903 = vector.broadcast %mul3A_902 : i32 to vector<16xi32>
          %mul3A_904 = arith.muli %add3A_897, %mul3A_903 : vector<16xi32>
          %add3A_905 = arith.constant 0 : i32
          %add3A_906 = vector.broadcast %add3A_905 : i32 to vector<16xi32>
          %add3A_907 = arith.addi %add3A_906, %mul3A_904 : vector<16xi32>
          %add3A_908 = arith.addi %add3A_907, %and3A_810 : vector<16xi32>
          tpu.vector_store_idx %arg11[%add3A_908], %gather3A_901 : memref<8192xf32, #tpu.memory_space<vmem>>[vector<16xi32>], vector<16xf32>,
          %add3A_909 = arith.constant 112 : i32
          %add3A_910 = vector.broadcast %add3A_909 : i32 to vector<16xi32>
          %add3A_911 = arith.addi %add3A_910, %iota3A : vector<16xi32>
          %add3A_912 = arith.constant 0 : i32
          %add3A_913 = vector.broadcast %add3A_912 : i32 to vector<16xi32>
          %add3A_914 = arith.addi %add3A_913, %add3A_911 : vector<16xi32>
          %gather3A_915 = tpu.vector_load_idx %arg9[%and3A_810, %add3A_914] : memref<32x256xf32, #tpu.memory_space<vmem>>[vector<16xi32>, vector<16xi32>], vector<16xf32>,
          %mul3A_916 = arith.constant 32 : i32
          %mul3A_917 = vector.broadcast %mul3A_916 : i32 to vector<16xi32>
          %mul3A_918 = arith.muli %add3A_911, %mul3A_917 : vector<16xi32>
          %add3A_919 = arith.constant 0 : i32
          %add3A_920 = vector.broadcast %add3A_919 : i32 to vector<16xi32>
          %add3A_921 = arith.addi %add3A_920, %mul3A_918 : vector<16xi32>
          %add3A_922 = arith.addi %add3A_921, %and3A_810 : vector<16xi32>
          tpu.vector_store_idx %arg11[%add3A_922], %gather3A_915 : memref<8192xf32, #tpu.memory_space<vmem>>[vector<16xi32>], vector<16xf32>,
          %add3A_923 = arith.constant 0 : i32
          %add3A_924 = vector.broadcast %add3A_923 : i32 to vector<16xi32>
          %add3A_925 = arith.addi %add3A_924, %iota3A : vector<16xi32>
          %add3A_926 = arith.constant 128 : i32
          %add3A_927 = vector.broadcast %add3A_926 : i32 to vector<16xi32>
          %add3A_928 = arith.addi %add3A_927, %add3A_925 : vector<16xi32>
          %gather3A_929 = tpu.vector_load_idx %arg9[%and3A_810, %add3A_928] : memref<32x256xf32, #tpu.memory_space<vmem>>[vector<16xi32>, vector<16xi32>], vector<16xf32>,
          %mul3A_930 = arith.constant 32 : i32
          %mul3A_931 = vector.broadcast %mul3A_930 : i32 to vector<16xi32>
          %mul3A_932 = arith.muli %add3A_925, %mul3A_931 : vector<16xi32>
          %add3A_933 = arith.constant 4096 : i32
          %add3A_934 = vector.broadcast %add3A_933 : i32 to vector<16xi32>
          %add3A_935 = arith.addi %add3A_934, %mul3A_932 : vector<16xi32>
          %add3A_936 = arith.addi %add3A_935, %and3A_810 : vector<16xi32>
          tpu.vector_store_idx %arg11[%add3A_936], %gather3A_929 : memref<8192xf32, #tpu.memory_space<vmem>>[vector<16xi32>], vector<16xf32>,
          %add3A_937 = arith.constant 16 : i32
          %add3A_938 = vector.broadcast %add3A_937 : i32 to vector<16xi32>
          %add3A_939 = arith.addi %add3A_938, %iota3A : vector<16xi32>
          %add3A_940 = arith.constant 128 : i32
          %add3A_941 = vector.broadcast %add3A_940 : i32 to vector<16xi32>
          %add3A_942 = arith.addi %add3A_941, %add3A_939 : vector<16xi32>
          %gather3A_943 = tpu.vector_load_idx %arg9[%and3A_810, %add3A_942] : memref<32x256xf32, #tpu.memory_space<vmem>>[vector<16xi32>, vector<16xi32>], vector<16xf32>,
          %mul3A_944 = arith.constant 32 : i32
          %mul3A_945 = vector.broadcast %mul3A_944 : i32 to vector<16xi32>
          %mul3A_946 = arith.muli %add3A_939, %mul3A_945 : vector<16xi32>
          %add3A_947 = arith.constant 4096 : i32
          %add3A_948 = vector.broadcast %add3A_947 : i32 to vector<16xi32>
          %add3A_949 = arith.addi %add3A_948, %mul3A_946 : vector<16xi32>
          %add3A_950 = arith.addi %add3A_949, %and3A_810 : vector<16xi32>
          tpu.vector_store_idx %arg11[%add3A_950], %gather3A_943 : memref<8192xf32, #tpu.memory_space<vmem>>[vector<16xi32>], vector<16xf32>,
          %add3A_951 = arith.constant 32 : i32
          %add3A_952 = vector.broadcast %add3A_951 : i32 to vector<16xi32>
          %add3A_953 = arith.addi %add3A_952, %iota3A : vector<16xi32>
          %add3A_954 = arith.constant 128 : i32
          %add3A_955 = vector.broadcast %add3A_954 : i32 to vector<16xi32>
          %add3A_956 = arith.addi %add3A_955, %add3A_953 : vector<16xi32>
          %gather3A_957 = tpu.vector_load_idx %arg9[%and3A_810, %add3A_956] : memref<32x256xf32, #tpu.memory_space<vmem>>[vector<16xi32>, vector<16xi32>], vector<16xf32>,
          %mul3A_958 = arith.constant 32 : i32
          %mul3A_959 = vector.broadcast %mul3A_958 : i32 to vector<16xi32>
          %mul3A_960 = arith.muli %add3A_953, %mul3A_959 : vector<16xi32>
          %add3A_961 = arith.constant 4096 : i32
          %add3A_962 = vector.broadcast %add3A_961 : i32 to vector<16xi32>
          %add3A_963 = arith.addi %add3A_962, %mul3A_960 : vector<16xi32>
          %add3A_964 = arith.addi %add3A_963, %and3A_810 : vector<16xi32>
          tpu.vector_store_idx %arg11[%add3A_964], %gather3A_957 : memref<8192xf32, #tpu.memory_space<vmem>>[vector<16xi32>], vector<16xf32>,
          %add3A_965 = arith.constant 48 : i32
          %add3A_966 = vector.broadcast %add3A_965 : i32 to vector<16xi32>
          %add3A_967 = arith.addi %add3A_966, %iota3A : vector<16xi32>
          %add3A_968 = arith.constant 128 : i32
          %add3A_969 = vector.broadcast %add3A_968 : i32 to vector<16xi32>
          %add3A_970 = arith.addi %add3A_969, %add3A_967 : vector<16xi32>
          %gather3A_971 = tpu.vector_load_idx %arg9[%and3A_810, %add3A_970] : memref<32x256xf32, #tpu.memory_space<vmem>>[vector<16xi32>, vector<16xi32>], vector<16xf32>,
          %mul3A_972 = arith.constant 32 : i32
          %mul3A_973 = vector.broadcast %mul3A_972 : i32 to vector<16xi32>
          %mul3A_974 = arith.muli %add3A_967, %mul3A_973 : vector<16xi32>
          %add3A_975 = arith.constant 4096 : i32
          %add3A_976 = vector.broadcast %add3A_975 : i32 to vector<16xi32>
          %add3A_977 = arith.addi %add3A_976, %mul3A_974 : vector<16xi32>
          %add3A_978 = arith.addi %add3A_977, %and3A_810 : vector<16xi32>
          tpu.vector_store_idx %arg11[%add3A_978], %gather3A_971 : memref<8192xf32, #tpu.memory_space<vmem>>[vector<16xi32>], vector<16xf32>,
          %add3A_979 = arith.constant 64 : i32
          %add3A_980 = vector.broadcast %add3A_979 : i32 to vector<16xi32>
          %add3A_981 = arith.addi %add3A_980, %iota3A : vector<16xi32>
          %add3A_982 = arith.constant 128 : i32
          %add3A_983 = vector.broadcast %add3A_982 : i32 to vector<16xi32>
          %add3A_984 = arith.addi %add3A_983, %add3A_981 : vector<16xi32>
          %gather3A_985 = tpu.vector_load_idx %arg9[%and3A_810, %add3A_984] : memref<32x256xf32, #tpu.memory_space<vmem>>[vector<16xi32>, vector<16xi32>], vector<16xf32>,
          %mul3A_986 = arith.constant 32 : i32
          %mul3A_987 = vector.broadcast %mul3A_986 : i32 to vector<16xi32>
          %mul3A_988 = arith.muli %add3A_981, %mul3A_987 : vector<16xi32>
          %add3A_989 = arith.constant 4096 : i32
          %add3A_990 = vector.broadcast %add3A_989 : i32 to vector<16xi32>
          %add3A_991 = arith.addi %add3A_990, %mul3A_988 : vector<16xi32>
          %add3A_992 = arith.addi %add3A_991, %and3A_810 : vector<16xi32>
          tpu.vector_store_idx %arg11[%add3A_992], %gather3A_985 : memref<8192xf32, #tpu.memory_space<vmem>>[vector<16xi32>], vector<16xf32>,
          %add3A_993 = arith.constant 80 : i32
          %add3A_994 = vector.broadcast %add3A_993 : i32 to vector<16xi32>
          %add3A_995 = arith.addi %add3A_994, %iota3A : vector<16xi32>
          %add3A_996 = arith.constant 128 : i32
          %add3A_997 = vector.broadcast %add3A_996 : i32 to vector<16xi32>
          %add3A_998 = arith.addi %add3A_997, %add3A_995 : vector<16xi32>
          %gather3A_999 = tpu.vector_load_idx %arg9[%and3A_810, %add3A_998] : memref<32x256xf32, #tpu.memory_space<vmem>>[vector<16xi32>, vector<16xi32>], vector<16xf32>,
          %mul3A_1000 = arith.constant 32 : i32
          %mul3A_1001 = vector.broadcast %mul3A_1000 : i32 to vector<16xi32>
          %mul3A_1002 = arith.muli %add3A_995, %mul3A_1001 : vector<16xi32>
          %add3A_1003 = arith.constant 4096 : i32
          %add3A_1004 = vector.broadcast %add3A_1003 : i32 to vector<16xi32>
          %add3A_1005 = arith.addi %add3A_1004, %mul3A_1002 : vector<16xi32>
          %add3A_1006 = arith.addi %add3A_1005, %and3A_810 : vector<16xi32>
          tpu.vector_store_idx %arg11[%add3A_1006], %gather3A_999 : memref<8192xf32, #tpu.memory_space<vmem>>[vector<16xi32>], vector<16xf32>,
          %add3A_1007 = arith.constant 96 : i32
          %add3A_1008 = vector.broadcast %add3A_1007 : i32 to vector<16xi32>
          %add3A_1009 = arith.addi %add3A_1008, %iota3A : vector<16xi32>
          %add3A_1010 = arith.constant 128 : i32
          %add3A_1011 = vector.broadcast %add3A_1010 : i32 to vector<16xi32>
          %add3A_1012 = arith.addi %add3A_1011, %add3A_1009 : vector<16xi32>
          %gather3A_1013 = tpu.vector_load_idx %arg9[%and3A_810, %add3A_1012] : memref<32x256xf32, #tpu.memory_space<vmem>>[vector<16xi32>, vector<16xi32>], vector<16xf32>,
          %mul3A_1014 = arith.constant 32 : i32
          %mul3A_1015 = vector.broadcast %mul3A_1014 : i32 to vector<16xi32>
          %mul3A_1016 = arith.muli %add3A_1009, %mul3A_1015 : vector<16xi32>
          %add3A_1017 = arith.constant 4096 : i32
          %add3A_1018 = vector.broadcast %add3A_1017 : i32 to vector<16xi32>
          %add3A_1019 = arith.addi %add3A_1018, %mul3A_1016 : vector<16xi32>
          %add3A_1020 = arith.addi %add3A_1019, %and3A_810 : vector<16xi32>
          tpu.vector_store_idx %arg11[%add3A_1020], %gather3A_1013 : memref<8192xf32, #tpu.memory_space<vmem>>[vector<16xi32>], vector<16xf32>,
          %add3A_1021 = arith.constant 112 : i32
          %add3A_1022 = vector.broadcast %add3A_1021 : i32 to vector<16xi32>
          %add3A_1023 = arith.addi %add3A_1022, %iota3A : vector<16xi32>
          %add3A_1024 = arith.constant 128 : i32
          %add3A_1025 = vector.broadcast %add3A_1024 : i32 to vector<16xi32>
          %add3A_1026 = arith.addi %add3A_1025, %add3A_1023 : vector<16xi32>
          %gather3A_1027 = tpu.vector_load_idx %arg9[%and3A_810, %add3A_1026] : memref<32x256xf32, #tpu.memory_space<vmem>>[vector<16xi32>, vector<16xi32>], vector<16xf32>,
          %mul3A_1028 = arith.constant 32 : i32
          %mul3A_1029 = vector.broadcast %mul3A_1028 : i32 to vector<16xi32>
          %mul3A_1030 = arith.muli %add3A_1023, %mul3A_1029 : vector<16xi32>
          %add3A_1031 = arith.constant 4096 : i32
          %add3A_1032 = vector.broadcast %add3A_1031 : i32 to vector<16xi32>
          %add3A_1033 = arith.addi %add3A_1032, %mul3A_1030 : vector<16xi32>
          %add3A_1034 = arith.addi %add3A_1033, %and3A_810 : vector<16xi32>
          tpu.vector_store_idx %arg11[%add3A_1034], %gather3A_1027 : memref<8192xf32, #tpu.memory_space<vmem>>[vector<16xi32>], vector<16xf32>,
          %scan3A_1035 = arith.constant 0 : i32
          scf.yield %scan3A_1035 : i32
        }
        %scan3A_93 = arith.constant 8 : i32
        %sub3A = arith.constant 2 : i32
        %sub3A_94 = arith.subi %add3A_67, %sub3A : i32
        %ge3A = arith.cmpi sge, %sub3A_94, %add3A_4 : i32
        %convert_element_type3A_95 = arith.extui %ge3A : i1 to i32
        %cond3A_96 = arith.constant 0 : i32
        %cond3A_97 = arith.cmpi ne, %convert_element_type3A_95, %cond3A_96 : i32
        scf.if %cond3A_97 {
          %dma_wait3A_103 = arith.constant 0 : i32
          %dma_wait3A_104 = tpu.memref_slice %arg6[%dma_wait3A_103] : memref<32000000xf32, #tpu.memory_space<hbm>> -> memref<8192xf32, #tpu.memory_space<hbm>>
          %dma_wait3A_105 = arith.constant 0 : i32
          %dma_wait3A_106 = tpu.memref_slice %arg6[%dma_wait3A_105] : memref<32000000xf32, #tpu.memory_space<hbm>> -> memref<8192xf32, #tpu.memory_space<hbm>>
          tpu.wait_dma2 semaphore(%arg17 : memref<!tpu.dma_semaphore, #tpu.memory_space<semaphore_mem>>) src(%dma_wait3A_106 : memref<8192xf32, #tpu.memory_space<hbm>>) dst(%arg11 : memref<8192xf32, #tpu.memory_space<vmem>>)
        } else {
        }
        %mul3A_98 = arith.constant 8192 : i32
        %mul3A_99 = arith.muli %add3A_67, %mul3A_98 : i32
        %multiple_of3A_100 = tpu.assume_multiple %mul3A_99, 8192 : i32
        %dma_start3A_101 = tpu.memref_slice %arg6[%multiple_of3A_100] : memref<32000000xf32, #tpu.memory_space<hbm>> -> memref<8192xf32, #tpu.memory_space<hbm>>
        %dma_start3A_102 = tpu.memref_slice %arg6[%multiple_of3A_100] : memref<32000000xf32, #tpu.memory_space<hbm>> -> memref<8192xf32, #tpu.memory_space<hbm>>
        tpu.enqueue_dma source(%arg11 : memref<8192xf32, #tpu.memory_space<vmem>>) target(%dma_start3A_102 : memref<8192xf32, #tpu.memory_space<hbm>>) target_semaphore(%arg17 : memref<!tpu.dma_semaphore, #tpu.memory_space<semaphore_mem>>)
      } else {
      }
      %scan3A_73 = arith.constant 0 : i32
      scf.yield %scan3A_73 : i32
    }
    %scan3A_31 = arith.constant 62 : i32
    %dma_wait3A = arith.constant 0 : i32
    %dma_wait3A_32 = tpu.memref_slice %arg6[%dma_wait3A] : memref<32000000xf32, #tpu.memory_space<hbm>> -> memref<8192xf32, #tpu.memory_space<hbm>>
    %dma_wait3A_33 = arith.constant 0 : i32
    %dma_wait3A_34 = tpu.memref_slice %arg6[%dma_wait3A_33] : memref<32000000xf32, #tpu.memory_space<hbm>> -> memref<8192xf32, #tpu.memory_space<hbm>>
    tpu.wait_dma2 semaphore(%arg17 : memref<!tpu.dma_semaphore, #tpu.memory_space<semaphore_mem>>) src(%dma_wait3A_34 : memref<8192xf32, #tpu.memory_space<hbm>>) dst(%arg10 : memref<8192xf32, #tpu.memory_space<vmem>>)
    %dma_wait3A_35 = arith.constant 0 : i32
    %dma_wait3A_36 = tpu.memref_slice %arg6[%dma_wait3A_35] : memref<32000000xf32, #tpu.memory_space<hbm>> -> memref<8192xf32, #tpu.memory_space<hbm>>
    %dma_wait3A_37 = arith.constant 0 : i32
    %dma_wait3A_38 = tpu.memref_slice %arg6[%dma_wait3A_37] : memref<32000000xf32, #tpu.memory_space<hbm>> -> memref<8192xf32, #tpu.memory_space<hbm>>
    tpu.wait_dma2 semaphore(%arg17 : memref<!tpu.dma_semaphore, #tpu.memory_space<semaphore_mem>>) src(%dma_wait3A_38 : memref<8192xf32, #tpu.memory_space<hbm>>) dst(%arg11 : memref<8192xf32, #tpu.memory_space<vmem>>)
    %eq3A_39 = arith.constant 0 : i32
    %eq3A_40 = arith.cmpi eq, %add3A, %eq3A_39 : i32
    %convert_element_type3A_41 = arith.extui %eq3A_40 : i1 to i32
    %cond3A_42 = arith.constant 0 : i32
    %cond3A_43 = arith.cmpi ne, %convert_element_type3A_41, %cond3A_42 : i32
    scf.if %cond3A_43 {
      "tpu.region"() ({
        %run_scoped3A = tpu.sem_alloc : memref<!tpu.dma_semaphore, #tpu.memory_space<semaphore_mem>>
        %dma_start3A_51 = arith.constant 0 : i32
        %dma_start3A_52 = tpu.memref_slice %arg10[%dma_start3A_51] : memref<8192xf32, #tpu.memory_space<vmem>> -> memref<2048xf32, #tpu.memory_space<vmem>>
        %dma_start3A_53 = arith.constant 0 : i32
        %dma_start3A_54 = tpu.memref_slice %arg10[%dma_start3A_53] : memref<8192xf32, #tpu.memory_space<vmem>> -> memref<2048xf32, #tpu.memory_space<vmem>>
        tpu.enqueue_dma source(%arg3 : memref<2048xf32, #tpu.memory_space<hbm>>) target(%dma_start3A_54 : memref<2048xf32, #tpu.memory_space<vmem>>) target_semaphore(%run_scoped3A : memref<!tpu.dma_semaphore, #tpu.memory_space<semaphore_mem>>)
        %dma_wait3A_55 = arith.constant 0 : i32
        %dma_wait3A_56 = tpu.memref_slice %arg10[%dma_wait3A_55] : memref<8192xf32, #tpu.memory_space<vmem>> -> memref<2048xf32, #tpu.memory_space<vmem>>
        %dma_wait3A_57 = arith.constant 0 : i32
        %dma_wait3A_58 = tpu.memref_slice %arg10[%dma_wait3A_57] : memref<8192xf32, #tpu.memory_space<vmem>> -> memref<2048xf32, #tpu.memory_space<vmem>>
        tpu.wait_dma2 semaphore(%run_scoped3A : memref<!tpu.dma_semaphore, #tpu.memory_space<semaphore_mem>>) src(%arg3 : memref<2048xf32, #tpu.memory_space<hbm>>) dst(%dma_wait3A_58 : memref<2048xf32, #tpu.memory_space<vmem>>)
        tpu.yield
      }) : () -> ()
      "tpu.region"() ({
        %run_scoped3A = tpu.sem_alloc : memref<!tpu.dma_semaphore, #tpu.memory_space<semaphore_mem>>
        %dma_start3A_51 = arith.constant 0 : i32
        %dma_start3A_52 = tpu.memref_slice %arg10[%dma_start3A_51] : memref<8192xf32, #tpu.memory_space<vmem>> -> memref<2048xf32, #tpu.memory_space<vmem>>
        %dma_start3A_53 = arith.constant 31997952 : i32
        %dma_start3A_54 = tpu.memref_slice %arg6[%dma_start3A_53] : memref<32000000xf32, #tpu.memory_space<hbm>> -> memref<2048xf32, #tpu.memory_space<hbm>>
        %dma_start3A_55 = arith.constant 31997952 : i32
        %dma_start3A_56 = tpu.memref_slice %arg6[%dma_start3A_55] : memref<32000000xf32, #tpu.memory_space<hbm>> -> memref<2048xf32, #tpu.memory_space<hbm>>
        %dma_start3A_57 = arith.constant 0 : i32
        %dma_start3A_58 = tpu.memref_slice %arg10[%dma_start3A_57] : memref<8192xf32, #tpu.memory_space<vmem>> -> memref<2048xf32, #tpu.memory_space<vmem>>
        tpu.enqueue_dma source(%dma_start3A_58 : memref<2048xf32, #tpu.memory_space<vmem>>) target(%dma_start3A_56 : memref<2048xf32, #tpu.memory_space<hbm>>) target_semaphore(%run_scoped3A : memref<!tpu.dma_semaphore, #tpu.memory_space<semaphore_mem>>)
        %dma_wait3A_59 = arith.constant 0 : i32
        %dma_wait3A_60 = tpu.memref_slice %arg10[%dma_wait3A_59] : memref<8192xf32, #tpu.memory_space<vmem>> -> memref<2048xf32, #tpu.memory_space<vmem>>
        %dma_wait3A_61 = arith.constant 31997952 : i32
        %dma_wait3A_62 = tpu.memref_slice %arg6[%dma_wait3A_61] : memref<32000000xf32, #tpu.memory_space<hbm>> -> memref<2048xf32, #tpu.memory_space<hbm>>
        %dma_wait3A_63 = arith.constant 31997952 : i32
        %dma_wait3A_64 = tpu.memref_slice %arg6[%dma_wait3A_63] : memref<32000000xf32, #tpu.memory_space<hbm>> -> memref<2048xf32, #tpu.memory_space<hbm>>
        %dma_wait3A_65 = arith.constant 0 : i32
        %dma_wait3A_66 = tpu.memref_slice %arg10[%dma_wait3A_65] : memref<8192xf32, #tpu.memory_space<vmem>> -> memref<2048xf32, #tpu.memory_space<vmem>>
        tpu.wait_dma2 semaphore(%run_scoped3A : memref<!tpu.dma_semaphore, #tpu.memory_space<semaphore_mem>>) src(%dma_wait3A_66 : memref<2048xf32, #tpu.memory_space<vmem>>) dst(%dma_wait3A_64 : memref<2048xf32, #tpu.memory_space<hbm>>)
        tpu.yield
      }) : () -> ()
    } else {
    }
    %dma_wait3A_44 = arith.constant 0 : i32
    %dma_wait3A_45 = tpu.memref_slice %arg15[%dma_wait3A_44] : memref<1000000xf32, #tpu.memory_space<vmem_shared>> -> memref<4096xf32, #tpu.memory_space<vmem_shared>>
    %dma_wait3A_46 = arith.constant 0 : i32
    %dma_wait3A_47 = tpu.memref_slice %arg15[%dma_wait3A_46] : memref<1000000xf32, #tpu.memory_space<vmem_shared>> -> memref<4096xf32, #tpu.memory_space<vmem_shared>>
    tpu.wait_dma2 semaphore(%arg18 : memref<!tpu.dma_semaphore, #tpu.memory_space<semaphore_mem>>) src(%dma_wait3A_47 : memref<4096xf32, #tpu.memory_space<vmem_shared>>) dst(%arg13 : memref<4096xf32, #tpu.memory_space<vmem>>)
    %mul3A_48 = arith.constant 4096 : i32
    %mul3A_49 = arith.muli %add3A, %mul3A_48 : i32
    %multiple_of3A_50 = tpu.assume_multiple %mul3A_49, 4096 : i32
    "tpu.region"() ({
      %run_scoped3A = tpu.sem_alloc : memref<!tpu.dma_semaphore, #tpu.memory_space<semaphore_mem>>
      %dma_start3A_51 = tpu.memref_slice %arg7[%multiple_of3A_50] : memref<131072xf32, #tpu.memory_space<hbm>> -> memref<4096xf32, #tpu.memory_space<hbm>>
      %dma_start3A_52 = tpu.memref_slice %arg7[%multiple_of3A_50] : memref<131072xf32, #tpu.memory_space<hbm>> -> memref<4096xf32, #tpu.memory_space<hbm>>
      tpu.enqueue_dma source(%arg13 : memref<4096xf32, #tpu.memory_space<vmem>>) target(%dma_start3A_52 : memref<4096xf32, #tpu.memory_space<hbm>>) target_semaphore(%run_scoped3A : memref<!tpu.dma_semaphore, #tpu.memory_space<semaphore_mem>>)
      %dma_wait3A_53 = tpu.memref_slice %arg7[%multiple_of3A_50] : memref<131072xf32, #tpu.memory_space<hbm>> -> memref<4096xf32, #tpu.memory_space<hbm>>
      %dma_wait3A_54 = tpu.memref_slice %arg7[%multiple_of3A_50] : memref<131072xf32, #tpu.memory_space<hbm>> -> memref<4096xf32, #tpu.memory_space<hbm>>
      tpu.wait_dma2 semaphore(%run_scoped3A : memref<!tpu.dma_semaphore, #tpu.memory_space<semaphore_mem>>) src(%arg13 : memref<4096xf32, #tpu.memory_space<vmem>>) dst(%dma_wait3A_54 : memref<4096xf32, #tpu.memory_space<hbm>>)
      tpu.yield
    }) : () -> ()
    return
  }
}

</mosaic_0001>

<sc_bundles>
// kernel: _fm.4.cloned.1.call-start
scs
__scs_entry_jumppad:
0x0: {  	(pc) =	sbr.rel $0x88, $3  }
0x1: {  	(tag) =	ssettag $0x0;
	lr =	simm.s32 $0x1  }
0x2: {  	[smem:$0x3F9A] =	sst lr;
	_ =	strace $0xD0000000  }
0x3: {  	_ = 	snop  }
0x4: {  	_ = 	snop  }
0x5: {  	_ = 	snop  }
0x6: {  	_ = 	snop  }
0x7: {  	_ = 	snop  }
__scs_overlays_trampoline_lowered:
0x8: {  	[smem:$0x3FA9] =	sst s0  }
0x9: {  	[smem:$0x3FAA] =	sst s1  }
0xa: {  	[smem:$0x3FAB] =	sst s2  }
0xb: {  	[smem:$0x3FAC] =	sst s3  }
0xc: {  	[smem:$0x3FAD] =	sst s4  }
0xd: {  	[smem:$0x3FAE] =	sst s5  }
0xe: {  	[smem:$0x3FAF] =	sst s6  }
0xf: {  	[smem:$0x3FB0] =	sst s7  }
0x10: {  	[smem:$0x3FB1] =	sst s8  }
0x11: {  	[smem:$0x3FB2] =	sst s9;
	s0 =	simm.s32 @!p0 $0x0  }
0x12: {  	s1 =	sld [smem:$0x3F98];
	s0 =	simm.s32 @p0 $0x1  }
0x13: {  	[smem:$0x3FB3] =	sst s0;
	s0 =	simm.s32 @!p1 $0x0  }
0x14: {  	s2 =	sld [smem:$0x3F97];
	s0 =	simm.s32 @p1 $0x1  }
0x15: {  	[smem:$0x3FB4] =	sst s0;
	s0 =	simm.s32 @!p2 $0x0  }
0x16: {  	s3 =	sld [smem:$0x3FDB];
	s0 =	simm.s32 @p2 $0x1  }
0x17: {  	s4 =	simm.s32 $0x1BF5;
	[smem:$0x3FB6] =	sst s0  }
0x18: {  	s0 =	sld [smem:$0x3F99];
	_ =	swait.ge [sflag:s4], $0x0  }
0x19: {  	s7 =	sld [smem:$0x3F9A]  }
0x1a: {  	s8 =	sadd.s32 $0xFFFFE003, lr  }
0x1b: {  	s9 =	sadd.s32 $0xFFFFFEF7, lr;
	s5 =	simm.s32 $0xFFFFFFFF;
	p2 =	slt.u32 s8, $0xFFFFF086  }
0x1c: {  	p1 =	slt.u32 s9, $0xF7A;
	s5 =	simm.s32 @!p2 $0x0  }
0x1d: {  	s5 =	simm.s32 @p1 $0x1;
	p0 =	seq.s32 s7, s2  }
0x1e: {  	s7 =	smul.u32 @!p0 $0xF7A, s2;
	p2 =	seq.s32 @!p0 s5, $0x0  }
0x1f: {  	s9 =	smul.u32 $0xF7A, s1;
	s8 =	simm.s32 @!p0 $0x1BF5;
	p2 =	por !p2, p0  }
0x20: {  	[sflag:s8] =	ssyncset.s32 @!p0 $0xFFFFF086;
	s6 =	sadd.s32 @!p0 s3, s7;
	s7 =	simm.s32 @!p0 $0x108  }
0x21: {  	s3 =	sadd.s32 s3, s9;
	s6 =	sadd.s32 @!p0 $0x88, s6;
	s7 =	simm.s32 @p2 $0x1082  }
0x22: {  	[simem:s7], [sflag:s8] =	dma.local @!p0 [hbm:s6], $0xF7A  }
0x23: {  	s9 =	sor.u32 $0xD0000000, s2;
	s6 =	simm.s32 $0x108;
	_ =	swait.ge @!p0 [sflag:s8], $0x0  }
0x24: {  	s3 =	sadd.s32 $0x88, s3;
	s6 =	simm.s32 @!p1 $0x1082;
	[sflag:s4] =	ssyncset.s32 $0xFFFFF086  }
0x25: {  	[simem:s6], [sflag:s4] =	dma.local [hbm:s3], $0xF7A  }
0x26: {  	[smem:$0x3F9A] =	sst s1;
	(tag) =	ssettag s2;
	_ =	strace s9  }
0x27: {  	s1 =	sld [smem:$0x3FAA]  }
0x28: {  	s2 =	sld [smem:$0x3FAB]  }
0x29: {  	s4 =	sld [smem:$0x3FAD]  }
0x2a: {  	p0 =	seq.s32 s5, $0x0;
	s5 =	sld [smem:$0x3FAE]  }
0x2b: {  	s6 =	sld [smem:$0x3FAF]  }
0x2c: {  	s7 =	sld [smem:$0x3FB0]  }
0x2d: {  	s3 =	simm.s32 $0x108;
	s8 =	sld [smem:$0x3FB1]  }
0x2e: {  	s3 =	simm.s32 @!p0 $0x1082;
	s9 =	sld [smem:$0x3FB2]  }
0x2f: {  	lr =	sadd.s32 s0, s3;
	s0 =	sld [smem:$0x3FA9]  }
0x30: {  	s3 =	sld [smem:$0x3FAC]  }
0x31: {  	[smem:$0x3FB5] =	sst s10  }
0x32: {  	s10 =	sld [smem:$0x3FB3];
	_ =	sdelay $0x3  }
0x33: {  	p0 =	seq.s32 s10, $0x1;
	s10 =	sld [smem:$0x3FB5];
	_ =	sdelay $0x3  }
0x34: {  	[smem:$0x3FB5] =	sst s10  }
0x35: {  	s10 =	sld [smem:$0x3FB4];
	_ =	sdelay $0x3  }
0x36: {  	p1 =	seq.s32 s10, $0x1;
	s10 =	sld [smem:$0x3FB5];
	_ =	sdelay $0x3  }
0x37: {  	[smem:$0x3FB5] =	sst s10  }
0x38: {  	s10 =	sld [smem:$0x3FB6]  }
0x39: {  	_ = 	snop;
	(pc) =	sbr.ind lr, $3  }
0x3a: {  	_ = 	snop  }
0x3b: {  	_ = 	snop  }
0x3c: {  	p2 =	seq.s32 s10, $0x1;
	s10 =	sld [smem:$0x3FB5]  }
0x3d: {  	_ =	shalt  }
0x3e: {  	_ =	shalt  }
0x3f: {  	_ =	shalt  }
0x40: {  	_ =	shalt  }
0x41: {  	_ =	shalt  }
0x42: {  	_ =	shalt  }
0x43: {  	_ =	shalt  }
0x44: {  	_ =	shalt  }
0x45: {  	_ =	shalt  }
0x46: {  	_ =	shalt  }
0x47: {  	_ =	shalt  }
0x48: {  	_ =	shalt  }
0x49: {  	_ =	shalt  }
0x4a: {  	_ =	shalt  }
0x4b: {  	_ =	shalt  }
0x4c: {  	_ =	shalt  }
0x4d: {  	_ =	shalt  }
0x4e: {  	_ =	shalt  }
0x4f: {  	_ =	shalt  }
0x50: {  	_ =	shalt  }
0x51: {  	_ =	shalt  }
0x52: {  	_ =	shalt  }
0x53: {  	_ =	shalt  }
0x54: {  	_ =	shalt  }
0x55: {  	_ =	shalt  }
0x56: {  	_ =	shalt  }
0x57: {  	_ =	shalt  }
0x58: {  	_ =	shalt  }
0x59: {  	_ =	shalt  }
0x5a: {  	_ =	shalt  }
0x5b: {  	_ =	shalt  }
0x5c: {  	_ =	shalt  }
0x5d: {  	_ =	shalt  }
0x5e: {  	_ =	shalt  }
0x5f: {  	_ =	shalt  }
0x60: {  	_ =	shalt  }
0x61: {  	_ =	shalt  }
0x62: {  	_ =	shalt  }
0x63: {  	_ =	shalt  }
0x64: {  	_ =	shalt  }
0x65: {  	_ =	shalt  }
0x66: {  	_ =	shalt  }
0x67: {  	_ =	shalt  }
0x68: {  	_ =	shalt  }
0x69: {  	_ =	shalt  }
0x6a: {  	_ =	shalt  }
0x6b: {  	_ =	shalt  }
0x6c: {  	_ =	shalt  }
0x6d: {  	_ =	shalt  }
0x6e: {  	_ =	shalt  }
0x6f: {  	_ =	shalt  }
0x70: {  	_ =	shalt  }
0x71: {  	_ =	shalt  }
0x72: {  	_ =	shalt  }
0x73: {  	_ =	shalt  }
0x74: {  	_ =	shalt  }
0x75: {  	_ =	shalt  }
0x76: {  	_ =	shalt  }
0x77: {  	_ =	shalt  }
0x78: {  	_ =	shalt  }
0x79: {  	_ =	shalt  }
0x7a: {  	_ =	shalt  }
0x7b: {  	_ =	shalt  }
0x7c: {  	_ =	shalt  }
0x7d: {  	_ =	shalt  }
0x7e: {  	_ =	shalt  }
0x7f: {  	_ =	shalt  }
0x80: {  	_ =	shalt  }
0x81: {  	_ =	shalt  }
0x82: {  	_ =	shalt  }
0x83: {  	_ =	shalt  }
0x84: {  	_ =	shalt  }
0x85: {  	_ =	shalt  }
0x86: {  	_ =	shalt  }
0x87: {  	_ =	shalt  }
.Lfunc_end0:
.L_simem_size_0:
called_computation_lowered:
.L_overlay_start_0:
0x88: {  	s2 =	sld [smem:$0x3FD9]  }
0x89: {  	s3 =	sld [smem:$0x3FFE];
	_ =	sdelay $0x1  }
0x8a: {  	s1 =	srdreg.scid  }
0x8b: {  	s0 =	sand.u32 $0x1, s1  }
0x8c: {  	s17 =	sshll.u32 s0, $0xA;
	s2 =	sadd.s32 s3, s2  }
0x8d: {  	s2 =	sadd.s32 s2, s17  }
0x8e: {  	[smem:$0x3FC1] =	sst s2  }
0x8f: {  	_ = 	snop  }
0x90: {  	s2 =	sld [smem:$0x3FC9]  }
0x91: {  	s18 =	sld [smem:$0x3FC8]  }
0x92: {  	s4 =	sld [smem:$0x3FC6]  }
0x93: {  	s5 =	sld [smem:$0x3FC3];
	(tm) =	ssettm $0x1  }
0x94: {  	s6 =	sld [smem:$0x3FFB];
	_ =	sdelay $0x3  }
0x95: {  	_ =	strace s6  }
0x96: {  	s6 =	sld [smem:$0x3FFC];
	_ =	sdelay $0x3  }
0x97: {  	_ =	strace s6  }
0x98: {  	s6 =	sld [smem:$0x3FFD];
	_ =	sdelay $0x3  }
0x99: {  	_ =	strace s6  }
0x9a: {  	_ =	strace $0x8FFFFFFF  }
0x9b: {  	s19 =	sld [smem:$0x3FDB];
	_ =	sdelay $0x1  }
0x9c: {  	s7 =	simm.s32 $_scs_section_size  }
0x9d: {  	s8 =	simm.s32 $_size__tile_overlayer_lowered;
	s9 =	simm.s32 $_tile_overlayer_lowered  }
0x9e: {  	s22 =	simm.s32 $0x1BFF;
	s21 =	sshll.u32 s9, $0x1;
	s6 =	sadd.s32 s7, s19  }
0x9f: {  	s10 =	simm.s32 $0x0;
	s20 =	sshll.u32 s8, $0x1;
	s8 =	sadd.s32 s21, s6  }
0xa0: {  	[timem:s10], [sflag:s22] =	dma.local [hbm:s8], s20  }
0xa1: {  	_ =	swait.ge [sflag:s22], s20  }
0xa2: {  	s7 =	ssub.s32 $0x0, s20;
	[sflag:s22] =	ssyncset.done $0x0  }
0xa3: {  	[sflag:s22] =	ssyncadd.s32 s7;
	_ =	sdelay $0x1  }
0xa4: {  	s23 =	simm.s32 $0x1B8B  }
0xa5: {  	_ =	swait.ge [sflag:s23], $0x1  }
0xa6: {  	[sflag:s23] =	ssyncset.done $0x0  }
0xa7: {  	s25 =	simm.s32 $0x1B8E;
	s24 =	sld [smem:$0x3FFE];
	[sflag:s23] =	ssyncadd.s32 $0xFFFFFFFF  }
0xa8: {  	s26 =	simm.s32 $execute0_lowered;
	[smem:$0x3FD2] =	sst s25  }
0xa9: {  	s8 =	sshll.u32 s26, $0x1;
	_ =	strace $0x80000046;
	[dreg:$0x1] =	wrdreg $0xFFFFFFFF  }
0xaa: {  	s28 =	simm.s32 $_size_execute0_lowered;
	s6 =	sadd.s32 s6, s8;
	[dreg:$0x0] =	wrdreg $0x0  }
0xab: {  	s8 =	sshll.u32 s28, $0x1;
	[dreg:$0x2] =	wrdreg s6  }
0xac: {  	[dreg:$0x3] =	wrdreg s8  }
0xad: {  	[dreg:$0x4] =	wrdreg $0xC0  }
0xae: {  	_ =	task [dreg:s10], $0x5FFFF  }
0xaf: {  	[dreg:$0x1] =	wrdreg $0xFFFFFFFF  }
0xb0: {  	[dreg:$0x0] =	wrdreg $0x60  }
0xb1: {  	[dreg:$0x2] =	wrdreg s2  }
0xb2: {  	[dreg:$0x3] =	wrdreg s5  }
0xb3: {  	[dreg:$0x4] =	wrdreg s18  }
0xb4: {  	[dreg:$0x5] =	wrdreg s4  }
0xb5: {  	[dreg:$0x6] =	wrdreg s24  }
0xb6: {  	[dreg:$0x7] =	wrdreg $0xE0000  }
0xb7: {  	[dreg:$0x8] =	wrdreg $0x9  }
0xb8: {  	_ =	task.clear_ibuf [dreg:s10], $0x9FFFF;
	_ =	strace $0x90000046  }
0xb9: {  	s29 =	simm.s32 $0x9;
	_ =	strace $0x80000048  }
0xba: {  	_ =	swait.ge [sflag:s29], $0x1  }
0xbb: {  	[sflag:s29] =	ssyncadd.s32 $0xFFFFFFFF  }
0xbc: {  	_ =	strace $0x90000048  }
0xbd: {  	_ =	sfence  }
0xbe: {  	s30 =	sld [smem:$0x0];
	_ =	sdelay $0x2  }
0xbf: {  	s31 =	sshll.u32 s1, $0xD;
	s1 =	sshrl.u32 s1, $0x2  }
0xc0: {  	s3 =	sand.u32 $0x4000, s31;
	s1 =	sadd.s32 s1, s30  }
0xc1: {  	s0 =	sor.u32 s3, s0;
	s1 =	sshll.u32 s1, $0x11  }
0xc2: {  	s0 =	sor.u32 s1, s0  }
0xc3: {  	s0 =	sadd.s32 $0x8F2B, s0  }
0xc4: {  	[sflag:s0] =	ssyncadd.remote.s32 $0x1  }
0xc5: {  	_ =	sfence.sel $0xFFFF  }
0xc6: {  	[dreg:$0x0] =	wrdreg $0xFFFFFFFF;
	(pc) =	sbr.abs _section_cstart, $3  }
0xc7: {  	[dreg:$0x1] =	wrdreg $0xFFFFFFFF  }
0xc8: {  	_ =	task.clear_ibuf [dreg:s10], $0x2FFFF;
	_ =	strace $0x9FFFFFFF  }
0xc9: {  	(tm) =	ssettm $0x7FFFFFFF  }
tec
execute0_lowered:
.L_overlay_start_1:
0x0: {  	(tag) =	ssettag $0x1  }
0x1: {  	s1 =	rddreg [dreg:$0x0]  }
0x2: {  	s2 =	rddreg [dreg:$0x2]  }
0x3: {  	s4 =	rddreg [dreg:$0x3]  }
0x4: {  	s0 =	rddreg [dreg:$0x4]  }
0x5: {  	s3 =	rddreg [dreg:$0x5];
	s5 =	simm.s32 $0x0;
	s6 =	srdreg.scid  }
0x6: {  	s16 =	stileid.u32;
	s31 =	simm.s32 $0x4;
	s28 =	simm.s32 $0x4000  }
0x7: {  	s29 =	simm.s32 $0x2000;
	s30 =	simm.s32 $0x6000;
	[smem:$0x7FF] =	sst s5  }
0x8: {  	s7 =	sand.u32 $0x1, s6;
	s25 =	sshll.u32 s16, $0x1;
	s6 =	sadd.s32 $0x1000, s0  }
0x9: {  	p0 =	seq.s32 s16, $0x0;
	s26 =	sshll.u32 s16, $0x10;
	s13 =	sshll.u32 s16, $0xD  }
0xa: {  	s22 =	sshll.u32 s16, $0xA;
	p1 =	seq.s32 s16, $0xF;
	_ =	strace $0x80000047  }
0xb: {  	s9 =	sor.u32 s7, s25;
	s7 =	ssub.s32 $0x2, s7;
	s14 =	sor.u32 $0x4000, s26  }
0xc: {  	s13 =	sadd.s32 s2, s13;
	s15 =	sor.u32 $0x8000, s26;
	s17 =	sadd.s32 s26, s3  }
0xd: {  	s23 =	sand.u32 $0x3000, s22;
	s8 =	smul.u32 $0x7A, s9;
	s10 =	sshll.u32 s9, $0x9  }
0xe: {  	s11 =	sshrl.u32 s7, $0x1;
	s12 =	smin.u32 s9, $0x2;
	[dreg:$0x7] =	wrdreg s13  }
0xf: {  	s18 =	sshrl.u32 s14, $0x3;
	[dreg:$0x8] =	wrdreg s17;
	s19 =	sshrl.u32 s15, $0x3  }
0x10: {  	s14 =	sadd.s32 s14, s3;
	s20 =	sadd.s32 s15, s3;
	s17 =	sadd.s32 $0x1E000, s2  }
0x11: {  	v0 =	vlaneseq.u32;
	s24 =	sshll.u32 s9, $0x4;
	s4 =	sadd.s32 s4, s23;
	s23 =	sadd.s32 $0x3D1800, s0  }
0x12: {  	vm0 =	vmmov $0xffff;
	v1 =	vmul.u32 $0x20, v0;
	s10 =	sadd.s32 s10, s0;
	s11 =	ssub.s32 s7, s11;
	[dreg:$0xa] =	wrdreg s14  }
0x13: {  	v2 =	vor.u32 $0x10, v0;
	v4 =	vor.u32 $0x20, v0;
	v6 =	vor.u32 $0x30, v0;
	s13 =	sadd.s32 s2, s18;
	[dreg:$0xc] =	wrdreg s20;
	s18 =	sadd.s32 $0xF0000, s3  }
0x14: {  	v8 =	vor.u32 $0x40, v0;
	v10 =	vor.u32 $0x50, v0;
	v12 =	vor.u32 $0x60, v0;
	s25 =	sand.u32 $0x70, s24;
	s0 =	simm.s32 $0x2;
	s7 =	sadd.s32 s12, s8  }
0x15: {  	v14 =	vor.u32 $0x70, v0;
	v16 =	vor.u32 $0x400, v0;
	v18 =	vor.u32 $0x410, v0;
	s8 =	simm.s32 $0x7B;
	[dreg:$0x9] =	wrdreg s13;
	s13 =	sadd.s32 s2, s19  }
0x16: {  	v20 =	vor.u32 $0x420, v0;
	v22 =	vor.u32 $0x430, v0;
	v24 =	vor.u32 $0x440, v0;
	s12 =	sor.u32 $0xC000, s26;
	s19 =	sadd.s32 $0x1E800, s2;
	s20 =	sadd.s32 s25, s4  }
0x17: {  	v26 =	vor.u32 $0x450, v0;
	v28 =	vor.u32 $0x460, v0;
	v30 =	vor.u32 $0x470, v0;
	s24 =	sadd.s32 $0x3D1A00, s10;
	s25 =	smax.u32 s11, $0x1;
	s4 =	simm.s32 $0x3  }
.Ltmp0:
0x18: {  	v3 =	vor.u32 $0x200, v1;
	v5 =	vor.u32 $0x400, v1;
	v7 =	vor.u32 $0x600, v1;
	s8 =	simm.s32 @!p0 $0x7A;
	[dreg:$0xb] =	wrdreg s13;
	(pc) =	sbr.rel .LBB2_1-.Ltmp0, $4  }
0x19: {  	v9 =	vor.u32 $0x800, v1;
	v11 =	vor.u32 $0xA00, v1;
	v13 =	vor.u32 $0xC00, v1;
	s21 =	sshrl.u32 s12, $0x3;
	s12 =	sadd.s32 s12, s3;
	s26 =	sshll.u32 s7, $0x8  }
0x1a: {  	v15 =	vor.u32 $0xE00, v1;
	v17 =	vor.u32 $0x1000, v1;
	v19 =	vor.u32 $0x1200, v1;
	p0 =	sne.s32 s9, $0x0;
	s9 =	simm.s32 $0x0;
	s13 =	sadd.s32 s2, s21  }
0x1b: {  	v21 =	vor.u32 $0x1400, v1;
	v23 =	vor.u32 $0x1600, v1;
	v25 =	vor.u32 $0x1800, v1;
	[dreg:$0xe] =	wrdreg s12;
	s21 =	sadd.s32 $0xF4000, s3;
	s22 =	sadd.s32 s1, s26  }
0x1c: {  	v27 =	vor.u32 $0x1A00, v1;
	v29 =	vor.u32 $0x1C00, v1;
	v31 =	vor.u32 $0x1E00, v1;
	s26 =	sadd.s32 s8, s7;
	s2 =	simm.s32 $0x1;
	[dreg:$0xd] =	wrdreg s13  }
.LBB2_13:
0x1d: {  	_ =	swait.ge [sflag:s0], $0x2000  }
0x1e: {  	[sflag:s0] =	ssyncset.done $0x0  }
0x1f: {  	[sflag:s0] =	ssyncadd.s32 $0xFFFFE000  }
0x20: {  	_ =	swait.ge [sflag:s0], $0x2000  }
0x21: {  	[sflag:s0] =	ssyncset.done $0x0  }
0x22: {  	[sflag:s0] =	ssyncadd.s32 $0xFFFFE000  }
0x23: {  	s10 =	simm.s32 @!p0 $0x0;
	s11 =	simm.s32 @!p0 $0x4000;
	s12 =	rddreg [dreg:$0x1]  }
0x24: {  	[tilespmem:s11], [sflag:$0x4] =	stream.linear.gather @!p0 [hbm4b:s12+s10], $0x800, $0x38;
	[tilespmem:$0x1D428] =	vst v63  }
0x25: {  	s12 =	simm.s32 @!p0 $0x4  }
0x26: {  	_ =	swait.ge @!p0 [sflag:s12], $0x800  }
0x27: {  	[sflag:s12] =	ssyncset.done @!p0 $0x0  }
0x28: {  	[sflag:s12] =	ssyncadd.s32 @!p0 $0xFFFFF800  }
0x29: {  	[hbm4b:s23+s10] =	stream.linear.scatter @!p0 [tilespmem:s11], [sflag:$0x4], $0x800, $0x38;
	[tilespmem:$0x1D428] =	vst v63  }
0x2a: {  	_ =	swait.ge @!p0 [sflag:s12], $0x800  }
0x2b: {  	[sflag:s12] =	ssyncset.done @!p0 $0x0  }
0x2c: {  	[sflag:s12] =	ssyncadd.s32 @!p0 $0xFFFFF800  }
0x2d: {  	s9 =	sadd.s32 $0x1, s9;
	_ =	swait.ge [sflag:s4], $0x1000  }
0x2e: {  	p2 =	sne.s32 s9, s25;
	[sflag:s4] =	ssyncset.done $0x0  }
.Ltmp1:
0x2f: {  	s16 =	simm.s32 $0x9000;
	[sflag:s4] =	ssyncadd.s32 $0xFFFFF000;
	(pc) =	sbr.rel @!p2 .LBB2_14-.Ltmp1, $4  }
0x30: {  	[hbm4b:s24+s5] =	stream.linear.scatter [tilespmem:s16], [sflag:$0x4], $0x1000, $0x38;
	[tilespmem:$0x1D428] =	vst v63  }
0x31: {  	_ =	swait.ge [sflag:s31], $0x1000  }
0x32: {  	[sflag:s31] =	ssyncset.done $0x0  }
0x33: {  	[sflag:s31] =	ssyncadd.s32 $0xFFFFF000  }
.LBB2_1:
0x34: {  	s10 =	simm.s32 @p1 $0x0;
	s11 =	simm.s32 @p1 $0xA000;
	s12 =	simm.s32 @p1 $0x4  }
0x35: {  	[tilespmem:s11], [sflag:$0x4] =	stream.linear.gather @p1 [hbm4b:s17+s10], $0x4000, $0x38;
	[tilespmem:$0x1D428] =	vst v63  }
0x36: {  	_ =	swait.ge @p1 [sflag:s12], $0x4000  }
0x37: {  	[sflag:s12] =	ssyncset.done @p1 $0x0  }
0x38: {  	[sflag:s12] =	ssyncadd.s32 @p1 $0xFFFFC000  }
0x39: {  	[spmem:s18] =	stream.linear.scatter @p1 [tilespmem:s11], [sflag:$0x4], $0x4000, $0x38;
	[tilespmem:$0x1D428] =	vst v63  }
0x3a: {  	_ =	swait.ge @p1 [sflag:s12], $0x4000  }
0x3b: {  	[sflag:s12] =	ssyncset.done @p1 $0x0  }
0x3c: {  	[sflag:s12] =	ssyncadd.s32 @p1 $0xFFFFC000  }
0x3d: {  	[tilespmem:s11], [sflag:$0x4] =	stream.linear.gather @p1 [hbm4b:s19+s10], $0x240, $0x38;
	[tilespmem:$0x1D428] =	vst v63  }
0x3e: {  	_ =	swait.ge @p1 [sflag:s12], $0x240  }
0x3f: {  	[sflag:s12] =	ssyncset.done @p1 $0x0  }
0x40: {  	[sflag:s12] =	ssyncadd.s32 @p1 $0xFFFFFDC0  }
0x41: {  	[spmem:s21] =	stream.linear.scatter @p1 [tilespmem:s11], [sflag:$0x4], $0x240, $0x38;
	[tilespmem:$0x1D428] =	vst v63  }
0x42: {  	_ =	swait.ge @p1 [sflag:s12], $0x240  }
0x43: {  	s10 =	simm.s32 @!p1 $0x0;
	[sflag:s12] =	ssyncset.done @p1 $0x0  }
0x44: {  	s11 =	simm.s32 @!p1 $0xA000;
	[sflag:s12] =	ssyncadd.s32 @p1 $0xFFFFFDC0;
	s12 =	rddreg [dreg:$0x7]  }
0x45: {  	[tilespmem:s11], [sflag:$0x4] =	stream.linear.gather @!p1 [hbm4b:s12+s10], $0x4000, $0x38;
	[tilespmem:$0x1D428] =	vst v63  }
0x46: {  	s12 =	simm.s32 @!p1 $0x4  }
0x47: {  	_ =	swait.ge @!p1 [sflag:s12], $0x4000  }
0x48: {  	[sflag:s12] =	ssyncset.done @!p1 $0x0  }
0x49: {  	s13 =	rddreg [dreg:$0x8];
	[sflag:s12] =	ssyncadd.s32 @!p1 $0xFFFFC000  }
0x4a: {  	[spmem:s13] =	stream.linear.scatter @!p1 [tilespmem:s11], [sflag:$0x4], $0x4000, $0x38;
	[tilespmem:$0x1D428] =	vst v63  }
0x4b: {  	_ =	swait.ge @!p1 [sflag:s12], $0x4000  }
0x4c: {  	[sflag:s12] =	ssyncset.done @!p1 $0x0  }
0x4d: {  	s13 =	rddreg [dreg:$0x9];
	[sflag:s12] =	ssyncadd.s32 @!p1 $0xFFFFC000  }
0x4e: {  	[tilespmem:s11], [sflag:$0x4] =	stream.linear.gather @!p1 [hbm4b:s13+s10], $0x4000, $0x38;
	[tilespmem:$0x1D428] =	vst v63  }
0x4f: {  	_ =	swait.ge @!p1 [sflag:s12], $0x4000  }
0x50: {  	[sflag:s12] =	ssyncset.done @!p1 $0x0  }
0x51: {  	s13 =	rddreg [dreg:$0xa];
	[sflag:s12] =	ssyncadd.s32 @!p1 $0xFFFFC000  }
0x52: {  	[spmem:s13] =	stream.linear.scatter @!p1 [tilespmem:s11], [sflag:$0x4], $0x4000, $0x38;
	[tilespmem:$0x1D428] =	vst v63  }
0x53: {  	_ =	swait.ge @!p1 [sflag:s12], $0x4000  }
0x54: {  	[sflag:s12] =	ssyncset.done @!p1 $0x0  }
0x55: {  	s13 =	rddreg [dreg:$0xb];
	[sflag:s12] =	ssyncadd.s32 @!p1 $0xFFFFC000  }
0x56: {  	[tilespmem:s11], [sflag:$0x4] =	stream.linear.gather @!p1 [hbm4b:s13+s10], $0x4000, $0x38;
	[tilespmem:$0x1D428] =	vst v63  }
0x57: {  	_ =	swait.ge @!p1 [sflag:s12], $0x4000  }
0x58: {  	[sflag:s12] =	ssyncset.done @!p1 $0x0  }
0x59: {  	s13 =	rddreg [dreg:$0xc];
	[sflag:s12] =	ssyncadd.s32 @!p1 $0xFFFFC000  }
0x5a: {  	[spmem:s13] =	stream.linear.scatter @!p1 [tilespmem:s11], [sflag:$0x4], $0x4000, $0x38;
	[tilespmem:$0x1D428] =	vst v63  }
0x5b: {  	_ =	swait.ge @!p1 [sflag:s12], $0x4000  }
0x5c: {  	[sflag:s12] =	ssyncset.done @!p1 $0x0  }
0x5d: {  	s13 =	rddreg [dreg:$0xd];
	[sflag:s12] =	ssyncadd.s32 @!p1 $0xFFFFC000  }
0x5e: {  	[tilespmem:s11], [sflag:$0x4] =	stream.linear.gather @!p1 [hbm4b:s13+s10], $0x4000, $0x38;
	[tilespmem:$0x1D428] =	vst v63  }
0x5f: {  	_ =	swait.ge @!p1 [sflag:s12], $0x4000  }
0x60: {  	[sflag:s12] =	ssyncset.done @!p1 $0x0  }
0x61: {  	s10 =	rddreg [dreg:$0xe];
	[sflag:s12] =	ssyncadd.s32 @!p1 $0xFFFFC000  }
0x62: {  	[spmem:s10] =	stream.linear.scatter @!p1 [tilespmem:s11], [sflag:$0x4], $0x4000, $0x38;
	[tilespmem:$0x1D428] =	vst v63  }
0x63: {  	_ =	swait.ge @!p1 [sflag:s12], $0x4000  }
0x64: {  	s14 =	simm.s32 $0x80;
	[sflag:s12] =	ssyncset.done @!p1 $0x0  }
0x65: {  	s15 =	simm.s32 $0x400;
	s16 =	simm.s32 $0x8000;
	[sflag:s12] =	ssyncadd.s32 @!p1 $0xFFFFC000  }
0x66: {  	[tilespmem:s16], [sflag:$0x4] =	stream.strided.gather [hbm4b:s20+s14], $0x1000, s15, s14, $0x38;
	[tilespmem:$0x1D428] =	vst v63  }
0x67: {  	_ =	swait.ge [sflag:s31], $0x1000  }
0x68: {  	[sflag:s31] =	ssyncset.done $0x0  }
0x69: {  	[sflag:s31] =	ssyncadd.s32 $0xFFFFF000  }
0x6a: {  	s10 =	simm.s32 $0x0;
	[bflag:$0x0] =	sbarrier.arrive $0xFFFF  }
0x6b: {  	s11 =	simm.s32 $0x40;
	v32 =	vld [tilespmem:s10+$0x8000]  }
.LBB2_2:
0x6c: {  	p2 =	sne.s32 s11, $0x3FC0;
	_ =	sdelay $0x3  }
.Ltmp2:
0x6d: {  	(pc) =	sbr.rel @p2 .LBB2_2-.Ltmp2, $4  }
0x6e: {  	_ = 	snop  }
0x6f: {  	s12 =	sadd.s32 $0x9000, s10;
	s10 =	sshra.s32 s11, $0x2  }
0x70: {  	[tilespmem:s12], [sflag:$0x3] =	stream.indirect_vreg.gather [spmem:s3], $0x1, v32, vm0, $0xb8;
	[tilespmem:$0x1D428] =	vst v63  }
0x71: {  	s11 =	sadd.s32 $0x40, s11;
	v32 =	vld [tilespmem:s10+$0x8000]  }
0x72: {  	_ =	sdelay $0x5  }
.Ltmp3:
0x73: {  	_ = 	snop;
	(pc) =	sbr.rel .LBB2_4-.Ltmp3, $4  }
0x74: {  	s10 =	sadd.s32 $0x9000, s10  }
0x75: {  	[tilespmem:s10], [sflag:$0x3] =	stream.indirect_vreg.gather [spmem:s3], $0x1, v32, vm0, $0xb8;
	[tilespmem:$0x1D428] =	vst v63  }
0x76: {  	s11 =	simm.s32 $0x800;
	s12 =	simm.s32 $0x7A1400;
	s10 =	simm.s32 $0x0  }
0x77: {  	[tilespmem:s10], [sflag:$0x1] =	stream.strided.gather [hbm4b:s22+s11], $0x2000, s12, s11, $0x38;
	[tilespmem:$0x1D428] =	vst v63  }
.LBB2_12:
0x78: {  	s10 =	sadd.s32 $0x1, s10  }
0x79: {  	p2 =	sne.s32 s10, $0x3E  }
.Ltmp4:
0x7a: {  	_ = 	snop;
	(pc) =	sbr.rel @!p2 .LBB2_13-.Ltmp4, $1  }
0x7b: {  	_ =	sdelay $0x3  }
.LBB2_4:
0x7c: {  	s11 =	sshll.u32 s10, $0x1  }
0x7d: {  	p2 =	slt.u32 s11, s8  }
.Ltmp5:
0x7e: {  	_ = 	snop;
	(pc) =	sbr.rel @!p2 .LBB2_8-.Ltmp5, $3  }
0x7f: {  	_ =	sdelay $0x1  }
0x80: {  	s12 =	sadd.s32 s7, s11  }
0x81: {  	s11 =	sadd.s32 $0x1, s12  }
0x82: {  	s11 =	simm.s32 $0x0  }
0x83: {  	v32 =	vadd.s32 s11, v0  }
0x84: {  	v33 =	vshll.u32 v32, $0x8;
	v34 =	vshll.u32 v32, $0x7  }
0x85: {  	v33 =	vand.u32 $0x1800, v33;
	v34 =	vand.u32 $0x380, v34  }
0x86: {  	s11 =	sadd.s32 $0x1, s12;
	v33 =	vor.u32 v34, v33  }
0x87: {  	_ =	swait.ge [sflag:s2], $0x2000;
	p2 =	sge.u32 s11, s26;
	v34 =	vor.u32 v0, v33  }
0x88: {  	[sflag:s2] =	ssyncset.done $0x0;
	s13 =	sshll.u32 @!p2 s11, $0x8  }
0x89: {  	[sflag:s2] =	ssyncadd.s32 $0xFFFFE000;
	s14 =	simm.s32 @!p2 $0x800;
	s13 =	sand.u32 @!p2 $0x1FFFFF00, s13  }
0x8a: {  	s15 =	simm.s32 @!p2 $0x7A1400;
	s16 =	simm.s32 @!p2 $0x2000;
	s13 =	sadd.s32 @!p2 s1, s13  }
0x8b: {  	v32 =	vand.u32 $0x1F, v32;
	[tilespmem:s16], [sflag:$0x1] =	stream.strided.gather @!p2 [hbm4b:s13+s14], $0x2000, s15, s14, $0x38;
	[tilespmem:$0x1D428] =	vst v63  }
0x8c: {  	v35 =	vor.u32 v1, v32;
	v34 =	vld.idx.msk [tilespmem:v34+s5+$0x0], $0xffff  }
0x8d: {  	v36 =	vor.u32 v2, v33;
	_ =	sdelay $0x3  }
0x8e: {  	[tilespmem:v35+s28+$0x0] =	vst.idx.msk $0xffff, v34  }
0x8f: {  	v60 =	vor.u32 v3, v32;
	v34 =	vld.idx.msk [tilespmem:v36+s5+$0x0], $0xffff  }
0x90: {  	v61 =	vor.u32 v4, v33;
	_ =	sdelay $0x3  }
0x91: {  	[tilespmem:v60+s28+$0x0] =	vst.idx.msk $0xffff, v34  }
0x92: {  	v62 =	vor.u32 v5, v32;
	v34 =	vld.idx.msk [tilespmem:v61+s5+$0x0], $0xffff  }
0x93: {  	v63 =	vor.u32 v6, v33;
	_ =	sdelay $0x3  }
0x94: {  	[tilespmem:v62+s28+$0x0] =	vst.idx.msk $0xffff, v34  }
0x95: {  	v40 =	vor.u32 v7, v32;
	v34 =	vld.idx.msk [tilespmem:v63+s5+$0x0], $0xffff  }
0x96: {  	v41 =	vor.u32 v8, v33;
	_ =	sdelay $0x3  }
0x97: {  	[tilespmem:v40+s28+$0x0] =	vst.idx.msk $0xffff, v34  }
0x98: {  	v42 =	vor.u32 v9, v32;
	v34 =	vld.idx.msk [tilespmem:v41+s5+$0x0], $0xffff  }
0x99: {  	v43 =	vor.u32 v10, v33;
	_ =	sdelay $0x3  }
0x9a: {  	[tilespmem:v42+s28+$0x0] =	vst.idx.msk $0xffff, v34  }
0x9b: {  	v44 =	vor.u32 v11, v32;
	v34 =	vld.idx.msk [tilespmem:v43+s5+$0x0], $0xffff  }
0x9c: {  	v45 =	vor.u32 v12, v33;
	_ =	sdelay $0x3  }
0x9d: {  	[tilespmem:v44+s28+$0x0] =	vst.idx.msk $0xffff, v34  }
0x9e: {  	v46 =	vor.u32 v13, v32;
	v34 =	vld.idx.msk [tilespmem:v45+s5+$0x0], $0xffff  }
0x9f: {  	v47 =	vor.u32 v14, v33;
	_ =	sdelay $0x3  }
0xa0: {  	[tilespmem:v46+s28+$0x0] =	vst.idx.msk $0xffff, v34  }
0xa1: {  	v48 =	vor.u32 v15, v32;
	v34 =	vld.idx.msk [tilespmem:v47+s5+$0x0], $0xffff  }
0xa2: {  	v49 =	vor.u32 v16, v33;
	_ =	sdelay $0x3  }
0xa3: {  	[tilespmem:v48+s28+$0x0] =	vst.idx.msk $0xffff, v34  }
0xa4: {  	v50 =	vor.u32 v17, v32;
	v34 =	vld.idx.msk [tilespmem:v49+s5+$0x0], $0xffff  }
0xa5: {  	v51 =	vor.u32 v18, v33;
	_ =	sdelay $0x3  }
0xa6: {  	[tilespmem:v50+s28+$0x0] =	vst.idx.msk $0xffff, v34  }
0xa7: {  	v52 =	vor.u32 v19, v32;
	v34 =	vld.idx.msk [tilespmem:v51+s5+$0x0], $0xffff  }
0xa8: {  	v53 =	vor.u32 v20, v33;
	_ =	sdelay $0x3  }
0xa9: {  	[tilespmem:v52+s28+$0x0] =	vst.idx.msk $0xffff, v34  }
0xaa: {  	v54 =	vor.u32 v21, v32;
	v34 =	vld.idx.msk [tilespmem:v53+s5+$0x0], $0xffff  }
0xab: {  	v55 =	vor.u32 v22, v33;
	_ =	sdelay $0x3  }
0xac: {  	[tilespmem:v54+s28+$0x0] =	vst.idx.msk $0xffff, v34  }
0xad: {  	v56 =	vor.u32 v23, v32;
	v34 =	vld.idx.msk [tilespmem:v55+s5+$0x0], $0xffff  }
0xae: {  	v57 =	vor.u32 v24, v33;
	_ =	sdelay $0x3  }
0xaf: {  	[tilespmem:v56+s28+$0x0] =	vst.idx.msk $0xffff, v34  }
0xb0: {  	v58 =	vor.u32 v25, v32;
	v34 =	vld.idx.msk [tilespmem:v57+s5+$0x0], $0xffff  }
0xb1: {  	v59 =	vor.u32 v26, v33;
	_ =	sdelay $0x3  }
0xb2: {  	[tilespmem:v58+s28+$0x0] =	vst.idx.msk $0xffff, v34  }
0xb3: {  	v60 =	vor.u32 v27, v32;
	v34 =	vld.idx.msk [tilespmem:v59+s5+$0x0], $0xffff  }
0xb4: {  	v61 =	vor.u32 v28, v33;
	_ =	sdelay $0x3  }
0xb5: {  	[tilespmem:v60+s28+$0x0] =	vst.idx.msk $0xffff, v34  }
0xb6: {  	v62 =	vor.u32 v29, v32;
	v34 =	vld.idx.msk [tilespmem:v61+s5+$0x0], $0xffff  }
0xb7: {  	v33 =	vor.u32 v30, v33  }
0xb8: {  	s14 =	simm.s32 $0x1  }
0xb9: {  	v63 =	vadd.s32 s14, v0  }
0xba: {  	v37 =	vshll.u32 v63, $0x8;
	v38 =	vshll.u32 v63, $0x7  }
0xbb: {  	v37 =	vand.u32 $0x1800, v37;
	v39 =	vand.u32 $0x380, v38;
	[tilespmem:v62+s28+$0x0] =	vst.idx.msk $0xffff, v34  }
0xbc: {  	v32 =	vor.u32 v31, v32;
	v34 =	vor.u32 v39, v37;
	v33 =	vld.idx.msk [tilespmem:v33+s5+$0x0], $0xffff  }
0xbd: {  	v35 =	vor.u32 v0, v34;
	_ =	sdelay $0x3  }
0xbe: {  	[tilespmem:v32+s28+$0x0] =	vst.idx.msk $0xffff, v33;
	v32 =	vand.u32 $0x1F, v63  }
0xbf: {  	v33 =	vld.idx.msk [tilespmem:v35+s5+$0x0], $0xffff;
	v40 =	vor.u32 v1, v32  }
0xc0: {  	v41 =	vor.u32 v2, v34;
	_ =	sdelay $0x3  }
0xc1: {  	[tilespmem:v40+s28+$0x0] =	vst.idx.msk $0xffff, v33  }
0xc2: {  	v42 =	vor.u32 v3, v32;
	v33 =	vld.idx.msk [tilespmem:v41+s5+$0x0], $0xffff  }
0xc3: {  	v43 =	vor.u32 v4, v34;
	_ =	sdelay $0x3  }
0xc4: {  	[tilespmem:v42+s28+$0x0] =	vst.idx.msk $0xffff, v33  }
0xc5: {  	v44 =	vor.u32 v5, v32;
	v33 =	vld.idx.msk [tilespmem:v43+s5+$0x0], $0xffff  }
0xc6: {  	v45 =	vor.u32 v6, v34;
	_ =	sdelay $0x3  }
0xc7: {  	[tilespmem:v44+s28+$0x0] =	vst.idx.msk $0xffff, v33  }
0xc8: {  	v46 =	vor.u32 v7, v32;
	v33 =	vld.idx.msk [tilespmem:v45+s5+$0x0], $0xffff  }
0xc9: {  	v47 =	vor.u32 v8, v34;
	_ =	sdelay $0x3  }
0xca: {  	[tilespmem:v46+s28+$0x0] =	vst.idx.msk $0xffff, v33  }
0xcb: {  	v48 =	vor.u32 v9, v32;
	v33 =	vld.idx.msk [tilespmem:v47+s5+$0x0], $0xffff  }
0xcc: {  	v49 =	vor.u32 v10, v34;
	_ =	sdelay $0x3  }
0xcd: {  	[tilespmem:v48+s28+$0x0] =	vst.idx.msk $0xffff, v33  }
0xce: {  	v50 =	vor.u32 v11, v32;
	v33 =	vld.idx.msk [tilespmem:v49+s5+$0x0], $0xffff  }
0xcf: {  	v51 =	vor.u32 v12, v34;
	_ =	sdelay $0x3  }
0xd0: {  	[tilespmem:v50+s28+$0x0] =	vst.idx.msk $0xffff, v33  }
0xd1: {  	v52 =	vor.u32 v13, v32;
	v33 =	vld.idx.msk [tilespmem:v51+s5+$0x0], $0xffff  }
0xd2: {  	v53 =	vor.u32 v14, v34;
	_ =	sdelay $0x3  }
0xd3: {  	[tilespmem:v52+s28+$0x0] =	vst.idx.msk $0xffff, v33  }
0xd4: {  	v54 =	vor.u32 v15, v32;
	v33 =	vld.idx.msk [tilespmem:v53+s5+$0x0], $0xffff  }
0xd5: {  	v55 =	vor.u32 v16, v34;
	_ =	sdelay $0x3  }
0xd6: {  	[tilespmem:v54+s28+$0x0] =	vst.idx.msk $0xffff, v33  }
0xd7: {  	v56 =	vor.u32 v17, v32;
	v33 =	vld.idx.msk [tilespmem:v55+s5+$0x0], $0xffff  }
0xd8: {  	v57 =	vor.u32 v18, v34;
	_ =	sdelay $0x3  }
0xd9: {  	[tilespmem:v56+s28+$0x0] =	vst.idx.msk $0xffff, v33  }
0xda: {  	v58 =	vor.u32 v19, v32;
	v33 =	vld.idx.msk [tilespmem:v57+s5+$0x0], $0xffff  }
0xdb: {  	v59 =	vor.u32 v20, v34;
	_ =	sdelay $0x3  }
0xdc: {  	[tilespmem:v58+s28+$0x0] =	vst.idx.msk $0xffff, v33  }
0xdd: {  	v60 =	vor.u32 v21, v32;
	v33 =	vld.idx.msk [tilespmem:v59+s5+$0x0], $0xffff  }
0xde: {  	v61 =	vor.u32 v22, v34;
	_ =	sdelay $0x3  }
0xdf: {  	[tilespmem:v60+s28+$0x0] =	vst.idx.msk $0xffff, v33  }
0xe0: {  	v62 =	vor.u32 v23, v32;
	v33 =	vld.idx.msk [tilespmem:v61+s5+$0x0], $0xffff  }
0xe1: {  	v63 =	vor.u32 v24, v34;
	_ =	sdelay $0x3  }
0xe2: {  	[tilespmem:v62+s28+$0x0] =	vst.idx.msk $0xffff, v33  }
0xe3: {  	v40 =	vor.u32 v25, v32;
	v33 =	vld.idx.msk [tilespmem:v63+s5+$0x0], $0xffff  }
0xe4: {  	v41 =	vor.u32 v26, v34;
	_ =	sdelay $0x3  }
0xe5: {  	[tilespmem:v40+s28+$0x0] =	vst.idx.msk $0xffff, v33  }
0xe6: {  	v42 =	vor.u32 v27, v32;
	v33 =	vld.idx.msk [tilespmem:v41+s5+$0x0], $0xffff  }
0xe7: {  	v43 =	vor.u32 v28, v34;
	_ =	sdelay $0x3  }
0xe8: {  	[tilespmem:v42+s28+$0x0] =	vst.idx.msk $0xffff, v33  }
0xe9: {  	v44 =	vor.u32 v29, v32;
	v33 =	vld.idx.msk [tilespmem:v43+s5+$0x0], $0xffff  }
0xea: {  	v34 =	vor.u32 v30, v34  }
0xeb: {  	s15 =	simm.s32 $0x2  }
0xec: {  	v45 =	vadd.s32 s15, v0  }
0xed: {  	v46 =	vshll.u32 v45, $0x8;
	v47 =	vshll.u32 v45, $0x7  }
0xee: {  	v48 =	vand.u32 $0x1800, v46;
	v49 =	vand.u32 $0x380, v47;
	[tilespmem:v44+s28+$0x0] =	vst.idx.msk $0xffff, v33  }
0xef: {  	v32 =	vor.u32 v31, v32;
	v33 =	vor.u32 v49, v48;
	v34 =	vld.idx.msk [tilespmem:v34+s5+$0x0], $0xffff  }
0xf0: {  	v35 =	vor.u32 v0, v33;
	_ =	sdelay $0x3  }
0xf1: {  	[tilespmem:v32+s28+$0x0] =	vst.idx.msk $0xffff, v34;
	v32 =	vand.u32 $0x1F, v45  }
0xf2: {  	v34 =	vld.idx.msk [tilespmem:v35+s5+$0x0], $0xffff;
	v50 =	vor.u32 v1, v32  }
0xf3: {  	v51 =	vor.u32 v2, v33;
	_ =	sdelay $0x3  }
0xf4: {  	[tilespmem:v50+s28+$0x0] =	vst.idx.msk $0xffff, v34  }
0xf5: {  	v52 =	vor.u32 v3, v32;
	v34 =	vld.idx.msk [tilespmem:v51+s5+$0x0], $0xffff  }
0xf6: {  	v53 =	vor.u32 v4, v33;
	_ =	sdelay $0x3  }
0xf7: {  	[tilespmem:v52+s28+$0x0] =	vst.idx.msk $0xffff, v34  }
0xf8: {  	v54 =	vor.u32 v5, v32;
	v34 =	vld.idx.msk [tilespmem:v53+s5+$0x0], $0xffff  }
0xf9: {  	v55 =	vor.u32 v6, v33;
	_ =	sdelay $0x3  }
0xfa: {  	[tilespmem:v54+s28+$0x0] =	vst.idx.msk $0xffff, v34  }
0xfb: {  	v56 =	vor.u32 v7, v32;
	v34 =	vld.idx.msk [tilespmem:v55+s5+$0x0], $0xffff  }
0xfc: {  	v57 =	vor.u32 v8, v33;
	_ =	sdelay $0x3  }
0xfd: {  	[tilespmem:v56+s28+$0x0] =	vst.idx.msk $0xffff, v34  }
0xfe: {  	v58 =	vor.u32 v9, v32;
	v34 =	vld.idx.msk [tilespmem:v57+s5+$0x0], $0xffff  }
0xff: {  	v59 =	vor.u32 v10, v33;
	_ =	sdelay $0x3  }
0x100: {  	[tilespmem:v58+s28+$0x0] =	vst.idx.msk $0xffff, v34  }
0x101: {  	v60 =	vor.u32 v11, v32;
	v34 =	vld.idx.msk [tilespmem:v59+s5+$0x0], $0xffff  }
0x102: {  	v61 =	vor.u32 v12, v33;
	_ =	sdelay $0x3  }
0x103: {  	[tilespmem:v60+s28+$0x0] =	vst.idx.msk $0xffff, v34  }
0x104: {  	v62 =	vor.u32 v13, v32;
	v34 =	vld.idx.msk [tilespmem:v61+s5+$0x0], $0xffff  }
0x105: {  	v63 =	vor.u32 v14, v33;
	_ =	sdelay $0x3  }
0x106: {  	[tilespmem:v62+s28+$0x0] =	vst.idx.msk $0xffff, v34  }
0x107: {  	v40 =	vor.u32 v15, v32;
	v34 =	vld.idx.msk [tilespmem:v63+s5+$0x0], $0xffff  }
0x108: {  	v41 =	vor.u32 v16, v33;
	_ =	sdelay $0x3  }
0x109: {  	[tilespmem:v40+s28+$0x0] =	vst.idx.msk $0xffff, v34  }
0x10a: {  	v42 =	vor.u32 v17, v32;
	v34 =	vld.idx.msk [tilespmem:v41+s5+$0x0], $0xffff  }
0x10b: {  	v43 =	vor.u32 v18, v33;
	_ =	sdelay $0x3  }
0x10c: {  	[tilespmem:v42+s28+$0x0] =	vst.idx.msk $0xffff, v34  }
0x10d: {  	v44 =	vor.u32 v19, v32;
	v34 =	vld.idx.msk [tilespmem:v43+s5+$0x0], $0xffff  }
0x10e: {  	v45 =	vor.u32 v20, v33;
	_ =	sdelay $0x3  }
0x10f: {  	[tilespmem:v44+s28+$0x0] =	vst.idx.msk $0xffff, v34  }
0x110: {  	v46 =	vor.u32 v21, v32;
	v34 =	vld.idx.msk [tilespmem:v45+s5+$0x0], $0xffff  }
0x111: {  	v47 =	vor.u32 v22, v33;
	_ =	sdelay $0x3  }
0x112: {  	[tilespmem:v46+s28+$0x0] =	vst.idx.msk $0xffff, v34  }
0x113: {  	v48 =	vor.u32 v23, v32;
	v34 =	vld.idx.msk [tilespmem:v47+s5+$0x0], $0xffff  }
0x114: {  	v49 =	vor.u32 v24, v33;
	_ =	sdelay $0x3  }
0x115: {  	[tilespmem:v48+s28+$0x0] =	vst.idx.msk $0xffff, v34  }
0x116: {  	v50 =	vor.u32 v25, v32;
	v34 =	vld.idx.msk [tilespmem:v49+s5+$0x0], $0xffff  }
0x117: {  	v51 =	vor.u32 v26, v33;
	_ =	sdelay $0x3  }
0x118: {  	[tilespmem:v50+s28+$0x0] =	vst.idx.msk $0xffff, v34  }
0x119: {  	v52 =	vor.u32 v27, v32;
	v34 =	vld.idx.msk [tilespmem:v51+s5+$0x0], $0xffff  }
0x11a: {  	v53 =	vor.u32 v28, v33;
	_ =	sdelay $0x3  }
0x11b: {  	[tilespmem:v52+s28+$0x0] =	vst.idx.msk $0xffff, v34  }
0x11c: {  	v54 =	vor.u32 v29, v32;
	v34 =	vld.idx.msk [tilespmem:v53+s5+$0x0], $0xffff  }
0x11d: {  	v33 =	vor.u32 v30, v33  }
0x11e: {  	s16 =	simm.s32 $0x3  }
0x11f: {  	v55 =	vadd.s32 s16, v0  }
0x120: {  	v56 =	vshll.u32 v55, $0x8;
	v57 =	vshll.u32 v55, $0x7  }
0x121: {  	v58 =	vand.u32 $0x1800, v56;
	v59 =	vand.u32 $0x380, v57;
	[tilespmem:v54+s28+$0x0] =	vst.idx.msk $0xffff, v34  }
0x122: {  	v32 =	vor.u32 v31, v32;
	v34 =	vor.u32 v59, v58;
	v33 =	vld.idx.msk [tilespmem:v33+s5+$0x0], $0xffff  }
0x123: {  	v35 =	vor.u32 v0, v34;
	_ =	sdelay $0x3  }
0x124: {  	[tilespmem:v32+s28+$0x0] =	vst.idx.msk $0xffff, v33;
	v32 =	vand.u32 $0x1F, v55  }
0x125: {  	v33 =	vld.idx.msk [tilespmem:v35+s5+$0x0], $0xffff;
	v60 =	vor.u32 v1, v32  }
0x126: {  	v61 =	vor.u32 v2, v34;
	_ =	sdelay $0x3  }
0x127: {  	[tilespmem:v60+s28+$0x0] =	vst.idx.msk $0xffff, v33  }
0x128: {  	v62 =	vor.u32 v3, v32;
	v33 =	vld.idx.msk [tilespmem:v61+s5+$0x0], $0xffff  }
0x129: {  	v63 =	vor.u32 v4, v34;
	_ =	sdelay $0x3  }
0x12a: {  	[tilespmem:v62+s28+$0x0] =	vst.idx.msk $0xffff, v33  }
0x12b: {  	v40 =	vor.u32 v5, v32;
	v33 =	vld.idx.msk [tilespmem:v63+s5+$0x0], $0xffff  }
0x12c: {  	v41 =	vor.u32 v6, v34;
	_ =	sdelay $0x3  }
0x12d: {  	[tilespmem:v40+s28+$0x0] =	vst.idx.msk $0xffff, v33  }
0x12e: {  	v42 =	vor.u32 v7, v32;
	v33 =	vld.idx.msk [tilespmem:v41+s5+$0x0], $0xffff  }
0x12f: {  	v43 =	vor.u32 v8, v34;
	_ =	sdelay $0x3  }
0x130: {  	[tilespmem:v42+s28+$0x0] =	vst.idx.msk $0xffff, v33  }
0x131: {  	v44 =	vor.u32 v9, v32;
	v33 =	vld.idx.msk [tilespmem:v43+s5+$0x0], $0xffff  }
0x132: {  	v45 =	vor.u32 v10, v34;
	_ =	sdelay $0x3  }
0x133: {  	[tilespmem:v44+s28+$0x0] =	vst.idx.msk $0xffff, v33  }
0x134: {  	v46 =	vor.u32 v11, v32;
	v33 =	vld.idx.msk [tilespmem:v45+s5+$0x0], $0xffff  }
0x135: {  	v47 =	vor.u32 v12, v34;
	_ =	sdelay $0x3  }
0x136: {  	[tilespmem:v46+s28+$0x0] =	vst.idx.msk $0xffff, v33  }
0x137: {  	v48 =	vor.u32 v13, v32;
	v33 =	vld.idx.msk [tilespmem:v47+s5+$0x0], $0xffff  }
0x138: {  	v49 =	vor.u32 v14, v34;
	_ =	sdelay $0x3  }
0x139: {  	[tilespmem:v48+s28+$0x0] =	vst.idx.msk $0xffff, v33  }
0x13a: {  	v50 =	vor.u32 v15, v32;
	v33 =	vld.idx.msk [tilespmem:v49+s5+$0x0], $0xffff  }
0x13b: {  	v51 =	vor.u32 v16, v34;
	_ =	sdelay $0x3  }
0x13c: {  	[tilespmem:v50+s28+$0x0] =	vst.idx.msk $0xffff, v33  }
0x13d: {  	v52 =	vor.u32 v17, v32;
	v33 =	vld.idx.msk [tilespmem:v51+s5+$0x0], $0xffff  }
0x13e: {  	v53 =	vor.u32 v18, v34;
	_ =	sdelay $0x3  }
0x13f: {  	[tilespmem:v52+s28+$0x0] =	vst.idx.msk $0xffff, v33  }
0x140: {  	v54 =	vor.u32 v19, v32;
	v33 =	vld.idx.msk [tilespmem:v53+s5+$0x0], $0xffff  }
0x141: {  	v55 =	vor.u32 v20, v34;
	_ =	sdelay $0x3  }
0x142: {  	[tilespmem:v54+s28+$0x0] =	vst.idx.msk $0xffff, v33  }
0x143: {  	v56 =	vor.u32 v21, v32;
	v33 =	vld.idx.msk [tilespmem:v55+s5+$0x0], $0xffff  }
0x144: {  	v57 =	vor.u32 v22, v34;
	_ =	sdelay $0x3  }
0x145: {  	[tilespmem:v56+s28+$0x0] =	vst.idx.msk $0xffff, v33  }
0x146: {  	v58 =	vor.u32 v23, v32;
	v33 =	vld.idx.msk [tilespmem:v57+s5+$0x0], $0xffff  }
0x147: {  	v59 =	vor.u32 v24, v34;
	_ =	sdelay $0x3  }
0x148: {  	[tilespmem:v58+s28+$0x0] =	vst.idx.msk $0xffff, v33  }
0x149: {  	v60 =	vor.u32 v25, v32;
	v33 =	vld.idx.msk [tilespmem:v59+s5+$0x0], $0xffff  }
0x14a: {  	v61 =	vor.u32 v26, v34;
	_ =	sdelay $0x3  }
0x14b: {  	[tilespmem:v60+s28+$0x0] =	vst.idx.msk $0xffff, v33  }
0x14c: {  	v62 =	vor.u32 v27, v32;
	v33 =	vld.idx.msk [tilespmem:v61+s5+$0x0], $0xffff  }
0x14d: {  	v63 =	vor.u32 v28, v34;
	_ =	sdelay $0x3  }
0x14e: {  	[tilespmem:v62+s28+$0x0] =	vst.idx.msk $0xffff, v33  }
0x14f: {  	v36 =	vor.u32 v29, v32;
	v35 =	vld.idx.msk [tilespmem:v63+s5+$0x0], $0xffff  }
0x150: {  	v33 =	vor.u32 v30, v34;
	_ =	sdelay $0x1  }
0x151: {  	s13 =	simm.s32 $0x4  }
0x152: {  	s14 =	simm.s32 $0x8;
	v34 =	vadd.s32 s13, v0  }
.LBB2_6:
0x153: {  	p2 =	sne.s32 s14, $0x1C;
	v37 =	vshll.u32 v34, $0x8;
	v38 =	vshll.u32 v34, $0x7;
	[tilespmem:v36+s28+$0x0] =	vst.idx.msk $0xffff, v35  }
0x154: {  	v35 =	vand.u32 $0x1800, v37;
	v36 =	vand.u32 $0x380, v38;
	v37 =	vld.idx.msk [tilespmem:v33+s5+$0x0], $0xffff  }
0x155: {  	v32 =	vor.u32 v31, v32;
	v33 =	vor.u32 v36, v35  }
0x156: {  	v35 =	vor.u32 v0, v33;
	_ =	sdelay $0x3  }
0x157: {  	[tilespmem:v32+s28+$0x0] =	vst.idx.msk $0xffff, v37  }
0x158: {  	v32 =	vand.u32 $0x1F, v34;
	v34 =	vld.idx.msk [tilespmem:v35+s5+$0x0], $0xffff  }
0x159: {  	v35 =	vor.u32 v1, v32  }
0x15a: {  	v36 =	vor.u32 v2, v33;
	_ =	sdelay $0x3  }
0x15b: {  	[tilespmem:v35+s28+$0x0] =	vst.idx.msk $0xffff, v34  }
0x15c: {  	v34 =	vld.idx.msk [tilespmem:v36+s5+$0x0], $0xffff  }
0x15d: {  	v35 =	vor.u32 v3, v32  }
0x15e: {  	v36 =	vor.u32 v4, v33;
	_ =	sdelay $0x3  }
0x15f: {  	[tilespmem:v35+s28+$0x0] =	vst.idx.msk $0xffff, v34  }
0x160: {  	v34 =	vld.idx.msk [tilespmem:v36+s5+$0x0], $0xffff  }
0x161: {  	v35 =	vor.u32 v5, v32  }
0x162: {  	v36 =	vor.u32 v6, v33;
	_ =	sdelay $0x3  }
0x163: {  	[tilespmem:v35+s28+$0x0] =	vst.idx.msk $0xffff, v34  }
0x164: {  	v34 =	vld.idx.msk [tilespmem:v36+s5+$0x0], $0xffff  }
0x165: {  	v35 =	vor.u32 v7, v32  }
0x166: {  	v36 =	vor.u32 v8, v33;
	_ =	sdelay $0x3  }
0x167: {  	[tilespmem:v35+s28+$0x0] =	vst.idx.msk $0xffff, v34  }
0x168: {  	v34 =	vld.idx.msk [tilespmem:v36+s5+$0x0], $0xffff  }
0x169: {  	v35 =	vor.u32 v9, v32  }
0x16a: {  	v36 =	vor.u32 v10, v33;
	_ =	sdelay $0x3  }
0x16b: {  	[tilespmem:v35+s28+$0x0] =	vst.idx.msk $0xffff, v34  }
0x16c: {  	v34 =	vld.idx.msk [tilespmem:v36+s5+$0x0], $0xffff  }
0x16d: {  	v35 =	vor.u32 v11, v32  }
0x16e: {  	v36 =	vor.u32 v12, v33;
	_ =	sdelay $0x3  }
0x16f: {  	[tilespmem:v35+s28+$0x0] =	vst.idx.msk $0xffff, v34  }
0x170: {  	v34 =	vld.idx.msk [tilespmem:v36+s5+$0x0], $0xffff  }
0x171: {  	v35 =	vor.u32 v13, v32  }
0x172: {  	v36 =	vor.u32 v14, v33;
	_ =	sdelay $0x3  }
0x173: {  	[tilespmem:v35+s28+$0x0] =	vst.idx.msk $0xffff, v34  }
0x174: {  	v34 =	vld.idx.msk [tilespmem:v36+s5+$0x0], $0xffff  }
0x175: {  	v35 =	vor.u32 v15, v32  }
0x176: {  	v36 =	vor.u32 v16, v33;
	_ =	sdelay $0x3  }
0x177: {  	[tilespmem:v35+s28+$0x0] =	vst.idx.msk $0xffff, v34  }
0x178: {  	v34 =	vld.idx.msk [tilespmem:v36+s5+$0x0], $0xffff  }
0x179: {  	v35 =	vor.u32 v17, v32  }
0x17a: {  	v36 =	vor.u32 v18, v33;
	_ =	sdelay $0x3  }
0x17b: {  	[tilespmem:v35+s28+$0x0] =	vst.idx.msk $0xffff, v34  }
0x17c: {  	v34 =	vld.idx.msk [tilespmem:v36+s5+$0x0], $0xffff  }
0x17d: {  	v35 =	vor.u32 v19, v32  }
0x17e: {  	v36 =	vor.u32 v20, v33;
	_ =	sdelay $0x3  }
0x17f: {  	[tilespmem:v35+s28+$0x0] =	vst.idx.msk $0xffff, v34  }
0x180: {  	v34 =	vld.idx.msk [tilespmem:v36+s5+$0x0], $0xffff  }
0x181: {  	v35 =	vor.u32 v21, v32  }
0x182: {  	v36 =	vor.u32 v22, v33;
	_ =	sdelay $0x3  }
0x183: {  	[tilespmem:v35+s28+$0x0] =	vst.idx.msk $0xffff, v34  }
0x184: {  	v34 =	vld.idx.msk [tilespmem:v36+s5+$0x0], $0xffff  }
0x185: {  	v35 =	vor.u32 v23, v32  }
0x186: {  	v36 =	vor.u32 v24, v33;
	_ =	sdelay $0x3  }
0x187: {  	[tilespmem:v35+s28+$0x0] =	vst.idx.msk $0xffff, v34  }
0x188: {  	v34 =	vld.idx.msk [tilespmem:v36+s5+$0x0], $0xffff  }
0x189: {  	v35 =	vor.u32 v25, v32  }
0x18a: {  	v36 =	vor.u32 v26, v33;
	_ =	sdelay $0x3  }
0x18b: {  	[tilespmem:v35+s28+$0x0] =	vst.idx.msk $0xffff, v34  }
0x18c: {  	v34 =	vld.idx.msk [tilespmem:v36+s5+$0x0], $0xffff  }
0x18d: {  	v35 =	vor.u32 v27, v32  }
0x18e: {  	v36 =	vor.u32 v28, v33;
	_ =	sdelay $0x3  }
0x18f: {  	[tilespmem:v35+s28+$0x0] =	vst.idx.msk $0xffff, v34  }
0x190: {  	v34 =	vld.idx.msk [tilespmem:v36+s5+$0x0], $0xffff  }
0x191: {  	v35 =	vor.u32 v29, v32  }
0x192: {  	v33 =	vor.u32 v30, v33;
	_ =	sdelay $0x1  }
0x193: {  	s15 =	sadd.s32 $0x1, s13  }
0x194: {  	v36 =	vadd.s32 s15, v0  }
0x195: {  	[tilespmem:v35+s28+$0x0] =	vst.idx.msk $0xffff, v34;
	v34 =	vshll.u32 v36, $0x8;
	v35 =	vshll.u32 v36, $0x7  }
0x196: {  	v37 =	vld.idx.msk [tilespmem:v33+s5+$0x0], $0xffff;
	v33 =	vand.u32 $0x1800, v34;
	v34 =	vand.u32 $0x380, v35  }
0x197: {  	v32 =	vor.u32 v31, v32;
	v33 =	vor.u32 v34, v33  }
0x198: {  	v34 =	vor.u32 v0, v33;
	_ =	sdelay $0x3  }
0x199: {  	[tilespmem:v32+s28+$0x0] =	vst.idx.msk $0xffff, v37  }
0x19a: {  	v32 =	vand.u32 $0x1F, v36;
	v34 =	vld.idx.msk [tilespmem:v34+s5+$0x0], $0xffff  }
0x19b: {  	v35 =	vor.u32 v1, v32  }
0x19c: {  	v36 =	vor.u32 v2, v33;
	_ =	sdelay $0x3  }
0x19d: {  	[tilespmem:v35+s28+$0x0] =	vst.idx.msk $0xffff, v34  }
0x19e: {  	v34 =	vld.idx.msk [tilespmem:v36+s5+$0x0], $0xffff  }
0x19f: {  	v35 =	vor.u32 v3, v32  }
0x1a0: {  	v36 =	vor.u32 v4, v33;
	_ =	sdelay $0x3  }
0x1a1: {  	[tilespmem:v35+s28+$0x0] =	vst.idx.msk $0xffff, v34  }
0x1a2: {  	v34 =	vld.idx.msk [tilespmem:v36+s5+$0x0], $0xffff  }
0x1a3: {  	v35 =	vor.u32 v5, v32  }
0x1a4: {  	v36 =	vor.u32 v6, v33;
	_ =	sdelay $0x3  }
0x1a5: {  	[tilespmem:v35+s28+$0x0] =	vst.idx.msk $0xffff, v34  }
0x1a6: {  	v34 =	vld.idx.msk [tilespmem:v36+s5+$0x0], $0xffff  }
0x1a7: {  	v35 =	vor.u32 v7, v32  }
0x1a8: {  	v36 =	vor.u32 v8, v33;
	_ =	sdelay $0x3  }
0x1a9: {  	[tilespmem:v35+s28+$0x0] =	vst.idx.msk $0xffff, v34  }
0x1aa: {  	v34 =	vld.idx.msk [tilespmem:v36+s5+$0x0], $0xffff  }
0x1ab: {  	v35 =	vor.u32 v9, v32  }
0x1ac: {  	v36 =	vor.u32 v10, v33;
	_ =	sdelay $0x3  }
0x1ad: {  	[tilespmem:v35+s28+$0x0] =	vst.idx.msk $0xffff, v34  }
0x1ae: {  	v34 =	vld.idx.msk [tilespmem:v36+s5+$0x0], $0xffff  }
0x1af: {  	v35 =	vor.u32 v11, v32  }
0x1b0: {  	v36 =	vor.u32 v12, v33;
	_ =	sdelay $0x3  }
0x1b1: {  	[tilespmem:v35+s28+$0x0] =	vst.idx.msk $0xffff, v34  }
0x1b2: {  	v34 =	vld.idx.msk [tilespmem:v36+s5+$0x0], $0xffff  }
0x1b3: {  	v35 =	vor.u32 v13, v32  }
0x1b4: {  	v36 =	vor.u32 v14, v33;
	_ =	sdelay $0x3  }
0x1b5: {  	[tilespmem:v35+s28+$0x0] =	vst.idx.msk $0xffff, v34  }
0x1b6: {  	v34 =	vld.idx.msk [tilespmem:v36+s5+$0x0], $0xffff  }
0x1b7: {  	v35 =	vor.u32 v15, v32  }
0x1b8: {  	v36 =	vor.u32 v16, v33;
	_ =	sdelay $0x3  }
0x1b9: {  	[tilespmem:v35+s28+$0x0] =	vst.idx.msk $0xffff, v34  }
0x1ba: {  	v34 =	vld.idx.msk [tilespmem:v36+s5+$0x0], $0xffff  }
0x1bb: {  	v35 =	vor.u32 v17, v32  }
0x1bc: {  	v36 =	vor.u32 v18, v33;
	_ =	sdelay $0x3  }
0x1bd: {  	[tilespmem:v35+s28+$0x0] =	vst.idx.msk $0xffff, v34  }
0x1be: {  	v34 =	vld.idx.msk [tilespmem:v36+s5+$0x0], $0xffff  }
0x1bf: {  	v35 =	vor.u32 v19, v32  }
0x1c0: {  	v36 =	vor.u32 v20, v33;
	_ =	sdelay $0x3  }
0x1c1: {  	[tilespmem:v35+s28+$0x0] =	vst.idx.msk $0xffff, v34  }
0x1c2: {  	v34 =	vld.idx.msk [tilespmem:v36+s5+$0x0], $0xffff  }
0x1c3: {  	v35 =	vor.u32 v21, v32  }
0x1c4: {  	v36 =	vor.u32 v22, v33;
	_ =	sdelay $0x3  }
0x1c5: {  	[tilespmem:v35+s28+$0x0] =	vst.idx.msk $0xffff, v34  }
0x1c6: {  	v34 =	vld.idx.msk [tilespmem:v36+s5+$0x0], $0xffff  }
0x1c7: {  	v35 =	vor.u32 v23, v32  }
0x1c8: {  	v36 =	vor.u32 v24, v33;
	_ =	sdelay $0x3  }
0x1c9: {  	[tilespmem:v35+s28+$0x0] =	vst.idx.msk $0xffff, v34  }
0x1ca: {  	v34 =	vld.idx.msk [tilespmem:v36+s5+$0x0], $0xffff  }
0x1cb: {  	v35 =	vor.u32 v25, v32  }
0x1cc: {  	v36 =	vor.u32 v26, v33;
	_ =	sdelay $0x3  }
0x1cd: {  	[tilespmem:v35+s28+$0x0] =	vst.idx.msk $0xffff, v34  }
0x1ce: {  	v34 =	vld.idx.msk [tilespmem:v36+s5+$0x0], $0xffff  }
0x1cf: {  	v35 =	vor.u32 v27, v32  }
0x1d0: {  	v36 =	vor.u32 v28, v33;
	_ =	sdelay $0x3  }
0x1d1: {  	[tilespmem:v35+s28+$0x0] =	vst.idx.msk $0xffff, v34  }
0x1d2: {  	v34 =	vld.idx.msk [tilespmem:v36+s5+$0x0], $0xffff  }
0x1d3: {  	v35 =	vor.u32 v29, v32  }
0x1d4: {  	v33 =	vor.u32 v30, v33;
	_ =	sdelay $0x1  }
0x1d5: {  	s15 =	sadd.s32 $0x2, s13  }
0x1d6: {  	v36 =	vadd.s32 s15, v0  }
0x1d7: {  	[tilespmem:v35+s28+$0x0] =	vst.idx.msk $0xffff, v34;
	v34 =	vshll.u32 v36, $0x8;
	v35 =	vshll.u32 v36, $0x7  }
0x1d8: {  	v37 =	vld.idx.msk [tilespmem:v33+s5+$0x0], $0xffff;
	v33 =	vand.u32 $0x1800, v34;
	v34 =	vand.u32 $0x380, v35  }
0x1d9: {  	v32 =	vor.u32 v31, v32;
	v33 =	vor.u32 v34, v33  }
0x1da: {  	v34 =	vor.u32 v0, v33;
	_ =	sdelay $0x3  }
0x1db: {  	[tilespmem:v32+s28+$0x0] =	vst.idx.msk $0xffff, v37  }
0x1dc: {  	v32 =	vand.u32 $0x1F, v36;
	v34 =	vld.idx.msk [tilespmem:v34+s5+$0x0], $0xffff  }
0x1dd: {  	v35 =	vor.u32 v1, v32  }
0x1de: {  	v36 =	vor.u32 v2, v33;
	_ =	sdelay $0x3  }
0x1df: {  	[tilespmem:v35+s28+$0x0] =	vst.idx.msk $0xffff, v34  }
0x1e0: {  	v34 =	vld.idx.msk [tilespmem:v36+s5+$0x0], $0xffff  }
0x1e1: {  	v35 =	vor.u32 v3, v32  }
0x1e2: {  	v36 =	vor.u32 v4, v33;
	_ =	sdelay $0x3  }
0x1e3: {  	[tilespmem:v35+s28+$0x0] =	vst.idx.msk $0xffff, v34  }
0x1e4: {  	v34 =	vld.idx.msk [tilespmem:v36+s5+$0x0], $0xffff  }
0x1e5: {  	v35 =	vor.u32 v5, v32  }
0x1e6: {  	v36 =	vor.u32 v6, v33;
	_ =	sdelay $0x3  }
0x1e7: {  	[tilespmem:v35+s28+$0x0] =	vst.idx.msk $0xffff, v34  }
0x1e8: {  	v34 =	vld.idx.msk [tilespmem:v36+s5+$0x0], $0xffff  }
0x1e9: {  	v35 =	vor.u32 v7, v32  }
0x1ea: {  	v36 =	vor.u32 v8, v33;
	_ =	sdelay $0x3  }
0x1eb: {  	[tilespmem:v35+s28+$0x0] =	vst.idx.msk $0xffff, v34  }
0x1ec: {  	v34 =	vld.idx.msk [tilespmem:v36+s5+$0x0], $0xffff  }
0x1ed: {  	v35 =	vor.u32 v9, v32  }
0x1ee: {  	v36 =	vor.u32 v10, v33;
	_ =	sdelay $0x3  }
0x1ef: {  	[tilespmem:v35+s28+$0x0] =	vst.idx.msk $0xffff, v34  }
0x1f0: {  	v34 =	vld.idx.msk [tilespmem:v36+s5+$0x0], $0xffff  }
0x1f1: {  	v35 =	vor.u32 v11, v32  }
0x1f2: {  	v36 =	vor.u32 v12, v33;
	_ =	sdelay $0x3  }
0x1f3: {  	[tilespmem:v35+s28+$0x0] =	vst.idx.msk $0xffff, v34  }
0x1f4: {  	v34 =	vld.idx.msk [tilespmem:v36+s5+$0x0], $0xffff  }
0x1f5: {  	v35 =	vor.u32 v13, v32  }
0x1f6: {  	v36 =	vor.u32 v14, v33;
	_ =	sdelay $0x3  }
0x1f7: {  	[tilespmem:v35+s28+$0x0] =	vst.idx.msk $0xffff, v34  }
0x1f8: {  	v34 =	vld.idx.msk [tilespmem:v36+s5+$0x0], $0xffff  }
0x1f9: {  	v35 =	vor.u32 v15, v32  }
0x1fa: {  	v36 =	vor.u32 v16, v33;
	_ =	sdelay $0x3  }
0x1fb: {  	[tilespmem:v35+s28+$0x0] =	vst.idx.msk $0xffff, v34  }
0x1fc: {  	v34 =	vld.idx.msk [tilespmem:v36+s5+$0x0], $0xffff  }
0x1fd: {  	v35 =	vor.u32 v17, v32  }
0x1fe: {  	v36 =	vor.u32 v18, v33;
	_ =	sdelay $0x3  }
0x1ff: {  	[tilespmem:v35+s28+$0x0] =	vst.idx.msk $0xffff, v34  }
0x200: {  	v34 =	vld.idx.msk [tilespmem:v36+s5+$0x0], $0xffff  }
0x201: {  	v35 =	vor.u32 v19, v32  }
0x202: {  	v36 =	vor.u32 v20, v33;
	_ =	sdelay $0x3  }
0x203: {  	[tilespmem:v35+s28+$0x0] =	vst.idx.msk $0xffff, v34  }
0x204: {  	v34 =	vld.idx.msk [tilespmem:v36+s5+$0x0], $0xffff  }
0x205: {  	v35 =	vor.u32 v21, v32  }
0x206: {  	v36 =	vor.u32 v22, v33;
	_ =	sdelay $0x3  }
0x207: {  	[tilespmem:v35+s28+$0x0] =	vst.idx.msk $0xffff, v34  }
0x208: {  	v34 =	vld.idx.msk [tilespmem:v36+s5+$0x0], $0xffff  }
0x209: {  	v35 =	vor.u32 v23, v32  }
0x20a: {  	v36 =	vor.u32 v24, v33;
	_ =	sdelay $0x3  }
0x20b: {  	[tilespmem:v35+s28+$0x0] =	vst.idx.msk $0xffff, v34  }
0x20c: {  	v34 =	vld.idx.msk [tilespmem:v36+s5+$0x0], $0xffff  }
0x20d: {  	v35 =	vor.u32 v25, v32  }
0x20e: {  	v36 =	vor.u32 v26, v33;
	_ =	sdelay $0x3  }
0x20f: {  	[tilespmem:v35+s28+$0x0] =	vst.idx.msk $0xffff, v34  }
0x210: {  	v34 =	vld.idx.msk [tilespmem:v36+s5+$0x0], $0xffff  }
0x211: {  	v35 =	vor.u32 v27, v32  }
0x212: {  	v36 =	vor.u32 v28, v33;
	_ =	sdelay $0x3  }
0x213: {  	[tilespmem:v35+s28+$0x0] =	vst.idx.msk $0xffff, v34  }
0x214: {  	v34 =	vld.idx.msk [tilespmem:v36+s5+$0x0], $0xffff  }
0x215: {  	v35 =	vor.u32 v29, v32  }
0x216: {  	v33 =	vor.u32 v30, v33;
	_ =	sdelay $0x1  }
0x217: {  	s15 =	sadd.s32 $0x3, s13;
	s13 =	smov.u32 s14  }
0x218: {  	v36 =	vadd.s32 s15, v0  }
0x219: {  	[tilespmem:v35+s28+$0x0] =	vst.idx.msk $0xffff, v34;
	v34 =	vshll.u32 v36, $0x8;
	v35 =	vshll.u32 v36, $0x7  }
0x21a: {  	v37 =	vld.idx.msk [tilespmem:v33+s5+$0x0], $0xffff;
	v33 =	vand.u32 $0x1800, v34;
	v34 =	vand.u32 $0x380, v35  }
0x21b: {  	v32 =	vor.u32 v31, v32;
	v33 =	vor.u32 v34, v33  }
0x21c: {  	v34 =	vor.u32 v0, v33;
	_ =	sdelay $0x3  }
0x21d: {  	[tilespmem:v32+s28+$0x0] =	vst.idx.msk $0xffff, v37  }
0x21e: {  	v32 =	vand.u32 $0x1F, v36;
	v34 =	vld.idx.msk [tilespmem:v34+s5+$0x0], $0xffff  }
0x21f: {  	v35 =	vor.u32 v1, v32  }
0x220: {  	v36 =	vor.u32 v2, v33;
	_ =	sdelay $0x3  }
0x221: {  	[tilespmem:v35+s28+$0x0] =	vst.idx.msk $0xffff, v34  }
0x222: {  	v34 =	vld.idx.msk [tilespmem:v36+s5+$0x0], $0xffff  }
0x223: {  	v35 =	vor.u32 v3, v32  }
0x224: {  	v36 =	vor.u32 v4, v33;
	_ =	sdelay $0x3  }
0x225: {  	[tilespmem:v35+s28+$0x0] =	vst.idx.msk $0xffff, v34  }
0x226: {  	v34 =	vld.idx.msk [tilespmem:v36+s5+$0x0], $0xffff  }
0x227: {  	v35 =	vor.u32 v5, v32  }
0x228: {  	v36 =	vor.u32 v6, v33;
	_ =	sdelay $0x3  }
0x229: {  	[tilespmem:v35+s28+$0x0] =	vst.idx.msk $0xffff, v34  }
0x22a: {  	v34 =	vld.idx.msk [tilespmem:v36+s5+$0x0], $0xffff  }
0x22b: {  	v35 =	vor.u32 v7, v32  }
0x22c: {  	v36 =	vor.u32 v8, v33;
	_ =	sdelay $0x3  }
0x22d: {  	[tilespmem:v35+s28+$0x0] =	vst.idx.msk $0xffff, v34  }
0x22e: {  	v34 =	vld.idx.msk [tilespmem:v36+s5+$0x0], $0xffff  }
0x22f: {  	v35 =	vor.u32 v9, v32  }
0x230: {  	v36 =	vor.u32 v10, v33;
	_ =	sdelay $0x3  }
0x231: {  	[tilespmem:v35+s28+$0x0] =	vst.idx.msk $0xffff, v34  }
0x232: {  	v34 =	vld.idx.msk [tilespmem:v36+s5+$0x0], $0xffff  }
0x233: {  	v35 =	vor.u32 v11, v32  }
0x234: {  	v36 =	vor.u32 v12, v33;
	_ =	sdelay $0x3  }
0x235: {  	[tilespmem:v35+s28+$0x0] =	vst.idx.msk $0xffff, v34  }
0x236: {  	v34 =	vld.idx.msk [tilespmem:v36+s5+$0x0], $0xffff  }
0x237: {  	v35 =	vor.u32 v13, v32  }
0x238: {  	v36 =	vor.u32 v14, v33;
	_ =	sdelay $0x3  }
0x239: {  	[tilespmem:v35+s28+$0x0] =	vst.idx.msk $0xffff, v34  }
0x23a: {  	v34 =	vld.idx.msk [tilespmem:v36+s5+$0x0], $0xffff  }
0x23b: {  	v35 =	vor.u32 v15, v32  }
0x23c: {  	v36 =	vor.u32 v16, v33;
	_ =	sdelay $0x3  }
0x23d: {  	[tilespmem:v35+s28+$0x0] =	vst.idx.msk $0xffff, v34  }
0x23e: {  	v34 =	vld.idx.msk [tilespmem:v36+s5+$0x0], $0xffff  }
0x23f: {  	v35 =	vor.u32 v17, v32  }
0x240: {  	v36 =	vor.u32 v18, v33;
	_ =	sdelay $0x3  }
0x241: {  	[tilespmem:v35+s28+$0x0] =	vst.idx.msk $0xffff, v34  }
0x242: {  	v34 =	vld.idx.msk [tilespmem:v36+s5+$0x0], $0xffff  }
0x243: {  	v35 =	vor.u32 v19, v32  }
0x244: {  	v36 =	vor.u32 v20, v33;
	_ =	sdelay $0x3  }
0x245: {  	[tilespmem:v35+s28+$0x0] =	vst.idx.msk $0xffff, v34  }
0x246: {  	v34 =	vld.idx.msk [tilespmem:v36+s5+$0x0], $0xffff  }
0x247: {  	v35 =	vor.u32 v21, v32  }
0x248: {  	v36 =	vor.u32 v22, v33;
	_ =	sdelay $0x3  }
0x249: {  	[tilespmem:v35+s28+$0x0] =	vst.idx.msk $0xffff, v34  }
0x24a: {  	v34 =	vld.idx.msk [tilespmem:v36+s5+$0x0], $0xffff  }
0x24b: {  	v35 =	vor.u32 v23, v32  }
0x24c: {  	v36 =	vor.u32 v24, v33;
	_ =	sdelay $0x3  }
0x24d: {  	[tilespmem:v35+s28+$0x0] =	vst.idx.msk $0xffff, v34  }
0x24e: {  	v34 =	vld.idx.msk [tilespmem:v36+s5+$0x0], $0xffff  }
0x24f: {  	v35 =	vor.u32 v25, v32  }
0x250: {  	v36 =	vor.u32 v26, v33;
	_ =	sdelay $0x3  }
0x251: {  	[tilespmem:v35+s28+$0x0] =	vst.idx.msk $0xffff, v34  }
0x252: {  	v34 =	vld.idx.msk [tilespmem:v36+s5+$0x0], $0xffff  }
0x253: {  	v35 =	vor.u32 v27, v32  }
0x254: {  	v36 =	vor.u32 v28, v33;
	_ =	sdelay $0x3  }
0x255: {  	[tilespmem:v35+s28+$0x0] =	vst.idx.msk $0xffff, v34  }
0x256: {  	v35 =	vld.idx.msk [tilespmem:v36+s5+$0x0], $0xffff  }
.Ltmp6:
0x257: {  	v36 =	vor.u32 v29, v32;
	(pc) =	sbr.rel @p2 .LBB2_6-.Ltmp6, $2  }
0x258: {  	v33 =	vor.u32 v30, v33;
	_ =	sdelay $0x2  }
0x259: {  	s14 =	sadd.s32 $0x4, s14;
	v34 =	vadd.s32 s13, v0  }
0x25a: {  	_ =	sdelay $0x2  }
0x25b: {  	v37 =	vshll.u32 v34, $0x8;
	v38 =	vshll.u32 v34, $0x7  }
0x25c: {  	[tilespmem:v36+s28+$0x0] =	vst.idx.msk $0xffff, v35;
	v52 =	vand.u32 $0x1800, v37;
	v53 =	vand.u32 $0x380, v38  }
0x25d: {  	v32 =	vor.u32 v31, v32;
	v33 =	vld.idx.msk [tilespmem:v33+s5+$0x0], $0xffff;
	v35 =	vor.u32 v53, v52  }
0x25e: {  	v36 =	vor.u32 v0, v35;
	_ =	sdelay $0x3  }
0x25f: {  	[tilespmem:v32+s28+$0x0] =	vst.idx.msk $0xffff, v33;
	v32 =	vand.u32 $0x1F, v34  }
0x260: {  	v34 =	vor.u32 v1, v32;
	v33 =	vld.idx.msk [tilespmem:v36+s5+$0x0], $0xffff  }
0x261: {  	v54 =	vor.u32 v2, v35;
	_ =	sdelay $0x3  }
0x262: {  	[tilespmem:v34+s28+$0x0] =	vst.idx.msk $0xffff, v33  }
0x263: {  	v55 =	vor.u32 v3, v32;
	v33 =	vld.idx.msk [tilespmem:v54+s5+$0x0], $0xffff  }
0x264: {  	v56 =	vor.u32 v4, v35;
	_ =	sdelay $0x3  }
0x265: {  	[tilespmem:v55+s28+$0x0] =	vst.idx.msk $0xffff, v33  }
0x266: {  	v57 =	vor.u32 v5, v32;
	v33 =	vld.idx.msk [tilespmem:v56+s5+$0x0], $0xffff  }
0x267: {  	v58 =	vor.u32 v6, v35;
	_ =	sdelay $0x3  }
0x268: {  	[tilespmem:v57+s28+$0x0] =	vst.idx.msk $0xffff, v33  }
0x269: {  	v59 =	vor.u32 v7, v32;
	v33 =	vld.idx.msk [tilespmem:v58+s5+$0x0], $0xffff  }
0x26a: {  	v60 =	vor.u32 v8, v35;
	_ =	sdelay $0x3  }
0x26b: {  	[tilespmem:v59+s28+$0x0] =	vst.idx.msk $0xffff, v33  }
0x26c: {  	v61 =	vor.u32 v9, v32;
	v33 =	vld.idx.msk [tilespmem:v60+s5+$0x0], $0xffff  }
0x26d: {  	v62 =	vor.u32 v10, v35;
	_ =	sdelay $0x3  }
0x26e: {  	[tilespmem:v61+s28+$0x0] =	vst.idx.msk $0xffff, v33  }
0x26f: {  	v63 =	vor.u32 v11, v32;
	v33 =	vld.idx.msk [tilespmem:v62+s5+$0x0], $0xffff  }
0x270: {  	v40 =	vor.u32 v12, v35;
	_ =	sdelay $0x3  }
0x271: {  	[tilespmem:v63+s28+$0x0] =	vst.idx.msk $0xffff, v33  }
0x272: {  	v41 =	vor.u32 v13, v32;
	v33 =	vld.idx.msk [tilespmem:v40+s5+$0x0], $0xffff  }
0x273: {  	v42 =	vor.u32 v14, v35;
	_ =	sdelay $0x3  }
0x274: {  	[tilespmem:v41+s28+$0x0] =	vst.idx.msk $0xffff, v33  }
0x275: {  	v43 =	vor.u32 v15, v32;
	v33 =	vld.idx.msk [tilespmem:v42+s5+$0x0], $0xffff  }
0x276: {  	v44 =	vor.u32 v16, v35;
	_ =	sdelay $0x3  }
0x277: {  	[tilespmem:v43+s28+$0x0] =	vst.idx.msk $0xffff, v33  }
0x278: {  	v45 =	vor.u32 v17, v32;
	v33 =	vld.idx.msk [tilespmem:v44+s5+$0x0], $0xffff  }
0x279: {  	v46 =	vor.u32 v18, v35;
	_ =	sdelay $0x3  }
0x27a: {  	[tilespmem:v45+s28+$0x0] =	vst.idx.msk $0xffff, v33  }
0x27b: {  	v47 =	vor.u32 v19, v32;
	v33 =	vld.idx.msk [tilespmem:v46+s5+$0x0], $0xffff  }
0x27c: {  	v48 =	vor.u32 v20, v35;
	_ =	sdelay $0x3  }
0x27d: {  	[tilespmem:v47+s28+$0x0] =	vst.idx.msk $0xffff, v33  }
0x27e: {  	v49 =	vor.u32 v21, v32;
	v33 =	vld.idx.msk [tilespmem:v48+s5+$0x0], $0xffff  }
0x27f: {  	v50 =	vor.u32 v22, v35;
	_ =	sdelay $0x3  }
0x280: {  	[tilespmem:v49+s28+$0x0] =	vst.idx.msk $0xffff, v33  }
0x281: {  	v51 =	vor.u32 v23, v32;
	v33 =	vld.idx.msk [tilespmem:v50+s5+$0x0], $0xffff  }
0x282: {  	v52 =	vor.u32 v24, v35;
	_ =	sdelay $0x3  }
0x283: {  	[tilespmem:v51+s28+$0x0] =	vst.idx.msk $0xffff, v33  }
0x284: {  	v53 =	vor.u32 v25, v32;
	v33 =	vld.idx.msk [tilespmem:v52+s5+$0x0], $0xffff  }
0x285: {  	v54 =	vor.u32 v26, v35;
	_ =	sdelay $0x3  }
0x286: {  	[tilespmem:v53+s28+$0x0] =	vst.idx.msk $0xffff, v33  }
0x287: {  	v55 =	vor.u32 v27, v32;
	v33 =	vld.idx.msk [tilespmem:v54+s5+$0x0], $0xffff  }
0x288: {  	v56 =	vor.u32 v28, v35;
	_ =	sdelay $0x3  }
0x289: {  	[tilespmem:v55+s28+$0x0] =	vst.idx.msk $0xffff, v33  }
0x28a: {  	v57 =	vor.u32 v29, v32;
	v33 =	vld.idx.msk [tilespmem:v56+s5+$0x0], $0xffff  }
0x28b: {  	v35 =	vor.u32 v30, v35  }
0x28c: {  	s14 =	sadd.s32 $0x1, s13  }
0x28d: {  	v58 =	vadd.s32 s14, v0  }
0x28e: {  	v59 =	vshll.u32 v58, $0x8;
	v60 =	vshll.u32 v58, $0x7  }
0x28f: {  	v61 =	vand.u32 $0x1800, v59;
	v62 =	vand.u32 $0x380, v60;
	[tilespmem:v57+s28+$0x0] =	vst.idx.msk $0xffff, v33  }
0x290: {  	v32 =	vor.u32 v31, v32;
	v33 =	vor.u32 v62, v61;
	v35 =	vld.idx.msk [tilespmem:v35+s5+$0x0], $0xffff  }
0x291: {  	v34 =	vor.u32 v0, v33;
	_ =	sdelay $0x3  }
0x292: {  	[tilespmem:v32+s28+$0x0] =	vst.idx.msk $0xffff, v35;
	v32 =	vand.u32 $0x1F, v58  }
0x293: {  	v34 =	vld.idx.msk [tilespmem:v34+s5+$0x0], $0xffff;
	v63 =	vor.u32 v1, v32  }
0x294: {  	v40 =	vor.u32 v2, v33;
	_ =	sdelay $0x3  }
0x295: {  	[tilespmem:v63+s28+$0x0] =	vst.idx.msk $0xffff, v34  }
0x296: {  	v41 =	vor.u32 v3, v32;
	v34 =	vld.idx.msk [tilespmem:v40+s5+$0x0], $0xffff  }
0x297: {  	v42 =	vor.u32 v4, v33;
	_ =	sdelay $0x3  }
0x298: {  	[tilespmem:v41+s28+$0x0] =	vst.idx.msk $0xffff, v34  }
0x299: {  	v43 =	vor.u32 v5, v32;
	v34 =	vld.idx.msk [tilespmem:v42+s5+$0x0], $0xffff  }
0x29a: {  	v44 =	vor.u32 v6, v33;
	_ =	sdelay $0x3  }
0x29b: {  	[tilespmem:v43+s28+$0x0] =	vst.idx.msk $0xffff, v34  }
0x29c: {  	v45 =	vor.u32 v7, v32;
	v34 =	vld.idx.msk [tilespmem:v44+s5+$0x0], $0xffff  }
0x29d: {  	v46 =	vor.u32 v8, v33;
	_ =	sdelay $0x3  }
0x29e: {  	[tilespmem:v45+s28+$0x0] =	vst.idx.msk $0xffff, v34  }
0x29f: {  	v47 =	vor.u32 v9, v32;
	v34 =	vld.idx.msk [tilespmem:v46+s5+$0x0], $0xffff  }
0x2a0: {  	v48 =	vor.u32 v10, v33;
	_ =	sdelay $0x3  }
0x2a1: {  	[tilespmem:v47+s28+$0x0] =	vst.idx.msk $0xffff, v34  }
0x2a2: {  	v49 =	vor.u32 v11, v32;
	v34 =	vld.idx.msk [tilespmem:v48+s5+$0x0], $0xffff  }
0x2a3: {  	v50 =	vor.u32 v12, v33;
	_ =	sdelay $0x3  }
0x2a4: {  	[tilespmem:v49+s28+$0x0] =	vst.idx.msk $0xffff, v34  }
0x2a5: {  	v51 =	vor.u32 v13, v32;
	v34 =	vld.idx.msk [tilespmem:v50+s5+$0x0], $0xffff  }
0x2a6: {  	v52 =	vor.u32 v14, v33;
	_ =	sdelay $0x3  }
0x2a7: {  	[tilespmem:v51+s28+$0x0] =	vst.idx.msk $0xffff, v34  }
0x2a8: {  	v53 =	vor.u32 v15, v32;
	v34 =	vld.idx.msk [tilespmem:v52+s5+$0x0], $0xffff  }
0x2a9: {  	v54 =	vor.u32 v16, v33;
	_ =	sdelay $0x3  }
0x2aa: {  	[tilespmem:v53+s28+$0x0] =	vst.idx.msk $0xffff, v34  }
0x2ab: {  	v55 =	vor.u32 v17, v32;
	v34 =	vld.idx.msk [tilespmem:v54+s5+$0x0], $0xffff  }
0x2ac: {  	v56 =	vor.u32 v18, v33;
	_ =	sdelay $0x3  }
0x2ad: {  	[tilespmem:v55+s28+$0x0] =	vst.idx.msk $0xffff, v34  }
0x2ae: {  	v57 =	vor.u32 v19, v32;
	v34 =	vld.idx.msk [tilespmem:v56+s5+$0x0], $0xffff  }
0x2af: {  	v58 =	vor.u32 v20, v33;
	_ =	sdelay $0x3  }
0x2b0: {  	[tilespmem:v57+s28+$0x0] =	vst.idx.msk $0xffff, v34  }
0x2b1: {  	v59 =	vor.u32 v21, v32;
	v34 =	vld.idx.msk [tilespmem:v58+s5+$0x0], $0xffff  }
0x2b2: {  	v60 =	vor.u32 v22, v33;
	_ =	sdelay $0x3  }
0x2b3: {  	[tilespmem:v59+s28+$0x0] =	vst.idx.msk $0xffff, v34  }
0x2b4: {  	v61 =	vor.u32 v23, v32;
	v34 =	vld.idx.msk [tilespmem:v60+s5+$0x0], $0xffff  }
0x2b5: {  	v62 =	vor.u32 v24, v33;
	_ =	sdelay $0x3  }
0x2b6: {  	[tilespmem:v61+s28+$0x0] =	vst.idx.msk $0xffff, v34  }
0x2b7: {  	v63 =	vor.u32 v25, v32;
	v34 =	vld.idx.msk [tilespmem:v62+s5+$0x0], $0xffff  }
0x2b8: {  	v40 =	vor.u32 v26, v33;
	_ =	sdelay $0x3  }
0x2b9: {  	[tilespmem:v63+s28+$0x0] =	vst.idx.msk $0xffff, v34  }
0x2ba: {  	v41 =	vor.u32 v27, v32;
	v34 =	vld.idx.msk [tilespmem:v40+s5+$0x0], $0xffff  }
0x2bb: {  	v42 =	vor.u32 v28, v33;
	_ =	sdelay $0x3  }
0x2bc: {  	[tilespmem:v41+s28+$0x0] =	vst.idx.msk $0xffff, v34  }
0x2bd: {  	v43 =	vor.u32 v29, v32;
	v34 =	vld.idx.msk [tilespmem:v42+s5+$0x0], $0xffff  }
0x2be: {  	v33 =	vor.u32 v30, v33  }
0x2bf: {  	s16 =	sadd.s32 $0x2, s13  }
0x2c0: {  	v44 =	vadd.s32 s16, v0  }
0x2c1: {  	v45 =	vshll.u32 v44, $0x8;
	v46 =	vshll.u32 v44, $0x7  }
0x2c2: {  	v47 =	vand.u32 $0x1800, v45;
	v48 =	vand.u32 $0x380, v46;
	[tilespmem:v43+s28+$0x0] =	vst.idx.msk $0xffff, v34  }
0x2c3: {  	v32 =	vor.u32 v31, v32;
	v34 =	vor.u32 v48, v47;
	v33 =	vld.idx.msk [tilespmem:v33+s5+$0x0], $0xffff  }
0x2c4: {  	v35 =	vor.u32 v0, v34;
	_ =	sdelay $0x3  }
0x2c5: {  	[tilespmem:v32+s28+$0x0] =	vst.idx.msk $0xffff, v33;
	v32 =	vand.u32 $0x1F, v44  }
0x2c6: {  	v33 =	vld.idx.msk [tilespmem:v35+s5+$0x0], $0xffff;
	v49 =	vor.u32 v1, v32  }
0x2c7: {  	v50 =	vor.u32 v2, v34;
	_ =	sdelay $0x3  }
0x2c8: {  	[tilespmem:v49+s28+$0x0] =	vst.idx.msk $0xffff, v33  }
0x2c9: {  	v51 =	vor.u32 v3, v32;
	v33 =	vld.idx.msk [tilespmem:v50+s5+$0x0], $0xffff  }
0x2ca: {  	v52 =	vor.u32 v4, v34;
	_ =	sdelay $0x3  }
0x2cb: {  	[tilespmem:v51+s28+$0x0] =	vst.idx.msk $0xffff, v33  }
0x2cc: {  	v53 =	vor.u32 v5, v32;
	v33 =	vld.idx.msk [tilespmem:v52+s5+$0x0], $0xffff  }
0x2cd: {  	v54 =	vor.u32 v6, v34;
	_ =	sdelay $0x3  }
0x2ce: {  	[tilespmem:v53+s28+$0x0] =	vst.idx.msk $0xffff, v33  }
0x2cf: {  	v55 =	vor.u32 v7, v32;
	v33 =	vld.idx.msk [tilespmem:v54+s5+$0x0], $0xffff  }
0x2d0: {  	v56 =	vor.u32 v8, v34;
	_ =	sdelay $0x3  }
0x2d1: {  	[tilespmem:v55+s28+$0x0] =	vst.idx.msk $0xffff, v33  }
0x2d2: {  	v57 =	vor.u32 v9, v32;
	v33 =	vld.idx.msk [tilespmem:v56+s5+$0x0], $0xffff  }
0x2d3: {  	v58 =	vor.u32 v10, v34;
	_ =	sdelay $0x3  }
0x2d4: {  	[tilespmem:v57+s28+$0x0] =	vst.idx.msk $0xffff, v33  }
0x2d5: {  	v59 =	vor.u32 v11, v32;
	v33 =	vld.idx.msk [tilespmem:v58+s5+$0x0], $0xffff  }
0x2d6: {  	v60 =	vor.u32 v12, v34;
	_ =	sdelay $0x3  }
0x2d7: {  	[tilespmem:v59+s28+$0x0] =	vst.idx.msk $0xffff, v33  }
0x2d8: {  	v61 =	vor.u32 v13, v32;
	v33 =	vld.idx.msk [tilespmem:v60+s5+$0x0], $0xffff  }
0x2d9: {  	v62 =	vor.u32 v14, v34;
	_ =	sdelay $0x3  }
0x2da: {  	[tilespmem:v61+s28+$0x0] =	vst.idx.msk $0xffff, v33  }
0x2db: {  	v63 =	vor.u32 v15, v32;
	v33 =	vld.idx.msk [tilespmem:v62+s5+$0x0], $0xffff  }
0x2dc: {  	v40 =	vor.u32 v16, v34;
	_ =	sdelay $0x3  }
0x2dd: {  	[tilespmem:v63+s28+$0x0] =	vst.idx.msk $0xffff, v33  }
0x2de: {  	v41 =	vor.u32 v17, v32;
	v33 =	vld.idx.msk [tilespmem:v40+s5+$0x0], $0xffff  }
0x2df: {  	v42 =	vor.u32 v18, v34;
	_ =	sdelay $0x3  }
0x2e0: {  	[tilespmem:v41+s28+$0x0] =	vst.idx.msk $0xffff, v33  }
0x2e1: {  	v43 =	vor.u32 v19, v32;
	v33 =	vld.idx.msk [tilespmem:v42+s5+$0x0], $0xffff  }
0x2e2: {  	v44 =	vor.u32 v20, v34;
	_ =	sdelay $0x3  }
0x2e3: {  	[tilespmem:v43+s28+$0x0] =	vst.idx.msk $0xffff, v33  }
0x2e4: {  	v45 =	vor.u32 v21, v32;
	v33 =	vld.idx.msk [tilespmem:v44+s5+$0x0], $0xffff  }
0x2e5: {  	v46 =	vor.u32 v22, v34;
	_ =	sdelay $0x3  }
0x2e6: {  	[tilespmem:v45+s28+$0x0] =	vst.idx.msk $0xffff, v33  }
0x2e7: {  	v47 =	vor.u32 v23, v32;
	v33 =	vld.idx.msk [tilespmem:v46+s5+$0x0], $0xffff  }
0x2e8: {  	v48 =	vor.u32 v24, v34;
	_ =	sdelay $0x3  }
0x2e9: {  	[tilespmem:v47+s28+$0x0] =	vst.idx.msk $0xffff, v33  }
0x2ea: {  	v49 =	vor.u32 v25, v32;
	v33 =	vld.idx.msk [tilespmem:v48+s5+$0x0], $0xffff  }
0x2eb: {  	v50 =	vor.u32 v26, v34;
	_ =	sdelay $0x3  }
0x2ec: {  	[tilespmem:v49+s28+$0x0] =	vst.idx.msk $0xffff, v33  }
0x2ed: {  	v51 =	vor.u32 v27, v32;
	v33 =	vld.idx.msk [tilespmem:v50+s5+$0x0], $0xffff  }
0x2ee: {  	v52 =	vor.u32 v28, v34;
	_ =	sdelay $0x3  }
0x2ef: {  	[tilespmem:v51+s28+$0x0] =	vst.idx.msk $0xffff, v33  }
0x2f0: {  	v53 =	vor.u32 v29, v32;
	v33 =	vld.idx.msk [tilespmem:v52+s5+$0x0], $0xffff  }
0x2f1: {  	v34 =	vor.u32 v30, v34  }
0x2f2: {  	s14 =	sadd.s32 $0x3, s13  }
0x2f3: {  	v54 =	vadd.s32 s14, v0  }
0x2f4: {  	v55 =	vshll.u32 v54, $0x8;
	v56 =	vshll.u32 v54, $0x7  }
0x2f5: {  	v57 =	vand.u32 $0x1800, v55;
	v58 =	vand.u32 $0x380, v56;
	[tilespmem:v53+s28+$0x0] =	vst.idx.msk $0xffff, v33  }
0x2f6: {  	v32 =	vor.u32 v31, v32;
	v33 =	vor.u32 v58, v57;
	v34 =	vld.idx.msk [tilespmem:v34+s5+$0x0], $0xffff  }
0x2f7: {  	v35 =	vor.u32 v0, v33;
	_ =	sdelay $0x3  }
0x2f8: {  	[tilespmem:v32+s28+$0x0] =	vst.idx.msk $0xffff, v34;
	v32 =	vand.u32 $0x1F, v54  }
0x2f9: {  	v34 =	vld.idx.msk [tilespmem:v35+s5+$0x0], $0xffff;
	v59 =	vor.u32 v1, v32  }
0x2fa: {  	v60 =	vor.u32 v2, v33;
	_ =	sdelay $0x3  }
0x2fb: {  	[tilespmem:v59+s28+$0x0] =	vst.idx.msk $0xffff, v34  }
0x2fc: {  	v61 =	vor.u32 v3, v32;
	v34 =	vld.idx.msk [tilespmem:v60+s5+$0x0], $0xffff  }
0x2fd: {  	v62 =	vor.u32 v4, v33;
	_ =	sdelay $0x3  }
0x2fe: {  	[tilespmem:v61+s28+$0x0] =	vst.idx.msk $0xffff, v34  }
0x2ff: {  	v63 =	vor.u32 v5, v32;
	v34 =	vld.idx.msk [tilespmem:v62+s5+$0x0], $0xffff  }
0x300: {  	v40 =	vor.u32 v6, v33;
	_ =	sdelay $0x3  }
0x301: {  	[tilespmem:v63+s28+$0x0] =	vst.idx.msk $0xffff, v34  }
0x302: {  	v41 =	vor.u32 v7, v32;
	v34 =	vld.idx.msk [tilespmem:v40+s5+$0x0], $0xffff  }
0x303: {  	v42 =	vor.u32 v8, v33;
	_ =	sdelay $0x3  }
0x304: {  	[tilespmem:v41+s28+$0x0] =	vst.idx.msk $0xffff, v34  }
0x305: {  	v43 =	vor.u32 v9, v32;
	v34 =	vld.idx.msk [tilespmem:v42+s5+$0x0], $0xffff  }
0x306: {  	v44 =	vor.u32 v10, v33;
	_ =	sdelay $0x3  }
0x307: {  	[tilespmem:v43+s28+$0x0] =	vst.idx.msk $0xffff, v34  }
0x308: {  	v45 =	vor.u32 v11, v32;
	v34 =	vld.idx.msk [tilespmem:v44+s5+$0x0], $0xffff  }
0x309: {  	v46 =	vor.u32 v12, v33;
	_ =	sdelay $0x3  }
0x30a: {  	[tilespmem:v45+s28+$0x0] =	vst.idx.msk $0xffff, v34  }
0x30b: {  	v47 =	vor.u32 v13, v32;
	v34 =	vld.idx.msk [tilespmem:v46+s5+$0x0], $0xffff  }
0x30c: {  	v48 =	vor.u32 v14, v33;
	_ =	sdelay $0x3  }
0x30d: {  	[tilespmem:v47+s28+$0x0] =	vst.idx.msk $0xffff, v34  }
0x30e: {  	v49 =	vor.u32 v15, v32;
	v34 =	vld.idx.msk [tilespmem:v48+s5+$0x0], $0xffff  }
0x30f: {  	v50 =	vor.u32 v16, v33;
	_ =	sdelay $0x3  }
0x310: {  	[tilespmem:v49+s28+$0x0] =	vst.idx.msk $0xffff, v34  }
0x311: {  	v51 =	vor.u32 v17, v32;
	v34 =	vld.idx.msk [tilespmem:v50+s5+$0x0], $0xffff  }
0x312: {  	v52 =	vor.u32 v18, v33;
	_ =	sdelay $0x3  }
0x313: {  	[tilespmem:v51+s28+$0x0] =	vst.idx.msk $0xffff, v34  }
0x314: {  	v53 =	vor.u32 v19, v32;
	v34 =	vld.idx.msk [tilespmem:v52+s5+$0x0], $0xffff  }
0x315: {  	v54 =	vor.u32 v20, v33;
	_ =	sdelay $0x3  }
0x316: {  	[tilespmem:v53+s28+$0x0] =	vst.idx.msk $0xffff, v34  }
0x317: {  	v55 =	vor.u32 v21, v32;
	v34 =	vld.idx.msk [tilespmem:v54+s5+$0x0], $0xffff  }
0x318: {  	v56 =	vor.u32 v22, v33;
	_ =	sdelay $0x3  }
0x319: {  	[tilespmem:v55+s28+$0x0] =	vst.idx.msk $0xffff, v34  }
0x31a: {  	v57 =	vor.u32 v23, v32;
	v34 =	vld.idx.msk [tilespmem:v56+s5+$0x0], $0xffff  }
0x31b: {  	v58 =	vor.u32 v24, v33;
	_ =	sdelay $0x3  }
0x31c: {  	[tilespmem:v57+s28+$0x0] =	vst.idx.msk $0xffff, v34  }
0x31d: {  	v59 =	vor.u32 v25, v32;
	v34 =	vld.idx.msk [tilespmem:v58+s5+$0x0], $0xffff  }
0x31e: {  	v60 =	vor.u32 v26, v33;
	_ =	sdelay $0x3  }
0x31f: {  	[tilespmem:v59+s28+$0x0] =	vst.idx.msk $0xffff, v34  }
0x320: {  	v61 =	vor.u32 v27, v32;
	v34 =	vld.idx.msk [tilespmem:v60+s5+$0x0], $0xffff  }
0x321: {  	v62 =	vor.u32 v28, v33;
	_ =	sdelay $0x3  }
0x322: {  	[tilespmem:v61+s28+$0x0] =	vst.idx.msk $0xffff, v34  }
0x323: {  	v63 =	vor.u32 v29, v32;
	v34 =	vld.idx.msk [tilespmem:v62+s5+$0x0], $0xffff  }
0x324: {  	v33 =	vor.u32 v30, v33;
	_ =	sdelay $0x3  }
0x325: {  	[tilespmem:v63+s28+$0x0] =	vst.idx.msk $0xffff, v34  }
0x326: {  	v32 =	vor.u32 v31, v32;
	v33 =	vld.idx.msk [tilespmem:v33+s5+$0x0], $0xffff;
	_ =	sdelay $0x3  }
0x327: {  	p2 =	seq.s32 s10, $0x0  }
0x328: {  	s13 =	simm.s32 @!p2 $0x2;
	[tilespmem:v32+s28+$0x0] =	vst.idx.msk $0xffff, v33  }
0x329: {  	s15 =	sshll.u32 s12, $0xA;
	_ =	swait.ge @!p2 [sflag:s13], $0x2000  }
0x32a: {  	s14 =	sand.u32 $0x1FFFFC00, s15;
	[sflag:s13] =	ssyncset.done @!p2 $0x0  }
0x32b: {  	s16 =	sadd.s32 s6, s14;
	[sflag:s13] =	ssyncadd.s32 @!p2 $0xFFFFE000  }
0x32c: {  	[hbm4b:s16+s5] =	stream.linear.scatter [tilespmem:s28], [sflag:$0x2], $0x2000, $0x38;
	[tilespmem:$0x1D428] =	vst v63  }
.LBB2_8:
0x32d: {  	p2 =	sge.u32 s11, s26  }
.Ltmp7:
0x32e: {  	_ = 	snop;
	(pc) =	sbr.rel @p2 .LBB2_12-.Ltmp7, $1  }
0x32f: {  	_ =	sdelay $0x3  }
0x330: {  	s13 =	simm.s32 $0x0  }
0x331: {  	v32 =	vadd.s32 s13, v0  }
0x332: {  	v33 =	vshll.u32 v32, $0x8;
	v34 =	vshll.u32 v32, $0x7  }
0x333: {  	v33 =	vand.u32 $0x1800, v33;
	v34 =	vand.u32 $0x380, v34  }
0x334: {  	s12 =	sadd.s32 $0x2, s12;
	v33 =	vor.u32 v34, v33  }
0x335: {  	_ =	swait.ge [sflag:s2], $0x2000;
	p2 =	sge.u32 s12, s26;
	v34 =	vor.u32 v0, v33  }
0x336: {  	[sflag:s2] =	ssyncset.done $0x0;
	s12 =	sshll.u32 @!p2 s12, $0x8  }
0x337: {  	[sflag:s2] =	ssyncadd.s32 $0xFFFFE000;
	s13 =	simm.s32 @!p2 $0x800;
	s12 =	sand.u32 @!p2 $0x1FFFFF00, s12  }
0x338: {  	s14 =	simm.s32 @!p2 $0x7A1400;
	s15 =	simm.s32 @!p2 $0x0;
	s12 =	sadd.s32 @!p2 s1, s12  }
0x339: {  	v32 =	vand.u32 $0x1F, v32;
	[tilespmem:s15], [sflag:$0x1] =	stream.strided.gather @!p2 [hbm4b:s12+s13], $0x2000, s14, s13, $0x38;
	[tilespmem:$0x1D428] =	vst v63  }
0x33a: {  	v35 =	vor.u32 v1, v32;
	v34 =	vld.idx.msk [tilespmem:v34+s29+$0x0], $0xffff  }
0x33b: {  	v36 =	vor.u32 v2, v33;
	_ =	sdelay $0x3  }
0x33c: {  	[tilespmem:v35+s30+$0x0] =	vst.idx.msk $0xffff, v34  }
0x33d: {  	v60 =	vor.u32 v3, v32;
	v34 =	vld.idx.msk [tilespmem:v36+s29+$0x0], $0xffff  }
0x33e: {  	v61 =	vor.u32 v4, v33;
	_ =	sdelay $0x3  }
0x33f: {  	[tilespmem:v60+s30+$0x0] =	vst.idx.msk $0xffff, v34  }
0x340: {  	v62 =	vor.u32 v5, v32;
	v34 =	vld.idx.msk [tilespmem:v61+s29+$0x0], $0xffff  }
0x341: {  	v63 =	vor.u32 v6, v33;
	_ =	sdelay $0x3  }
0x342: {  	[tilespmem:v62+s30+$0x0] =	vst.idx.msk $0xffff, v34  }
0x343: {  	v40 =	vor.u32 v7, v32;
	v34 =	vld.idx.msk [tilespmem:v63+s29+$0x0], $0xffff  }
0x344: {  	v41 =	vor.u32 v8, v33;
	_ =	sdelay $0x3  }
0x345: {  	[tilespmem:v40+s30+$0x0] =	vst.idx.msk $0xffff, v34  }
0x346: {  	v42 =	vor.u32 v9, v32;
	v34 =	vld.idx.msk [tilespmem:v41+s29+$0x0], $0xffff  }
0x347: {  	v43 =	vor.u32 v10, v33;
	_ =	sdelay $0x3  }
0x348: {  	[tilespmem:v42+s30+$0x0] =	vst.idx.msk $0xffff, v34  }
0x349: {  	v44 =	vor.u32 v11, v32;
	v34 =	vld.idx.msk [tilespmem:v43+s29+$0x0], $0xffff  }
0x34a: {  	v45 =	vor.u32 v12, v33;
	_ =	sdelay $0x3  }
0x34b: {  	[tilespmem:v44+s30+$0x0] =	vst.idx.msk $0xffff, v34  }
0x34c: {  	v46 =	vor.u32 v13, v32;
	v34 =	vld.idx.msk [tilespmem:v45+s29+$0x0], $0xffff  }
0x34d: {  	v47 =	vor.u32 v14, v33;
	_ =	sdelay $0x3  }
0x34e: {  	[tilespmem:v46+s30+$0x0] =	vst.idx.msk $0xffff, v34  }
0x34f: {  	v48 =	vor.u32 v15, v32;
	v34 =	vld.idx.msk [tilespmem:v47+s29+$0x0], $0xffff  }
0x350: {  	v49 =	vor.u32 v16, v33;
	_ =	sdelay $0x3  }
0x351: {  	[tilespmem:v48+s30+$0x0] =	vst.idx.msk $0xffff, v34  }
0x352: {  	v50 =	vor.u32 v17, v32;
	v34 =	vld.idx.msk [tilespmem:v49+s29+$0x0], $0xffff  }
0x353: {  	v51 =	vor.u32 v18, v33;
	_ =	sdelay $0x3  }
0x354: {  	[tilespmem:v50+s30+$0x0] =	vst.idx.msk $0xffff, v34  }
0x355: {  	v52 =	vor.u32 v19, v32;
	v34 =	vld.idx.msk [tilespmem:v51+s29+$0x0], $0xffff  }
0x356: {  	v53 =	vor.u32 v20, v33;
	_ =	sdelay $0x3  }
0x357: {  	[tilespmem:v52+s30+$0x0] =	vst.idx.msk $0xffff, v34  }
0x358: {  	v54 =	vor.u32 v21, v32;
	v34 =	vld.idx.msk [tilespmem:v53+s29+$0x0], $0xffff  }
0x359: {  	v55 =	vor.u32 v22, v33;
	_ =	sdelay $0x3  }
0x35a: {  	[tilespmem:v54+s30+$0x0] =	vst.idx.msk $0xffff, v34  }
0x35b: {  	v56 =	vor.u32 v23, v32;
	v34 =	vld.idx.msk [tilespmem:v55+s29+$0x0], $0xffff  }
0x35c: {  	v57 =	vor.u32 v24, v33;
	_ =	sdelay $0x3  }
0x35d: {  	[tilespmem:v56+s30+$0x0] =	vst.idx.msk $0xffff, v34  }
0x35e: {  	v58 =	vor.u32 v25, v32;
	v34 =	vld.idx.msk [tilespmem:v57+s29+$0x0], $0xffff  }
0x35f: {  	v59 =	vor.u32 v26, v33;
	_ =	sdelay $0x3  }
0x360: {  	[tilespmem:v58+s30+$0x0] =	vst.idx.msk $0xffff, v34  }
0x361: {  	v60 =	vor.u32 v27, v32;
	v34 =	vld.idx.msk [tilespmem:v59+s29+$0x0], $0xffff  }
0x362: {  	v61 =	vor.u32 v28, v33;
	_ =	sdelay $0x3  }
0x363: {  	[tilespmem:v60+s30+$0x0] =	vst.idx.msk $0xffff, v34  }
0x364: {  	v62 =	vor.u32 v29, v32;
	v34 =	vld.idx.msk [tilespmem:v61+s29+$0x0], $0xffff  }
0x365: {  	v33 =	vor.u32 v30, v33  }
0x366: {  	s14 =	simm.s32 $0x1  }
0x367: {  	v63 =	vadd.s32 s14, v0  }
0x368: {  	v37 =	vshll.u32 v63, $0x8;
	v38 =	vshll.u32 v63, $0x7  }
0x369: {  	v37 =	vand.u32 $0x1800, v37;
	v39 =	vand.u32 $0x380, v38;
	[tilespmem:v62+s30+$0x0] =	vst.idx.msk $0xffff, v34  }
0x36a: {  	v32 =	vor.u32 v31, v32;
	v34 =	vor.u32 v39, v37;
	v33 =	vld.idx.msk [tilespmem:v33+s29+$0x0], $0xffff  }
0x36b: {  	v35 =	vor.u32 v0, v34;
	_ =	sdelay $0x3  }
0x36c: {  	[tilespmem:v32+s30+$0x0] =	vst.idx.msk $0xffff, v33;
	v32 =	vand.u32 $0x1F, v63  }
0x36d: {  	v33 =	vld.idx.msk [tilespmem:v35+s29+$0x0], $0xffff;
	v40 =	vor.u32 v1, v32  }
0x36e: {  	v41 =	vor.u32 v2, v34;
	_ =	sdelay $0x3  }
0x36f: {  	[tilespmem:v40+s30+$0x0] =	vst.idx.msk $0xffff, v33  }
0x370: {  	v42 =	vor.u32 v3, v32;
	v33 =	vld.idx.msk [tilespmem:v41+s29+$0x0], $0xffff  }
0x371: {  	v43 =	vor.u32 v4, v34;
	_ =	sdelay $0x3  }
0x372: {  	[tilespmem:v42+s30+$0x0] =	vst.idx.msk $0xffff, v33  }
0x373: {  	v44 =	vor.u32 v5, v32;
	v33 =	vld.idx.msk [tilespmem:v43+s29+$0x0], $0xffff  }
0x374: {  	v45 =	vor.u32 v6, v34;
	_ =	sdelay $0x3  }
0x375: {  	[tilespmem:v44+s30+$0x0] =	vst.idx.msk $0xffff, v33  }
0x376: {  	v46 =	vor.u32 v7, v32;
	v33 =	vld.idx.msk [tilespmem:v45+s29+$0x0], $0xffff  }
0x377: {  	v47 =	vor.u32 v8, v34;
	_ =	sdelay $0x3  }
0x378: {  	[tilespmem:v46+s30+$0x0] =	vst.idx.msk $0xffff, v33  }
0x379: {  	v48 =	vor.u32 v9, v32;
	v33 =	vld.idx.msk [tilespmem:v47+s29+$0x0], $0xffff  }
0x37a: {  	v49 =	vor.u32 v10, v34;
	_ =	sdelay $0x3  }
0x37b: {  	[tilespmem:v48+s30+$0x0] =	vst.idx.msk $0xffff, v33  }
0x37c: {  	v50 =	vor.u32 v11, v32;
	v33 =	vld.idx.msk [tilespmem:v49+s29+$0x0], $0xffff  }
0x37d: {  	v51 =	vor.u32 v12, v34;
	_ =	sdelay $0x3  }
0x37e: {  	[tilespmem:v50+s30+$0x0] =	vst.idx.msk $0xffff, v33  }
0x37f: {  	v52 =	vor.u32 v13, v32;
	v33 =	vld.idx.msk [tilespmem:v51+s29+$0x0], $0xffff  }
0x380: {  	v53 =	vor.u32 v14, v34;
	_ =	sdelay $0x3  }
0x381: {  	[tilespmem:v52+s30+$0x0] =	vst.idx.msk $0xffff, v33  }
0x382: {  	v54 =	vor.u32 v15, v32;
	v33 =	vld.idx.msk [tilespmem:v53+s29+$0x0], $0xffff  }
0x383: {  	v55 =	vor.u32 v16, v34;
	_ =	sdelay $0x3  }
0x384: {  	[tilespmem:v54+s30+$0x0] =	vst.idx.msk $0xffff, v33  }
0x385: {  	v56 =	vor.u32 v17, v32;
	v33 =	vld.idx.msk [tilespmem:v55+s29+$0x0], $0xffff  }
0x386: {  	v57 =	vor.u32 v18, v34;
	_ =	sdelay $0x3  }
0x387: {  	[tilespmem:v56+s30+$0x0] =	vst.idx.msk $0xffff, v33  }
0x388: {  	v58 =	vor.u32 v19, v32;
	v33 =	vld.idx.msk [tilespmem:v57+s29+$0x0], $0xffff  }
0x389: {  	v59 =	vor.u32 v20, v34;
	_ =	sdelay $0x3  }
0x38a: {  	[tilespmem:v58+s30+$0x0] =	vst.idx.msk $0xffff, v33  }
0x38b: {  	v60 =	vor.u32 v21, v32;
	v33 =	vld.idx.msk [tilespmem:v59+s29+$0x0], $0xffff  }
0x38c: {  	v61 =	vor.u32 v22, v34;
	_ =	sdelay $0x3  }
0x38d: {  	[tilespmem:v60+s30+$0x0] =	vst.idx.msk $0xffff, v33  }
0x38e: {  	v62 =	vor.u32 v23, v32;
	v33 =	vld.idx.msk [tilespmem:v61+s29+$0x0], $0xffff  }
0x38f: {  	v63 =	vor.u32 v24, v34;
	_ =	sdelay $0x3  }
0x390: {  	[tilespmem:v62+s30+$0x0] =	vst.idx.msk $0xffff, v33  }
0x391: {  	v40 =	vor.u32 v25, v32;
	v33 =	vld.idx.msk [tilespmem:v63+s29+$0x0], $0xffff  }
0x392: {  	v41 =	vor.u32 v26, v34;
	_ =	sdelay $0x3  }
0x393: {  	[tilespmem:v40+s30+$0x0] =	vst.idx.msk $0xffff, v33  }
0x394: {  	v42 =	vor.u32 v27, v32;
	v33 =	vld.idx.msk [tilespmem:v41+s29+$0x0], $0xffff  }
0x395: {  	v43 =	vor.u32 v28, v34;
	_ =	sdelay $0x3  }
0x396: {  	[tilespmem:v42+s30+$0x0] =	vst.idx.msk $0xffff, v33  }
0x397: {  	v44 =	vor.u32 v29, v32;
	v33 =	vld.idx.msk [tilespmem:v43+s29+$0x0], $0xffff  }
0x398: {  	v34 =	vor.u32 v30, v34  }
0x399: {  	s15 =	simm.s32 $0x2  }
0x39a: {  	v45 =	vadd.s32 s15, v0  }
0x39b: {  	v46 =	vshll.u32 v45, $0x8;
	v47 =	vshll.u32 v45, $0x7  }
0x39c: {  	v48 =	vand.u32 $0x1800, v46;
	v49 =	vand.u32 $0x380, v47;
	[tilespmem:v44+s30+$0x0] =	vst.idx.msk $0xffff, v33  }
0x39d: {  	v32 =	vor.u32 v31, v32;
	v33 =	vor.u32 v49, v48;
	v34 =	vld.idx.msk [tilespmem:v34+s29+$0x0], $0xffff  }
0x39e: {  	v35 =	vor.u32 v0, v33;
	_ =	sdelay $0x3  }
0x39f: {  	[tilespmem:v32+s30+$0x0] =	vst.idx.msk $0xffff, v34;
	v32 =	vand.u32 $0x1F, v45  }
0x3a0: {  	v34 =	vld.idx.msk [tilespmem:v35+s29+$0x0], $0xffff;
	v50 =	vor.u32 v1, v32  }
0x3a1: {  	v51 =	vor.u32 v2, v33;
	_ =	sdelay $0x3  }
0x3a2: {  	[tilespmem:v50+s30+$0x0] =	vst.idx.msk $0xffff, v34  }
0x3a3: {  	v52 =	vor.u32 v3, v32;
	v34 =	vld.idx.msk [tilespmem:v51+s29+$0x0], $0xffff  }
0x3a4: {  	v53 =	vor.u32 v4, v33;
	_ =	sdelay $0x3  }
0x3a5: {  	[tilespmem:v52+s30+$0x0] =	vst.idx.msk $0xffff, v34  }
0x3a6: {  	v54 =	vor.u32 v5, v32;
	v34 =	vld.idx.msk [tilespmem:v53+s29+$0x0], $0xffff  }
0x3a7: {  	v55 =	vor.u32 v6, v33;
	_ =	sdelay $0x3  }
0x3a8: {  	[tilespmem:v54+s30+$0x0] =	vst.idx.msk $0xffff, v34  }
0x3a9: {  	v56 =	vor.u32 v7, v32;
	v34 =	vld.idx.msk [tilespmem:v55+s29+$0x0], $0xffff  }
0x3aa: {  	v57 =	vor.u32 v8, v33;
	_ =	sdelay $0x3  }
0x3ab: {  	[tilespmem:v56+s30+$0x0] =	vst.idx.msk $0xffff, v34  }
0x3ac: {  	v58 =	vor.u32 v9, v32;
	v34 =	vld.idx.msk [tilespmem:v57+s29+$0x0], $0xffff  }
0x3ad: {  	v59 =	vor.u32 v10, v33;
	_ =	sdelay $0x3  }
0x3ae: {  	[tilespmem:v58+s30+$0x0] =	vst.idx.msk $0xffff, v34  }
0x3af: {  	v60 =	vor.u32 v11, v32;
	v34 =	vld.idx.msk [tilespmem:v59+s29+$0x0], $0xffff  }
0x3b0: {  	v61 =	vor.u32 v12, v33;
	_ =	sdelay $0x3  }
0x3b1: {  	[tilespmem:v60+s30+$0x0] =	vst.idx.msk $0xffff, v34  }
0x3b2: {  	v62 =	vor.u32 v13, v32;
	v34 =	vld.idx.msk [tilespmem:v61+s29+$0x0], $0xffff  }
0x3b3: {  	v63 =	vor.u32 v14, v33;
	_ =	sdelay $0x3  }
0x3b4: {  	[tilespmem:v62+s30+$0x0] =	vst.idx.msk $0xffff, v34  }
0x3b5: {  	v40 =	vor.u32 v15, v32;
	v34 =	vld.idx.msk [tilespmem:v63+s29+$0x0], $0xffff  }
0x3b6: {  	v41 =	vor.u32 v16, v33;
	_ =	sdelay $0x3  }
0x3b7: {  	[tilespmem:v40+s30+$0x0] =	vst.idx.msk $0xffff, v34  }
0x3b8: {  	v42 =	vor.u32 v17, v32;
	v34 =	vld.idx.msk [tilespmem:v41+s29+$0x0], $0xffff  }
0x3b9: {  	v43 =	vor.u32 v18, v33;
	_ =	sdelay $0x3  }
0x3ba: {  	[tilespmem:v42+s30+$0x0] =	vst.idx.msk $0xffff, v34  }
0x3bb: {  	v44 =	vor.u32 v19, v32;
	v34 =	vld.idx.msk [tilespmem:v43+s29+$0x0], $0xffff  }
0x3bc: {  	v45 =	vor.u32 v20, v33;
	_ =	sdelay $0x3  }
0x3bd: {  	[tilespmem:v44+s30+$0x0] =	vst.idx.msk $0xffff, v34  }
0x3be: {  	v46 =	vor.u32 v21, v32;
	v34 =	vld.idx.msk [tilespmem:v45+s29+$0x0], $0xffff  }
0x3bf: {  	v47 =	vor.u32 v22, v33;
	_ =	sdelay $0x3  }
0x3c0: {  	[tilespmem:v46+s30+$0x0] =	vst.idx.msk $0xffff, v34  }
0x3c1: {  	v48 =	vor.u32 v23, v32;
	v34 =	vld.idx.msk [tilespmem:v47+s29+$0x0], $0xffff  }
0x3c2: {  	v49 =	vor.u32 v24, v33;
	_ =	sdelay $0x3  }
0x3c3: {  	[tilespmem:v48+s30+$0x0] =	vst.idx.msk $0xffff, v34  }
0x3c4: {  	v50 =	vor.u32 v25, v32;
	v34 =	vld.idx.msk [tilespmem:v49+s29+$0x0], $0xffff  }
0x3c5: {  	v51 =	vor.u32 v26, v33;
	_ =	sdelay $0x3  }
0x3c6: {  	[tilespmem:v50+s30+$0x0] =	vst.idx.msk $0xffff, v34  }
0x3c7: {  	v52 =	vor.u32 v27, v32;
	v34 =	vld.idx.msk [tilespmem:v51+s29+$0x0], $0xffff  }
0x3c8: {  	v53 =	vor.u32 v28, v33;
	_ =	sdelay $0x3  }
0x3c9: {  	[tilespmem:v52+s30+$0x0] =	vst.idx.msk $0xffff, v34  }
0x3ca: {  	v54 =	vor.u32 v29, v32;
	v34 =	vld.idx.msk [tilespmem:v53+s29+$0x0], $0xffff  }
0x3cb: {  	v33 =	vor.u32 v30, v33  }
0x3cc: {  	s16 =	simm.s32 $0x3  }
0x3cd: {  	v55 =	vadd.s32 s16, v0  }
0x3ce: {  	v56 =	vshll.u32 v55, $0x8;
	v57 =	vshll.u32 v55, $0x7  }
0x3cf: {  	v58 =	vand.u32 $0x1800, v56;
	v59 =	vand.u32 $0x380, v57;
	[tilespmem:v54+s30+$0x0] =	vst.idx.msk $0xffff, v34  }
0x3d0: {  	v32 =	vor.u32 v31, v32;
	v34 =	vor.u32 v59, v58;
	v33 =	vld.idx.msk [tilespmem:v33+s29+$0x0], $0xffff  }
0x3d1: {  	v35 =	vor.u32 v0, v34;
	_ =	sdelay $0x3  }
0x3d2: {  	[tilespmem:v32+s30+$0x0] =	vst.idx.msk $0xffff, v33;
	v32 =	vand.u32 $0x1F, v55  }
0x3d3: {  	v33 =	vld.idx.msk [tilespmem:v35+s29+$0x0], $0xffff;
	v60 =	vor.u32 v1, v32  }
0x3d4: {  	v61 =	vor.u32 v2, v34;
	_ =	sdelay $0x3  }
0x3d5: {  	[tilespmem:v60+s30+$0x0] =	vst.idx.msk $0xffff, v33  }
0x3d6: {  	v62 =	vor.u32 v3, v32;
	v33 =	vld.idx.msk [tilespmem:v61+s29+$0x0], $0xffff  }
0x3d7: {  	v63 =	vor.u32 v4, v34;
	_ =	sdelay $0x3  }
0x3d8: {  	[tilespmem:v62+s30+$0x0] =	vst.idx.msk $0xffff, v33  }
0x3d9: {  	v40 =	vor.u32 v5, v32;
	v33 =	vld.idx.msk [tilespmem:v63+s29+$0x0], $0xffff  }
0x3da: {  	v41 =	vor.u32 v6, v34;
	_ =	sdelay $0x3  }
0x3db: {  	[tilespmem:v40+s30+$0x0] =	vst.idx.msk $0xffff, v33  }
0x3dc: {  	v42 =	vor.u32 v7, v32;
	v33 =	vld.idx.msk [tilespmem:v41+s29+$0x0], $0xffff  }
0x3dd: {  	v43 =	vor.u32 v8, v34;
	_ =	sdelay $0x3  }
0x3de: {  	[tilespmem:v42+s30+$0x0] =	vst.idx.msk $0xffff, v33  }
0x3df: {  	v44 =	vor.u32 v9, v32;
	v33 =	vld.idx.msk [tilespmem:v43+s29+$0x0], $0xffff  }
0x3e0: {  	v45 =	vor.u32 v10, v34;
	_ =	sdelay $0x3  }
0x3e1: {  	[tilespmem:v44+s30+$0x0] =	vst.idx.msk $0xffff, v33  }
0x3e2: {  	v46 =	vor.u32 v11, v32;
	v33 =	vld.idx.msk [tilespmem:v45+s29+$0x0], $0xffff  }
0x3e3: {  	v47 =	vor.u32 v12, v34;
	_ =	sdelay $0x3  }
0x3e4: {  	[tilespmem:v46+s30+$0x0] =	vst.idx.msk $0xffff, v33  }
0x3e5: {  	v48 =	vor.u32 v13, v32;
	v33 =	vld.idx.msk [tilespmem:v47+s29+$0x0], $0xffff  }
0x3e6: {  	v49 =	vor.u32 v14, v34;
	_ =	sdelay $0x3  }
0x3e7: {  	[tilespmem:v48+s30+$0x0] =	vst.idx.msk $0xffff, v33  }
0x3e8: {  	v50 =	vor.u32 v15, v32;
	v33 =	vld.idx.msk [tilespmem:v49+s29+$0x0], $0xffff  }
0x3e9: {  	v51 =	vor.u32 v16, v34;
	_ =	sdelay $0x3  }
0x3ea: {  	[tilespmem:v50+s30+$0x0] =	vst.idx.msk $0xffff, v33  }
0x3eb: {  	v52 =	vor.u32 v17, v32;
	v33 =	vld.idx.msk [tilespmem:v51+s29+$0x0], $0xffff  }
0x3ec: {  	v53 =	vor.u32 v18, v34;
	_ =	sdelay $0x3  }
0x3ed: {  	[tilespmem:v52+s30+$0x0] =	vst.idx.msk $0xffff, v33  }
0x3ee: {  	v54 =	vor.u32 v19, v32;
	v33 =	vld.idx.msk [tilespmem:v53+s29+$0x0], $0xffff  }
0x3ef: {  	v55 =	vor.u32 v20, v34;
	_ =	sdelay $0x3  }
0x3f0: {  	[tilespmem:v54+s30+$0x0] =	vst.idx.msk $0xffff, v33  }
0x3f1: {  	v56 =	vor.u32 v21, v32;
	v33 =	vld.idx.msk [tilespmem:v55+s29+$0x0], $0xffff  }
0x3f2: {  	v57 =	vor.u32 v22, v34;
	_ =	sdelay $0x3  }
0x3f3: {  	[tilespmem:v56+s30+$0x0] =	vst.idx.msk $0xffff, v33  }
0x3f4: {  	v58 =	vor.u32 v23, v32;
	v33 =	vld.idx.msk [tilespmem:v57+s29+$0x0], $0xffff  }
0x3f5: {  	v59 =	vor.u32 v24, v34;
	_ =	sdelay $0x3  }
0x3f6: {  	[tilespmem:v58+s30+$0x0] =	vst.idx.msk $0xffff, v33  }
0x3f7: {  	v60 =	vor.u32 v25, v32;
	v33 =	vld.idx.msk [tilespmem:v59+s29+$0x0], $0xffff  }
0x3f8: {  	v61 =	vor.u32 v26, v34;
	_ =	sdelay $0x3  }
0x3f9: {  	[tilespmem:v60+s30+$0x0] =	vst.idx.msk $0xffff, v33  }
0x3fa: {  	v62 =	vor.u32 v27, v32;
	v33 =	vld.idx.msk [tilespmem:v61+s29+$0x0], $0xffff  }
0x3fb: {  	v63 =	vor.u32 v28, v34;
	_ =	sdelay $0x3  }
0x3fc: {  	[tilespmem:v62+s30+$0x0] =	vst.idx.msk $0xffff, v33  }
0x3fd: {  	v36 =	vor.u32 v29, v32;
	v35 =	vld.idx.msk [tilespmem:v63+s29+$0x0], $0xffff  }
0x3fe: {  	v33 =	vor.u32 v30, v34;
	_ =	sdelay $0x1  }
0x3ff: {  	s12 =	simm.s32 $0x4  }
0x400: {  	s13 =	simm.s32 $0x8;
	v34 =	vadd.s32 s12, v0  }
.LBB2_10:
0x401: {  	p2 =	sne.s32 s13, $0x1C;
	v37 =	vshll.u32 v34, $0x8;
	v38 =	vshll.u32 v34, $0x7;
	[tilespmem:v36+s30+$0x0] =	vst.idx.msk $0xffff, v35  }
0x402: {  	v35 =	vand.u32 $0x1800, v37;
	v36 =	vand.u32 $0x380, v38;
	v37 =	vld.idx.msk [tilespmem:v33+s29+$0x0], $0xffff  }
0x403: {  	v32 =	vor.u32 v31, v32;
	v33 =	vor.u32 v36, v35  }
0x404: {  	v35 =	vor.u32 v0, v33;
	_ =	sdelay $0x3  }
0x405: {  	[tilespmem:v32+s30+$0x0] =	vst.idx.msk $0xffff, v37  }
0x406: {  	v32 =	vand.u32 $0x1F, v34;
	v34 =	vld.idx.msk [tilespmem:v35+s29+$0x0], $0xffff  }
0x407: {  	v35 =	vor.u32 v1, v32  }
0x408: {  	v36 =	vor.u32 v2, v33;
	_ =	sdelay $0x3  }
0x409: {  	[tilespmem:v35+s30+$0x0] =	vst.idx.msk $0xffff, v34  }
0x40a: {  	v34 =	vld.idx.msk [tilespmem:v36+s29+$0x0], $0xffff  }
0x40b: {  	v35 =	vor.u32 v3, v32  }
0x40c: {  	v36 =	vor.u32 v4, v33;
	_ =	sdelay $0x3  }
0x40d: {  	[tilespmem:v35+s30+$0x0] =	vst.idx.msk $0xffff, v34  }
0x40e: {  	v34 =	vld.idx.msk [tilespmem:v36+s29+$0x0], $0xffff  }
0x40f: {  	v35 =	vor.u32 v5, v32  }
0x410: {  	v36 =	vor.u32 v6, v33;
	_ =	sdelay $0x3  }
0x411: {  	[tilespmem:v35+s30+$0x0] =	vst.idx.msk $0xffff, v34  }
0x412: {  	v34 =	vld.idx.msk [tilespmem:v36+s29+$0x0], $0xffff  }
0x413: {  	v35 =	vor.u32 v7, v32  }
0x414: {  	v36 =	vor.u32 v8, v33;
	_ =	sdelay $0x3  }
0x415: {  	[tilespmem:v35+s30+$0x0] =	vst.idx.msk $0xffff, v34  }
0x416: {  	v34 =	vld.idx.msk [tilespmem:v36+s29+$0x0], $0xffff  }
0x417: {  	v35 =	vor.u32 v9, v32  }
0x418: {  	v36 =	vor.u32 v10, v33;
	_ =	sdelay $0x3  }
0x419: {  	[tilespmem:v35+s30+$0x0] =	vst.idx.msk $0xffff, v34  }
0x41a: {  	v34 =	vld.idx.msk [tilespmem:v36+s29+$0x0], $0xffff  }
0x41b: {  	v35 =	vor.u32 v11, v32  }
0x41c: {  	v36 =	vor.u32 v12, v33;
	_ =	sdelay $0x3  }
0x41d: {  	[tilespmem:v35+s30+$0x0] =	vst.idx.msk $0xffff, v34  }
0x41e: {  	v34 =	vld.idx.msk [tilespmem:v36+s29+$0x0], $0xffff  }
0x41f: {  	v35 =	vor.u32 v13, v32  }
0x420: {  	v36 =	vor.u32 v14, v33;
	_ =	sdelay $0x3  }
0x421: {  	[tilespmem:v35+s30+$0x0] =	vst.idx.msk $0xffff, v34  }
0x422: {  	v34 =	vld.idx.msk [tilespmem:v36+s29+$0x0], $0xffff  }
0x423: {  	v35 =	vor.u32 v15, v32  }
0x424: {  	v36 =	vor.u32 v16, v33;
	_ =	sdelay $0x3  }
0x425: {  	[tilespmem:v35+s30+$0x0] =	vst.idx.msk $0xffff, v34  }
0x426: {  	v34 =	vld.idx.msk [tilespmem:v36+s29+$0x0], $0xffff  }
0x427: {  	v35 =	vor.u32 v17, v32  }
0x428: {  	v36 =	vor.u32 v18, v33;
	_ =	sdelay $0x3  }
0x429: {  	[tilespmem:v35+s30+$0x0] =	vst.idx.msk $0xffff, v34  }
0x42a: {  	v34 =	vld.idx.msk [tilespmem:v36+s29+$0x0], $0xffff  }
0x42b: {  	v35 =	vor.u32 v19, v32  }
0x42c: {  	v36 =	vor.u32 v20, v33;
	_ =	sdelay $0x3  }
0x42d: {  	[tilespmem:v35+s30+$0x0] =	vst.idx.msk $0xffff, v34  }
0x42e: {  	v34 =	vld.idx.msk [tilespmem:v36+s29+$0x0], $0xffff  }
0x42f: {  	v35 =	vor.u32 v21, v32  }
0x430: {  	v36 =	vor.u32 v22, v33;
	_ =	sdelay $0x3  }
0x431: {  	[tilespmem:v35+s30+$0x0] =	vst.idx.msk $0xffff, v34  }
0x432: {  	v34 =	vld.idx.msk [tilespmem:v36+s29+$0x0], $0xffff  }
0x433: {  	v35 =	vor.u32 v23, v32  }
0x434: {  	v36 =	vor.u32 v24, v33;
	_ =	sdelay $0x3  }
0x435: {  	[tilespmem:v35+s30+$0x0] =	vst.idx.msk $0xffff, v34  }
0x436: {  	v34 =	vld.idx.msk [tilespmem:v36+s29+$0x0], $0xffff  }
0x437: {  	v35 =	vor.u32 v25, v32  }
0x438: {  	v36 =	vor.u32 v26, v33;
	_ =	sdelay $0x3  }
0x439: {  	[tilespmem:v35+s30+$0x0] =	vst.idx.msk $0xffff, v34  }
0x43a: {  	v34 =	vld.idx.msk [tilespmem:v36+s29+$0x0], $0xffff  }
0x43b: {  	v35 =	vor.u32 v27, v32  }
0x43c: {  	v36 =	vor.u32 v28, v33;
	_ =	sdelay $0x3  }
0x43d: {  	[tilespmem:v35+s30+$0x0] =	vst.idx.msk $0xffff, v34  }
0x43e: {  	v34 =	vld.idx.msk [tilespmem:v36+s29+$0x0], $0xffff  }
0x43f: {  	v35 =	vor.u32 v29, v32  }
0x440: {  	v33 =	vor.u32 v30, v33;
	_ =	sdelay $0x1  }
0x441: {  	s14 =	sadd.s32 $0x1, s12  }
0x442: {  	v36 =	vadd.s32 s14, v0  }
0x443: {  	[tilespmem:v35+s30+$0x0] =	vst.idx.msk $0xffff, v34;
	v34 =	vshll.u32 v36, $0x8;
	v35 =	vshll.u32 v36, $0x7  }
0x444: {  	v37 =	vld.idx.msk [tilespmem:v33+s29+$0x0], $0xffff;
	v33 =	vand.u32 $0x1800, v34;
	v34 =	vand.u32 $0x380, v35  }
0x445: {  	v32 =	vor.u32 v31, v32;
	v33 =	vor.u32 v34, v33  }
0x446: {  	v34 =	vor.u32 v0, v33;
	_ =	sdelay $0x3  }
0x447: {  	[tilespmem:v32+s30+$0x0] =	vst.idx.msk $0xffff, v37  }
0x448: {  	v32 =	vand.u32 $0x1F, v36;
	v34 =	vld.idx.msk [tilespmem:v34+s29+$0x0], $0xffff  }
0x449: {  	v35 =	vor.u32 v1, v32  }
0x44a: {  	v36 =	vor.u32 v2, v33;
	_ =	sdelay $0x3  }
0x44b: {  	[tilespmem:v35+s30+$0x0] =	vst.idx.msk $0xffff, v34  }
0x44c: {  	v34 =	vld.idx.msk [tilespmem:v36+s29+$0x0], $0xffff  }
0x44d: {  	v35 =	vor.u32 v3, v32  }
0x44e: {  	v36 =	vor.u32 v4, v33;
	_ =	sdelay $0x3  }
0x44f: {  	[tilespmem:v35+s30+$0x0] =	vst.idx.msk $0xffff, v34  }
0x450: {  	v34 =	vld.idx.msk [tilespmem:v36+s29+$0x0], $0xffff  }
0x451: {  	v35 =	vor.u32 v5, v32  }
0x452: {  	v36 =	vor.u32 v6, v33;
	_ =	sdelay $0x3  }
0x453: {  	[tilespmem:v35+s30+$0x0] =	vst.idx.msk $0xffff, v34  }
0x454: {  	v34 =	vld.idx.msk [tilespmem:v36+s29+$0x0], $0xffff  }
0x455: {  	v35 =	vor.u32 v7, v32  }
0x456: {  	v36 =	vor.u32 v8, v33;
	_ =	sdelay $0x3  }
0x457: {  	[tilespmem:v35+s30+$0x0] =	vst.idx.msk $0xffff, v34  }
0x458: {  	v34 =	vld.idx.msk [tilespmem:v36+s29+$0x0], $0xffff  }
0x459: {  	v35 =	vor.u32 v9, v32  }
0x45a: {  	v36 =	vor.u32 v10, v33;
	_ =	sdelay $0x3  }
0x45b: {  	[tilespmem:v35+s30+$0x0] =	vst.idx.msk $0xffff, v34  }
0x45c: {  	v34 =	vld.idx.msk [tilespmem:v36+s29+$0x0], $0xffff  }
0x45d: {  	v35 =	vor.u32 v11, v32  }
0x45e: {  	v36 =	vor.u32 v12, v33;
	_ =	sdelay $0x3  }
0x45f: {  	[tilespmem:v35+s30+$0x0] =	vst.idx.msk $0xffff, v34  }
0x460: {  	v34 =	vld.idx.msk [tilespmem:v36+s29+$0x0], $0xffff  }
0x461: {  	v35 =	vor.u32 v13, v32  }
0x462: {  	v36 =	vor.u32 v14, v33;
	_ =	sdelay $0x3  }
0x463: {  	[tilespmem:v35+s30+$0x0] =	vst.idx.msk $0xffff, v34  }
0x464: {  	v34 =	vld.idx.msk [tilespmem:v36+s29+$0x0], $0xffff  }
0x465: {  	v35 =	vor.u32 v15, v32  }
0x466: {  	v36 =	vor.u32 v16, v33;
	_ =	sdelay $0x3  }
0x467: {  	[tilespmem:v35+s30+$0x0] =	vst.idx.msk $0xffff, v34  }
0x468: {  	v34 =	vld.idx.msk [tilespmem:v36+s29+$0x0], $0xffff  }
0x469: {  	v35 =	vor.u32 v17, v32  }
0x46a: {  	v36 =	vor.u32 v18, v33;
	_ =	sdelay $0x3  }
0x46b: {  	[tilespmem:v35+s30+$0x0] =	vst.idx.msk $0xffff, v34  }
0x46c: {  	v34 =	vld.idx.msk [tilespmem:v36+s29+$0x0], $0xffff  }
0x46d: {  	v35 =	vor.u32 v19, v32  }
0x46e: {  	v36 =	vor.u32 v20, v33;
	_ =	sdelay $0x3  }
0x46f: {  	[tilespmem:v35+s30+$0x0] =	vst.idx.msk $0xffff, v34  }
0x470: {  	v34 =	vld.idx.msk [tilespmem:v36+s29+$0x0], $0xffff  }
0x471: {  	v35 =	vor.u32 v21, v32  }
0x472: {  	v36 =	vor.u32 v22, v33;
	_ =	sdelay $0x3  }
0x473: {  	[tilespmem:v35+s30+$0x0] =	vst.idx.msk $0xffff, v34  }
0x474: {  	v34 =	vld.idx.msk [tilespmem:v36+s29+$0x0], $0xffff  }
0x475: {  	v35 =	vor.u32 v23, v32  }
0x476: {  	v36 =	vor.u32 v24, v33;
	_ =	sdelay $0x3  }
0x477: {  	[tilespmem:v35+s30+$0x0] =	vst.idx.msk $0xffff, v34  }
0x478: {  	v34 =	vld.idx.msk [tilespmem:v36+s29+$0x0], $0xffff  }
0x479: {  	v35 =	vor.u32 v25, v32  }
0x47a: {  	v36 =	vor.u32 v26, v33;
	_ =	sdelay $0x3  }
0x47b: {  	[tilespmem:v35+s30+$0x0] =	vst.idx.msk $0xffff, v34  }
0x47c: {  	v34 =	vld.idx.msk [tilespmem:v36+s29+$0x0], $0xffff  }
0x47d: {  	v35 =	vor.u32 v27, v32  }
0x47e: {  	v36 =	vor.u32 v28, v33;
	_ =	sdelay $0x3  }
0x47f: {  	[tilespmem:v35+s30+$0x0] =	vst.idx.msk $0xffff, v34  }
0x480: {  	v34 =	vld.idx.msk [tilespmem:v36+s29+$0x0], $0xffff  }
0x481: {  	v35 =	vor.u32 v29, v32  }
0x482: {  	v33 =	vor.u32 v30, v33;
	_ =	sdelay $0x1  }
0x483: {  	s14 =	sadd.s32 $0x2, s12  }
0x484: {  	v36 =	vadd.s32 s14, v0  }
0x485: {  	[tilespmem:v35+s30+$0x0] =	vst.idx.msk $0xffff, v34;
	v34 =	vshll.u32 v36, $0x8;
	v35 =	vshll.u32 v36, $0x7  }
0x486: {  	v37 =	vld.idx.msk [tilespmem:v33+s29+$0x0], $0xffff;
	v33 =	vand.u32 $0x1800, v34;
	v34 =	vand.u32 $0x380, v35  }
0x487: {  	v32 =	vor.u32 v31, v32;
	v33 =	vor.u32 v34, v33  }
0x488: {  	v34 =	vor.u32 v0, v33;
	_ =	sdelay $0x3  }
0x489: {  	[tilespmem:v32+s30+$0x0] =	vst.idx.msk $0xffff, v37  }
0x48a: {  	v32 =	vand.u32 $0x1F, v36;
	v34 =	vld.idx.msk [tilespmem:v34+s29+$0x0], $0xffff  }
0x48b: {  	v35 =	vor.u32 v1, v32  }
0x48c: {  	v36 =	vor.u32 v2, v33;
	_ =	sdelay $0x3  }
0x48d: {  	[tilespmem:v35+s30+$0x0] =	vst.idx.msk $0xffff, v34  }
0x48e: {  	v34 =	vld.idx.msk [tilespmem:v36+s29+$0x0], $0xffff  }
0x48f: {  	v35 =	vor.u32 v3, v32  }
0x490: {  	v36 =	vor.u32 v4, v33;
	_ =	sdelay $0x3  }
0x491: {  	[tilespmem:v35+s30+$0x0] =	vst.idx.msk $0xffff, v34  }
0x492: {  	v34 =	vld.idx.msk [tilespmem:v36+s29+$0x0], $0xffff  }
0x493: {  	v35 =	vor.u32 v5, v32  }
0x494: {  	v36 =	vor.u32 v6, v33;
	_ =	sdelay $0x3  }
0x495: {  	[tilespmem:v35+s30+$0x0] =	vst.idx.msk $0xffff, v34  }
0x496: {  	v34 =	vld.idx.msk [tilespmem:v36+s29+$0x0], $0xffff  }
0x497: {  	v35 =	vor.u32 v7, v32  }
0x498: {  	v36 =	vor.u32 v8, v33;
	_ =	sdelay $0x3  }
0x499: {  	[tilespmem:v35+s30+$0x0] =	vst.idx.msk $0xffff, v34  }
0x49a: {  	v34 =	vld.idx.msk [tilespmem:v36+s29+$0x0], $0xffff  }
0x49b: {  	v35 =	vor.u32 v9, v32  }
0x49c: {  	v36 =	vor.u32 v10, v33;
	_ =	sdelay $0x3  }
0x49d: {  	[tilespmem:v35+s30+$0x0] =	vst.idx.msk $0xffff, v34  }
0x49e: {  	v34 =	vld.idx.msk [tilespmem:v36+s29+$0x0], $0xffff  }
0x49f: {  	v35 =	vor.u32 v11, v32  }
0x4a0: {  	v36 =	vor.u32 v12, v33;
	_ =	sdelay $0x3  }
0x4a1: {  	[tilespmem:v35+s30+$0x0] =	vst.idx.msk $0xffff, v34  }
0x4a2: {  	v34 =	vld.idx.msk [tilespmem:v36+s29+$0x0], $0xffff  }
0x4a3: {  	v35 =	vor.u32 v13, v32  }
0x4a4: {  	v36 =	vor.u32 v14, v33;
	_ =	sdelay $0x3  }
0x4a5: {  	[tilespmem:v35+s30+$0x0] =	vst.idx.msk $0xffff, v34  }
0x4a6: {  	v34 =	vld.idx.msk [tilespmem:v36+s29+$0x0], $0xffff  }
0x4a7: {  	v35 =	vor.u32 v15, v32  }
0x4a8: {  	v36 =	vor.u32 v16, v33;
	_ =	sdelay $0x3  }
0x4a9: {  	[tilespmem:v35+s30+$0x0] =	vst.idx.msk $0xffff, v34  }
0x4aa: {  	v34 =	vld.idx.msk [tilespmem:v36+s29+$0x0], $0xffff  }
0x4ab: {  	v35 =	vor.u32 v17, v32  }
0x4ac: {  	v36 =	vor.u32 v18, v33;
	_ =	sdelay $0x3  }
0x4ad: {  	[tilespmem:v35+s30+$0x0] =	vst.idx.msk $0xffff, v34  }
0x4ae: {  	v34 =	vld.idx.msk [tilespmem:v36+s29+$0x0], $0xffff  }
0x4af: {  	v35 =	vor.u32 v19, v32  }
0x4b0: {  	v36 =	vor.u32 v20, v33;
	_ =	sdelay $0x3  }
0x4b1: {  	[tilespmem:v35+s30+$0x0] =	vst.idx.msk $0xffff, v34  }
0x4b2: {  	v34 =	vld.idx.msk [tilespmem:v36+s29+$0x0], $0xffff  }
0x4b3: {  	v35 =	vor.u32 v21, v32  }
0x4b4: {  	v36 =	vor.u32 v22, v33;
	_ =	sdelay $0x3  }
0x4b5: {  	[tilespmem:v35+s30+$0x0] =	vst.idx.msk $0xffff, v34  }
0x4b6: {  	v34 =	vld.idx.msk [tilespmem:v36+s29+$0x0], $0xffff  }
0x4b7: {  	v35 =	vor.u32 v23, v32  }
0x4b8: {  	v36 =	vor.u32 v24, v33;
	_ =	sdelay $0x3  }
0x4b9: {  	[tilespmem:v35+s30+$0x0] =	vst.idx.msk $0xffff, v34  }
0x4ba: {  	v34 =	vld.idx.msk [tilespmem:v36+s29+$0x0], $0xffff  }
0x4bb: {  	v35 =	vor.u32 v25, v32  }
0x4bc: {  	v36 =	vor.u32 v26, v33;
	_ =	sdelay $0x3  }
0x4bd: {  	[tilespmem:v35+s30+$0x0] =	vst.idx.msk $0xffff, v34  }
0x4be: {  	v34 =	vld.idx.msk [tilespmem:v36+s29+$0x0], $0xffff  }
0x4bf: {  	v35 =	vor.u32 v27, v32  }
0x4c0: {  	v36 =	vor.u32 v28, v33;
	_ =	sdelay $0x3  }
0x4c1: {  	[tilespmem:v35+s30+$0x0] =	vst.idx.msk $0xffff, v34  }
0x4c2: {  	v34 =	vld.idx.msk [tilespmem:v36+s29+$0x0], $0xffff  }
0x4c3: {  	v35 =	vor.u32 v29, v32  }
0x4c4: {  	v33 =	vor.u32 v30, v33;
	_ =	sdelay $0x1  }
0x4c5: {  	s14 =	sadd.s32 $0x3, s12;
	s12 =	smov.u32 s13  }
0x4c6: {  	v36 =	vadd.s32 s14, v0  }
0x4c7: {  	[tilespmem:v35+s30+$0x0] =	vst.idx.msk $0xffff, v34;
	v34 =	vshll.u32 v36, $0x8;
	v35 =	vshll.u32 v36, $0x7  }
0x4c8: {  	v37 =	vld.idx.msk [tilespmem:v33+s29+$0x0], $0xffff;
	v33 =	vand.u32 $0x1800, v34;
	v34 =	vand.u32 $0x380, v35  }
0x4c9: {  	v32 =	vor.u32 v31, v32;
	v33 =	vor.u32 v34, v33  }
0x4ca: {  	v34 =	vor.u32 v0, v33;
	_ =	sdelay $0x3  }
0x4cb: {  	[tilespmem:v32+s30+$0x0] =	vst.idx.msk $0xffff, v37  }
0x4cc: {  	v32 =	vand.u32 $0x1F, v36;
	v34 =	vld.idx.msk [tilespmem:v34+s29+$0x0], $0xffff  }
0x4cd: {  	v35 =	vor.u32 v1, v32  }
0x4ce: {  	v36 =	vor.u32 v2, v33;
	_ =	sdelay $0x3  }
0x4cf: {  	[tilespmem:v35+s30+$0x0] =	vst.idx.msk $0xffff, v34  }
0x4d0: {  	v34 =	vld.idx.msk [tilespmem:v36+s29+$0x0], $0xffff  }
0x4d1: {  	v35 =	vor.u32 v3, v32  }
0x4d2: {  	v36 =	vor.u32 v4, v33;
	_ =	sdelay $0x3  }
0x4d3: {  	[tilespmem:v35+s30+$0x0] =	vst.idx.msk $0xffff, v34  }
0x4d4: {  	v34 =	vld.idx.msk [tilespmem:v36+s29+$0x0], $0xffff  }
0x4d5: {  	v35 =	vor.u32 v5, v32  }
0x4d6: {  	v36 =	vor.u32 v6, v33;
	_ =	sdelay $0x3  }
0x4d7: {  	[tilespmem:v35+s30+$0x0] =	vst.idx.msk $0xffff, v34  }
0x4d8: {  	v34 =	vld.idx.msk [tilespmem:v36+s29+$0x0], $0xffff  }
0x4d9: {  	v35 =	vor.u32 v7, v32  }
0x4da: {  	v36 =	vor.u32 v8, v33;
	_ =	sdelay $0x3  }
0x4db: {  	[tilespmem:v35+s30+$0x0] =	vst.idx.msk $0xffff, v34  }
0x4dc: {  	v34 =	vld.idx.msk [tilespmem:v36+s29+$0x0], $0xffff  }
0x4dd: {  	v35 =	vor.u32 v9, v32  }
0x4de: {  	v36 =	vor.u32 v10, v33;
	_ =	sdelay $0x3  }
0x4df: {  	[tilespmem:v35+s30+$0x0] =	vst.idx.msk $0xffff, v34  }
0x4e0: {  	v34 =	vld.idx.msk [tilespmem:v36+s29+$0x0], $0xffff  }
0x4e1: {  	v35 =	vor.u32 v11, v32  }
0x4e2: {  	v36 =	vor.u32 v12, v33;
	_ =	sdelay $0x3  }
0x4e3: {  	[tilespmem:v35+s30+$0x0] =	vst.idx.msk $0xffff, v34  }
0x4e4: {  	v34 =	vld.idx.msk [tilespmem:v36+s29+$0x0], $0xffff  }
0x4e5: {  	v35 =	vor.u32 v13, v32  }
0x4e6: {  	v36 =	vor.u32 v14, v33;
	_ =	sdelay $0x3  }
0x4e7: {  	[tilespmem:v35+s30+$0x0] =	vst.idx.msk $0xffff, v34  }
0x4e8: {  	v34 =	vld.idx.msk [tilespmem:v36+s29+$0x0], $0xffff  }
0x4e9: {  	v35 =	vor.u32 v15, v32  }
0x4ea: {  	v36 =	vor.u32 v16, v33;
	_ =	sdelay $0x3  }
0x4eb: {  	[tilespmem:v35+s30+$0x0] =	vst.idx.msk $0xffff, v34  }
0x4ec: {  	v34 =	vld.idx.msk [tilespmem:v36+s29+$0x0], $0xffff  }
0x4ed: {  	v35 =	vor.u32 v17, v32  }
0x4ee: {  	v36 =	vor.u32 v18, v33;
	_ =	sdelay $0x3  }
0x4ef: {  	[tilespmem:v35+s30+$0x0] =	vst.idx.msk $0xffff, v34  }
0x4f0: {  	v34 =	vld.idx.msk [tilespmem:v36+s29+$0x0], $0xffff  }
0x4f1: {  	v35 =	vor.u32 v19, v32  }
0x4f2: {  	v36 =	vor.u32 v20, v33;
	_ =	sdelay $0x3  }
0x4f3: {  	[tilespmem:v35+s30+$0x0] =	vst.idx.msk $0xffff, v34  }
0x4f4: {  	v34 =	vld.idx.msk [tilespmem:v36+s29+$0x0], $0xffff  }
0x4f5: {  	v35 =	vor.u32 v21, v32  }
0x4f6: {  	v36 =	vor.u32 v22, v33;
	_ =	sdelay $0x3  }
0x4f7: {  	[tilespmem:v35+s30+$0x0] =	vst.idx.msk $0xffff, v34  }
0x4f8: {  	v34 =	vld.idx.msk [tilespmem:v36+s29+$0x0], $0xffff  }
0x4f9: {  	v35 =	vor.u32 v23, v32  }
0x4fa: {  	v36 =	vor.u32 v24, v33;
	_ =	sdelay $0x3  }
0x4fb: {  	[tilespmem:v35+s30+$0x0] =	vst.idx.msk $0xffff, v34  }
0x4fc: {  	v34 =	vld.idx.msk [tilespmem:v36+s29+$0x0], $0xffff  }
0x4fd: {  	v35 =	vor.u32 v25, v32  }
0x4fe: {  	v36 =	vor.u32 v26, v33;
	_ =	sdelay $0x3  }
0x4ff: {  	[tilespmem:v35+s30+$0x0] =	vst.idx.msk $0xffff, v34  }
0x500: {  	v34 =	vld.idx.msk [tilespmem:v36+s29+$0x0], $0xffff  }
0x501: {  	v35 =	vor.u32 v27, v32  }
0x502: {  	v36 =	vor.u32 v28, v33;
	_ =	sdelay $0x3  }
0x503: {  	[tilespmem:v35+s30+$0x0] =	vst.idx.msk $0xffff, v34  }
0x504: {  	v35 =	vld.idx.msk [tilespmem:v36+s29+$0x0], $0xffff  }
.Ltmp8:
0x505: {  	v36 =	vor.u32 v29, v32;
	(pc) =	sbr.rel @p2 .LBB2_10-.Ltmp8, $2  }
0x506: {  	v33 =	vor.u32 v30, v33;
	_ =	sdelay $0x2  }
0x507: {  	s13 =	sadd.s32 $0x4, s13;
	v34 =	vadd.s32 s12, v0  }
0x508: {  	_ =	sdelay $0x2  }
0x509: {  	v37 =	vshll.u32 v34, $0x8;
	v38 =	vshll.u32 v34, $0x7  }
0x50a: {  	[tilespmem:v36+s30+$0x0] =	vst.idx.msk $0xffff, v35;
	v52 =	vand.u32 $0x1800, v37;
	v53 =	vand.u32 $0x380, v38  }
0x50b: {  	v32 =	vor.u32 v31, v32;
	v33 =	vld.idx.msk [tilespmem:v33+s29+$0x0], $0xffff;
	v35 =	vor.u32 v53, v52  }
0x50c: {  	v36 =	vor.u32 v0, v35;
	_ =	sdelay $0x3  }
0x50d: {  	[tilespmem:v32+s30+$0x0] =	vst.idx.msk $0xffff, v33;
	v32 =	vand.u32 $0x1F, v34  }
0x50e: {  	v34 =	vor.u32 v1, v32;
	v33 =	vld.idx.msk [tilespmem:v36+s29+$0x0], $0xffff  }
0x50f: {  	v54 =	vor.u32 v2, v35;
	_ =	sdelay $0x3  }
0x510: {  	[tilespmem:v34+s30+$0x0] =	vst.idx.msk $0xffff, v33  }
0x511: {  	v55 =	vor.u32 v3, v32;
	v33 =	vld.idx.msk [tilespmem:v54+s29+$0x0], $0xffff  }
0x512: {  	v56 =	vor.u32 v4, v35;
	_ =	sdelay $0x3  }
0x513: {  	[tilespmem:v55+s30+$0x0] =	vst.idx.msk $0xffff, v33  }
0x514: {  	v57 =	vor.u32 v5, v32;
	v33 =	vld.idx.msk [tilespmem:v56+s29+$0x0], $0xffff  }
0x515: {  	v58 =	vor.u32 v6, v35;
	_ =	sdelay $0x3  }
0x516: {  	[tilespmem:v57+s30+$0x0] =	vst.idx.msk $0xffff, v33  }
0x517: {  	v59 =	vor.u32 v7, v32;
	v33 =	vld.idx.msk [tilespmem:v58+s29+$0x0], $0xffff  }
0x518: {  	v60 =	vor.u32 v8, v35;
	_ =	sdelay $0x3  }
0x519: {  	[tilespmem:v59+s30+$0x0] =	vst.idx.msk $0xffff, v33  }
0x51a: {  	v61 =	vor.u32 v9, v32;
	v33 =	vld.idx.msk [tilespmem:v60+s29+$0x0], $0xffff  }
0x51b: {  	v62 =	vor.u32 v10, v35;
	_ =	sdelay $0x3  }
0x51c: {  	[tilespmem:v61+s30+$0x0] =	vst.idx.msk $0xffff, v33  }
0x51d: {  	v63 =	vor.u32 v11, v32;
	v33 =	vld.idx.msk [tilespmem:v62+s29+$0x0], $0xffff  }
0x51e: {  	v40 =	vor.u32 v12, v35;
	_ =	sdelay $0x3  }
0x51f: {  	[tilespmem:v63+s30+$0x0] =	vst.idx.msk $0xffff, v33  }
0x520: {  	v41 =	vor.u32 v13, v32;
	v33 =	vld.idx.msk [tilespmem:v40+s29+$0x0], $0xffff  }
0x521: {  	v42 =	vor.u32 v14, v35;
	_ =	sdelay $0x3  }
0x522: {  	[tilespmem:v41+s30+$0x0] =	vst.idx.msk $0xffff, v33  }
0x523: {  	v43 =	vor.u32 v15, v32;
	v33 =	vld.idx.msk [tilespmem:v42+s29+$0x0], $0xffff  }
0x524: {  	v44 =	vor.u32 v16, v35;
	_ =	sdelay $0x3  }
0x525: {  	[tilespmem:v43+s30+$0x0] =	vst.idx.msk $0xffff, v33  }
0x526: {  	v45 =	vor.u32 v17, v32;
	v33 =	vld.idx.msk [tilespmem:v44+s29+$0x0], $0xffff  }
0x527: {  	v46 =	vor.u32 v18, v35;
	_ =	sdelay $0x3  }
0x528: {  	[tilespmem:v45+s30+$0x0] =	vst.idx.msk $0xffff, v33  }
0x529: {  	v47 =	vor.u32 v19, v32;
	v33 =	vld.idx.msk [tilespmem:v46+s29+$0x0], $0xffff  }
0x52a: {  	v48 =	vor.u32 v20, v35;
	_ =	sdelay $0x3  }
0x52b: {  	[tilespmem:v47+s30+$0x0] =	vst.idx.msk $0xffff, v33  }
0x52c: {  	v49 =	vor.u32 v21, v32;
	v33 =	vld.idx.msk [tilespmem:v48+s29+$0x0], $0xffff  }
0x52d: {  	v50 =	vor.u32 v22, v35;
	_ =	sdelay $0x3  }
0x52e: {  	[tilespmem:v49+s30+$0x0] =	vst.idx.msk $0xffff, v33  }
0x52f: {  	v51 =	vor.u32 v23, v32;
	v33 =	vld.idx.msk [tilespmem:v50+s29+$0x0], $0xffff  }
0x530: {  	v52 =	vor.u32 v24, v35;
	_ =	sdelay $0x3  }
0x531: {  	[tilespmem:v51+s30+$0x0] =	vst.idx.msk $0xffff, v33  }
0x532: {  	v53 =	vor.u32 v25, v32;
	v33 =	vld.idx.msk [tilespmem:v52+s29+$0x0], $0xffff  }
0x533: {  	v54 =	vor.u32 v26, v35;
	_ =	sdelay $0x3  }
0x534: {  	[tilespmem:v53+s30+$0x0] =	vst.idx.msk $0xffff, v33  }
0x535: {  	v55 =	vor.u32 v27, v32;
	v33 =	vld.idx.msk [tilespmem:v54+s29+$0x0], $0xffff  }
0x536: {  	v56 =	vor.u32 v28, v35;
	_ =	sdelay $0x3  }
0x537: {  	[tilespmem:v55+s30+$0x0] =	vst.idx.msk $0xffff, v33  }
0x538: {  	v57 =	vor.u32 v29, v32;
	v33 =	vld.idx.msk [tilespmem:v56+s29+$0x0], $0xffff  }
0x539: {  	v35 =	vor.u32 v30, v35  }
0x53a: {  	s13 =	sadd.s32 $0x1, s12  }
0x53b: {  	v58 =	vadd.s32 s13, v0  }
0x53c: {  	v59 =	vshll.u32 v58, $0x8;
	v60 =	vshll.u32 v58, $0x7  }
0x53d: {  	v61 =	vand.u32 $0x1800, v59;
	v62 =	vand.u32 $0x380, v60;
	[tilespmem:v57+s30+$0x0] =	vst.idx.msk $0xffff, v33  }
0x53e: {  	v32 =	vor.u32 v31, v32;
	v33 =	vor.u32 v62, v61;
	v35 =	vld.idx.msk [tilespmem:v35+s29+$0x0], $0xffff  }
0x53f: {  	v34 =	vor.u32 v0, v33;
	_ =	sdelay $0x3  }
0x540: {  	[tilespmem:v32+s30+$0x0] =	vst.idx.msk $0xffff, v35;
	v32 =	vand.u32 $0x1F, v58  }
0x541: {  	v34 =	vld.idx.msk [tilespmem:v34+s29+$0x0], $0xffff;
	v63 =	vor.u32 v1, v32  }
0x542: {  	v40 =	vor.u32 v2, v33;
	_ =	sdelay $0x3  }
0x543: {  	[tilespmem:v63+s30+$0x0] =	vst.idx.msk $0xffff, v34  }
0x544: {  	v41 =	vor.u32 v3, v32;
	v34 =	vld.idx.msk [tilespmem:v40+s29+$0x0], $0xffff  }
0x545: {  	v42 =	vor.u32 v4, v33;
	_ =	sdelay $0x3  }
0x546: {  	[tilespmem:v41+s30+$0x0] =	vst.idx.msk $0xffff, v34  }
0x547: {  	v43 =	vor.u32 v5, v32;
	v34 =	vld.idx.msk [tilespmem:v42+s29+$0x0], $0xffff  }
0x548: {  	v44 =	vor.u32 v6, v33;
	_ =	sdelay $0x3  }
0x549: {  	[tilespmem:v43+s30+$0x0] =	vst.idx.msk $0xffff, v34  }
0x54a: {  	v45 =	vor.u32 v7, v32;
	v34 =	vld.idx.msk [tilespmem:v44+s29+$0x0], $0xffff  }
0x54b: {  	v46 =	vor.u32 v8, v33;
	_ =	sdelay $0x3  }
0x54c: {  	[tilespmem:v45+s30+$0x0] =	vst.idx.msk $0xffff, v34  }
0x54d: {  	v47 =	vor.u32 v9, v32;
	v34 =	vld.idx.msk [tilespmem:v46+s29+$0x0], $0xffff  }
0x54e: {  	v48 =	vor.u32 v10, v33;
	_ =	sdelay $0x3  }
0x54f: {  	[tilespmem:v47+s30+$0x0] =	vst.idx.msk $0xffff, v34  }
0x550: {  	v49 =	vor.u32 v11, v32;
	v34 =	vld.idx.msk [tilespmem:v48+s29+$0x0], $0xffff  }
0x551: {  	v50 =	vor.u32 v12, v33;
	_ =	sdelay $0x3  }
0x552: {  	[tilespmem:v49+s30+$0x0] =	vst.idx.msk $0xffff, v34  }
0x553: {  	v51 =	vor.u32 v13, v32;
	v34 =	vld.idx.msk [tilespmem:v50+s29+$0x0], $0xffff  }
0x554: {  	v52 =	vor.u32 v14, v33;
	_ =	sdelay $0x3  }
0x555: {  	[tilespmem:v51+s30+$0x0] =	vst.idx.msk $0xffff, v34  }
0x556: {  	v53 =	vor.u32 v15, v32;
	v34 =	vld.idx.msk [tilespmem:v52+s29+$0x0], $0xffff  }
0x557: {  	v54 =	vor.u32 v16, v33;
	_ =	sdelay $0x3  }
0x558: {  	[tilespmem:v53+s30+$0x0] =	vst.idx.msk $0xffff, v34  }
0x559: {  	v55 =	vor.u32 v17, v32;
	v34 =	vld.idx.msk [tilespmem:v54+s29+$0x0], $0xffff  }
0x55a: {  	v56 =	vor.u32 v18, v33;
	_ =	sdelay $0x3  }
0x55b: {  	[tilespmem:v55+s30+$0x0] =	vst.idx.msk $0xffff, v34  }
0x55c: {  	v57 =	vor.u32 v19, v32;
	v34 =	vld.idx.msk [tilespmem:v56+s29+$0x0], $0xffff  }
0x55d: {  	v58 =	vor.u32 v20, v33;
	_ =	sdelay $0x3  }
0x55e: {  	[tilespmem:v57+s30+$0x0] =	vst.idx.msk $0xffff, v34  }
0x55f: {  	v59 =	vor.u32 v21, v32;
	v34 =	vld.idx.msk [tilespmem:v58+s29+$0x0], $0xffff  }
0x560: {  	v60 =	vor.u32 v22, v33;
	_ =	sdelay $0x3  }
0x561: {  	[tilespmem:v59+s30+$0x0] =	vst.idx.msk $0xffff, v34  }
0x562: {  	v61 =	vor.u32 v23, v32;
	v34 =	vld.idx.msk [tilespmem:v60+s29+$0x0], $0xffff  }
0x563: {  	v62 =	vor.u32 v24, v33;
	_ =	sdelay $0x3  }
0x564: {  	[tilespmem:v61+s30+$0x0] =	vst.idx.msk $0xffff, v34  }
0x565: {  	v63 =	vor.u32 v25, v32;
	v34 =	vld.idx.msk [tilespmem:v62+s29+$0x0], $0xffff  }
0x566: {  	v40 =	vor.u32 v26, v33;
	_ =	sdelay $0x3  }
0x567: {  	[tilespmem:v63+s30+$0x0] =	vst.idx.msk $0xffff, v34  }
0x568: {  	v41 =	vor.u32 v27, v32;
	v34 =	vld.idx.msk [tilespmem:v40+s29+$0x0], $0xffff  }
0x569: {  	v42 =	vor.u32 v28, v33;
	_ =	sdelay $0x3  }
0x56a: {  	[tilespmem:v41+s30+$0x0] =	vst.idx.msk $0xffff, v34  }
0x56b: {  	v43 =	vor.u32 v29, v32;
	v34 =	vld.idx.msk [tilespmem:v42+s29+$0x0], $0xffff  }
0x56c: {  	v33 =	vor.u32 v30, v33  }
0x56d: {  	s15 =	sadd.s32 $0x2, s12  }
0x56e: {  	v44 =	vadd.s32 s15, v0  }
0x56f: {  	v45 =	vshll.u32 v44, $0x8;
	v46 =	vshll.u32 v44, $0x7  }
0x570: {  	v47 =	vand.u32 $0x1800, v45;
	v48 =	vand.u32 $0x380, v46;
	[tilespmem:v43+s30+$0x0] =	vst.idx.msk $0xffff, v34  }
0x571: {  	v32 =	vor.u32 v31, v32;
	v34 =	vor.u32 v48, v47;
	v33 =	vld.idx.msk [tilespmem:v33+s29+$0x0], $0xffff  }
0x572: {  	v35 =	vor.u32 v0, v34;
	_ =	sdelay $0x3  }
0x573: {  	[tilespmem:v32+s30+$0x0] =	vst.idx.msk $0xffff, v33;
	v32 =	vand.u32 $0x1F, v44  }
0x574: {  	v33 =	vld.idx.msk [tilespmem:v35+s29+$0x0], $0xffff;
	v49 =	vor.u32 v1, v32  }
0x575: {  	v50 =	vor.u32 v2, v34;
	_ =	sdelay $0x3  }
0x576: {  	[tilespmem:v49+s30+$0x0] =	vst.idx.msk $0xffff, v33  }
0x577: {  	v51 =	vor.u32 v3, v32;
	v33 =	vld.idx.msk [tilespmem:v50+s29+$0x0], $0xffff  }
0x578: {  	v52 =	vor.u32 v4, v34;
	_ =	sdelay $0x3  }
0x579: {  	[tilespmem:v51+s30+$0x0] =	vst.idx.msk $0xffff, v33  }
0x57a: {  	v53 =	vor.u32 v5, v32;
	v33 =	vld.idx.msk [tilespmem:v52+s29+$0x0], $0xffff  }
0x57b: {  	v54 =	vor.u32 v6, v34;
	_ =	sdelay $0x3  }
0x57c: {  	[tilespmem:v53+s30+$0x0] =	vst.idx.msk $0xffff, v33  }
0x57d: {  	v55 =	vor.u32 v7, v32;
	v33 =	vld.idx.msk [tilespmem:v54+s29+$0x0], $0xffff  }
0x57e: {  	v56 =	vor.u32 v8, v34;
	_ =	sdelay $0x3  }
0x57f: {  	[tilespmem:v55+s30+$0x0] =	vst.idx.msk $0xffff, v33  }
0x580: {  	v57 =	vor.u32 v9, v32;
	v33 =	vld.idx.msk [tilespmem:v56+s29+$0x0], $0xffff  }
0x581: {  	v58 =	vor.u32 v10, v34;
	_ =	sdelay $0x3  }
0x582: {  	[tilespmem:v57+s30+$0x0] =	vst.idx.msk $0xffff, v33  }
0x583: {  	v59 =	vor.u32 v11, v32;
	v33 =	vld.idx.msk [tilespmem:v58+s29+$0x0], $0xffff  }
0x584: {  	v60 =	vor.u32 v12, v34;
	_ =	sdelay $0x3  }
0x585: {  	[tilespmem:v59+s30+$0x0] =	vst.idx.msk $0xffff, v33  }
0x586: {  	v61 =	vor.u32 v13, v32;
	v33 =	vld.idx.msk [tilespmem:v60+s29+$0x0], $0xffff  }
0x587: {  	v62 =	vor.u32 v14, v34;
	_ =	sdelay $0x3  }
0x588: {  	[tilespmem:v61+s30+$0x0] =	vst.idx.msk $0xffff, v33  }
0x589: {  	v63 =	vor.u32 v15, v32;
	v33 =	vld.idx.msk [tilespmem:v62+s29+$0x0], $0xffff  }
0x58a: {  	v40 =	vor.u32 v16, v34;
	_ =	sdelay $0x3  }
0x58b: {  	[tilespmem:v63+s30+$0x0] =	vst.idx.msk $0xffff, v33  }
0x58c: {  	v41 =	vor.u32 v17, v32;
	v33 =	vld.idx.msk [tilespmem:v40+s29+$0x0], $0xffff  }
0x58d: {  	v42 =	vor.u32 v18, v34;
	_ =	sdelay $0x3  }
0x58e: {  	[tilespmem:v41+s30+$0x0] =	vst.idx.msk $0xffff, v33  }
0x58f: {  	v43 =	vor.u32 v19, v32;
	v33 =	vld.idx.msk [tilespmem:v42+s29+$0x0], $0xffff  }
0x590: {  	v44 =	vor.u32 v20, v34;
	_ =	sdelay $0x3  }
0x591: {  	[tilespmem:v43+s30+$0x0] =	vst.idx.msk $0xffff, v33  }
0x592: {  	v45 =	vor.u32 v21, v32;
	v33 =	vld.idx.msk [tilespmem:v44+s29+$0x0], $0xffff  }
0x593: {  	v46 =	vor.u32 v22, v34;
	_ =	sdelay $0x3  }
0x594: {  	[tilespmem:v45+s30+$0x0] =	vst.idx.msk $0xffff, v33  }
0x595: {  	v47 =	vor.u32 v23, v32;
	v33 =	vld.idx.msk [tilespmem:v46+s29+$0x0], $0xffff  }
0x596: {  	v48 =	vor.u32 v24, v34;
	_ =	sdelay $0x3  }
0x597: {  	[tilespmem:v47+s30+$0x0] =	vst.idx.msk $0xffff, v33  }
0x598: {  	v49 =	vor.u32 v25, v32;
	v33 =	vld.idx.msk [tilespmem:v48+s29+$0x0], $0xffff  }
0x599: {  	v50 =	vor.u32 v26, v34;
	_ =	sdelay $0x3  }
0x59a: {  	[tilespmem:v49+s30+$0x0] =	vst.idx.msk $0xffff, v33  }
0x59b: {  	v51 =	vor.u32 v27, v32;
	v33 =	vld.idx.msk [tilespmem:v50+s29+$0x0], $0xffff  }
0x59c: {  	v52 =	vor.u32 v28, v34;
	_ =	sdelay $0x3  }
0x59d: {  	[tilespmem:v51+s30+$0x0] =	vst.idx.msk $0xffff, v33  }
0x59e: {  	v53 =	vor.u32 v29, v32;
	v33 =	vld.idx.msk [tilespmem:v52+s29+$0x0], $0xffff  }
0x59f: {  	v34 =	vor.u32 v30, v34  }
0x5a0: {  	s16 =	sadd.s32 $0x3, s12  }
0x5a1: {  	v54 =	vadd.s32 s16, v0  }
0x5a2: {  	v55 =	vshll.u32 v54, $0x8;
	v56 =	vshll.u32 v54, $0x7  }
0x5a3: {  	v57 =	vand.u32 $0x1800, v55;
	v58 =	vand.u32 $0x380, v56;
	[tilespmem:v53+s30+$0x0] =	vst.idx.msk $0xffff, v33  }
0x5a4: {  	v32 =	vor.u32 v31, v32;
	v33 =	vor.u32 v58, v57;
	v34 =	vld.idx.msk [tilespmem:v34+s29+$0x0], $0xffff  }
0x5a5: {  	v35 =	vor.u32 v0, v33;
	_ =	sdelay $0x3  }
0x5a6: {  	[tilespmem:v32+s30+$0x0] =	vst.idx.msk $0xffff, v34;
	v32 =	vand.u32 $0x1F, v54  }
0x5a7: {  	v34 =	vld.idx.msk [tilespmem:v35+s29+$0x0], $0xffff;
	v59 =	vor.u32 v1, v32  }
0x5a8: {  	v60 =	vor.u32 v2, v33;
	_ =	sdelay $0x3  }
0x5a9: {  	[tilespmem:v59+s30+$0x0] =	vst.idx.msk $0xffff, v34  }
0x5aa: {  	v61 =	vor.u32 v3, v32;
	v34 =	vld.idx.msk [tilespmem:v60+s29+$0x0], $0xffff  }
0x5ab: {  	v62 =	vor.u32 v4, v33;
	_ =	sdelay $0x3  }
0x5ac: {  	[tilespmem:v61+s30+$0x0] =	vst.idx.msk $0xffff, v34  }
0x5ad: {  	v63 =	vor.u32 v5, v32;
	v34 =	vld.idx.msk [tilespmem:v62+s29+$0x0], $0xffff  }
0x5ae: {  	v40 =	vor.u32 v6, v33;
	_ =	sdelay $0x3  }
0x5af: {  	[tilespmem:v63+s30+$0x0] =	vst.idx.msk $0xffff, v34  }
0x5b0: {  	v41 =	vor.u32 v7, v32;
	v34 =	vld.idx.msk [tilespmem:v40+s29+$0x0], $0xffff  }
0x5b1: {  	v42 =	vor.u32 v8, v33;
	_ =	sdelay $0x3  }
0x5b2: {  	[tilespmem:v41+s30+$0x0] =	vst.idx.msk $0xffff, v34  }
0x5b3: {  	v43 =	vor.u32 v9, v32;
	v34 =	vld.idx.msk [tilespmem:v42+s29+$0x0], $0xffff  }
0x5b4: {  	v44 =	vor.u32 v10, v33;
	_ =	sdelay $0x3  }
0x5b5: {  	[tilespmem:v43+s30+$0x0] =	vst.idx.msk $0xffff, v34  }
0x5b6: {  	v45 =	vor.u32 v11, v32;
	v34 =	vld.idx.msk [tilespmem:v44+s29+$0x0], $0xffff  }
0x5b7: {  	v46 =	vor.u32 v12, v33;
	_ =	sdelay $0x3  }
0x5b8: {  	[tilespmem:v45+s30+$0x0] =	vst.idx.msk $0xffff, v34  }
0x5b9: {  	v47 =	vor.u32 v13, v32;
	v34 =	vld.idx.msk [tilespmem:v46+s29+$0x0], $0xffff  }
0x5ba: {  	v48 =	vor.u32 v14, v33;
	_ =	sdelay $0x3  }
0x5bb: {  	[tilespmem:v47+s30+$0x0] =	vst.idx.msk $0xffff, v34  }
0x5bc: {  	v49 =	vor.u32 v15, v32;
	v34 =	vld.idx.msk [tilespmem:v48+s29+$0x0], $0xffff  }
0x5bd: {  	v50 =	vor.u32 v16, v33;
	_ =	sdelay $0x3  }
0x5be: {  	[tilespmem:v49+s30+$0x0] =	vst.idx.msk $0xffff, v34  }
0x5bf: {  	v51 =	vor.u32 v17, v32;
	v34 =	vld.idx.msk [tilespmem:v50+s29+$0x0], $0xffff  }
0x5c0: {  	v52 =	vor.u32 v18, v33;
	_ =	sdelay $0x3  }
0x5c1: {  	[tilespmem:v51+s30+$0x0] =	vst.idx.msk $0xffff, v34  }
0x5c2: {  	v53 =	vor.u32 v19, v32;
	v34 =	vld.idx.msk [tilespmem:v52+s29+$0x0], $0xffff  }
0x5c3: {  	v54 =	vor.u32 v20, v33;
	_ =	sdelay $0x3  }
0x5c4: {  	[tilespmem:v53+s30+$0x0] =	vst.idx.msk $0xffff, v34  }
0x5c5: {  	v55 =	vor.u32 v21, v32;
	v34 =	vld.idx.msk [tilespmem:v54+s29+$0x0], $0xffff  }
0x5c6: {  	v56 =	vor.u32 v22, v33;
	_ =	sdelay $0x3  }
0x5c7: {  	[tilespmem:v55+s30+$0x0] =	vst.idx.msk $0xffff, v34  }
0x5c8: {  	v57 =	vor.u32 v23, v32;
	v34 =	vld.idx.msk [tilespmem:v56+s29+$0x0], $0xffff  }
0x5c9: {  	v58 =	vor.u32 v24, v33;
	_ =	sdelay $0x3  }
0x5ca: {  	[tilespmem:v57+s30+$0x0] =	vst.idx.msk $0xffff, v34  }
0x5cb: {  	v59 =	vor.u32 v25, v32;
	v34 =	vld.idx.msk [tilespmem:v58+s29+$0x0], $0xffff  }
0x5cc: {  	v60 =	vor.u32 v26, v33;
	_ =	sdelay $0x3  }
0x5cd: {  	[tilespmem:v59+s30+$0x0] =	vst.idx.msk $0xffff, v34  }
0x5ce: {  	v61 =	vor.u32 v27, v32;
	v34 =	vld.idx.msk [tilespmem:v60+s29+$0x0], $0xffff  }
0x5cf: {  	v62 =	vor.u32 v28, v33;
	_ =	sdelay $0x3  }
0x5d0: {  	[tilespmem:v61+s30+$0x0] =	vst.idx.msk $0xffff, v34  }
0x5d1: {  	v63 =	vor.u32 v29, v32;
	v34 =	vld.idx.msk [tilespmem:v62+s29+$0x0], $0xffff  }
0x5d2: {  	v33 =	vor.u32 v30, v33;
	_ =	sdelay $0x3  }
0x5d3: {  	[tilespmem:v63+s30+$0x0] =	vst.idx.msk $0xffff, v34  }
0x5d4: {  	v32 =	vor.u32 v31, v32;
	v33 =	vld.idx.msk [tilespmem:v33+s29+$0x0], $0xffff;
	_ =	sdelay $0x3  }
0x5d5: {  	p2 =	seq.s32 s10, $0x0  }
.Ltmp9:
0x5d6: {  	s12 =	simm.s32 @!p2 $0x2;
	[tilespmem:v32+s30+$0x0] =	vst.idx.msk $0xffff, v33;
	(pc) =	sbr.rel .LBB2_12-.Ltmp9, $4  }
0x5d7: {  	s11 =	sshll.u32 s11, $0xA;
	_ =	swait.ge @!p2 [sflag:s12], $0x2000  }
0x5d8: {  	s11 =	sand.u32 $0x1FFFFC00, s11;
	[sflag:s12] =	ssyncset.done @!p2 $0x0  }
0x5d9: {  	s11 =	sadd.s32 s6, s11;
	[sflag:s12] =	ssyncadd.s32 @!p2 $0xFFFFE000  }
0x5da: {  	[hbm4b:s11+s5] =	stream.linear.scatter [tilespmem:s30], [sflag:$0x2], $0x2000, $0x38;
	[tilespmem:$0x1D428] =	vst v63  }
.LBB2_14:
0x5db: {  	_ =	sfence.sel $0x180000  }
0x5dc: {  	[bflag:$0x0] =	sbarrier.arrive $0xFFFF  }
0x5dd: {  	_ =	strace $0x90000047  }
0x5de: {  	s0 =	stileid.u32;
	[bflag:$0x2] =	sbarrier.arrive $0xFFFF  }
0x5df: {  	p0 =	sne.s32 s0, $0x0;
	s0 =	rddreg [dreg:$0x6]  }
0x5e0: {  	s0 =	sadd.s32 @!p0 $0x100000, s0  }
0x5e1: {  	[sflag:s0] =	ssyncadd.tile.s32 @!p0 $0x1;
	_ =	shalt  }
.Lfunc_end2:
_tile_overlayer_lowered:
.L_overlay_start_2:
0x5e2: {  	(tag) =	ssettag $0x2  }
0x5e3: {  	s0 =	rddreg [dreg:$0x0];
	s2 =	stileid.u32  }
0x5e4: {  	s1 =	rddreg [dreg:$0x1];
	p0 =	sne.s32 s2, $0x0  }
0x5e5: {  	s3 =	rddreg [dreg:$0x2];
	[bflag:$0x3] =	sbarrier.arrive $0xFFFF;
	s2 =	simm.s32 @!p0 $0x1C04  }
0x5e6: {  	[timem:s3], [sflag:s2] =	dma.local @!p0 [hbm:s0], s1  }
0x5e7: {  	s0 =	simm.s32 @!p0 $0x4  }
0x5e8: {  	_ =	swait.ge @!p0 [sflag:s0], s1  }
0x5e9: {  	s1 =	ssub.s32 @!p0 $0x0, s1;
	[sflag:s0] =	ssyncset.done @!p0 $0x0  }
0x5ea: {  	[sflag:s0] =	ssyncadd.s32 @!p0 s1  }
0x5eb: {  	[bflag:$0x3] =	sbarrier.arrive $0xFFFF  }
0x5ec: {  	_ =	shalt  }

// kernel: _fm.7.cloned.1.call-start
scs
__scs_entry_jumppad:
0x0: {  	(pc) =	sbr.rel $0x88, $3  }
0x1: {  	(tag) =	ssettag $0x0;
	lr =	simm.s32 $0x1  }
0x2: {  	[smem:$0x3F9A] =	sst lr;
	_ =	strace $0xD0000000  }
0x3: {  	_ = 	snop  }
0x4: {  	_ = 	snop  }
0x5: {  	_ = 	snop  }
0x6: {  	_ = 	snop  }
0x7: {  	_ = 	snop  }
__scs_overlays_trampoline_lowered:
0x8: {  	[smem:$0x3FA9] =	sst s0  }
0x9: {  	[smem:$0x3FAA] =	sst s1  }
0xa: {  	[smem:$0x3FAB] =	sst s2  }
0xb: {  	[smem:$0x3FAC] =	sst s3  }
0xc: {  	[smem:$0x3FAD] =	sst s4  }
0xd: {  	[smem:$0x3FAE] =	sst s5  }
0xe: {  	[smem:$0x3FAF] =	sst s6  }
0xf: {  	[smem:$0x3FB0] =	sst s7  }
0x10: {  	[smem:$0x3FB1] =	sst s8  }
0x11: {  	[smem:$0x3FB2] =	sst s9;
	s0 =	simm.s32 @!p0 $0x0  }
0x12: {  	s1 =	sld [smem:$0x3F98];
	s0 =	simm.s32 @p0 $0x1  }
0x13: {  	[smem:$0x3FB3] =	sst s0;
	s0 =	simm.s32 @!p1 $0x0  }
0x14: {  	s2 =	sld [smem:$0x3F97];
	s0 =	simm.s32 @p1 $0x1  }
0x15: {  	[smem:$0x3FB4] =	sst s0;
	s0 =	simm.s32 @!p2 $0x0  }
0x16: {  	s3 =	sld [smem:$0x3FDB];
	s0 =	simm.s32 @p2 $0x1  }
0x17: {  	s4 =	simm.s32 $0x1BF5;
	[smem:$0x3FB6] =	sst s0  }
0x18: {  	s0 =	sld [smem:$0x3F99];
	_ =	swait.ge [sflag:s4], $0x0  }
0x19: {  	s7 =	sld [smem:$0x3F9A]  }
0x1a: {  	s8 =	sadd.s32 $0xFFFFE003, lr  }
0x1b: {  	s9 =	sadd.s32 $0xFFFFFEF7, lr;
	s5 =	simm.s32 $0xFFFFFFFF;
	p2 =	slt.u32 s8, $0xFFFFF086  }
0x1c: {  	p1 =	slt.u32 s9, $0xF7A;
	s5 =	simm.s32 @!p2 $0x0  }
0x1d: {  	s5 =	simm.s32 @p1 $0x1;
	p0 =	seq.s32 s7, s2  }
0x1e: {  	s7 =	smul.u32 @!p0 $0xF7A, s2;
	p2 =	seq.s32 @!p0 s5, $0x0  }
0x1f: {  	s9 =	smul.u32 $0xF7A, s1;
	s8 =	simm.s32 @!p0 $0x1BF5;
	p2 =	por !p2, p0  }
0x20: {  	[sflag:s8] =	ssyncset.s32 @!p0 $0xFFFFF086;
	s6 =	sadd.s32 @!p0 s3, s7;
	s7 =	simm.s32 @!p0 $0x108  }
0x21: {  	s3 =	sadd.s32 s3, s9;
	s6 =	sadd.s32 @!p0 $0x88, s6;
	s7 =	simm.s32 @p2 $0x1082  }
0x22: {  	[simem:s7], [sflag:s8] =	dma.local @!p0 [hbm:s6], $0xF7A  }
0x23: {  	s9 =	sor.u32 $0xD0000000, s2;
	s6 =	simm.s32 $0x108;
	_ =	swait.ge @!p0 [sflag:s8], $0x0  }
0x24: {  	s3 =	sadd.s32 $0x88, s3;
	s6 =	simm.s32 @!p1 $0x1082;
	[sflag:s4] =	ssyncset.s32 $0xFFFFF086  }
0x25: {  	[simem:s6], [sflag:s4] =	dma.local [hbm:s3], $0xF7A  }
0x26: {  	[smem:$0x3F9A] =	sst s1;
	(tag) =	ssettag s2;
	_ =	strace s9  }
0x27: {  	s1 =	sld [smem:$0x3FAA]  }
0x28: {  	s2 =	sld [smem:$0x3FAB]  }
0x29: {  	s4 =	sld [smem:$0x3FAD]  }
0x2a: {  	p0 =	seq.s32 s5, $0x0;
	s5 =	sld [smem:$0x3FAE]  }
0x2b: {  	s6 =	sld [smem:$0x3FAF]  }
0x2c: {  	s7 =	sld [smem:$0x3FB0]  }
0x2d: {  	s3 =	simm.s32 $0x108;
	s8 =	sld [smem:$0x3FB1]  }
0x2e: {  	s3 =	simm.s32 @!p0 $0x1082;
	s9 =	sld [smem:$0x3FB2]  }
0x2f: {  	lr =	sadd.s32 s0, s3;
	s0 =	sld [smem:$0x3FA9]  }
0x30: {  	s3 =	sld [smem:$0x3FAC]  }
0x31: {  	[smem:$0x3FB5] =	sst s10  }
0x32: {  	s10 =	sld [smem:$0x3FB3];
	_ =	sdelay $0x3  }
0x33: {  	p0 =	seq.s32 s10, $0x1;
	s10 =	sld [smem:$0x3FB5];
	_ =	sdelay $0x3  }
0x34: {  	[smem:$0x3FB5] =	sst s10  }
0x35: {  	s10 =	sld [smem:$0x3FB4];
	_ =	sdelay $0x3  }
0x36: {  	p1 =	seq.s32 s10, $0x1;
	s10 =	sld [smem:$0x3FB5];
	_ =	sdelay $0x3  }
0x37: {  	[smem:$0x3FB5] =	sst s10  }
0x38: {  	s10 =	sld [smem:$0x3FB6]  }
0x39: {  	_ = 	snop;
	(pc) =	sbr.ind lr, $3  }
0x3a: {  	_ = 	snop  }
0x3b: {  	_ = 	snop  }
0x3c: {  	p2 =	seq.s32 s10, $0x1;
	s10 =	sld [smem:$0x3FB5]  }
0x3d: {  	_ =	shalt  }
0x3e: {  	_ =	shalt  }
0x3f: {  	_ =	shalt  }
0x40: {  	_ =	shalt  }
0x41: {  	_ =	shalt  }
0x42: {  	_ =	shalt  }
0x43: {  	_ =	shalt  }
0x44: {  	_ =	shalt  }
0x45: {  	_ =	shalt  }
0x46: {  	_ =	shalt  }
0x47: {  	_ =	shalt  }
0x48: {  	_ =	shalt  }
0x49: {  	_ =	shalt  }
0x4a: {  	_ =	shalt  }
0x4b: {  	_ =	shalt  }
0x4c: {  	_ =	shalt  }
0x4d: {  	_ =	shalt  }
0x4e: {  	_ =	shalt  }
0x4f: {  	_ =	shalt  }
0x50: {  	_ =	shalt  }
0x51: {  	_ =	shalt  }
0x52: {  	_ =	shalt  }
0x53: {  	_ =	shalt  }
0x54: {  	_ =	shalt  }
0x55: {  	_ =	shalt  }
0x56: {  	_ =	shalt  }
0x57: {  	_ =	shalt  }
0x58: {  	_ =	shalt  }
0x59: {  	_ =	shalt  }
0x5a: {  	_ =	shalt  }
0x5b: {  	_ =	shalt  }
0x5c: {  	_ =	shalt  }
0x5d: {  	_ =	shalt  }
0x5e: {  	_ =	shalt  }
0x5f: {  	_ =	shalt  }
0x60: {  	_ =	shalt  }
0x61: {  	_ =	shalt  }
0x62: {  	_ =	shalt  }
0x63: {  	_ =	shalt  }
0x64: {  	_ =	shalt  }
0x65: {  	_ =	shalt  }
0x66: {  	_ =	shalt  }
0x67: {  	_ =	shalt  }
0x68: {  	_ =	shalt  }
0x69: {  	_ =	shalt  }
0x6a: {  	_ =	shalt  }
0x6b: {  	_ =	shalt  }
0x6c: {  	_ =	shalt  }
0x6d: {  	_ =	shalt  }
0x6e: {  	_ =	shalt  }
0x6f: {  	_ =	shalt  }
0x70: {  	_ =	shalt  }
0x71: {  	_ =	shalt  }
0x72: {  	_ =	shalt  }
0x73: {  	_ =	shalt  }
0x74: {  	_ =	shalt  }
0x75: {  	_ =	shalt  }
0x76: {  	_ =	shalt  }
0x77: {  	_ =	shalt  }
0x78: {  	_ =	shalt  }
0x79: {  	_ =	shalt  }
0x7a: {  	_ =	shalt  }
0x7b: {  	_ =	shalt  }
0x7c: {  	_ =	shalt  }
0x7d: {  	_ =	shalt  }
0x7e: {  	_ =	shalt  }
0x7f: {  	_ =	shalt  }
0x80: {  	_ =	shalt  }
0x81: {  	_ =	shalt  }
0x82: {  	_ =	shalt  }
0x83: {  	_ =	shalt  }
0x84: {  	_ =	shalt  }
0x85: {  	_ =	shalt  }
0x86: {  	_ =	shalt  }
0x87: {  	_ =	shalt  }
.Lfunc_end0:
.L_simem_size_0:
called_computation.1_lowered:
.L_overlay_start_0:
0x88: {  	s2 =	sld [smem:$0x3FD9]  }
0x89: {  	s3 =	sld [smem:$0x3FFE];
	_ =	sdelay $0x1  }
0x8a: {  	s1 =	srdreg.scid  }
0x8b: {  	s0 =	sand.u32 $0x1, s1  }
0x8c: {  	s17 =	sshll.u32 s0, $0xA;
	s2 =	sadd.s32 s3, s2  }
0x8d: {  	s2 =	sadd.s32 s2, s17  }
0x8e: {  	[smem:$0x3FC1] =	sst s2  }
0x8f: {  	_ = 	snop  }
0x90: {  	s2 =	sld [smem:$0x3FC4]  }
0x91: {  	s18 =	sld [smem:$0x3FD0];
	(tm) =	ssettm $0x1  }
0x92: {  	s4 =	sld [smem:$0x3FFB];
	_ =	sdelay $0x3  }
0x93: {  	_ =	strace s4  }
0x94: {  	s4 =	sld [smem:$0x3FFC];
	_ =	sdelay $0x3  }
0x95: {  	_ =	strace s4  }
0x96: {  	s4 =	sld [smem:$0x3FFD];
	_ =	sdelay $0x3  }
0x97: {  	_ =	strace s4  }
0x98: {  	_ =	strace $0x8FFFFFFF  }
0x99: {  	s19 =	sld [smem:$0x3FDB];
	_ =	sdelay $0x1  }
0x9a: {  	s5 =	simm.s32 $_scs_section_size  }
0x9b: {  	s6 =	simm.s32 $_size__tile_overlayer_lowered;
	s7 =	simm.s32 $_tile_overlayer_lowered  }
0x9c: {  	s22 =	simm.s32 $0x1BFF;
	s21 =	sshll.u32 s7, $0x1;
	s4 =	sadd.s32 s5, s19  }
0x9d: {  	s8 =	simm.s32 $0x0;
	s20 =	sshll.u32 s6, $0x1;
	s6 =	sadd.s32 s21, s4  }
0x9e: {  	[timem:s8], [sflag:s22] =	dma.local [hbm:s6], s20  }
0x9f: {  	_ =	swait.ge [sflag:s22], s20  }
0xa0: {  	s5 =	ssub.s32 $0x0, s20;
	[sflag:s22] =	ssyncset.done $0x0  }
0xa1: {  	[sflag:s22] =	ssyncadd.s32 s5;
	_ =	sdelay $0x1  }
0xa2: {  	s23 =	simm.s32 $0x1B8B  }
0xa3: {  	_ =	swait.ge [sflag:s23], $0x1  }
0xa4: {  	[sflag:s23] =	ssyncset.done $0x0  }
0xa5: {  	s25 =	simm.s32 $0x1B8E;
	s24 =	sld [smem:$0x3FFE];
	[sflag:s23] =	ssyncadd.s32 $0xFFFFFFFF  }
0xa6: {  	s26 =	simm.s32 $execute0_lowered;
	[smem:$0x3FD2] =	sst s25  }
0xa7: {  	s6 =	sshll.u32 s26, $0x1;
	_ =	strace $0x80000049;
	[dreg:$0x1] =	wrdreg $0xFFFFFFFF  }
0xa8: {  	s28 =	simm.s32 $_size_execute0_lowered;
	s4 =	sadd.s32 s4, s6;
	[dreg:$0x0] =	wrdreg $0x0  }
0xa9: {  	s6 =	sshll.u32 s28, $0x1;
	[dreg:$0x2] =	wrdreg s4  }
0xaa: {  	[dreg:$0x3] =	wrdreg s6  }
0xab: {  	[dreg:$0x4] =	wrdreg $0xC0  }
0xac: {  	_ =	task [dreg:s8], $0x5FFFF  }
0xad: {  	[dreg:$0x1] =	wrdreg $0xFFFFFFFF  }
0xae: {  	[dreg:$0x0] =	wrdreg $0x60  }
0xaf: {  	[dreg:$0x2] =	wrdreg s24  }
0xb0: {  	[dreg:$0x3] =	wrdreg s2  }
0xb1: {  	[dreg:$0x4] =	wrdreg s18  }
0xb2: {  	[dreg:$0x5] =	wrdreg $0x9  }
0xb3: {  	_ =	task.clear_ibuf [dreg:s8], $0x6FFFF;
	_ =	strace $0x90000049  }
0xb4: {  	s29 =	simm.s32 $0x9;
	_ =	strace $0x8000004B  }
0xb5: {  	_ =	swait.ge [sflag:s29], $0x1  }
0xb6: {  	[sflag:s29] =	ssyncadd.s32 $0xFFFFFFFF  }
0xb7: {  	_ =	strace $0x9000004B  }
0xb8: {  	_ =	sfence  }
0xb9: {  	s30 =	sld [smem:$0x0];
	_ =	sdelay $0x2  }
0xba: {  	s31 =	sshll.u32 s1, $0xD;
	s1 =	sshrl.u32 s1, $0x2  }
0xbb: {  	s3 =	sand.u32 $0x4000, s31;
	s1 =	sadd.s32 s1, s30  }
0xbc: {  	s0 =	sor.u32 s3, s0;
	s1 =	sshll.u32 s1, $0x11  }
0xbd: {  	s0 =	sor.u32 s1, s0  }
0xbe: {  	s0 =	sadd.s32 $0x8F2B, s0  }
0xbf: {  	[sflag:s0] =	ssyncadd.remote.s32 $0x1  }
0xc0: {  	_ =	sfence.sel $0xFFFF  }
0xc1: {  	[dreg:$0x0] =	wrdreg $0xFFFFFFFF;
	(pc) =	sbr.abs _section_cstart, $3  }
0xc2: {  	[dreg:$0x1] =	wrdreg $0xFFFFFFFF  }
0xc3: {  	_ =	task.clear_ibuf [dreg:s8], $0x2FFFF;
	_ =	strace $0x9FFFFFFF  }
0xc4: {  	(tm) =	ssettm $0x7FFFFFFF  }
0xc5: {  	_ =	shalt  }
tec
execute0_lowered:
.L_overlay_start_1:
0x0: {  	(tag) =	ssettag $0x1  }
0x1: {  	vm0 =	vmmov $0xffff;
	v0 =	vimm.s32 $0x0  }
0x2: {  	v1 =	vimm.s32 $0x1;
	v2 =	vimm.s32 $0x2;
	v3 =	vimm.s32 $0x3  }
0x3: {  	s5 =	rddreg [dreg:$0x0];
	v4 =	vimm.s32 $0x4;
	v6 =	vimm.s32 $0xEFCDAB89;
	v7 =	vimm.s32 $0x67452301  }
0x4: {  	s0 =	rddreg [dreg:$0x1];
	v5 =	vimm.s32 $0x5;
	v8 =	vimm.s32 $0x8;
	v9 =	vimm.s32 $0x9  }
0x5: {  	s8 =	rddreg [dreg:$0x2];
	v12 =	vimm.s32 $0xC;
	v15 =	vimm.s32 $0x54761032;
	v16 =	vimm.s32 $0xBA98FEDC  }
0x6: {  	s1 =	rddreg [dreg:$0x3];
	v17 =	vimm.s32 $0x32107654;
	v10 =	vunpack.c.l.s4.s8 v6;
	v11 =	vunpack.c.l.s4.s8 v7  }
0x7: {  	s4 =	srdreg.scid;
	s2 =	stileid.u32;
	v18 =	vimm.s32 $0xFEDCBA98;
	v19 =	vimm.s32 $0x76543210;
	v6 =	vimm.s32 $0x6  }
0x8: {  	s3 =	simm.s32 $0x0;
	s12 =	simm.s32 $0x1BD00;
	s13 =	simm.s32 $0x1CD00;
	v7 =	vimm.s32 $0x7;
	v13 =	vunpack.c.0.s8.s32 v10;
	v14 =	vunpack.c.0.s8.s32 v11  }
0x9: {  	s14 =	simm.s32 $0x1;
	s15 =	simm.s32 $0x1CD10;
	s16 =	simm.s32 $0x0;
	v15 =	vunpack.c.l.s4.s8 v15;
	v16 =	vunpack.c.l.s4.s8 v16;
	v17 =	vunpack.c.l.s4.s8 v17  }
0xa: {  	s6 =	sand.u32 $0x1, s4;
	s31 =	sshll.u32 s2, $0x1;
	[smem:$0x7FF] =	sst s3;
	v18 =	vunpack.c.l.s4.s8 v18;
	v13 =	vcombine.low v14, v13;
	v14 =	vimm.s32 $0xDCFE98BA  }
0xb: {  	s4 =	sadd.s32 $0x1000, s5;
	v19 =	vunpack.c.l.s4.s8 v19;
	s9 =	sor.u32 s6, s31;
	_ =	strace $0x8000004A;
	v10 =	vimm.s32 $0xA;
	v14 =	vunpack.c.l.s4.s8 v14  }
0xc: {  	s6 =	ssub.s32 $0x2, s6;
	v11 =	vimm.s32 $0xB;
	s7 =	smul.u32 $0x1A0, s9;
	s10 =	sshll.u32 s9, $0x9;
	v21 =	vunpack.c.0.s8.s32 v16;
	v17 =	vunpack.c.0.s8.s32 v17  }
0xd: {  	s11 =	sshrl.u32 s6, $0x1;
	v15 =	vunpack.c.0.s8.s32 v15;
	s9 =	sshll.u32 s9, $0x4;
	v18 =	vunpack.c.0.s8.s32 v18;
	s10 =	sadd.s32 s10, s5;
	v20 =	vunpack.c.0.s8.s32 v14  }
0xe: {  	v19 =	vunpack.c.0.s8.s32 v19;
	v16 =	vimm.s32 $0xE;
	s11 =	ssub.s32 s6, s11;
	s8 =	sadd.s32 s8, s9;
	s7 =	sadd.s32 s7, s5;
	v17 =	vcombine.low v17, v21  }
0xf: {  	s6 =	sadd.s32 $0x3D1A00, s10;
	s9 =	smax.u32 s11, $0x1;
	s11 =	simm.s32 $0x1AD00;
	v14 =	vimm.s32 $0xD;
	v15 =	vcombine.low v15, v20;
	v20 =	vand.u32 $0xF, v18  }
0x10: {  	s5 =	sadd.s32 $0x3D5A00, s7;
	s7 =	sadd.s32 $0x3D8E00, s10;
	s10 =	simm.s32 $0x2;
	v18 =	vimm.s32 $0xF;
	v19 =	vcombine.low v20, v19;
	v20 =	vlaneseq.u32  }
.LBB2_1:
0x11: {  	[tilespmem:s3], [sflag:$0x2] =	stream.linear.gather [hbm4b:s5+s3], $0xD00, $0x38;
	[tilespmem:$0x1CD90] =	vst v63  }
0x12: {  	_ =	swait.ge [sflag:s10], $0xD00  }
0x13: {  	[sflag:s10] =	ssyncset.done $0x0  }
0x14: {  	[sflag:s10] =	ssyncadd.s32 $0xFFFFF300  }
0x15: {  	[tilespmem:s11], [sflag:$0x2] =	stream.linear.gather [hbm4b:s6+s3], $0x1000, $0x38;
	[tilespmem:$0x1CD90] =	vst v63  }
0x16: {  	_ =	swait.ge [sflag:s10], $0x1000  }
0x17: {  	[sflag:s10] =	ssyncset.done $0x0  }
0x18: {  	[sflag:s10] =	ssyncadd.s32 $0xFFFFF000  }
0x19: {  	[tilespmem:s12], [sflag:$0x2] =	stream.linear.gather [hbm4b:s7+s3], $0x1000, $0x38;
	[tilespmem:$0x1CD90] =	vst v63  }
0x1a: {  	_ =	swait.ge [sflag:s10], $0x1000  }
0x1b: {  	[sflag:s10] =	ssyncset.done $0x0  }
0x1c: {  	[sflag:s10] =	ssyncadd.s32 $0xFFFFF000  }
0x1d: {  	[tilespmem:s13], [sflag:$0x2] =	stream.linear.gather [hbm4b:s0+s3], $0x10, $0x38;
	[tilespmem:$0x1CD90] =	vst v63  }
0x1e: {  	_ =	swait.ge [sflag:s10], $0x10  }
0x1f: {  	[sflag:s10] =	ssyncset.done $0x0  }
0x20: {  	s17 =	simm.s32 $0x0;
	[sflag:s10] =	ssyncadd.s32 $0xFFFFFFF0  }
0x21: {  	v21 =	vld [tilespmem:s17+$0x0];
	_ =	sdelay $0x6  }
0x22: {  	s18 =	simm.s32 $0x10;
	s17 =	simm.s32 $0xD00  }
0x23: {  	[tilespmem:s17], [sflag:$0x1] =	stream.indirect_vreg.gather [hbm4b:s4+s3], $0x20, v21, vm0, $0xb8;
	[tilespmem:$0x1CD90] =	vst v63  }
0x24: {  	v21 =	vld [tilespmem:s18+$0x0];
	s18 =	simm.s32 $0x80  }
.LBB2_2:
0x25: {  	p0 =	sne.s32 s18, $0x33C0;
	_ =	sdelay $0x3  }
.Ltmp0:
0x26: {  	(pc) =	sbr.rel @p0 .LBB2_2-.Ltmp0, $4  }
0x27: {  	_ = 	snop  }
0x28: {  	s19 =	sshra.s32 s18, $0x2;
	s17 =	sadd.s32 $0x200, s17  }
0x29: {  	[tilespmem:s17], [sflag:$0x1] =	stream.indirect_vreg.gather [hbm4b:s4+s3], $0x20, v21, vm0, $0xb8;
	[tilespmem:$0x1CD90] =	vst v63  }
0x2a: {  	s18 =	sadd.s32 $0x40, s18;
	v21 =	vld [tilespmem:s19+$0x0]  }
0x2b: {  	_ =	sdelay $0x6  }
0x2c: {  	s17 =	sadd.s32 $0x200, s17  }
0x2d: {  	[tilespmem:s17], [sflag:$0x1] =	stream.indirect_vreg.gather [hbm4b:s4+s3], $0x20, v21, vm0, $0xb8;
	[tilespmem:$0x1CD90] =	vst v63  }
0x2e: {  	_ =	swait.ge [sflag:s14], $0x1A000  }
0x2f: {  	[sflag:s14] =	ssyncset.done $0x0  }
0x30: {  	s18 =	simm.s32 $0x1BD10;
	[sflag:s14] =	ssyncadd.s32 $0xFFFE6000  }
0x31: {  	s17 =	simm.s32 $0xEA0;
	v22 =	vld [tilespmem:s18+$0xFFFFFFF0]  }
0x32: {  	v21 =	vld [tilespmem:s17+$0xFFFFFE60]  }
0x33: {  	v24 =	vld [tilespmem:s17+$0xFFFFFEB0]  }
0x34: {  	v27 =	vld [tilespmem:s17+$0xFFFFFEF0]  }
0x35: {  	v28 =	vld [tilespmem:s17+$0xFFFFFEA0]  }
0x36: {  	v32 =	vld [tilespmem:s17+$0xFFFFFE90]  }
0x37: {  	v35 =	vld [tilespmem:s17+$0xFFFFFE80];
	v26 =	vperm.xlane v22, v0;
	v23 =	vperm.xlane v22, v16  }
0x38: {  	v37 =	vld [tilespmem:s17+$0xFFFFFF00];
	v29 =	vperm.xlane v22, v2;
	v25 =	vperm.xlane v22, v14  }
0x39: {  	v39 =	vld [tilespmem:s17+$0xFFFFFE70];
	v31 =	vperm.xlane v22, v12;
	v33 =	vperm.xlane v22, v4  }
0x3a: {  	v41 =	vld [tilespmem:s17+$0xFFFFFEE0];
	v34 =	vperm.xlane v22, v10;
	v36 =	vperm.xlane v22, v9  }
0x3b: {  	v45 =	vld [tilespmem:s17+$0xFFFFFEC0];
	v38 =	vperm.xlane v22, v7;
	v42 =	vperm.xlane v22, v5  }
0x3c: {  	v48 =	vld [tilespmem:s17+$0xFFFFFED0];
	v43 =	vperm.xlane v22, v1;
	v47 =	vperm.xlane v22, v3  }
0x3d: {  	v58 =	vld [tilespmem:s17+$0xFFFFFF20];
	v51 =	vperm.xlane v22, v6;
	v30 =	vmul.f32 v26, v21  }
0x3e: {  	v59 =	vld [tilespmem:s17+$0xFFFFFF30];
	v24 =	vmul.f32 v29, v24;
	v27 =	vmul.f32 v33, v27  }
0x3f: {  	v61 =	vld [tilespmem:s17+$0xFFFFFF10];
	v28 =	vmul.f32 v29, v28;
	v29 =	vperm.xlane v22, v8  }
0x40: {  	v32 =	vmul.f32 v43, v32;
	v37 =	vmul.f32 v42, v37  }
0x41: {  	v26 =	vmul.f32 v26, v39;
	v35 =	vmul.f32 v43, v35  }
0x42: {  	v33 =	vmul.f32 v33, v41;
	v62 =	vmul.f32 v47, v45  }
0x43: {  	v47 =	vmul.f32 v47, v48;
	v39 =	vmul.f32 v51, v58  }
0x44: {  	v43 =	vmul.f32 v51, v59;
	v41 =	vmul.f32 v42, v61  }
0x45: {  	v40 =	vmul.f32 v30, v30;
	v44 =	vmul.f32 v28, v28  }
0x46: {  	v57 =	vld [tilespmem:s17+$0xFFFFFF50];
	v46 =	vmul.f32 v24, v24;
	v60 =	vmul.f32 v32, v32  }
0x47: {  	v52 =	vld [tilespmem:s17+$0xFFFFFF40];
	v30 =	vadd.f32 $0.0e+00, v30;
	v50 =	vmul.f32 v35, v35;
	v63 =	vmul.f32 v33, v33  }
0x48: {  	v58 =	vld [tilespmem:s17+$0xFFFFFF60];
	v49 =	vadd.f32 $0.0e+00, v26;
	v56 =	vmul.f32 v27, v27;
	v53 =	vmul.f32 v47, v47  }
0x49: {  	v59 =	vmul.f32 v37, v37;
	v26 =	vmul.f32 v26, v26;
	v44 =	vadd.f32 v46, v44  }
0x4a: {  	v61 =	vmul.f32 v41, v41;
	v30 =	vadd.f32 v35, v30;
	v32 =	vadd.f32 v32, v49  }
0x4b: {  	v45 =	vadd.f32 v56, v63;
	v46 =	vadd.f32 v60, v50;
	v60 =	vmul.f32 v39, v39  }
0x4c: {  	v49 =	vmul.f32 v38, v57;
	v38 =	vmul.f32 v38, v52;
	v26 =	vadd.f32 v26, v40  }
0x4d: {  	v54 =	vld [tilespmem:s17+$0xFFFFFF90];
	v42 =	vmul.f32 v29, v58;
	v28 =	vadd.f32 v28, v30;
	v30 =	vmul.f32 v62, v62  }
0x4e: {  	v58 =	vld [tilespmem:s17+$0xFFFFFF80];
	v24 =	vadd.f32 v24, v32;
	v32 =	vadd.f32 v61, v59;
	v55 =	vmul.f32 v49, v49  }
0x4f: {  	v56 =	vmul.f32 v38, v38;
	v26 =	vadd.f32 v46, v26;
	v59 =	vld [tilespmem:s17+$0xFFFFFFB0];
	v28 =	vadd.f32 v62, v28  }
0x50: {  	v63 =	vmul.f32 v43, v43;
	v61 =	vld [tilespmem:s17+$0xFFFFFFA0];
	v30 =	vadd.f32 v53, v30;
	v24 =	vadd.f32 v47, v24  }
0x51: {  	v21 =	vimm.f32 $0.0e+00;
	v62 =	vld [tilespmem:s17+$0xFFFFFF70];
	v35 =	vadd.f32 v55, v56;
	v26 =	vadd.f32 v44, v26  }
0x52: {  	v50 =	vperm.xlane v22, v18;
	v47 =	vld [tilespmem:s17+$0xFFFFFFE0];
	v28 =	vadd.f32 v33, v28;
	v33 =	vadd.f32 v63, v60  }
0x53: {  	v24 =	vadd.f32 v27, v24;
	v26 =	vadd.f32 v30, v26;
	v30 =	vmul.f32 v36, v58  }
0x54: {  	v57 =	vld [tilespmem:s17+$0xFFFFFFC0];
	v28 =	vadd.f32 v37, v28;
	v37 =	vmul.f32 v36, v54;
	v54 =	vmul.f32 v34, v59  }
0x55: {  	v48 =	vld [tilespmem:s17+$0xFFFFFFD0];
	v24 =	vadd.f32 v41, v24;
	v55 =	vmul.f32 v30, v30;
	v34 =	vmul.f32 v34, v61  }
0x56: {  	v26 =	vadd.f32 v45, v26;
	v27 =	vmul.f32 v29, v62;
	v29 =	vmul.f32 v42, v42  }
0x57: {  	v62 =	vperm.xlane v22, v11;
	v47 =	vmul.f32 v31, v47;
	v24 =	vadd.f32 v43, v24  }
0x58: {  	v63 =	vmul.f32 v37, v37;
	v28 =	vadd.f32 v39, v28;
	v26 =	vadd.f32 v32, v26  }
0x59: {  	v56 =	vld [tilespmem:s17+$0xFFFFFFF0];
	v60 =	vmul.f32 v27, v27;
	v40 =	vmul.f32 v62, v57;
	v24 =	vadd.f32 v49, v24  }
0x5a: {  	v61 =	vld [tilespmem:s17+$0x40];
	v53 =	vmul.f32 v62, v48;
	v28 =	vadd.f32 v38, v28;
	v58 =	vadd.f32 v63, v55  }
0x5b: {  	v59 =	vmul.f32 v34, v34;
	v57 =	vld [tilespmem:s17+$0x0];
	v26 =	vadd.f32 v33, v26;
	v29 =	vadd.f32 v60, v29  }
0x5c: {  	v63 =	vld [tilespmem:s17+$0x10];
	v60 =	vmul.f32 v40, v40;
	v62 =	vmul.f32 v53, v53;
	v24 =	vadd.f32 v27, v24  }
0x5d: {  	v27 =	vmul.f32 v54, v54;
	v28 =	vadd.f32 v42, v28;
	v26 =	vadd.f32 v35, v26  }
0x5e: {  	v45 =	vld [tilespmem:s17+$0x30];
	v51 =	vmul.f32 v47, v47;
	v33 =	vadd.f32 v62, v60;
	v24 =	vadd.f32 v37, v24  }
0x5f: {  	v49 =	vld [tilespmem:s17+$0x20];
	v32 =	vmul.f32 v50, v61;
	v27 =	vadd.f32 v27, v59;
	v28 =	vadd.f32 v30, v28  }
0x60: {  	v30 =	vmul.f32 v31, v56;
	v31 =	vld [tilespmem:s17+$0x50];
	v26 =	vadd.f32 v29, v26;
	v24 =	vadd.f32 v54, v24  }
0x61: {  	v44 =	vmul.f32 v25, v57;
	v25 =	vmul.f32 v25, v63;
	v28 =	vadd.f32 v34, v28  }
0x62: {  	v48 =	vmul.f32 v30, v30;
	v26 =	vadd.f32 v58, v26;
	v46 =	vadd.f32 v53, v24;
	v24 =	vld [tilespmem:s18+$0x0]  }
0x63: {  	v55 =	vld [tilespmem:s17+$0x90];
	v29 =	vmul.f32 v44, v44;
	v52 =	vmul.f32 v25, v25;
	v28 =	vadd.f32 v40, v28  }
0x64: {  	v61 =	vld [tilespmem:s17+$0xB0];
	v34 =	vadd.f32 v48, v51;
	v26 =	vadd.f32 v27, v26;
	v27 =	vmul.f32 v23, v45  }
0x65: {  	v60 =	vld [tilespmem:s17+$0xA0];
	v23 =	vmul.f32 v23, v49;
	v31 =	vmul.f32 v50, v31;
	v30 =	vadd.f32 v30, v46  }
0x66: {  	v54 =	vld [tilespmem:s17+$0x80];
	v28 =	vadd.f32 v47, v28;
	v26 =	vadd.f32 v33, v26;
	v33 =	vmul.f32 v32, v32  }
0x67: {  	v53 =	vld [tilespmem:s17+$0x100];
	v58 =	vmul.f32 v31, v31;
	v25 =	vadd.f32 v25, v30;
	v30 =	vperm.xlane v24, v4  }
0x68: {  	v37 =	vld [tilespmem:s17+$0xD0];
	v29 =	vadd.f32 v52, v29;
	v35 =	vperm.xlane v24, v7;
	v41 =	vperm.xlane v24, v5  }
0x69: {  	v56 =	vld [tilespmem:s17+$0xC0];
	v28 =	vadd.f32 v44, v28;
	v57 =	vperm.xlane v24, v3;
	v59 =	vperm.xlane v24, v1  }
0x6a: {  	v63 =	vld [tilespmem:s17+$0x60];
	v62 =	vperm.xlane v24, v2;
	v51 =	vperm.xlane v24, v0;
	v25 =	vadd.f32 v27, v25  }
0x6b: {  	v50 =	vld [tilespmem:s17+$0x70];
	v28 =	vadd.f32 v23, v28;
	v27 =	vmul.f32 v27, v27;
	v23 =	vmul.f32 v23, v23  }
0x6c: {  	v26 =	vadd.f32 v34, v26;
	v39 =	vmul.f32 v41, v53;
	v38 =	vmul.f32 v59, v54  }
0x6d: {  	v33 =	vadd.f32 v58, v33;
	v37 =	vmul.f32 v57, v37;
	v40 =	vmul.f32 v59, v55  }
0x6e: {  	v26 =	vadd.f32 v29, v26;
	v52 =	vmul.f32 v62, v60;
	v29 =	vmul.f32 v62, v61  }
0x6f: {  	v49 =	vld [tilespmem:s17+$0x120];
	v54 =	vmul.f32 v57, v56;
	v62 =	vperm.xlane v24, v6;
	v28 =	vadd.f32 v32, v28  }
0x70: {  	v53 =	vld [tilespmem:s17+$0xE0];
	v23 =	vadd.f32 v27, v23;
	v27 =	vmul.f32 v51, v63;
	v32 =	vmul.f32 v51, v50  }
0x71: {  	v25 =	vadd.f32 v31, v25;
	v31 =	vmul.f32 v38, v38;
	v55 =	vmul.f32 v52, v52  }
0x72: {  	v57 =	vld [tilespmem:s17+$0xF0];
	v56 =	vmul.f32 v29, v29;
	v50 =	vmul.f32 v37, v37;
	v23 =	vadd.f32 v23, v26  }
0x73: {  	v59 =	vld [tilespmem:s17+$0x130];
	v26 =	vadd.f32 v27, v28;
	v28 =	vmul.f32 v40, v40;
	v27 =	vmul.f32 v27, v27  }
0x74: {  	v60 =	vmul.f32 v32, v32;
	v25 =	vadd.f32 v32, v25;
	v32 =	vmul.f32 v62, v49  }
0x75: {  	v61 =	vld [tilespmem:s17+$0x110];
	v34 =	vadd.f32 v56, v55;
	v58 =	vmul.f32 v30, v53;
	v28 =	vadd.f32 v28, v31  }
0x76: {  	v63 =	vld [tilespmem:s17+$0x140];
	v31 =	vmul.f32 v54, v54;
	v23 =	vadd.f32 v33, v23;
	v27 =	vadd.f32 v60, v27  }
0x77: {  	v30 =	vmul.f32 v30, v57;
	v26 =	vadd.f32 v38, v26;
	v25 =	vadd.f32 v40, v25  }
0x78: {  	v51 =	vmul.f32 v62, v59;
	v53 =	vmul.f32 v39, v39;
	v23 =	vadd.f32 v27, v23  }
0x79: {  	v48 =	vmul.f32 v58, v58;
	v26 =	vadd.f32 v52, v26;
	v31 =	vadd.f32 v50, v31  }
0x7a: {  	v27 =	vmul.f32 v30, v30;
	v25 =	vadd.f32 v29, v25;
	v23 =	vadd.f32 v28, v23  }
0x7b: {  	v52 =	vmul.f32 v41, v61;
	v29 =	vmul.f32 v35, v63;
	v26 =	vadd.f32 v54, v26  }
0x7c: {  	s31 =	simm.s32 $0x1AD10;
	v55 =	vmul.f32 v51, v51;
	v28 =	vld [tilespmem:s17+$0x150];
	v25 =	vadd.f32 v37, v25;
	v23 =	vadd.f32 v34, v23  }
0x7d: {  	v62 =	vld [tilespmem:s31+$0x0];
	v27 =	vadd.f32 v27, v48;
	v54 =	vmul.f32 v52, v52;
	v26 =	vadd.f32 v58, v26  }
0x7e: {  	v25 =	vadd.f32 v30, v25;
	v30 =	vmul.f32 v32, v32;
	v23 =	vadd.f32 v31, v23;
	v31 =	vld [tilespmem:s17+$0x160]  }
0x7f: {  	v56 =	vld [tilespmem:s17+$0x170];
	v60 =	vperm.xlane v24, v8;
	v33 =	vadd.f32 v54, v53;
	v26 =	vadd.f32 v39, v26  }
0x80: {  	v57 =	vld [tilespmem:s17+$0x180];
	v58 =	vmul.f32 v29, v29;
	v25 =	vadd.f32 v52, v25;
	v30 =	vadd.f32 v55, v30  }
0x81: {  	v28 =	vmul.f32 v35, v28;
	v26 =	vadd.f32 v32, v26;
	v23 =	vadd.f32 v27, v23  }
0x82: {  	v61 =	vld [tilespmem:s17+$0x190];
	v25 =	vadd.f32 v51, v25;
	v27 =	vperm.xlane v24, v9;
	v24 =	vmul.f32 v62, v24  }
0x83: {  	v59 =	vmul.f32 v28, v28;
	v26 =	vadd.f32 v29, v26;
	v29 =	vmul.f32 v60, v31  }
0x84: {  	v23 =	vadd.f32 v33, v23;
	v25 =	vadd.f32 v28, v25;
	v31 =	vmul.f32 v60, v56  }
0x85: {  	v63 =	vmul.f32 v27, v57;
	v32 =	vadd.f32 v59, v58;
	v26 =	vadd.f32 v29, v26  }
0x86: {  	v23 =	vadd.f32 v30, v23;
	v29 =	vmul.f32 v29, v29;
	v30 =	vmul.f32 v31, v31  }
0x87: {  	v27 =	vmul.f32 v27, v61;
	v31 =	vadd.f32 v31, v25;
	v26 =	vadd.f32 v63, v26  }
0x88: {  	s20 =	simm.s32 $0x0;
	s21 =	simm.s32 $0x1;
	s22 =	simm.s32 $0x1BD30;
	v25 =	vmul.f32 v63, v63;
	v28 =	vadd.f32 v32, v23;
	v29 =	vadd.f32 v30, v29  }
0x89: {  	s23 =	simm.s32 $0x1AD30;
	s19 =	simm.s32 $0x0;
	s18 =	simm.s32 $0x0;
	v23 =	vld [tilespmem:s31+$0xFFFFFFF0];
	v30 =	vmul.f32 v27, v27;
	v27 =	vadd.f32 v27, v31;
	v26 =	vmul.f32 v26, v26  }
.LBB2_4:
0x8a: {  	s20 =	sadd.s32 $0x4, s20  }
0x8b: {  	v28 =	vadd.f32 v29, v28;
	v25 =	vadd.f32 v30, v25;
	s17 =	sadd.s32 $0x340, s17;
	s24 =	smov.u32 s21;
	s21 =	sadd.s32 $0x1, s21  }
0x8c: {  	p0 =	sne.s32 s21, $0x80;
	v27 =	vmul.f32 v27, v27  }
0x8d: {  	v25 =	vadd.f32 v25, v28  }
0x8e: {  	v26 =	vadd.f32 v27, v26;
	v22 =	vmul.f32 v23, v22;
	_ =	sdelay $0x1  }
0x8f: {  	v22 =	vadd.f32 v24, v22;
	v23 =	vsub.f32 v26, v25;
	_ =	sdelay $0x1  }
0x90: {  	v23 =	vmul.f32 $5.000000000e-01, v23;
	_ =	sdelay $0x1  }
0x91: {  	v22 =	vadd.f32 v23, v22;
	_ =	sdelay $0x1  }
0x92: {  	v23 =	vperm.xlane v22, v13;
	_ =	sdelay $0x1  }
0x93: {  	v22 =	vadd.f32 v22, v23;
	_ =	sdelay $0x1  }
0x94: {  	v23 =	vperm.xlane v22, v15;
	_ =	sdelay $0x1  }
0x95: {  	v22 =	vadd.f32 v22, v23;
	_ =	sdelay $0x1  }
0x96: {  	v23 =	vperm.xlane v22, v17;
	_ =	sdelay $0x1  }
0x97: {  	v22 =	vadd.f32 v22, v23  }
0x98: {  	s25 =	sand.u32 $0xF, s19;
	s19 =	smov.u32 s24  }
0x99: {  	p1 =	sne.s32 s25, $0xF;
	v24 =	vmov s25;
	v23 =	vperm.xlane v22, v19  }
0x9a: {  	s24 =	sand.u32 @!p1 $0x1C0, s18;
	s18 =	smov.u32 s20;
	vm1 =	veq.s32 v24, v20  }
0x9b: {  	s24 =	sshrl.u32 @!p1 s24, $0x2;
	v22 =	vadd.f32 v22, v23;
	_ =	sdelay $0x1  }
0x9c: {  	v21 =	vsel vm1, v22, v21  }
0x9d: {  	[tilespmem:s24+$0x1CD10] =	vst @!p1 v21  }
0x9e: {  	v26 =	vld [tilespmem:s17+$0xFFFFFEC0]  }
0x9f: {  	v22 =	vld [tilespmem:s22+$0xFFFFFFF0]  }
0xa0: {  	v27 =	vld [tilespmem:s17+$0xFFFFFEB0]  }
0xa1: {  	v24 =	vld [tilespmem:s17+$0xFFFFFE60]  }
0xa2: {  	v28 =	vld [tilespmem:s17+$0xFFFFFED0]  }
0xa3: {  	v29 =	vld [tilespmem:s17+$0xFFFFFE90]  }
0xa4: {  	v30 =	vperm.xlane v22, v0;
	v31 =	vld [tilespmem:s17+$0xFFFFFEF0];
	v23 =	vperm.xlane v22, v16  }
0xa5: {  	v33 =	vperm.xlane v22, v2;
	v25 =	vperm.xlane v22, v14;
	v32 =	vld [tilespmem:s17+$0xFFFFFEA0]  }
0xa6: {  	v34 =	vmul.f32 v30, v24;
	v24 =	vperm.xlane v22, v12  }
0xa7: {  	v36 =	vperm.xlane v22, v4;
	v37 =	vperm.xlane v22, v10;
	v35 =	vld [tilespmem:s17+$0xFFFFFE80]  }
0xa8: {  	v40 =	vperm.xlane v22, v9;
	v27 =	vmul.f32 v33, v27;
	v38 =	vld [tilespmem:s17+$0xFFFFFE70];
	v39 =	vadd.f32 $0.0e+00, v34  }
0xa9: {  	v42 =	vperm.xlane v22, v7;
	v31 =	vmul.f32 v36, v31;
	v41 =	vld [tilespmem:s17+$0xFFFFFF00]  }
0xaa: {  	v32 =	vmul.f32 v33, v32;
	v33 =	vperm.xlane v22, v8  }
0xab: {  	v44 =	vperm.xlane v22, v5;
	v34 =	vmul.f32 v34, v34;
	v43 =	vld [tilespmem:s17+$0xFFFFFEE0]  }
0xac: {  	v45 =	vperm.xlane v22, v1;
	v46 =	vmul.f32 v32, v32  }
0xad: {  	v48 =	vperm.xlane v22, v3;
	v47 =	vmul.f32 v27, v27  }
0xae: {  	v29 =	vmul.f32 v45, v29;
	v41 =	vmul.f32 v44, v41;
	v49 =	vld [tilespmem:s17+$0xFFFFFF30]  }
0xaf: {  	v35 =	vmul.f32 v45, v35;
	v30 =	vmul.f32 v30, v38;
	v38 =	vadd.f32 v47, v46;
	v45 =	vld [tilespmem:s17+$0xFFFFFF20]  }
0xb0: {  	v46 =	vmul.f32 v29, v29;
	v36 =	vmul.f32 v36, v43;
	v43 =	vld [tilespmem:s17+$0xFFFFFF10]  }
0xb1: {  	v51 =	vperm.xlane v22, v6;
	v50 =	vmul.f32 v35, v35;
	v47 =	vadd.f32 $0.0e+00, v30  }
0xb2: {  	v26 =	vmul.f32 v48, v26;
	v35 =	vadd.f32 v35, v39;
	v39 =	vmul.f32 v36, v36;
	v52 =	vld [tilespmem:s17+$0xFFFFFF40]  }
0xb3: {  	v28 =	vmul.f32 v48, v28;
	v29 =	vadd.f32 v29, v47;
	v47 =	vmul.f32 v31, v31;
	v48 =	vld [tilespmem:s17+$0xFFFFFF50]  }
0xb4: {  	v32 =	vadd.f32 v32, v35;
	v35 =	vmul.f32 v26, v26;
	v45 =	vmul.f32 v51, v45  }
0xb5: {  	v53 =	vmul.f32 v28, v28;
	v39 =	vadd.f32 v47, v39;
	v47 =	vmul.f32 v51, v49;
	v49 =	vld [tilespmem:s17+$0xFFFFFF60]  }
0xb6: {  	v46 =	vadd.f32 v46, v50;
	v43 =	vmul.f32 v44, v43;
	v44 =	vmul.f32 v41, v41  }
0xb7: {  	v30 =	vmul.f32 v30, v30;
	v26 =	vadd.f32 v26, v32;
	v32 =	vmul.f32 v45, v45  }
0xb8: {  	v27 =	vadd.f32 v27, v29;
	v29 =	vmul.f32 v43, v43;
	v48 =	vmul.f32 v42, v48;
	v50 =	vld [tilespmem:s17+$0xFFFFFF70]  }
0xb9: {  	v35 =	vadd.f32 v53, v35;
	v26 =	vadd.f32 v36, v26;
	v36 =	vmul.f32 v47, v47;
	v51 =	vld [tilespmem:s17+$0xFFFFFF90]  }
0xba: {  	v42 =	vmul.f32 v42, v52;
	v29 =	vadd.f32 v29, v44;
	v44 =	vmul.f32 v33, v49;
	v49 =	vld [tilespmem:s17+$0xFFFFFFD0]  }
0xbb: {  	v27 =	vadd.f32 v28, v27;
	v28 =	vadd.f32 v36, v32;
	v32 =	vmul.f32 v48, v48;
	v36 =	vld [tilespmem:s17+$0xFFFFFFE0]  }
0xbc: {  	v30 =	vadd.f32 v30, v34;
	v26 =	vadd.f32 v41, v26;
	v34 =	vmul.f32 v42, v42;
	v41 =	vld [tilespmem:s17+$0xFFFFFFC0]  }
0xbd: {  	v27 =	vadd.f32 v31, v27;
	v31 =	vmul.f32 v33, v50;
	v33 =	vmul.f32 v44, v44;
	v50 =	vld [tilespmem:s17+$0xFFFFFF80]  }
0xbe: {  	v30 =	vadd.f32 v46, v30;
	v32 =	vadd.f32 v32, v34;
	v34 =	vmul.f32 v40, v51;
	v46 =	vld [tilespmem:s17+$0xFFFFFFB0]  }
0xbf: {  	v52 =	vperm.xlane v22, v11;
	v27 =	vadd.f32 v43, v27;
	v43 =	vmul.f32 v31, v31;
	v51 =	vld [tilespmem:s17+$0xFFFFFFA0]  }
0xc0: {  	v30 =	vadd.f32 v38, v30;
	v38 =	vmul.f32 v34, v34;
	v36 =	vmul.f32 v24, v36  }
0xc1: {  	v27 =	vadd.f32 v47, v27;
	v47 =	vmul.f32 v52, v49;
	v41 =	vmul.f32 v52, v41  }
0xc2: {  	v30 =	vadd.f32 v35, v30;
	v33 =	vadd.f32 v43, v33;
	v35 =	vmul.f32 v40, v50  }
0xc3: {  	v26 =	vadd.f32 v45, v26;
	v27 =	vadd.f32 v48, v27;
	v40 =	vmul.f32 v37, v46  }
0xc4: {  	v30 =	vadd.f32 v39, v30;
	v39 =	vmul.f32 v35, v35;
	v37 =	vmul.f32 v37, v51;
	v43 =	vld [tilespmem:s17+$0xFFFFFFF0]  }
0xc5: {  	v26 =	vadd.f32 v42, v26;
	v27 =	vadd.f32 v31, v27;
	v31 =	vmul.f32 v40, v40;
	v42 =	vld [tilespmem:s17+$0x0]  }
0xc6: {  	v29 =	vadd.f32 v29, v30;
	v30 =	vadd.f32 v38, v39;
	v38 =	vmul.f32 v37, v37  }
0xc7: {  	v26 =	vadd.f32 v44, v26;
	v27 =	vadd.f32 v34, v27;
	v34 =	vmul.f32 v41, v41  }
0xc8: {  	v28 =	vadd.f32 v28, v29;
	v29 =	vadd.f32 v31, v38;
	v31 =	vmul.f32 v47, v47;
	v38 =	vld [tilespmem:s17+$0x40]  }
0xc9: {  	v26 =	vadd.f32 v35, v26;
	v27 =	vadd.f32 v40, v27;
	v35 =	vmul.f32 v24, v43;
	v39 =	vld [tilespmem:s17+$0x10]  }
0xca: {  	v24 =	vadd.f32 v32, v28;
	v28 =	vadd.f32 v31, v34;
	v31 =	vmul.f32 v25, v42;
	v32 =	vld [tilespmem:s17+$0x50]  }
0xcb: {  	v26 =	vadd.f32 v37, v26;
	v27 =	vadd.f32 v47, v27;
	v34 =	vmul.f32 v35, v35;
	v37 =	vld [tilespmem:s17+$0x30]  }
0xcc: {  	v43 =	vperm.xlane v22, v18;
	v33 =	vadd.f32 v33, v24;
	v40 =	vmul.f32 v31, v31;
	v42 =	vld [tilespmem:s17+$0x20]  }
0xcd: {  	v26 =	vadd.f32 v41, v26;
	v27 =	vadd.f32 v35, v27;
	v35 =	vmul.f32 v36, v36;
	v24 =	vld [tilespmem:s22+$0x0]  }
0xce: {  	v30 =	vadd.f32 v30, v33;
	v33 =	vmul.f32 v43, v38;
	v25 =	vmul.f32 v25, v39  }
0xcf: {  	v26 =	vadd.f32 v36, v26;
	v34 =	vadd.f32 v34, v35;
	v32 =	vmul.f32 v43, v32  }
0xd0: {  	v29 =	vadd.f32 v29, v30;
	v27 =	vadd.f32 v25, v27;
	v30 =	vmul.f32 v23, v37  }
0xd1: {  	v26 =	vadd.f32 v31, v26;
	v25 =	vmul.f32 v25, v25;
	v23 =	vmul.f32 v23, v42;
	v31 =	vld [tilespmem:s17+$0xD0]  }
0xd2: {  	v28 =	vadd.f32 v28, v29;
	v27 =	vadd.f32 v30, v27;
	v29 =	vperm.xlane v24, v4;
	v35 =	vld [tilespmem:s17+$0x100]  }
0xd3: {  	v25 =	vadd.f32 v25, v40;
	v37 =	vperm.xlane v24, v7;
	v26 =	vadd.f32 v23, v26;
	v36 =	vld [tilespmem:s17+$0x80]  }
0xd4: {  	v38 =	vperm.xlane v24, v5;
	v28 =	vadd.f32 v34, v28;
	v27 =	vadd.f32 v32, v27;
	v34 =	vld [tilespmem:s17+$0x90]  }
0xd5: {  	v40 =	vperm.xlane v24, v3;
	v26 =	vadd.f32 v33, v26;
	v33 =	vmul.f32 v33, v33;
	v39 =	vld [tilespmem:s17+$0xC0]  }
0xd6: {  	v25 =	vadd.f32 v25, v28;
	v28 =	vmul.f32 v32, v32;
	v32 =	vperm.xlane v24, v1;
	v41 =	vld [tilespmem:s17+$0xA0]  }
0xd7: {  	v43 =	vperm.xlane v24, v2;
	v42 =	vld [tilespmem:s17+$0xB0];
	v35 =	vmul.f32 v38, v35  }
0xd8: {  	v31 =	vmul.f32 v40, v31;
	v28 =	vadd.f32 v28, v33;
	v33 =	vld [tilespmem:s17+$0x60];
	v36 =	vmul.f32 v32, v36  }
0xd9: {  	v30 =	vmul.f32 v30, v30;
	v44 =	vld [tilespmem:s17+$0x70];
	v32 =	vmul.f32 v32, v34  }
0xda: {  	v23 =	vmul.f32 v23, v23;
	v34 =	vmul.f32 v36, v36  }
0xdb: {  	v45 =	vperm.xlane v24, v0;
	v41 =	vmul.f32 v43, v41;
	v46 =	vld [tilespmem:s17+$0xE0]  }
0xdc: {  	v23 =	vadd.f32 v30, v23;
	v39 =	vmul.f32 v40, v39;
	v30 =	vmul.f32 v43, v42  }
0xdd: {  	v33 =	vmul.f32 v45, v33;
	v40 =	vmul.f32 v41, v41  }
0xde: {  	v42 =	vmul.f32 v45, v44;
	v43 =	vmul.f32 v30, v30;
	v44 =	vld [tilespmem:s17+$0xF0]  }
0xdf: {  	v23 =	vadd.f32 v23, v25;
	v25 =	vadd.f32 v33, v26;
	v26 =	vmul.f32 v32, v32  }
0xe0: {  	v33 =	vmul.f32 v33, v33;
	v40 =	vadd.f32 v43, v40;
	v43 =	vmul.f32 v29, v46;
	v45 =	vld [tilespmem:s17+$0x130]  }
0xe1: {  	v46 =	vmul.f32 v42, v42;
	v26 =	vadd.f32 v26, v34;
	v34 =	vmul.f32 v39, v39;
	v47 =	vld [tilespmem:s17+$0x110]  }
0xe2: {  	v23 =	vadd.f32 v28, v23;
	v28 =	vperm.xlane v24, v6;
	v27 =	vadd.f32 v42, v27;
	v42 =	vld [tilespmem:s17+$0x140]  }
0xe3: {  	v33 =	vadd.f32 v46, v33;
	v29 =	vmul.f32 v29, v44;
	v44 =	vmul.f32 v43, v43;
	v46 =	vld [tilespmem:s17+$0x120]  }
0xe4: {  	v25 =	vadd.f32 v36, v25;
	v27 =	vadd.f32 v32, v27;
	v32 =	vmul.f32 v31, v31  }
0xe5: {  	v23 =	vadd.f32 v33, v23;
	v33 =	vmul.f32 v29, v29;
	v36 =	vmul.f32 v28, v45  }
0xe6: {  	v25 =	vadd.f32 v41, v25;
	v32 =	vadd.f32 v32, v34;
	v34 =	vmul.f32 v38, v47  }
0xe7: {  	v23 =	vadd.f32 v26, v23;
	v26 =	vadd.f32 v30, v27;
	v27 =	vld [tilespmem:s17+$0x150];
	v30 =	vmul.f32 v37, v42  }
0xe8: {  	v25 =	vadd.f32 v39, v25;
	v33 =	vadd.f32 v33, v44;
	v28 =	vmul.f32 v28, v46  }
0xe9: {  	v23 =	vadd.f32 v40, v23;
	v26 =	vadd.f32 v31, v26;
	v31 =	vmul.f32 v35, v35  }
0xea: {  	v25 =	vadd.f32 v43, v25;
	v39 =	vmul.f32 v36, v36;
	v38 =	vmul.f32 v34, v34;
	v40 =	vld [tilespmem:s17+$0x170]  }
0xeb: {  	v23 =	vadd.f32 v32, v23;
	v26 =	vadd.f32 v29, v26;
	v29 =	vmul.f32 v28, v28;
	v32 =	vld [tilespmem:s17+$0x160]  }
0xec: {  	v25 =	vadd.f32 v35, v25;
	v31 =	vadd.f32 v38, v31;
	v27 =	vmul.f32 v37, v27;
	v35 =	vld [tilespmem:s17+$0x180]  }
0xed: {  	v26 =	vadd.f32 v34, v26;
	v29 =	vadd.f32 v39, v29;
	v34 =	vmul.f32 v30, v30  }
0xee: {  	v25 =	vadd.f32 v28, v25;
	v37 =	vperm.xlane v24, v8;
	v28 =	vmul.f32 v27, v27;
	v38 =	vld [tilespmem:s17+$0x190]  }
0xef: {  	v23 =	vadd.f32 v33, v23;
	v33 =	vperm.xlane v24, v9;
	v26 =	vadd.f32 v36, v26  }
0xf0: {  	v25 =	vadd.f32 v30, v25;
	v30 =	vmul.f32 v37, v32;
	v32 =	vmul.f32 v37, v40  }
0xf1: {  	v23 =	vadd.f32 v31, v23;
	v28 =	vadd.f32 v28, v34;
	v36 =	vld [tilespmem:s23+$0x0];
	v31 =	vmul.f32 v33, v35  }
.Ltmp1:
0xf2: {  	v26 =	vadd.f32 v27, v26;
	v25 =	vadd.f32 v30, v25;
	v27 =	vmul.f32 v30, v30;
	(pc) =	sbr.rel @p0 .LBB2_4-.Ltmp1, $4  }
0xf3: {  	v29 =	vadd.f32 v29, v23;
	v30 =	vmul.f32 v32, v32;
	v33 =	vmul.f32 v33, v38  }
0xf4: {  	v26 =	vadd.f32 v32, v26;
	v32 =	vadd.f32 v31, v25;
	v25 =	vmul.f32 v31, v31  }
0xf5: {  	v28 =	vadd.f32 v28, v29;
	v29 =	vadd.f32 v30, v27;
	v23 =	vld [tilespmem:s23+$0xFFFFFFF0];
	v30 =	vmul.f32 v33, v33  }
0xf6: {  	s22 =	sadd.s32 $0x20, s22;
	v27 =	vadd.f32 v33, v26;
	s23 =	sadd.s32 $0x20, s23;
	v26 =	vmul.f32 v32, v32;
	v24 =	vmul.f32 v36, v24  }
0xf7: {  	_ = 	snop  }
0xf8: {  	v28 =	vadd.f32 v29, v28;
	v25 =	vadd.f32 v30, v25;
	v27 =	vmul.f32 v27, v27;
	_ =	sdelay $0x1  }
0xf9: {  	v25 =	vadd.f32 v25, v28;
	v26 =	vadd.f32 v27, v26;
	_ =	sdelay $0x1  }
0xfa: {  	v22 =	vmul.f32 v23, v22;
	v23 =	vsub.f32 v26, v25;
	_ =	sdelay $0x1  }
0xfb: {  	v22 =	vadd.f32 v24, v22;
	v23 =	vmul.f32 $5.000000000e-01, v23;
	_ =	sdelay $0x1  }
0xfc: {  	v22 =	vadd.f32 v23, v22;
	_ =	sdelay $0x1  }
0xfd: {  	v23 =	vperm.xlane v22, v13;
	_ =	sdelay $0x1  }
0xfe: {  	v22 =	vadd.f32 v22, v23;
	_ =	sdelay $0x1  }
0xff: {  	v23 =	vperm.xlane v22, v15;
	_ =	sdelay $0x1  }
0x100: {  	v22 =	vadd.f32 v22, v23;
	_ =	sdelay $0x1  }
0x101: {  	v23 =	vperm.xlane v22, v17;
	_ =	sdelay $0x1  }
0x102: {  	v22 =	vadd.f32 v22, v23;
	_ =	sdelay $0x1  }
0x103: {  	v23 =	vperm.xlane v22, v19  }
0x104: {  	s17 =	sand.u32 $0xF, s19  }
0x105: {  	v56 =	vmov s17;
	p0 =	sne.s32 s17, $0xF;
	v22 =	vadd.f32 v22, v23  }
0x106: {  	vm1 =	veq.s32 v56, v20;
	s17 =	sand.u32 @!p0 $0x1C0, s18  }
0x107: {  	s17 =	sshrl.u32 @!p0 s17, $0x2;
	v21 =	vsel vm1, v22, v21  }
0x108: {  	[tilespmem:s17+$0x1CD10] =	vst @!p0 v21  }
0x109: {  	v21 =	vld [tilespmem:$0x1CD00]  }
0x10a: {  	v22 =	vld [tilespmem:$0x1CD10];
	_ =	sdelay $0x4  }
0x10b: {  	v22 =	vadd.f32 v22, v21;
	_ =	sdelay $0x1  }
0x10c: {  	v22 =	vsub.f32 $0.0e+00, v22;
	_ =	sdelay $0x1  }
0x10d: {  	v22 =	vmul.f32 $1.442695020e+00, v22;
	_ =	sdelay $0x1  }
0x10e: {  	(erf) = vpow2.f32 v22;
	_ =	sdelay $0x1  }
0x10f: {  	v22 =	vld [tilespmem:$0x1CD20];
	_ =	sdelay $0x4  }
0x110: {  	v22 =	vadd.f32 v22, v21;
	_ =	sdelay $0x1  }
0x111: {  	v22 =	vsub.f32 $0.0e+00, v22;
	v23 =	vpop (erf)  }
0x112: {  	v23 =	vadd.f32 $1.000000000e+00, v23  }
0x113: {  	v22 =	vmul.f32 $1.442695020e+00, v22  }
0x114: {  	(erf) = vrcp.f32 v23  }
0x115: {  	(erf) = vpow2.f32 v22;
	_ =	sdelay $0x1  }
0x116: {  	v22 =	vld [tilespmem:$0x1CD30];
	_ =	sdelay $0x4  }
0x117: {  	v22 =	vadd.f32 v22, v21  }
0x118: {  	v23 =	vpop (erf)  }
0x119: {  	v22 =	vsub.f32 $0.0e+00, v22;
	v57 =	vpop (erf)  }
0x11a: {  	v24 =	vadd.f32 $1.000000000e+00, v57  }
0x11b: {  	v22 =	vmul.f32 $1.442695020e+00, v22  }
0x11c: {  	(erf) = vrcp.f32 v24  }
0x11d: {  	(erf) = vpow2.f32 v22;
	_ =	sdelay $0x1  }
0x11e: {  	v22 =	vld [tilespmem:$0x1CD40];
	_ =	sdelay $0x4  }
0x11f: {  	v22 =	vadd.f32 v22, v21  }
0x120: {  	v24 =	vpop (erf)  }
0x121: {  	v22 =	vsub.f32 $0.0e+00, v22;
	v58 =	vpop (erf)  }
0x122: {  	v25 =	vadd.f32 $1.000000000e+00, v58  }
0x123: {  	v22 =	vmul.f32 $1.442695020e+00, v22  }
0x124: {  	(erf) = vrcp.f32 v25  }
0x125: {  	(erf) = vpow2.f32 v22;
	_ =	sdelay $0x1  }
0x126: {  	v22 =	vld [tilespmem:$0x1CD50];
	_ =	sdelay $0x4  }
0x127: {  	v22 =	vadd.f32 v22, v21  }
0x128: {  	v25 =	vpop (erf)  }
0x129: {  	v22 =	vsub.f32 $0.0e+00, v22;
	v59 =	vpop (erf)  }
0x12a: {  	v26 =	vadd.f32 $1.000000000e+00, v59  }
0x12b: {  	v22 =	vmul.f32 $1.442695020e+00, v22  }
0x12c: {  	(erf) = vrcp.f32 v26  }
0x12d: {  	(erf) = vpow2.f32 v22;
	_ =	sdelay $0x1  }
0x12e: {  	v22 =	vld [tilespmem:$0x1CD60];
	_ =	sdelay $0x4  }
0x12f: {  	v22 =	vadd.f32 v22, v21  }
0x130: {  	v26 =	vpop (erf)  }
0x131: {  	v22 =	vsub.f32 $0.0e+00, v22;
	v60 =	vpop (erf)  }
0x132: {  	v27 =	vadd.f32 $1.000000000e+00, v60  }
0x133: {  	v22 =	vmul.f32 $1.442695020e+00, v22  }
0x134: {  	(erf) = vrcp.f32 v27  }
0x135: {  	(erf) = vpow2.f32 v22;
	_ =	sdelay $0x1  }
0x136: {  	v22 =	vld [tilespmem:$0x1CD70];
	_ =	sdelay $0x4  }
0x137: {  	v22 =	vadd.f32 v22, v21  }
0x138: {  	v27 =	vpop (erf)  }
0x139: {  	v22 =	vsub.f32 $0.0e+00, v22;
	v61 =	vpop (erf)  }
0x13a: {  	v28 =	vadd.f32 $1.000000000e+00, v61  }
0x13b: {  	v22 =	vmul.f32 $1.442695020e+00, v22  }
0x13c: {  	(erf) = vrcp.f32 v28  }
0x13d: {  	(erf) = vpow2.f32 v22;
	_ =	sdelay $0x1  }
0x13e: {  	v22 =	vld [tilespmem:$0x1CD80];
	_ =	sdelay $0x4  }
0x13f: {  	v21 =	vadd.f32 v22, v21  }
0x140: {  	v22 =	vpop (erf)  }
0x141: {  	v21 =	vsub.f32 $0.0e+00, v21;
	v62 =	vpop (erf)  }
0x142: {  	v28 =	vadd.f32 $1.000000000e+00, v62  }
0x143: {  	v21 =	vmul.f32 $1.442695020e+00, v21  }
0x144: {  	(erf) = vrcp.f32 v28  }
0x145: {  	(erf) = vpow2.f32 v21;
	_ =	sdelay $0x7  }
0x146: {  	v21 =	vpop (erf)  }
0x147: {  	v63 =	vpop (erf)  }
0x148: {  	v28 =	vadd.f32 $1.000000000e+00, v63;
	_ =	sdelay $0x1  }
0x149: {  	(erf) = vrcp.f32 v28;
	_ =	sdelay $0x2  }
0x14a: {  	[tilespmem:$0x1CD10] =	vst v23  }
0x14b: {  	[tilespmem:$0x1CD20] =	vst v24  }
0x14c: {  	[tilespmem:$0x1CD30] =	vst v25  }
0x14d: {  	[tilespmem:$0x1CD40] =	vst v26  }
0x14e: {  	[tilespmem:$0x1CD50] =	vst v27  }
0x14f: {  	s16 =	sadd.s32 $0x1, s16;
	[tilespmem:$0x1CD60] =	vst v22  }
0x150: {  	p0 =	sne.s32 s16, s9;
	[tilespmem:$0x1CD70] =	vst v21;
	v21 =	vpop (erf)  }
.Ltmp2:
0x151: {  	[tilespmem:$0x1CD80] =	vst v21;
	(pc) =	sbr.rel @p0 .LBB2_1-.Ltmp2, $4  }
0x152: {  	[hbm4b:s8+s3] =	stream.linear.scatter [tilespmem:s15], [sflag:$0x2], $0x80, $0x38;
	[tilespmem:$0x1CD90] =	vst v63  }
0x153: {  	_ =	swait.ge [sflag:s10], $0x80  }
0x154: {  	[sflag:s10] =	ssyncset.done $0x0  }
0x155: {  	[sflag:s10] =	ssyncadd.s32 $0xFFFFFF80  }
0x156: {  	_ =	sfence.sel $0x180000  }
0x157: {  	[bflag:$0x0] =	sbarrier.arrive $0xFFFF  }
0x158: {  	p0 =	sne.s32 s2, $0x0;
	_ =	strace $0x9000004A  }
0x159: {  	s0 =	sadd.s32 @!p0 $0x100000, s1;
	[bflag:$0x2] =	sbarrier.arrive $0xFFFF  }
0x15a: {  	[sflag:s0] =	ssyncadd.tile.s32 @!p0 $0x1;
	_ =	shalt  }
.Lfunc_end2:
_tile_overlayer_lowered:
.L_overlay_start_2:
0x15b: {  	(tag) =	ssettag $0x2  }
0x15c: {  	s0 =	rddreg [dreg:$0x0];
	s2 =	stileid.u32  }
0x15d: {  	s1 =	rddreg [dreg:$0x1];
	p0 =	sne.s32 s2, $0x0  }
0x15e: {  	s3 =	rddreg [dreg:$0x2];
	[bflag:$0x3] =	sbarrier.arrive $0xFFFF;
	s2 =	simm.s32 @!p0 $0x1C02  }
0x15f: {  	[timem:s3], [sflag:s2] =	dma.local @!p0 [hbm:s0], s1  }
0x160: {  	s0 =	simm.s32 @!p0 $0x2  }
0x161: {  	_ =	swait.ge @!p0 [sflag:s0], s1  }
0x162: {  	s1 =	ssub.s32 @!p0 $0x0, s1;
	[sflag:s0] =	ssyncset.done @!p0 $0x0  }
0x163: {  	[sflag:s0] =	ssyncadd.s32 @!p0 s1  }
0x164: {  	[bflag:$0x3] =	sbarrier.arrive $0xFFFF  }
0x165: {  	_ =	shalt  }

</sc_bundles>
